<compile_context>
chip_gen: v7x
topology: tpu7x:2x2x1
jax: 0.10.2.dev20260603
libtpu: 0.0.44.dev20260713+nightly
codegen_flags: <defaults>
</compile_context>

<pallas_src>
import functools

import jax
import jax.numpy as jnp
from jax import lax
from jax.experimental import pallas as pl
from jax.experimental.pallas import tpu as pltpu
from jax.experimental.pallas import tpu_sc as plsc

VOCAB = 100001
EMBED_DIM = 32
BATCH = 16384

_info = plsc.get_sparse_core_info()
_NC = _info.num_cores
_NS = _info.num_subcores
_NW = _NC * _NS
_N = BATCH // _NW

_R = EMBED_DIM // 8
_C = BATCH // 128
_CW = _C // _NW

_mesh = plsc.VectorSubcoreMesh(core_axis_name="c", subcore_axis_name="s")


@functools.partial(
    pl.kernel,
    mesh=_mesh,
    out_type=jax.ShapeDtypeStruct((_R, _C, 8, 128), jnp.float32),
    scratch_types=[
        pltpu.VMEM((_N,), jnp.int32),
        pltpu.VMEM((_N, EMBED_DIM), jnp.float32),
        pltpu.VMEM((_R, _CW, 8, 128), jnp.float32),
        pltpu.SemaphoreType.DMA,
    ],
    compiler_params=pltpu.CompilerParams(
        use_tc_tiling_on_sc=False, needs_layout_passes=False
    ),
)
def _gather_kernel(idx_hbm, table_hbm, out_hbm, idx_v, rows_v, x_l, sem):
    wid = lax.axis_index("s") * _NC + lax.axis_index("c")
    base = wid * _N
    pltpu.sync_copy(idx_hbm.at[pl.ds(base, _N)], idx_v)
    pltpu.async_copy(table_hbm.at[idx_v], rows_v, sem).wait()

    lane = lax.broadcasted_iota(jnp.int32, (16,), 0)

    def _rearrange(cc, carry):
        for r in range(_R):
            for sr in range(8):
                col = jnp.full((16,), 8 * r + sr, jnp.int32)
                for lb in range(8):
                    row_idx = cc * 128 + lb * 16 + lane
                    x_l[r, cc, sr, pl.ds(lb * 16, 16)] = plsc.load_gather(
                        rows_v, [row_idx, col]
                    )
        return carry

    lax.fori_loop(0, _CW, _rearrange, 0)
    pltpu.sync_copy(x_l, out_hbm.at[:, pl.ds(wid * _CW, _CW)])


def kernel(inputs, table):
    x = _gather_kernel(inputs.astype(jnp.int32), table)
    return jnp.transpose(x, (1, 3, 0, 2)).reshape(BATCH, EMBED_DIM)

# --- scband reference (transcript-rebuilt; emitter-appended) ---
"""Pipeline reference for scband-movie-model-39290360824690 (READ-ONLY COPY).

The authoritative reference and input builder live on the scoring server;
editing this copy changes nothing except your own understanding.
"""

import jax, jax.numpy as jnp
import numpy as np

VOCAB = 100001  # len(unique movie ids) + 1 OOV slot from StringLookup
EMBED_DIM = 32
BATCH = 16384


def setup_inputs(seed: int = 0) -> dict:
    key = jax.random.key(seed)
    k_tab, k_idx = jax.random.split(key)
    # StringLookup maps movie-id strings -> integer indices in [0, VOCAB).
    # We model its output directly as integer indices.
    inputs = jax.random.randint(k_idx, (BATCH,), 0, VOCAB, dtype=jnp.int64 if jax.config.read('jax_enable_x64') else jnp.int32)
    table = jax.random.normal(k_tab, (VOCAB, EMBED_DIM), dtype=jnp.float32) * 0.05
    return {"inputs": inputs, "table": table}


def reference(inputs, table):
    # tf.keras.layers.Embedding lookup: gather rows of the table
    return jnp.take(table, inputs, axis=0)

if __name__ == "__main__":
    import jax
    _d = setup_inputs()
    print(jax.jit(kernel)(*tuple(_d.values())))

</pallas_src>

<mosaic_0001>
#map = affine_map<(d0, d1) -> (0)>
#map1 = affine_map<(d0, d1) -> (0, 0)>
#map2 = affine_map<(d0, d1) -> (0, 0, 0, 0)>
module attributes {stable_mosaic.version = 14 : i64} {
  func.func @_gather_kernel(%arg0: i32, %arg1: i32, %arg2: memref<16384xi32, #tpu.memory_space<hbm>>, %arg3: memref<100001x32xf32, #tpu.memory_space<hbm>>, %arg4: memref<4x128x8x128xf32, #tpu.memory_space<hbm>>, %arg5: memref<512xi32, #tpu.memory_space<vmem>>, %arg6: memref<512x32xf32, #tpu.memory_space<vmem>>, %arg7: memref<4x4x8x128xf32, #tpu.memory_space<vmem>>, %arg8: memref<!tpu.dma_semaphore, #tpu.memory_space<semaphore_mem>>) attributes {dimension_semantics = [#tpu.dimension_semantics<core_parallel>, #tpu.dimension_semantics<subcore_parallel>], iteration_bounds = array<i64: 2, 16>, scalar_prefetch = 0 : i64, scratch_operands = 4 : i64, tpu.core_type = #tpu.core_type<sc_vector_subcore>, window_params = [{transform_indices = #map}, {transform_indices = #map1}, {transform_indices = #map2}]} {
    %mul3A = arith.constant 2 : i32
    %mul3A_0 = arith.muli %arg1, %mul3A : i32
    %add3A = arith.addi %mul3A_0, %arg0 : i32
    %mul3A_1 = arith.constant 512 : i32
    %mul3A_2 = arith.muli %add3A, %mul3A_1 : i32
    "tpu.region"() ({
      %run_scoped3A = tpu.sem_alloc : memref<!tpu.dma_semaphore, #tpu.memory_space<semaphore_mem>>
      %dma_start3A_14 = tpu.memref_slice %arg2[%mul3A_2] : memref<16384xi32, #tpu.memory_space<hbm>> -> memref<512xi32, #tpu.memory_space<hbm>>
      %dma_start3A_15 = tpu.memref_slice %arg2[%mul3A_2] : memref<16384xi32, #tpu.memory_space<hbm>> -> memref<512xi32, #tpu.memory_space<hbm>>
      tpu.enqueue_dma source(%dma_start3A_15 : memref<512xi32, #tpu.memory_space<hbm>>) target(%arg5 : memref<512xi32, #tpu.memory_space<vmem>>) target_semaphore(%run_scoped3A : memref<!tpu.dma_semaphore, #tpu.memory_space<semaphore_mem>>)
      %dma_wait3A_16 = tpu.memref_slice %arg2[%mul3A_2] : memref<16384xi32, #tpu.memory_space<hbm>> -> memref<512xi32, #tpu.memory_space<hbm>>
      %dma_wait3A_17 = tpu.memref_slice %arg2[%mul3A_2] : memref<16384xi32, #tpu.memory_space<hbm>> -> memref<512xi32, #tpu.memory_space<hbm>>
      tpu.wait_dma2 semaphore(%run_scoped3A : memref<!tpu.dma_semaphore, #tpu.memory_space<semaphore_mem>>) src(%dma_wait3A_17 : memref<512xi32, #tpu.memory_space<hbm>>) dst(%arg5 : memref<512xi32, #tpu.memory_space<vmem>>)
      tpu.yield
    }) : () -> ()
    %dma_start3A = arith.constant 0 : i32
    %dma_start3A_3 = arith.constant 0 : i32
    %dma_start3A_4 = tpu.memref_slice %arg3[%dma_start3A, %dma_start3A_3] : memref<100001x32xf32, #tpu.memory_space<hbm>> -> memref<100001x32xf32, #tpu.memory_space<hbm>>
    tpu.enqueue_indirect_dma source(%dma_start3A_4 : memref<100001x32xf32, #tpu.memory_space<hbm>>) target(%arg6 : memref<512x32xf32, #tpu.memory_space<vmem>>) offsets(%arg5 : memref<512xi32, #tpu.memory_space<vmem>>) semaphore(%arg8 : memref<!tpu.dma_semaphore, #tpu.memory_space<semaphore_mem>>)
    %dma_wait3A = arith.constant 0 : i32
    %dma_wait3A_5 = arith.constant 0 : i32
    %dma_wait3A_6 = tpu.memref_slice %arg3[%dma_wait3A, %dma_wait3A_5] : memref<100001x32xf32, #tpu.memory_space<hbm>> -> memref<100001x32xf32, #tpu.memory_space<hbm>>
    tpu.wait_indirect_dma semaphore(%arg8 : memref<!tpu.dma_semaphore, #tpu.memory_space<semaphore_mem>>) src(%dma_wait3A_6 : memref<100001x32xf32, #tpu.memory_space<hbm>>) dst(%arg6 : memref<512x32xf32, #tpu.memory_space<vmem>>)
    %iota3A = tpu.iota {dimensions = array<i32: 0>} : vector<16xi32>
    %scan3A = arith.constant 0 : i32
    %scan3A_7 = arith.constant 0 : i32
    %scan3A_8 = arith.constant 4 : i32
    %scan3A_9 = arith.addi %scan3A_7, %scan3A_8 : i32
    %scan3A_10 = arith.constant 1 : i32
    scf.for %scan3A_14 = %scan3A_7 to %scan3A_9 step %scan3A_10  : i32 {
      %broadcast_in_dim3A = arith.constant 0 : i32
      %broadcast_in_dim3A_15 = vector.broadcast %broadcast_in_dim3A : i32 to vector<16xi32>
      %mul3A_16 = arith.constant 128 : i32
      %mul3A_17 = arith.muli %scan3A_14, %mul3A_16 : i32
      %add3A_18 = arith.constant 0 : i32
      %add3A_19 = arith.addi %mul3A_17, %add3A_18 : i32
      %add3A_20 = vector.broadcast %add3A_19 : i32 to vector<16xi32>
      %add3A_21 = arith.addi %add3A_20, %iota3A : vector<16xi32>
      %gather3A = tpu.vector_load_idx %arg6[%add3A_21, %broadcast_in_dim3A_15] : memref<512x32xf32, #tpu.memory_space<vmem>>[vector<16xi32>, vector<16xi32>], vector<16xf32>,
      %swap3A = arith.constant 0 : i32
      %swap3A_22 = arith.constant 0 : i32
      %swap3A_23 = arith.index_cast %swap3A : i32 to index
      %swap3A_24 = arith.index_cast %scan3A_14 : i32 to index
      %swap3A_25 = arith.index_cast %swap3A_22 : i32 to index
      %swap3A_26 = arith.constant 0 : index
      %swap3A_27 = tpu.vector_load %arg7[%swap3A_23, %swap3A_24, %swap3A_25, %swap3A_26] {strides = array<i32>} : memref<4x4x8x128xf32, #tpu.memory_space<vmem>>, vector<16xf32>,
      tpu.vector_store %arg7[%swap3A_23, %swap3A_24, %swap3A_25, %swap3A_26], %gather3A {strides = array<i32>} : memref<4x4x8x128xf32, #tpu.memory_space<vmem>>, vector<16xf32>,
      %mul3A_28 = arith.constant 128 : i32
      %mul3A_29 = arith.muli %scan3A_14, %mul3A_28 : i32
      %add3A_30 = arith.constant 16 : i32
      %add3A_31 = arith.addi %mul3A_29, %add3A_30 : i32
      %add3A_32 = vector.broadcast %add3A_31 : i32 to vector<16xi32>
      %add3A_33 = arith.addi %add3A_32, %iota3A : vector<16xi32>
      %gather3A_34 = tpu.vector_load_idx %arg6[%add3A_33, %broadcast_in_dim3A_15] : memref<512x32xf32, #tpu.memory_space<vmem>>[vector<16xi32>, vector<16xi32>], vector<16xf32>,
      %swap3A_35 = arith.constant 0 : i32
      %swap3A_36 = arith.constant 0 : i32
      %swap3A_37 = arith.index_cast %swap3A_35 : i32 to index
      %swap3A_38 = arith.index_cast %scan3A_14 : i32 to index
      %swap3A_39 = arith.index_cast %swap3A_36 : i32 to index
      %swap3A_40 = arith.constant 16 : index
      %swap3A_41 = tpu.vector_load %arg7[%swap3A_37, %swap3A_38, %swap3A_39, %swap3A_40] {strides = array<i32>} : memref<4x4x8x128xf32, #tpu.memory_space<vmem>>, vector<16xf32>,
      tpu.vector_store %arg7[%swap3A_37, %swap3A_38, %swap3A_39, %swap3A_40], %gather3A_34 {strides = array<i32>} : memref<4x4x8x128xf32, #tpu.memory_space<vmem>>, vector<16xf32>,
      %mul3A_42 = arith.constant 128 : i32
      %mul3A_43 = arith.muli %scan3A_14, %mul3A_42 : i32
      %add3A_44 = arith.constant 32 : i32
      %add3A_45 = arith.addi %mul3A_43, %add3A_44 : i32
      %add3A_46 = vector.broadcast %add3A_45 : i32 to vector<16xi32>
      %add3A_47 = arith.addi %add3A_46, %iota3A : vector<16xi32>
      %gather3A_48 = tpu.vector_load_idx %arg6[%add3A_47, %broadcast_in_dim3A_15] : memref<512x32xf32, #tpu.memory_space<vmem>>[vector<16xi32>, vector<16xi32>], vector<16xf32>,
      %swap3A_49 = arith.constant 0 : i32
      %swap3A_50 = arith.constant 0 : i32
      %swap3A_51 = arith.index_cast %swap3A_49 : i32 to index
      %swap3A_52 = arith.index_cast %scan3A_14 : i32 to index
      %swap3A_53 = arith.index_cast %swap3A_50 : i32 to index
      %swap3A_54 = arith.constant 32 : index
      %swap3A_55 = tpu.vector_load %arg7[%swap3A_51, %swap3A_52, %swap3A_53, %swap3A_54] {strides = array<i32>} : memref<4x4x8x128xf32, #tpu.memory_space<vmem>>, vector<16xf32>,
      tpu.vector_store %arg7[%swap3A_51, %swap3A_52, %swap3A_53, %swap3A_54], %gather3A_48 {strides = array<i32>} : memref<4x4x8x128xf32, #tpu.memory_space<vmem>>, vector<16xf32>,
      %mul3A_56 = arith.constant 128 : i32
      %mul3A_57 = arith.muli %scan3A_14, %mul3A_56 : i32
      %add3A_58 = arith.constant 48 : i32
      %add3A_59 = arith.addi %mul3A_57, %add3A_58 : i32
      %add3A_60 = vector.broadcast %add3A_59 : i32 to vector<16xi32>
      %add3A_61 = arith.addi %add3A_60, %iota3A : vector<16xi32>
      %gather3A_62 = tpu.vector_load_idx %arg6[%add3A_61, %broadcast_in_dim3A_15] : memref<512x32xf32, #tpu.memory_space<vmem>>[vector<16xi32>, vector<16xi32>], vector<16xf32>,
      %swap3A_63 = arith.constant 0 : i32
      %swap3A_64 = arith.constant 0 : i32
      %swap3A_65 = arith.index_cast %swap3A_63 : i32 to index
      %swap3A_66 = arith.index_cast %scan3A_14 : i32 to index
      %swap3A_67 = arith.index_cast %swap3A_64 : i32 to index
      %swap3A_68 = arith.constant 48 : index
      %swap3A_69 = tpu.vector_load %arg7[%swap3A_65, %swap3A_66, %swap3A_67, %swap3A_68] {strides = array<i32>} : memref<4x4x8x128xf32, #tpu.memory_space<vmem>>, vector<16xf32>,
      tpu.vector_store %arg7[%swap3A_65, %swap3A_66, %swap3A_67, %swap3A_68], %gather3A_62 {strides = array<i32>} : memref<4x4x8x128xf32, #tpu.memory_space<vmem>>, vector<16xf32>,
      %mul3A_70 = arith.constant 128 : i32
      %mul3A_71 = arith.muli %scan3A_14, %mul3A_70 : i32
      %add3A_72 = arith.constant 64 : i32
      %add3A_73 = arith.addi %mul3A_71, %add3A_72 : i32
      %add3A_74 = vector.broadcast %add3A_73 : i32 to vector<16xi32>
      %add3A_75 = arith.addi %add3A_74, %iota3A : vector<16xi32>
      %gather3A_76 = tpu.vector_load_idx %arg6[%add3A_75, %broadcast_in_dim3A_15] : memref<512x32xf32, #tpu.memory_space<vmem>>[vector<16xi32>, vector<16xi32>], vector<16xf32>,
      %swap3A_77 = arith.constant 0 : i32
      %swap3A_78 = arith.constant 0 : i32
      %swap3A_79 = arith.index_cast %swap3A_77 : i32 to index
      %swap3A_80 = arith.index_cast %scan3A_14 : i32 to index
      %swap3A_81 = arith.index_cast %swap3A_78 : i32 to index
      %swap3A_82 = arith.constant 64 : index
      %swap3A_83 = tpu.vector_load %arg7[%swap3A_79, %swap3A_80, %swap3A_81, %swap3A_82] {strides = array<i32>} : memref<4x4x8x128xf32, #tpu.memory_space<vmem>>, vector<16xf32>,
      tpu.vector_store %arg7[%swap3A_79, %swap3A_80, %swap3A_81, %swap3A_82], %gather3A_76 {strides = array<i32>} : memref<4x4x8x128xf32, #tpu.memory_space<vmem>>, vector<16xf32>,
      %mul3A_84 = arith.constant 128 : i32
      %mul3A_85 = arith.muli %scan3A_14, %mul3A_84 : i32
      %add3A_86 = arith.constant 80 : i32
      %add3A_87 = arith.addi %mul3A_85, %add3A_86 : i32
      %add3A_88 = vector.broadcast %add3A_87 : i32 to vector<16xi32>
      %add3A_89 = arith.addi %add3A_88, %iota3A : vector<16xi32>
      %gather3A_90 = tpu.vector_load_idx %arg6[%add3A_89, %broadcast_in_dim3A_15] : memref<512x32xf32, #tpu.memory_space<vmem>>[vector<16xi32>, vector<16xi32>], vector<16xf32>,
      %swap3A_91 = arith.constant 0 : i32
      %swap3A_92 = arith.constant 0 : i32
      %swap3A_93 = arith.index_cast %swap3A_91 : i32 to index
      %swap3A_94 = arith.index_cast %scan3A_14 : i32 to index
      %swap3A_95 = arith.index_cast %swap3A_92 : i32 to index
      %swap3A_96 = arith.constant 80 : index
      %swap3A_97 = tpu.vector_load %arg7[%swap3A_93, %swap3A_94, %swap3A_95, %swap3A_96] {strides = array<i32>} : memref<4x4x8x128xf32, #tpu.memory_space<vmem>>, vector<16xf32>,
      tpu.vector_store %arg7[%swap3A_93, %swap3A_94, %swap3A_95, %swap3A_96], %gather3A_90 {strides = array<i32>} : memref<4x4x8x128xf32, #tpu.memory_space<vmem>>, vector<16xf32>,
      %mul3A_98 = arith.constant 128 : i32
      %mul3A_99 = arith.muli %scan3A_14, %mul3A_98 : i32
      %add3A_100 = arith.constant 96 : i32
      %add3A_101 = arith.addi %mul3A_99, %add3A_100 : i32
      %add3A_102 = vector.broadcast %add3A_101 : i32 to vector<16xi32>
      %add3A_103 = arith.addi %add3A_102, %iota3A : vector<16xi32>
      %gather3A_104 = tpu.vector_load_idx %arg6[%add3A_103, %broadcast_in_dim3A_15] : memref<512x32xf32, #tpu.memory_space<vmem>>[vector<16xi32>, vector<16xi32>], vector<16xf32>,
      %swap3A_105 = arith.constant 0 : i32
      %swap3A_106 = arith.constant 0 : i32
      %swap3A_107 = arith.index_cast %swap3A_105 : i32 to index
      %swap3A_108 = arith.index_cast %scan3A_14 : i32 to index
      %swap3A_109 = arith.index_cast %swap3A_106 : i32 to index
      %swap3A_110 = arith.constant 96 : index
      %swap3A_111 = tpu.vector_load %arg7[%swap3A_107, %swap3A_108, %swap3A_109, %swap3A_110] {strides = array<i32>} : memref<4x4x8x128xf32, #tpu.memory_space<vmem>>, vector<16xf32>,
      tpu.vector_store %arg7[%swap3A_107, %swap3A_108, %swap3A_109, %swap3A_110], %gather3A_104 {strides = array<i32>} : memref<4x4x8x128xf32, #tpu.memory_space<vmem>>, vector<16xf32>,
      %mul3A_112 = arith.constant 128 : i32
      %mul3A_113 = arith.muli %scan3A_14, %mul3A_112 : i32
      %add3A_114 = arith.constant 112 : i32
      %add3A_115 = arith.addi %mul3A_113, %add3A_114 : i32
      %add3A_116 = vector.broadcast %add3A_115 : i32 to vector<16xi32>
      %add3A_117 = arith.addi %add3A_116, %iota3A : vector<16xi32>
      %gather3A_118 = tpu.vector_load_idx %arg6[%add3A_117, %broadcast_in_dim3A_15] : memref<512x32xf32, #tpu.memory_space<vmem>>[vector<16xi32>, vector<16xi32>], vector<16xf32>,
      %swap3A_119 = arith.constant 0 : i32
      %swap3A_120 = arith.constant 0 : i32
      %swap3A_121 = arith.index_cast %swap3A_119 : i32 to index
      %swap3A_122 = arith.index_cast %scan3A_14 : i32 to index
      %swap3A_123 = arith.index_cast %swap3A_120 : i32 to index
      %swap3A_124 = arith.constant 112 : index
      %swap3A_125 = tpu.vector_load %arg7[%swap3A_121, %swap3A_122, %swap3A_123, %swap3A_124] {strides = array<i32>} : memref<4x4x8x128xf32, #tpu.memory_space<vmem>>, vector<16xf32>,
      tpu.vector_store %arg7[%swap3A_121, %swap3A_122, %swap3A_123, %swap3A_124], %gather3A_118 {strides = array<i32>} : memref<4x4x8x128xf32, #tpu.memory_space<vmem>>, vector<16xf32>,
      %broadcast_in_dim3A_126 = arith.constant 1 : i32
      %broadcast_in_dim3A_127 = vector.broadcast %broadcast_in_dim3A_126 : i32 to vector<16xi32>
      %mul3A_128 = arith.constant 128 : i32
      %mul3A_129 = arith.muli %scan3A_14, %mul3A_128 : i32
      %add3A_130 = arith.constant 0 : i32
      %add3A_131 = arith.addi %mul3A_129, %add3A_130 : i32
      %add3A_132 = vector.broadcast %add3A_131 : i32 to vector<16xi32>
      %add3A_133 = arith.addi %add3A_132, %iota3A : vector<16xi32>
      %gather3A_134 = tpu.vector_load_idx %arg6[%add3A_133, %broadcast_in_dim3A_127] : memref<512x32xf32, #tpu.memory_space<vmem>>[vector<16xi32>, vector<16xi32>], vector<16xf32>,
      %swap3A_135 = arith.constant 0 : i32
      %swap3A_136 = arith.constant 1 : i32
      %swap3A_137 = arith.index_cast %swap3A_135 : i32 to index
      %swap3A_138 = arith.index_cast %scan3A_14 : i32 to index
      %swap3A_139 = arith.index_cast %swap3A_136 : i32 to index
      %swap3A_140 = arith.constant 0 : index
      %swap3A_141 = tpu.vector_load %arg7[%swap3A_137, %swap3A_138, %swap3A_139, %swap3A_140] {strides = array<i32>} : memref<4x4x8x128xf32, #tpu.memory_space<vmem>>, vector<16xf32>,
      tpu.vector_store %arg7[%swap3A_137, %swap3A_138, %swap3A_139, %swap3A_140], %gather3A_134 {strides = array<i32>} : memref<4x4x8x128xf32, #tpu.memory_space<vmem>>, vector<16xf32>,
      %mul3A_142 = arith.constant 128 : i32
      %mul3A_143 = arith.muli %scan3A_14, %mul3A_142 : i32
      %add3A_144 = arith.constant 16 : i32
      %add3A_145 = arith.addi %mul3A_143, %add3A_144 : i32
      %add3A_146 = vector.broadcast %add3A_145 : i32 to vector<16xi32>
      %add3A_147 = arith.addi %add3A_146, %iota3A : vector<16xi32>
      %gather3A_148 = tpu.vector_load_idx %arg6[%add3A_147, %broadcast_in_dim3A_127] : memref<512x32xf32, #tpu.memory_space<vmem>>[vector<16xi32>, vector<16xi32>], vector<16xf32>,
      %swap3A_149 = arith.constant 0 : i32
      %swap3A_150 = arith.constant 1 : i32
      %swap3A_151 = arith.index_cast %swap3A_149 : i32 to index
      %swap3A_152 = arith.index_cast %scan3A_14 : i32 to index
      %swap3A_153 = arith.index_cast %swap3A_150 : i32 to index
      %swap3A_154 = arith.constant 16 : index
      %swap3A_155 = tpu.vector_load %arg7[%swap3A_151, %swap3A_152, %swap3A_153, %swap3A_154] {strides = array<i32>} : memref<4x4x8x128xf32, #tpu.memory_space<vmem>>, vector<16xf32>,
      tpu.vector_store %arg7[%swap3A_151, %swap3A_152, %swap3A_153, %swap3A_154], %gather3A_148 {strides = array<i32>} : memref<4x4x8x128xf32, #tpu.memory_space<vmem>>, vector<16xf32>,
      %mul3A_156 = arith.constant 128 : i32
      %mul3A_157 = arith.muli %scan3A_14, %mul3A_156 : i32
      %add3A_158 = arith.constant 32 : i32
      %add3A_159 = arith.addi %mul3A_157, %add3A_158 : i32
      %add3A_160 = vector.broadcast %add3A_159 : i32 to vector<16xi32>
      %add3A_161 = arith.addi %add3A_160, %iota3A : vector<16xi32>
      %gather3A_162 = tpu.vector_load_idx %arg6[%add3A_161, %broadcast_in_dim3A_127] : memref<512x32xf32, #tpu.memory_space<vmem>>[vector<16xi32>, vector<16xi32>], vector<16xf32>,
      %swap3A_163 = arith.constant 0 : i32
      %swap3A_164 = arith.constant 1 : i32
      %swap3A_165 = arith.index_cast %swap3A_163 : i32 to index
      %swap3A_166 = arith.index_cast %scan3A_14 : i32 to index
      %swap3A_167 = arith.index_cast %swap3A_164 : i32 to index
      %swap3A_168 = arith.constant 32 : index
      %swap3A_169 = tpu.vector_load %arg7[%swap3A_165, %swap3A_166, %swap3A_167, %swap3A_168] {strides = array<i32>} : memref<4x4x8x128xf32, #tpu.memory_space<vmem>>, vector<16xf32>,
      tpu.vector_store %arg7[%swap3A_165, %swap3A_166, %swap3A_167, %swap3A_168], %gather3A_162 {strides = array<i32>} : memref<4x4x8x128xf32, #tpu.memory_space<vmem>>, vector<16xf32>,
      %mul3A_170 = arith.constant 128 : i32
      %mul3A_171 = arith.muli %scan3A_14, %mul3A_170 : i32
      %add3A_172 = arith.constant 48 : i32
      %add3A_173 = arith.addi %mul3A_171, %add3A_172 : i32
      %add3A_174 = vector.broadcast %add3A_173 : i32 to vector<16xi32>
      %add3A_175 = arith.addi %add3A_174, %iota3A : vector<16xi32>
      %gather3A_176 = tpu.vector_load_idx %arg6[%add3A_175, %broadcast_in_dim3A_127] : memref<512x32xf32, #tpu.memory_space<vmem>>[vector<16xi32>, vector<16xi32>], vector<16xf32>,
      %swap3A_177 = arith.constant 0 : i32
      %swap3A_178 = arith.constant 1 : i32
      %swap3A_179 = arith.index_cast %swap3A_177 : i32 to index
      %swap3A_180 = arith.index_cast %scan3A_14 : i32 to index
      %swap3A_181 = arith.index_cast %swap3A_178 : i32 to index
      %swap3A_182 = arith.constant 48 : index
      %swap3A_183 = tpu.vector_load %arg7[%swap3A_179, %swap3A_180, %swap3A_181, %swap3A_182] {strides = array<i32>} : memref<4x4x8x128xf32, #tpu.memory_space<vmem>>, vector<16xf32>,
      tpu.vector_store %arg7[%swap3A_179, %swap3A_180, %swap3A_181, %swap3A_182], %gather3A_176 {strides = array<i32>} : memref<4x4x8x128xf32, #tpu.memory_space<vmem>>, vector<16xf32>,
      %mul3A_184 = arith.constant 128 : i32
      %mul3A_185 = arith.muli %scan3A_14, %mul3A_184 : i32
      %add3A_186 = arith.constant 64 : i32
      %add3A_187 = arith.addi %mul3A_185, %add3A_186 : i32
      %add3A_188 = vector.broadcast %add3A_187 : i32 to vector<16xi32>
      %add3A_189 = arith.addi %add3A_188, %iota3A : vector<16xi32>
      %gather3A_190 = tpu.vector_load_idx %arg6[%add3A_189, %broadcast_in_dim3A_127] : memref<512x32xf32, #tpu.memory_space<vmem>>[vector<16xi32>, vector<16xi32>], vector<16xf32>,
      %swap3A_191 = arith.constant 0 : i32
      %swap3A_192 = arith.constant 1 : i32
      %swap3A_193 = arith.index_cast %swap3A_191 : i32 to index
      %swap3A_194 = arith.index_cast %scan3A_14 : i32 to index
      %swap3A_195 = arith.index_cast %swap3A_192 : i32 to index
      %swap3A_196 = arith.constant 64 : index
      %swap3A_197 = tpu.vector_load %arg7[%swap3A_193, %swap3A_194, %swap3A_195, %swap3A_196] {strides = array<i32>} : memref<4x4x8x128xf32, #tpu.memory_space<vmem>>, vector<16xf32>,
      tpu.vector_store %arg7[%swap3A_193, %swap3A_194, %swap3A_195, %swap3A_196], %gather3A_190 {strides = array<i32>} : memref<4x4x8x128xf32, #tpu.memory_space<vmem>>, vector<16xf32>,
      %mul3A_198 = arith.constant 128 : i32
      %mul3A_199 = arith.muli %scan3A_14, %mul3A_198 : i32
      %add3A_200 = arith.constant 80 : i32
      %add3A_201 = arith.addi %mul3A_199, %add3A_200 : i32
      %add3A_202 = vector.broadcast %add3A_201 : i32 to vector<16xi32>
      %add3A_203 = arith.addi %add3A_202, %iota3A : vector<16xi32>
      %gather3A_204 = tpu.vector_load_idx %arg6[%add3A_203, %broadcast_in_dim3A_127] : memref<512x32xf32, #tpu.memory_space<vmem>>[vector<16xi32>, vector<16xi32>], vector<16xf32>,
      %swap3A_205 = arith.constant 0 : i32
      %swap3A_206 = arith.constant 1 : i32
      %swap3A_207 = arith.index_cast %swap3A_205 : i32 to index
      %swap3A_208 = arith.index_cast %scan3A_14 : i32 to index
      %swap3A_209 = arith.index_cast %swap3A_206 : i32 to index
      %swap3A_210 = arith.constant 80 : index
      %swap3A_211 = tpu.vector_load %arg7[%swap3A_207, %swap3A_208, %swap3A_209, %swap3A_210] {strides = array<i32>} : memref<4x4x8x128xf32, #tpu.memory_space<vmem>>, vector<16xf32>,
      tpu.vector_store %arg7[%swap3A_207, %swap3A_208, %swap3A_209, %swap3A_210], %gather3A_204 {strides = array<i32>} : memref<4x4x8x128xf32, #tpu.memory_space<vmem>>, vector<16xf32>,
      %mul3A_212 = arith.constant 128 : i32
      %mul3A_213 = arith.muli %scan3A_14, %mul3A_212 : i32
      %add3A_214 = arith.constant 96 : i32
      %add3A_215 = arith.addi %mul3A_213, %add3A_214 : i32
      %add3A_216 = vector.broadcast %add3A_215 : i32 to vector<16xi32>
      %add3A_217 = arith.addi %add3A_216, %iota3A : vector<16xi32>
      %gather3A_218 = tpu.vector_load_idx %arg6[%add3A_217, %broadcast_in_dim3A_127] : memref<512x32xf32, #tpu.memory_space<vmem>>[vector<16xi32>, vector<16xi32>], vector<16xf32>,
      %swap3A_219 = arith.constant 0 : i32
      %swap3A_220 = arith.constant 1 : i32
      %swap3A_221 = arith.index_cast %swap3A_219 : i32 to index
      %swap3A_222 = arith.index_cast %scan3A_14 : i32 to index
      %swap3A_223 = arith.index_cast %swap3A_220 : i32 to index
      %swap3A_224 = arith.constant 96 : index
      %swap3A_225 = tpu.vector_load %arg7[%swap3A_221, %swap3A_222, %swap3A_223, %swap3A_224] {strides = array<i32>} : memref<4x4x8x128xf32, #tpu.memory_space<vmem>>, vector<16xf32>,
      tpu.vector_store %arg7[%swap3A_221, %swap3A_222, %swap3A_223, %swap3A_224], %gather3A_218 {strides = array<i32>} : memref<4x4x8x128xf32, #tpu.memory_space<vmem>>, vector<16xf32>,
      %mul3A_226 = arith.constant 128 : i32
      %mul3A_227 = arith.muli %scan3A_14, %mul3A_226 : i32
      %add3A_228 = arith.constant 112 : i32
      %add3A_229 = arith.addi %mul3A_227, %add3A_228 : i32
      %add3A_230 = vector.broadcast %add3A_229 : i32 to vector<16xi32>
      %add3A_231 = arith.addi %add3A_230, %iota3A : vector<16xi32>
      %gather3A_232 = tpu.vector_load_idx %arg6[%add3A_231, %broadcast_in_dim3A_127] : memref<512x32xf32, #tpu.memory_space<vmem>>[vector<16xi32>, vector<16xi32>], vector<16xf32>,
      %swap3A_233 = arith.constant 0 : i32
      %swap3A_234 = arith.constant 1 : i32
      %swap3A_235 = arith.index_cast %swap3A_233 : i32 to index
      %swap3A_236 = arith.index_cast %scan3A_14 : i32 to index
      %swap3A_237 = arith.index_cast %swap3A_234 : i32 to index
      %swap3A_238 = arith.constant 112 : index
      %swap3A_239 = tpu.vector_load %arg7[%swap3A_235, %swap3A_236, %swap3A_237, %swap3A_238] {strides = array<i32>} : memref<4x4x8x128xf32, #tpu.memory_space<vmem>>, vector<16xf32>,
      tpu.vector_store %arg7[%swap3A_235, %swap3A_236, %swap3A_237, %swap3A_238], %gather3A_232 {strides = array<i32>} : memref<4x4x8x128xf32, #tpu.memory_space<vmem>>, vector<16xf32>,
      %broadcast_in_dim3A_240 = arith.constant 2 : i32
      %broadcast_in_dim3A_241 = vector.broadcast %broadcast_in_dim3A_240 : i32 to vector<16xi32>
      %mul3A_242 = arith.constant 128 : i32
      %mul3A_243 = arith.muli %scan3A_14, %mul3A_242 : i32
      %add3A_244 = arith.constant 0 : i32
      %add3A_245 = arith.addi %mul3A_243, %add3A_244 : i32
      %add3A_246 = vector.broadcast %add3A_245 : i32 to vector<16xi32>
      %add3A_247 = arith.addi %add3A_246, %iota3A : vector<16xi32>
      %gather3A_248 = tpu.vector_load_idx %arg6[%add3A_247, %broadcast_in_dim3A_241] : memref<512x32xf32, #tpu.memory_space<vmem>>[vector<16xi32>, vector<16xi32>], vector<16xf32>,
      %swap3A_249 = arith.constant 0 : i32
      %swap3A_250 = arith.constant 2 : i32
      %swap3A_251 = arith.index_cast %swap3A_249 : i32 to index
      %swap3A_252 = arith.index_cast %scan3A_14 : i32 to index
      %swap3A_253 = arith.index_cast %swap3A_250 : i32 to index
      %swap3A_254 = arith.constant 0 : index
      %swap3A_255 = tpu.vector_load %arg7[%swap3A_251, %swap3A_252, %swap3A_253, %swap3A_254] {strides = array<i32>} : memref<4x4x8x128xf32, #tpu.memory_space<vmem>>, vector<16xf32>,
      tpu.vector_store %arg7[%swap3A_251, %swap3A_252, %swap3A_253, %swap3A_254], %gather3A_248 {strides = array<i32>} : memref<4x4x8x128xf32, #tpu.memory_space<vmem>>, vector<16xf32>,
      %mul3A_256 = arith.constant 128 : i32
      %mul3A_257 = arith.muli %scan3A_14, %mul3A_256 : i32
      %add3A_258 = arith.constant 16 : i32
      %add3A_259 = arith.addi %mul3A_257, %add3A_258 : i32
      %add3A_260 = vector.broadcast %add3A_259 : i32 to vector<16xi32>
      %add3A_261 = arith.addi %add3A_260, %iota3A : vector<16xi32>
      %gather3A_262 = tpu.vector_load_idx %arg6[%add3A_261, %broadcast_in_dim3A_241] : memref<512x32xf32, #tpu.memory_space<vmem>>[vector<16xi32>, vector<16xi32>], vector<16xf32>,
      %swap3A_263 = arith.constant 0 : i32
      %swap3A_264 = arith.constant 2 : i32
      %swap3A_265 = arith.index_cast %swap3A_263 : i32 to index
      %swap3A_266 = arith.index_cast %scan3A_14 : i32 to index
      %swap3A_267 = arith.index_cast %swap3A_264 : i32 to index
      %swap3A_268 = arith.constant 16 : index
      %swap3A_269 = tpu.vector_load %arg7[%swap3A_265, %swap3A_266, %swap3A_267, %swap3A_268] {strides = array<i32>} : memref<4x4x8x128xf32, #tpu.memory_space<vmem>>, vector<16xf32>,
      tpu.vector_store %arg7[%swap3A_265, %swap3A_266, %swap3A_267, %swap3A_268], %gather3A_262 {strides = array<i32>} : memref<4x4x8x128xf32, #tpu.memory_space<vmem>>, vector<16xf32>,
      %mul3A_270 = arith.constant 128 : i32
      %mul3A_271 = arith.muli %scan3A_14, %mul3A_270 : i32
      %add3A_272 = arith.constant 32 : i32
      %add3A_273 = arith.addi %mul3A_271, %add3A_272 : i32
      %add3A_274 = vector.broadcast %add3A_273 : i32 to vector<16xi32>
      %add3A_275 = arith.addi %add3A_274, %iota3A : vector<16xi32>
      %gather3A_276 = tpu.vector_load_idx %arg6[%add3A_275, %broadcast_in_dim3A_241] : memref<512x32xf32, #tpu.memory_space<vmem>>[vector<16xi32>, vector<16xi32>], vector<16xf32>,
      %swap3A_277 = arith.constant 0 : i32
      %swap3A_278 = arith.constant 2 : i32
      %swap3A_279 = arith.index_cast %swap3A_277 : i32 to index
      %swap3A_280 = arith.index_cast %scan3A_14 : i32 to index
      %swap3A_281 = arith.index_cast %swap3A_278 : i32 to index
      %swap3A_282 = arith.constant 32 : index
      %swap3A_283 = tpu.vector_load %arg7[%swap3A_279, %swap3A_280, %swap3A_281, %swap3A_282] {strides = array<i32>} : memref<4x4x8x128xf32, #tpu.memory_space<vmem>>, vector<16xf32>,
      tpu.vector_store %arg7[%swap3A_279, %swap3A_280, %swap3A_281, %swap3A_282], %gather3A_276 {strides = array<i32>} : memref<4x4x8x128xf32, #tpu.memory_space<vmem>>, vector<16xf32>,
      %mul3A_284 = arith.constant 128 : i32
      %mul3A_285 = arith.muli %scan3A_14, %mul3A_284 : i32
      %add3A_286 = arith.constant 48 : i32
      %add3A_287 = arith.addi %mul3A_285, %add3A_286 : i32
      %add3A_288 = vector.broadcast %add3A_287 : i32 to vector<16xi32>
      %add3A_289 = arith.addi %add3A_288, %iota3A : vector<16xi32>
      %gather3A_290 = tpu.vector_load_idx %arg6[%add3A_289, %broadcast_in_dim3A_241] : memref<512x32xf32, #tpu.memory_space<vmem>>[vector<16xi32>, vector<16xi32>], vector<16xf32>,
      %swap3A_291 = arith.constant 0 : i32
      %swap3A_292 = arith.constant 2 : i32
      %swap3A_293 = arith.index_cast %swap3A_291 : i32 to index
      %swap3A_294 = arith.index_cast %scan3A_14 : i32 to index
      %swap3A_295 = arith.index_cast %swap3A_292 : i32 to index
      %swap3A_296 = arith.constant 48 : index
      %swap3A_297 = tpu.vector_load %arg7[%swap3A_293, %swap3A_294, %swap3A_295, %swap3A_296] {strides = array<i32>} : memref<4x4x8x128xf32, #tpu.memory_space<vmem>>, vector<16xf32>,
      tpu.vector_store %arg7[%swap3A_293, %swap3A_294, %swap3A_295, %swap3A_296], %gather3A_290 {strides = array<i32>} : memref<4x4x8x128xf32, #tpu.memory_space<vmem>>, vector<16xf32>,
      %mul3A_298 = arith.constant 128 : i32
      %mul3A_299 = arith.muli %scan3A_14, %mul3A_298 : i32
      %add3A_300 = arith.constant 64 : i32
      %add3A_301 = arith.addi %mul3A_299, %add3A_300 : i32
      %add3A_302 = vector.broadcast %add3A_301 : i32 to vector<16xi32>
      %add3A_303 = arith.addi %add3A_302, %iota3A : vector<16xi32>
      %gather3A_304 = tpu.vector_load_idx %arg6[%add3A_303, %broadcast_in_dim3A_241] : memref<512x32xf32, #tpu.memory_space<vmem>>[vector<16xi32>, vector<16xi32>], vector<16xf32>,
      %swap3A_305 = arith.constant 0 : i32
      %swap3A_306 = arith.constant 2 : i32
      %swap3A_307 = arith.index_cast %swap3A_305 : i32 to index
      %swap3A_308 = arith.index_cast %scan3A_14 : i32 to index
      %swap3A_309 = arith.index_cast %swap3A_306 : i32 to index
      %swap3A_310 = arith.constant 64 : index
      %swap3A_311 = tpu.vector_load %arg7[%swap3A_307, %swap3A_308, %swap3A_309, %swap3A_310] {strides = array<i32>} : memref<4x4x8x128xf32, #tpu.memory_space<vmem>>, vector<16xf32>,
      tpu.vector_store %arg7[%swap3A_307, %swap3A_308, %swap3A_309, %swap3A_310], %gather3A_304 {strides = array<i32>} : memref<4x4x8x128xf32, #tpu.memory_space<vmem>>, vector<16xf32>,
      %mul3A_312 = arith.constant 128 : i32
      %mul3A_313 = arith.muli %scan3A_14, %mul3A_312 : i32
      %add3A_314 = arith.constant 80 : i32
      %add3A_315 = arith.addi %mul3A_313, %add3A_314 : i32
      %add3A_316 = vector.broadcast %add3A_315 : i32 to vector<16xi32>
      %add3A_317 = arith.addi %add3A_316, %iota3A : vector<16xi32>
      %gather3A_318 = tpu.vector_load_idx %arg6[%add3A_317, %broadcast_in_dim3A_241] : memref<512x32xf32, #tpu.memory_space<vmem>>[vector<16xi32>, vector<16xi32>], vector<16xf32>,
      %swap3A_319 = arith.constant 0 : i32
      %swap3A_320 = arith.constant 2 : i32
      %swap3A_321 = arith.index_cast %swap3A_319 : i32 to index
      %swap3A_322 = arith.index_cast %scan3A_14 : i32 to index
      %swap3A_323 = arith.index_cast %swap3A_320 : i32 to index
      %swap3A_324 = arith.constant 80 : index
      %swap3A_325 = tpu.vector_load %arg7[%swap3A_321, %swap3A_322, %swap3A_323, %swap3A_324] {strides = array<i32>} : memref<4x4x8x128xf32, #tpu.memory_space<vmem>>, vector<16xf32>,
      tpu.vector_store %arg7[%swap3A_321, %swap3A_322, %swap3A_323, %swap3A_324], %gather3A_318 {strides = array<i32>} : memref<4x4x8x128xf32, #tpu.memory_space<vmem>>, vector<16xf32>,
      %mul3A_326 = arith.constant 128 : i32
      %mul3A_327 = arith.muli %scan3A_14, %mul3A_326 : i32
      %add3A_328 = arith.constant 96 : i32
      %add3A_329 = arith.addi %mul3A_327, %add3A_328 : i32
      %add3A_330 = vector.broadcast %add3A_329 : i32 to vector<16xi32>
      %add3A_331 = arith.addi %add3A_330, %iota3A : vector<16xi32>
      %gather3A_332 = tpu.vector_load_idx %arg6[%add3A_331, %broadcast_in_dim3A_241] : memref<512x32xf32, #tpu.memory_space<vmem>>[vector<16xi32>, vector<16xi32>], vector<16xf32>,
      %swap3A_333 = arith.constant 0 : i32
      %swap3A_334 = arith.constant 2 : i32
      %swap3A_335 = arith.index_cast %swap3A_333 : i32 to index
      %swap3A_336 = arith.index_cast %scan3A_14 : i32 to index
      %swap3A_337 = arith.index_cast %swap3A_334 : i32 to index
      %swap3A_338 = arith.constant 96 : index
      %swap3A_339 = tpu.vector_load %arg7[%swap3A_335, %swap3A_336, %swap3A_337, %swap3A_338] {strides = array<i32>} : memref<4x4x8x128xf32, #tpu.memory_space<vmem>>, vector<16xf32>,
      tpu.vector_store %arg7[%swap3A_335, %swap3A_336, %swap3A_337, %swap3A_338], %gather3A_332 {strides = array<i32>} : memref<4x4x8x128xf32, #tpu.memory_space<vmem>>, vector<16xf32>,
      %mul3A_340 = arith.constant 128 : i32
      %mul3A_341 = arith.muli %scan3A_14, %mul3A_340 : i32
      %add3A_342 = arith.constant 112 : i32
      %add3A_343 = arith.addi %mul3A_341, %add3A_342 : i32
      %add3A_344 = vector.broadcast %add3A_343 : i32 to vector<16xi32>
      %add3A_345 = arith.addi %add3A_344, %iota3A : vector<16xi32>
      %gather3A_346 = tpu.vector_load_idx %arg6[%add3A_345, %broadcast_in_dim3A_241] : memref<512x32xf32, #tpu.memory_space<vmem>>[vector<16xi32>, vector<16xi32>], vector<16xf32>,
      %swap3A_347 = arith.constant 0 : i32
      %swap3A_348 = arith.constant 2 : i32
      %swap3A_349 = arith.index_cast %swap3A_347 : i32 to index
      %swap3A_350 = arith.index_cast %scan3A_14 : i32 to index
      %swap3A_351 = arith.index_cast %swap3A_348 : i32 to index
      %swap3A_352 = arith.constant 112 : index
      %swap3A_353 = tpu.vector_load %arg7[%swap3A_349, %swap3A_350, %swap3A_351, %swap3A_352] {strides = array<i32>} : memref<4x4x8x128xf32, #tpu.memory_space<vmem>>, vector<16xf32>,
      tpu.vector_store %arg7[%swap3A_349, %swap3A_350, %swap3A_351, %swap3A_352], %gather3A_346 {strides = array<i32>} : memref<4x4x8x128xf32, #tpu.memory_space<vmem>>, vector<16xf32>,
      %broadcast_in_dim3A_354 = arith.constant 3 : i32
      %broadcast_in_dim3A_355 = vector.broadcast %broadcast_in_dim3A_354 : i32 to vector<16xi32>
      %mul3A_356 = arith.constant 128 : i32
      %mul3A_357 = arith.muli %scan3A_14, %mul3A_356 : i32
      %add3A_358 = arith.constant 0 : i32
      %add3A_359 = arith.addi %mul3A_357, %add3A_358 : i32
      %add3A_360 = vector.broadcast %add3A_359 : i32 to vector<16xi32>
      %add3A_361 = arith.addi %add3A_360, %iota3A : vector<16xi32>
      %gather3A_362 = tpu.vector_load_idx %arg6[%add3A_361, %broadcast_in_dim3A_355] : memref<512x32xf32, #tpu.memory_space<vmem>>[vector<16xi32>, vector<16xi32>], vector<16xf32>,
      %swap3A_363 = arith.constant 0 : i32
      %swap3A_364 = arith.constant 3 : i32
      %swap3A_365 = arith.index_cast %swap3A_363 : i32 to index
      %swap3A_366 = arith.index_cast %scan3A_14 : i32 to index
      %swap3A_367 = arith.index_cast %swap3A_364 : i32 to index
      %swap3A_368 = arith.constant 0 : index
      %swap3A_369 = tpu.vector_load %arg7[%swap3A_365, %swap3A_366, %swap3A_367, %swap3A_368] {strides = array<i32>} : memref<4x4x8x128xf32, #tpu.memory_space<vmem>>, vector<16xf32>,
      tpu.vector_store %arg7[%swap3A_365, %swap3A_366, %swap3A_367, %swap3A_368], %gather3A_362 {strides = array<i32>} : memref<4x4x8x128xf32, #tpu.memory_space<vmem>>, vector<16xf32>,
      %mul3A_370 = arith.constant 128 : i32
      %mul3A_371 = arith.muli %scan3A_14, %mul3A_370 : i32
      %add3A_372 = arith.constant 16 : i32
      %add3A_373 = arith.addi %mul3A_371, %add3A_372 : i32
      %add3A_374 = vector.broadcast %add3A_373 : i32 to vector<16xi32>
      %add3A_375 = arith.addi %add3A_374, %iota3A : vector<16xi32>
      %gather3A_376 = tpu.vector_load_idx %arg6[%add3A_375, %broadcast_in_dim3A_355] : memref<512x32xf32, #tpu.memory_space<vmem>>[vector<16xi32>, vector<16xi32>], vector<16xf32>,
      %swap3A_377 = arith.constant 0 : i32
      %swap3A_378 = arith.constant 3 : i32
      %swap3A_379 = arith.index_cast %swap3A_377 : i32 to index
      %swap3A_380 = arith.index_cast %scan3A_14 : i32 to index
      %swap3A_381 = arith.index_cast %swap3A_378 : i32 to index
      %swap3A_382 = arith.constant 16 : index
      %swap3A_383 = tpu.vector_load %arg7[%swap3A_379, %swap3A_380, %swap3A_381, %swap3A_382] {strides = array<i32>} : memref<4x4x8x128xf32, #tpu.memory_space<vmem>>, vector<16xf32>,
      tpu.vector_store %arg7[%swap3A_379, %swap3A_380, %swap3A_381, %swap3A_382], %gather3A_376 {strides = array<i32>} : memref<4x4x8x128xf32, #tpu.memory_space<vmem>>, vector<16xf32>,
      %mul3A_384 = arith.constant 128 : i32
      %mul3A_385 = arith.muli %scan3A_14, %mul3A_384 : i32
      %add3A_386 = arith.constant 32 : i32
      %add3A_387 = arith.addi %mul3A_385, %add3A_386 : i32
      %add3A_388 = vector.broadcast %add3A_387 : i32 to vector<16xi32>
      %add3A_389 = arith.addi %add3A_388, %iota3A : vector<16xi32>
      %gather3A_390 = tpu.vector_load_idx %arg6[%add3A_389, %broadcast_in_dim3A_355] : memref<512x32xf32, #tpu.memory_space<vmem>>[vector<16xi32>, vector<16xi32>], vector<16xf32>,
      %swap3A_391 = arith.constant 0 : i32
      %swap3A_392 = arith.constant 3 : i32
      %swap3A_393 = arith.index_cast %swap3A_391 : i32 to index
      %swap3A_394 = arith.index_cast %scan3A_14 : i32 to index
      %swap3A_395 = arith.index_cast %swap3A_392 : i32 to index
      %swap3A_396 = arith.constant 32 : index
      %swap3A_397 = tpu.vector_load %arg7[%swap3A_393, %swap3A_394, %swap3A_395, %swap3A_396] {strides = array<i32>} : memref<4x4x8x128xf32, #tpu.memory_space<vmem>>, vector<16xf32>,
      tpu.vector_store %arg7[%swap3A_393, %swap3A_394, %swap3A_395, %swap3A_396], %gather3A_390 {strides = array<i32>} : memref<4x4x8x128xf32, #tpu.memory_space<vmem>>, vector<16xf32>,
      %mul3A_398 = arith.constant 128 : i32
      %mul3A_399 = arith.muli %scan3A_14, %mul3A_398 : i32
      %add3A_400 = arith.constant 48 : i32
      %add3A_401 = arith.addi %mul3A_399, %add3A_400 : i32
      %add3A_402 = vector.broadcast %add3A_401 : i32 to vector<16xi32>
      %add3A_403 = arith.addi %add3A_402, %iota3A : vector<16xi32>
      %gather3A_404 = tpu.vector_load_idx %arg6[%add3A_403, %broadcast_in_dim3A_355] : memref<512x32xf32, #tpu.memory_space<vmem>>[vector<16xi32>, vector<16xi32>], vector<16xf32>,
      %swap3A_405 = arith.constant 0 : i32
      %swap3A_406 = arith.constant 3 : i32
      %swap3A_407 = arith.index_cast %swap3A_405 : i32 to index
      %swap3A_408 = arith.index_cast %scan3A_14 : i32 to index
      %swap3A_409 = arith.index_cast %swap3A_406 : i32 to index
      %swap3A_410 = arith.constant 48 : index
      %swap3A_411 = tpu.vector_load %arg7[%swap3A_407, %swap3A_408, %swap3A_409, %swap3A_410] {strides = array<i32>} : memref<4x4x8x128xf32, #tpu.memory_space<vmem>>, vector<16xf32>,
      tpu.vector_store %arg7[%swap3A_407, %swap3A_408, %swap3A_409, %swap3A_410], %gather3A_404 {strides = array<i32>} : memref<4x4x8x128xf32, #tpu.memory_space<vmem>>, vector<16xf32>,
      %mul3A_412 = arith.constant 128 : i32
      %mul3A_413 = arith.muli %scan3A_14, %mul3A_412 : i32
      %add3A_414 = arith.constant 64 : i32
      %add3A_415 = arith.addi %mul3A_413, %add3A_414 : i32
      %add3A_416 = vector.broadcast %add3A_415 : i32 to vector<16xi32>
      %add3A_417 = arith.addi %add3A_416, %iota3A : vector<16xi32>
      %gather3A_418 = tpu.vector_load_idx %arg6[%add3A_417, %broadcast_in_dim3A_355] : memref<512x32xf32, #tpu.memory_space<vmem>>[vector<16xi32>, vector<16xi32>], vector<16xf32>,
      %swap3A_419 = arith.constant 0 : i32
      %swap3A_420 = arith.constant 3 : i32
      %swap3A_421 = arith.index_cast %swap3A_419 : i32 to index
      %swap3A_422 = arith.index_cast %scan3A_14 : i32 to index
      %swap3A_423 = arith.index_cast %swap3A_420 : i32 to index
      %swap3A_424 = arith.constant 64 : index
      %swap3A_425 = tpu.vector_load %arg7[%swap3A_421, %swap3A_422, %swap3A_423, %swap3A_424] {strides = array<i32>} : memref<4x4x8x128xf32, #tpu.memory_space<vmem>>, vector<16xf32>,
      tpu.vector_store %arg7[%swap3A_421, %swap3A_422, %swap3A_423, %swap3A_424], %gather3A_418 {strides = array<i32>} : memref<4x4x8x128xf32, #tpu.memory_space<vmem>>, vector<16xf32>,
      %mul3A_426 = arith.constant 128 : i32
      %mul3A_427 = arith.muli %scan3A_14, %mul3A_426 : i32
      %add3A_428 = arith.constant 80 : i32
      %add3A_429 = arith.addi %mul3A_427, %add3A_428 : i32
      %add3A_430 = vector.broadcast %add3A_429 : i32 to vector<16xi32>
      %add3A_431 = arith.addi %add3A_430, %iota3A : vector<16xi32>
      %gather3A_432 = tpu.vector_load_idx %arg6[%add3A_431, %broadcast_in_dim3A_355] : memref<512x32xf32, #tpu.memory_space<vmem>>[vector<16xi32>, vector<16xi32>], vector<16xf32>,
      %swap3A_433 = arith.constant 0 : i32
      %swap3A_434 = arith.constant 3 : i32
      %swap3A_435 = arith.index_cast %swap3A_433 : i32 to index
      %swap3A_436 = arith.index_cast %scan3A_14 : i32 to index
      %swap3A_437 = arith.index_cast %swap3A_434 : i32 to index
      %swap3A_438 = arith.constant 80 : index
      %swap3A_439 = tpu.vector_load %arg7[%swap3A_435, %swap3A_436, %swap3A_437, %swap3A_438] {strides = array<i32>} : memref<4x4x8x128xf32, #tpu.memory_space<vmem>>, vector<16xf32>,
      tpu.vector_store %arg7[%swap3A_435, %swap3A_436, %swap3A_437, %swap3A_438], %gather3A_432 {strides = array<i32>} : memref<4x4x8x128xf32, #tpu.memory_space<vmem>>, vector<16xf32>,
      %mul3A_440 = arith.constant 128 : i32
      %mul3A_441 = arith.muli %scan3A_14, %mul3A_440 : i32
      %add3A_442 = arith.constant 96 : i32
      %add3A_443 = arith.addi %mul3A_441, %add3A_442 : i32
      %add3A_444 = vector.broadcast %add3A_443 : i32 to vector<16xi32>
      %add3A_445 = arith.addi %add3A_444, %iota3A : vector<16xi32>
      %gather3A_446 = tpu.vector_load_idx %arg6[%add3A_445, %broadcast_in_dim3A_355] : memref<512x32xf32, #tpu.memory_space<vmem>>[vector<16xi32>, vector<16xi32>], vector<16xf32>,
      %swap3A_447 = arith.constant 0 : i32
      %swap3A_448 = arith.constant 3 : i32
      %swap3A_449 = arith.index_cast %swap3A_447 : i32 to index
      %swap3A_450 = arith.index_cast %scan3A_14 : i32 to index
      %swap3A_451 = arith.index_cast %swap3A_448 : i32 to index
      %swap3A_452 = arith.constant 96 : index
      %swap3A_453 = tpu.vector_load %arg7[%swap3A_449, %swap3A_450, %swap3A_451, %swap3A_452] {strides = array<i32>} : memref<4x4x8x128xf32, #tpu.memory_space<vmem>>, vector<16xf32>,
      tpu.vector_store %arg7[%swap3A_449, %swap3A_450, %swap3A_451, %swap3A_452], %gather3A_446 {strides = array<i32>} : memref<4x4x8x128xf32, #tpu.memory_space<vmem>>, vector<16xf32>,
      %mul3A_454 = arith.constant 128 : i32
      %mul3A_455 = arith.muli %scan3A_14, %mul3A_454 : i32
      %add3A_456 = arith.constant 112 : i32
      %add3A_457 = arith.addi %mul3A_455, %add3A_456 : i32
      %add3A_458 = vector.broadcast %add3A_457 : i32 to vector<16xi32>
      %add3A_459 = arith.addi %add3A_458, %iota3A : vector<16xi32>
      %gather3A_460 = tpu.vector_load_idx %arg6[%add3A_459, %broadcast_in_dim3A_355] : memref<512x32xf32, #tpu.memory_space<vmem>>[vector<16xi32>, vector<16xi32>], vector<16xf32>,
      %swap3A_461 = arith.constant 0 : i32
      %swap3A_462 = arith.constant 3 : i32
      %swap3A_463 = arith.index_cast %swap3A_461 : i32 to index
      %swap3A_464 = arith.index_cast %scan3A_14 : i32 to index
      %swap3A_465 = arith.index_cast %swap3A_462 : i32 to index
      %swap3A_466 = arith.constant 112 : index
      %swap3A_467 = tpu.vector_load %arg7[%swap3A_463, %swap3A_464, %swap3A_465, %swap3A_466] {strides = array<i32>} : memref<4x4x8x128xf32, #tpu.memory_space<vmem>>, vector<16xf32>,
      tpu.vector_store %arg7[%swap3A_463, %swap3A_464, %swap3A_465, %swap3A_466], %gather3A_460 {strides = array<i32>} : memref<4x4x8x128xf32, #tpu.memory_space<vmem>>, vector<16xf32>,
      %broadcast_in_dim3A_468 = arith.constant 4 : i32
      %broadcast_in_dim3A_469 = vector.broadcast %broadcast_in_dim3A_468 : i32 to vector<16xi32>
      %mul3A_470 = arith.constant 128 : i32
      %mul3A_471 = arith.muli %scan3A_14, %mul3A_470 : i32
      %add3A_472 = arith.constant 0 : i32
      %add3A_473 = arith.addi %mul3A_471, %add3A_472 : i32
      %add3A_474 = vector.broadcast %add3A_473 : i32 to vector<16xi32>
      %add3A_475 = arith.addi %add3A_474, %iota3A : vector<16xi32>
      %gather3A_476 = tpu.vector_load_idx %arg6[%add3A_475, %broadcast_in_dim3A_469] : memref<512x32xf32, #tpu.memory_space<vmem>>[vector<16xi32>, vector<16xi32>], vector<16xf32>,
      %swap3A_477 = arith.constant 0 : i32
      %swap3A_478 = arith.constant 4 : i32
      %swap3A_479 = arith.index_cast %swap3A_477 : i32 to index
      %swap3A_480 = arith.index_cast %scan3A_14 : i32 to index
      %swap3A_481 = arith.index_cast %swap3A_478 : i32 to index
      %swap3A_482 = arith.constant 0 : index
      %swap3A_483 = tpu.vector_load %arg7[%swap3A_479, %swap3A_480, %swap3A_481, %swap3A_482] {strides = array<i32>} : memref<4x4x8x128xf32, #tpu.memory_space<vmem>>, vector<16xf32>,
      tpu.vector_store %arg7[%swap3A_479, %swap3A_480, %swap3A_481, %swap3A_482], %gather3A_476 {strides = array<i32>} : memref<4x4x8x128xf32, #tpu.memory_space<vmem>>, vector<16xf32>,
      %mul3A_484 = arith.constant 128 : i32
      %mul3A_485 = arith.muli %scan3A_14, %mul3A_484 : i32
      %add3A_486 = arith.constant 16 : i32
      %add3A_487 = arith.addi %mul3A_485, %add3A_486 : i32
      %add3A_488 = vector.broadcast %add3A_487 : i32 to vector<16xi32>
      %add3A_489 = arith.addi %add3A_488, %iota3A : vector<16xi32>
      %gather3A_490 = tpu.vector_load_idx %arg6[%add3A_489, %broadcast_in_dim3A_469] : memref<512x32xf32, #tpu.memory_space<vmem>>[vector<16xi32>, vector<16xi32>], vector<16xf32>,
      %swap3A_491 = arith.constant 0 : i32
      %swap3A_492 = arith.constant 4 : i32
      %swap3A_493 = arith.index_cast %swap3A_491 : i32 to index
      %swap3A_494 = arith.index_cast %scan3A_14 : i32 to index
      %swap3A_495 = arith.index_cast %swap3A_492 : i32 to index
      %swap3A_496 = arith.constant 16 : index
      %swap3A_497 = tpu.vector_load %arg7[%swap3A_493, %swap3A_494, %swap3A_495, %swap3A_496] {strides = array<i32>} : memref<4x4x8x128xf32, #tpu.memory_space<vmem>>, vector<16xf32>,
      tpu.vector_store %arg7[%swap3A_493, %swap3A_494, %swap3A_495, %swap3A_496], %gather3A_490 {strides = array<i32>} : memref<4x4x8x128xf32, #tpu.memory_space<vmem>>, vector<16xf32>,
      %mul3A_498 = arith.constant 128 : i32
      %mul3A_499 = arith.muli %scan3A_14, %mul3A_498 : i32
      %add3A_500 = arith.constant 32 : i32
      %add3A_501 = arith.addi %mul3A_499, %add3A_500 : i32
      %add3A_502 = vector.broadcast %add3A_501 : i32 to vector<16xi32>
      %add3A_503 = arith.addi %add3A_502, %iota3A : vector<16xi32>
      %gather3A_504 = tpu.vector_load_idx %arg6[%add3A_503, %broadcast_in_dim3A_469] : memref<512x32xf32, #tpu.memory_space<vmem>>[vector<16xi32>, vector<16xi32>], vector<16xf32>,
      %swap3A_505 = arith.constant 0 : i32
      %swap3A_506 = arith.constant 4 : i32
      %swap3A_507 = arith.index_cast %swap3A_505 : i32 to index
      %swap3A_508 = arith.index_cast %scan3A_14 : i32 to index
      %swap3A_509 = arith.index_cast %swap3A_506 : i32 to index
      %swap3A_510 = arith.constant 32 : index
      %swap3A_511 = tpu.vector_load %arg7[%swap3A_507, %swap3A_508, %swap3A_509, %swap3A_510] {strides = array<i32>} : memref<4x4x8x128xf32, #tpu.memory_space<vmem>>, vector<16xf32>,
      tpu.vector_store %arg7[%swap3A_507, %swap3A_508, %swap3A_509, %swap3A_510], %gather3A_504 {strides = array<i32>} : memref<4x4x8x128xf32, #tpu.memory_space<vmem>>, vector<16xf32>,
      %mul3A_512 = arith.constant 128 : i32
      %mul3A_513 = arith.muli %scan3A_14, %mul3A_512 : i32
      %add3A_514 = arith.constant 48 : i32
      %add3A_515 = arith.addi %mul3A_513, %add3A_514 : i32
      %add3A_516 = vector.broadcast %add3A_515 : i32 to vector<16xi32>
      %add3A_517 = arith.addi %add3A_516, %iota3A : vector<16xi32>
      %gather3A_518 = tpu.vector_load_idx %arg6[%add3A_517, %broadcast_in_dim3A_469] : memref<512x32xf32, #tpu.memory_space<vmem>>[vector<16xi32>, vector<16xi32>], vector<16xf32>,
      %swap3A_519 = arith.constant 0 : i32
      %swap3A_520 = arith.constant 4 : i32
      %swap3A_521 = arith.index_cast %swap3A_519 : i32 to index
      %swap3A_522 = arith.index_cast %scan3A_14 : i32 to index
      %swap3A_523 = arith.index_cast %swap3A_520 : i32 to index
      %swap3A_524 = arith.constant 48 : index
      %swap3A_525 = tpu.vector_load %arg7[%swap3A_521, %swap3A_522, %swap3A_523, %swap3A_524] {strides = array<i32>} : memref<4x4x8x128xf32, #tpu.memory_space<vmem>>, vector<16xf32>,
      tpu.vector_store %arg7[%swap3A_521, %swap3A_522, %swap3A_523, %swap3A_524], %gather3A_518 {strides = array<i32>} : memref<4x4x8x128xf32, #tpu.memory_space<vmem>>, vector<16xf32>,
      %mul3A_526 = arith.constant 128 : i32
      %mul3A_527 = arith.muli %scan3A_14, %mul3A_526 : i32
      %add3A_528 = arith.constant 64 : i32
      %add3A_529 = arith.addi %mul3A_527, %add3A_528 : i32
      %add3A_530 = vector.broadcast %add3A_529 : i32 to vector<16xi32>
      %add3A_531 = arith.addi %add3A_530, %iota3A : vector<16xi32>
      %gather3A_532 = tpu.vector_load_idx %arg6[%add3A_531, %broadcast_in_dim3A_469] : memref<512x32xf32, #tpu.memory_space<vmem>>[vector<16xi32>, vector<16xi32>], vector<16xf32>,
      %swap3A_533 = arith.constant 0 : i32
      %swap3A_534 = arith.constant 4 : i32
      %swap3A_535 = arith.index_cast %swap3A_533 : i32 to index
      %swap3A_536 = arith.index_cast %scan3A_14 : i32 to index
      %swap3A_537 = arith.index_cast %swap3A_534 : i32 to index
      %swap3A_538 = arith.constant 64 : index
      %swap3A_539 = tpu.vector_load %arg7[%swap3A_535, %swap3A_536, %swap3A_537, %swap3A_538] {strides = array<i32>} : memref<4x4x8x128xf32, #tpu.memory_space<vmem>>, vector<16xf32>,
      tpu.vector_store %arg7[%swap3A_535, %swap3A_536, %swap3A_537, %swap3A_538], %gather3A_532 {strides = array<i32>} : memref<4x4x8x128xf32, #tpu.memory_space<vmem>>, vector<16xf32>,
      %mul3A_540 = arith.constant 128 : i32
      %mul3A_541 = arith.muli %scan3A_14, %mul3A_540 : i32
      %add3A_542 = arith.constant 80 : i32
      %add3A_543 = arith.addi %mul3A_541, %add3A_542 : i32
      %add3A_544 = vector.broadcast %add3A_543 : i32 to vector<16xi32>
      %add3A_545 = arith.addi %add3A_544, %iota3A : vector<16xi32>
      %gather3A_546 = tpu.vector_load_idx %arg6[%add3A_545, %broadcast_in_dim3A_469] : memref<512x32xf32, #tpu.memory_space<vmem>>[vector<16xi32>, vector<16xi32>], vector<16xf32>,
      %swap3A_547 = arith.constant 0 : i32
      %swap3A_548 = arith.constant 4 : i32
      %swap3A_549 = arith.index_cast %swap3A_547 : i32 to index
      %swap3A_550 = arith.index_cast %scan3A_14 : i32 to index
      %swap3A_551 = arith.index_cast %swap3A_548 : i32 to index
      %swap3A_552 = arith.constant 80 : index
      %swap3A_553 = tpu.vector_load %arg7[%swap3A_549, %swap3A_550, %swap3A_551, %swap3A_552] {strides = array<i32>} : memref<4x4x8x128xf32, #tpu.memory_space<vmem>>, vector<16xf32>,
      tpu.vector_store %arg7[%swap3A_549, %swap3A_550, %swap3A_551, %swap3A_552], %gather3A_546 {strides = array<i32>} : memref<4x4x8x128xf32, #tpu.memory_space<vmem>>, vector<16xf32>,
      %mul3A_554 = arith.constant 128 : i32
      %mul3A_555 = arith.muli %scan3A_14, %mul3A_554 : i32
      %add3A_556 = arith.constant 96 : i32
      %add3A_557 = arith.addi %mul3A_555, %add3A_556 : i32
      %add3A_558 = vector.broadcast %add3A_557 : i32 to vector<16xi32>
      %add3A_559 = arith.addi %add3A_558, %iota3A : vector<16xi32>
      %gather3A_560 = tpu.vector_load_idx %arg6[%add3A_559, %broadcast_in_dim3A_469] : memref<512x32xf32, #tpu.memory_space<vmem>>[vector<16xi32>, vector<16xi32>], vector<16xf32>,
      %swap3A_561 = arith.constant 0 : i32
      %swap3A_562 = arith.constant 4 : i32
      %swap3A_563 = arith.index_cast %swap3A_561 : i32 to index
      %swap3A_564 = arith.index_cast %scan3A_14 : i32 to index
      %swap3A_565 = arith.index_cast %swap3A_562 : i32 to index
      %swap3A_566 = arith.constant 96 : index
      %swap3A_567 = tpu.vector_load %arg7[%swap3A_563, %swap3A_564, %swap3A_565, %swap3A_566] {strides = array<i32>} : memref<4x4x8x128xf32, #tpu.memory_space<vmem>>, vector<16xf32>,
      tpu.vector_store %arg7[%swap3A_563, %swap3A_564, %swap3A_565, %swap3A_566], %gather3A_560 {strides = array<i32>} : memref<4x4x8x128xf32, #tpu.memory_space<vmem>>, vector<16xf32>,
      %mul3A_568 = arith.constant 128 : i32
      %mul3A_569 = arith.muli %scan3A_14, %mul3A_568 : i32
      %add3A_570 = arith.constant 112 : i32
      %add3A_571 = arith.addi %mul3A_569, %add3A_570 : i32
      %add3A_572 = vector.broadcast %add3A_571 : i32 to vector<16xi32>
      %add3A_573 = arith.addi %add3A_572, %iota3A : vector<16xi32>
      %gather3A_574 = tpu.vector_load_idx %arg6[%add3A_573, %broadcast_in_dim3A_469] : memref<512x32xf32, #tpu.memory_space<vmem>>[vector<16xi32>, vector<16xi32>], vector<16xf32>,
      %swap3A_575 = arith.constant 0 : i32
      %swap3A_576 = arith.constant 4 : i32
      %swap3A_577 = arith.index_cast %swap3A_575 : i32 to index
      %swap3A_578 = arith.index_cast %scan3A_14 : i32 to index
      %swap3A_579 = arith.index_cast %swap3A_576 : i32 to index
      %swap3A_580 = arith.constant 112 : index
      %swap3A_581 = tpu.vector_load %arg7[%swap3A_577, %swap3A_578, %swap3A_579, %swap3A_580] {strides = array<i32>} : memref<4x4x8x128xf32, #tpu.memory_space<vmem>>, vector<16xf32>,
      tpu.vector_store %arg7[%swap3A_577, %swap3A_578, %swap3A_579, %swap3A_580], %gather3A_574 {strides = array<i32>} : memref<4x4x8x128xf32, #tpu.memory_space<vmem>>, vector<16xf32>,
      %broadcast_in_dim3A_582 = arith.constant 5 : i32
      %broadcast_in_dim3A_583 = vector.broadcast %broadcast_in_dim3A_582 : i32 to vector<16xi32>
      %mul3A_584 = arith.constant 128 : i32
      %mul3A_585 = arith.muli %scan3A_14, %mul3A_584 : i32
      %add3A_586 = arith.constant 0 : i32
      %add3A_587 = arith.addi %mul3A_585, %add3A_586 : i32
      %add3A_588 = vector.broadcast %add3A_587 : i32 to vector<16xi32>
      %add3A_589 = arith.addi %add3A_588, %iota3A : vector<16xi32>
      %gather3A_590 = tpu.vector_load_idx %arg6[%add3A_589, %broadcast_in_dim3A_583] : memref<512x32xf32, #tpu.memory_space<vmem>>[vector<16xi32>, vector<16xi32>], vector<16xf32>,
      %swap3A_591 = arith.constant 0 : i32
      %swap3A_592 = arith.constant 5 : i32
      %swap3A_593 = arith.index_cast %swap3A_591 : i32 to index
      %swap3A_594 = arith.index_cast %scan3A_14 : i32 to index
      %swap3A_595 = arith.index_cast %swap3A_592 : i32 to index
      %swap3A_596 = arith.constant 0 : index
      %swap3A_597 = tpu.vector_load %arg7[%swap3A_593, %swap3A_594, %swap3A_595, %swap3A_596] {strides = array<i32>} : memref<4x4x8x128xf32, #tpu.memory_space<vmem>>, vector<16xf32>,
      tpu.vector_store %arg7[%swap3A_593, %swap3A_594, %swap3A_595, %swap3A_596], %gather3A_590 {strides = array<i32>} : memref<4x4x8x128xf32, #tpu.memory_space<vmem>>, vector<16xf32>,
      %mul3A_598 = arith.constant 128 : i32
      %mul3A_599 = arith.muli %scan3A_14, %mul3A_598 : i32
      %add3A_600 = arith.constant 16 : i32
      %add3A_601 = arith.addi %mul3A_599, %add3A_600 : i32
      %add3A_602 = vector.broadcast %add3A_601 : i32 to vector<16xi32>
      %add3A_603 = arith.addi %add3A_602, %iota3A : vector<16xi32>
      %gather3A_604 = tpu.vector_load_idx %arg6[%add3A_603, %broadcast_in_dim3A_583] : memref<512x32xf32, #tpu.memory_space<vmem>>[vector<16xi32>, vector<16xi32>], vector<16xf32>,
      %swap3A_605 = arith.constant 0 : i32
      %swap3A_606 = arith.constant 5 : i32
      %swap3A_607 = arith.index_cast %swap3A_605 : i32 to index
      %swap3A_608 = arith.index_cast %scan3A_14 : i32 to index
      %swap3A_609 = arith.index_cast %swap3A_606 : i32 to index
      %swap3A_610 = arith.constant 16 : index
      %swap3A_611 = tpu.vector_load %arg7[%swap3A_607, %swap3A_608, %swap3A_609, %swap3A_610] {strides = array<i32>} : memref<4x4x8x128xf32, #tpu.memory_space<vmem>>, vector<16xf32>,
      tpu.vector_store %arg7[%swap3A_607, %swap3A_608, %swap3A_609, %swap3A_610], %gather3A_604 {strides = array<i32>} : memref<4x4x8x128xf32, #tpu.memory_space<vmem>>, vector<16xf32>,
      %mul3A_612 = arith.constant 128 : i32
      %mul3A_613 = arith.muli %scan3A_14, %mul3A_612 : i32
      %add3A_614 = arith.constant 32 : i32
      %add3A_615 = arith.addi %mul3A_613, %add3A_614 : i32
      %add3A_616 = vector.broadcast %add3A_615 : i32 to vector<16xi32>
      %add3A_617 = arith.addi %add3A_616, %iota3A : vector<16xi32>
      %gather3A_618 = tpu.vector_load_idx %arg6[%add3A_617, %broadcast_in_dim3A_583] : memref<512x32xf32, #tpu.memory_space<vmem>>[vector<16xi32>, vector<16xi32>], vector<16xf32>,
      %swap3A_619 = arith.constant 0 : i32
      %swap3A_620 = arith.constant 5 : i32
      %swap3A_621 = arith.index_cast %swap3A_619 : i32 to index
      %swap3A_622 = arith.index_cast %scan3A_14 : i32 to index
      %swap3A_623 = arith.index_cast %swap3A_620 : i32 to index
      %swap3A_624 = arith.constant 32 : index
      %swap3A_625 = tpu.vector_load %arg7[%swap3A_621, %swap3A_622, %swap3A_623, %swap3A_624] {strides = array<i32>} : memref<4x4x8x128xf32, #tpu.memory_space<vmem>>, vector<16xf32>,
      tpu.vector_store %arg7[%swap3A_621, %swap3A_622, %swap3A_623, %swap3A_624], %gather3A_618 {strides = array<i32>} : memref<4x4x8x128xf32, #tpu.memory_space<vmem>>, vector<16xf32>,
      %mul3A_626 = arith.constant 128 : i32
      %mul3A_627 = arith.muli %scan3A_14, %mul3A_626 : i32
      %add3A_628 = arith.constant 48 : i32
      %add3A_629 = arith.addi %mul3A_627, %add3A_628 : i32
      %add3A_630 = vector.broadcast %add3A_629 : i32 to vector<16xi32>
      %add3A_631 = arith.addi %add3A_630, %iota3A : vector<16xi32>
      %gather3A_632 = tpu.vector_load_idx %arg6[%add3A_631, %broadcast_in_dim3A_583] : memref<512x32xf32, #tpu.memory_space<vmem>>[vector<16xi32>, vector<16xi32>], vector<16xf32>,
      %swap3A_633 = arith.constant 0 : i32
      %swap3A_634 = arith.constant 5 : i32
      %swap3A_635 = arith.index_cast %swap3A_633 : i32 to index
      %swap3A_636 = arith.index_cast %scan3A_14 : i32 to index
      %swap3A_637 = arith.index_cast %swap3A_634 : i32 to index
      %swap3A_638 = arith.constant 48 : index
      %swap3A_639 = tpu.vector_load %arg7[%swap3A_635, %swap3A_636, %swap3A_637, %swap3A_638] {strides = array<i32>} : memref<4x4x8x128xf32, #tpu.memory_space<vmem>>, vector<16xf32>,
      tpu.vector_store %arg7[%swap3A_635, %swap3A_636, %swap3A_637, %swap3A_638], %gather3A_632 {strides = array<i32>} : memref<4x4x8x128xf32, #tpu.memory_space<vmem>>, vector<16xf32>,
      %mul3A_640 = arith.constant 128 : i32
      %mul3A_641 = arith.muli %scan3A_14, %mul3A_640 : i32
      %add3A_642 = arith.constant 64 : i32
      %add3A_643 = arith.addi %mul3A_641, %add3A_642 : i32
      %add3A_644 = vector.broadcast %add3A_643 : i32 to vector<16xi32>
      %add3A_645 = arith.addi %add3A_644, %iota3A : vector<16xi32>
      %gather3A_646 = tpu.vector_load_idx %arg6[%add3A_645, %broadcast_in_dim3A_583] : memref<512x32xf32, #tpu.memory_space<vmem>>[vector<16xi32>, vector<16xi32>], vector<16xf32>,
      %swap3A_647 = arith.constant 0 : i32
      %swap3A_648 = arith.constant 5 : i32
      %swap3A_649 = arith.index_cast %swap3A_647 : i32 to index
      %swap3A_650 = arith.index_cast %scan3A_14 : i32 to index
      %swap3A_651 = arith.index_cast %swap3A_648 : i32 to index
      %swap3A_652 = arith.constant 64 : index
      %swap3A_653 = tpu.vector_load %arg7[%swap3A_649, %swap3A_650, %swap3A_651, %swap3A_652] {strides = array<i32>} : memref<4x4x8x128xf32, #tpu.memory_space<vmem>>, vector<16xf32>,
      tpu.vector_store %arg7[%swap3A_649, %swap3A_650, %swap3A_651, %swap3A_652], %gather3A_646 {strides = array<i32>} : memref<4x4x8x128xf32, #tpu.memory_space<vmem>>, vector<16xf32>,
      %mul3A_654 = arith.constant 128 : i32
      %mul3A_655 = arith.muli %scan3A_14, %mul3A_654 : i32
      %add3A_656 = arith.constant 80 : i32
      %add3A_657 = arith.addi %mul3A_655, %add3A_656 : i32
      %add3A_658 = vector.broadcast %add3A_657 : i32 to vector<16xi32>
      %add3A_659 = arith.addi %add3A_658, %iota3A : vector<16xi32>
      %gather3A_660 = tpu.vector_load_idx %arg6[%add3A_659, %broadcast_in_dim3A_583] : memref<512x32xf32, #tpu.memory_space<vmem>>[vector<16xi32>, vector<16xi32>], vector<16xf32>,
      %swap3A_661 = arith.constant 0 : i32
      %swap3A_662 = arith.constant 5 : i32
      %swap3A_663 = arith.index_cast %swap3A_661 : i32 to index
      %swap3A_664 = arith.index_cast %scan3A_14 : i32 to index
      %swap3A_665 = arith.index_cast %swap3A_662 : i32 to index
      %swap3A_666 = arith.constant 80 : index
      %swap3A_667 = tpu.vector_load %arg7[%swap3A_663, %swap3A_664, %swap3A_665, %swap3A_666] {strides = array<i32>} : memref<4x4x8x128xf32, #tpu.memory_space<vmem>>, vector<16xf32>,
      tpu.vector_store %arg7[%swap3A_663, %swap3A_664, %swap3A_665, %swap3A_666], %gather3A_660 {strides = array<i32>} : memref<4x4x8x128xf32, #tpu.memory_space<vmem>>, vector<16xf32>,
      %mul3A_668 = arith.constant 128 : i32
      %mul3A_669 = arith.muli %scan3A_14, %mul3A_668 : i32
      %add3A_670 = arith.constant 96 : i32
      %add3A_671 = arith.addi %mul3A_669, %add3A_670 : i32
      %add3A_672 = vector.broadcast %add3A_671 : i32 to vector<16xi32>
      %add3A_673 = arith.addi %add3A_672, %iota3A : vector<16xi32>
      %gather3A_674 = tpu.vector_load_idx %arg6[%add3A_673, %broadcast_in_dim3A_583] : memref<512x32xf32, #tpu.memory_space<vmem>>[vector<16xi32>, vector<16xi32>], vector<16xf32>,
      %swap3A_675 = arith.constant 0 : i32
      %swap3A_676 = arith.constant 5 : i32
      %swap3A_677 = arith.index_cast %swap3A_675 : i32 to index
      %swap3A_678 = arith.index_cast %scan3A_14 : i32 to index
      %swap3A_679 = arith.index_cast %swap3A_676 : i32 to index
      %swap3A_680 = arith.constant 96 : index
      %swap3A_681 = tpu.vector_load %arg7[%swap3A_677, %swap3A_678, %swap3A_679, %swap3A_680] {strides = array<i32>} : memref<4x4x8x128xf32, #tpu.memory_space<vmem>>, vector<16xf32>,
      tpu.vector_store %arg7[%swap3A_677, %swap3A_678, %swap3A_679, %swap3A_680], %gather3A_674 {strides = array<i32>} : memref<4x4x8x128xf32, #tpu.memory_space<vmem>>, vector<16xf32>,
      %mul3A_682 = arith.constant 128 : i32
      %mul3A_683 = arith.muli %scan3A_14, %mul3A_682 : i32
      %add3A_684 = arith.constant 112 : i32
      %add3A_685 = arith.addi %mul3A_683, %add3A_684 : i32
      %add3A_686 = vector.broadcast %add3A_685 : i32 to vector<16xi32>
      %add3A_687 = arith.addi %add3A_686, %iota3A : vector<16xi32>
      %gather3A_688 = tpu.vector_load_idx %arg6[%add3A_687, %broadcast_in_dim3A_583] : memref<512x32xf32, #tpu.memory_space<vmem>>[vector<16xi32>, vector<16xi32>], vector<16xf32>,
      %swap3A_689 = arith.constant 0 : i32
      %swap3A_690 = arith.constant 5 : i32
      %swap3A_691 = arith.index_cast %swap3A_689 : i32 to index
      %swap3A_692 = arith.index_cast %scan3A_14 : i32 to index
      %swap3A_693 = arith.index_cast %swap3A_690 : i32 to index
      %swap3A_694 = arith.constant 112 : index
      %swap3A_695 = tpu.vector_load %arg7[%swap3A_691, %swap3A_692, %swap3A_693, %swap3A_694] {strides = array<i32>} : memref<4x4x8x128xf32, #tpu.memory_space<vmem>>, vector<16xf32>,
      tpu.vector_store %arg7[%swap3A_691, %swap3A_692, %swap3A_693, %swap3A_694], %gather3A_688 {strides = array<i32>} : memref<4x4x8x128xf32, #tpu.memory_space<vmem>>, vector<16xf32>,
      %broadcast_in_dim3A_696 = arith.constant 6 : i32
      %broadcast_in_dim3A_697 = vector.broadcast %broadcast_in_dim3A_696 : i32 to vector<16xi32>
      %mul3A_698 = arith.constant 128 : i32
      %mul3A_699 = arith.muli %scan3A_14, %mul3A_698 : i32
      %add3A_700 = arith.constant 0 : i32
      %add3A_701 = arith.addi %mul3A_699, %add3A_700 : i32
      %add3A_702 = vector.broadcast %add3A_701 : i32 to vector<16xi32>
      %add3A_703 = arith.addi %add3A_702, %iota3A : vector<16xi32>
      %gather3A_704 = tpu.vector_load_idx %arg6[%add3A_703, %broadcast_in_dim3A_697] : memref<512x32xf32, #tpu.memory_space<vmem>>[vector<16xi32>, vector<16xi32>], vector<16xf32>,
      %swap3A_705 = arith.constant 0 : i32
      %swap3A_706 = arith.constant 6 : i32
      %swap3A_707 = arith.index_cast %swap3A_705 : i32 to index
      %swap3A_708 = arith.index_cast %scan3A_14 : i32 to index
      %swap3A_709 = arith.index_cast %swap3A_706 : i32 to index
      %swap3A_710 = arith.constant 0 : index
      %swap3A_711 = tpu.vector_load %arg7[%swap3A_707, %swap3A_708, %swap3A_709, %swap3A_710] {strides = array<i32>} : memref<4x4x8x128xf32, #tpu.memory_space<vmem>>, vector<16xf32>,
      tpu.vector_store %arg7[%swap3A_707, %swap3A_708, %swap3A_709, %swap3A_710], %gather3A_704 {strides = array<i32>} : memref<4x4x8x128xf32, #tpu.memory_space<vmem>>, vector<16xf32>,
      %mul3A_712 = arith.constant 128 : i32
      %mul3A_713 = arith.muli %scan3A_14, %mul3A_712 : i32
      %add3A_714 = arith.constant 16 : i32
      %add3A_715 = arith.addi %mul3A_713, %add3A_714 : i32
      %add3A_716 = vector.broadcast %add3A_715 : i32 to vector<16xi32>
      %add3A_717 = arith.addi %add3A_716, %iota3A : vector<16xi32>
      %gather3A_718 = tpu.vector_load_idx %arg6[%add3A_717, %broadcast_in_dim3A_697] : memref<512x32xf32, #tpu.memory_space<vmem>>[vector<16xi32>, vector<16xi32>], vector<16xf32>,
      %swap3A_719 = arith.constant 0 : i32
      %swap3A_720 = arith.constant 6 : i32
      %swap3A_721 = arith.index_cast %swap3A_719 : i32 to index
      %swap3A_722 = arith.index_cast %scan3A_14 : i32 to index
      %swap3A_723 = arith.index_cast %swap3A_720 : i32 to index
      %swap3A_724 = arith.constant 16 : index
      %swap3A_725 = tpu.vector_load %arg7[%swap3A_721, %swap3A_722, %swap3A_723, %swap3A_724] {strides = array<i32>} : memref<4x4x8x128xf32, #tpu.memory_space<vmem>>, vector<16xf32>,
      tpu.vector_store %arg7[%swap3A_721, %swap3A_722, %swap3A_723, %swap3A_724], %gather3A_718 {strides = array<i32>} : memref<4x4x8x128xf32, #tpu.memory_space<vmem>>, vector<16xf32>,
      %mul3A_726 = arith.constant 128 : i32
      %mul3A_727 = arith.muli %scan3A_14, %mul3A_726 : i32
      %add3A_728 = arith.constant 32 : i32
      %add3A_729 = arith.addi %mul3A_727, %add3A_728 : i32
      %add3A_730 = vector.broadcast %add3A_729 : i32 to vector<16xi32>
      %add3A_731 = arith.addi %add3A_730, %iota3A : vector<16xi32>
      %gather3A_732 = tpu.vector_load_idx %arg6[%add3A_731, %broadcast_in_dim3A_697] : memref<512x32xf32, #tpu.memory_space<vmem>>[vector<16xi32>, vector<16xi32>], vector<16xf32>,
      %swap3A_733 = arith.constant 0 : i32
      %swap3A_734 = arith.constant 6 : i32
      %swap3A_735 = arith.index_cast %swap3A_733 : i32 to index
      %swap3A_736 = arith.index_cast %scan3A_14 : i32 to index
      %swap3A_737 = arith.index_cast %swap3A_734 : i32 to index
      %swap3A_738 = arith.constant 32 : index
      %swap3A_739 = tpu.vector_load %arg7[%swap3A_735, %swap3A_736, %swap3A_737, %swap3A_738] {strides = array<i32>} : memref<4x4x8x128xf32, #tpu.memory_space<vmem>>, vector<16xf32>,
      tpu.vector_store %arg7[%swap3A_735, %swap3A_736, %swap3A_737, %swap3A_738], %gather3A_732 {strides = array<i32>} : memref<4x4x8x128xf32, #tpu.memory_space<vmem>>, vector<16xf32>,
      %mul3A_740 = arith.constant 128 : i32
      %mul3A_741 = arith.muli %scan3A_14, %mul3A_740 : i32
      %add3A_742 = arith.constant 48 : i32
      %add3A_743 = arith.addi %mul3A_741, %add3A_742 : i32
      %add3A_744 = vector.broadcast %add3A_743 : i32 to vector<16xi32>
      %add3A_745 = arith.addi %add3A_744, %iota3A : vector<16xi32>
      %gather3A_746 = tpu.vector_load_idx %arg6[%add3A_745, %broadcast_in_dim3A_697] : memref<512x32xf32, #tpu.memory_space<vmem>>[vector<16xi32>, vector<16xi32>], vector<16xf32>,
      %swap3A_747 = arith.constant 0 : i32
      %swap3A_748 = arith.constant 6 : i32
      %swap3A_749 = arith.index_cast %swap3A_747 : i32 to index
      %swap3A_750 = arith.index_cast %scan3A_14 : i32 to index
      %swap3A_751 = arith.index_cast %swap3A_748 : i32 to index
      %swap3A_752 = arith.constant 48 : index
      %swap3A_753 = tpu.vector_load %arg7[%swap3A_749, %swap3A_750, %swap3A_751, %swap3A_752] {strides = array<i32>} : memref<4x4x8x128xf32, #tpu.memory_space<vmem>>, vector<16xf32>,
      tpu.vector_store %arg7[%swap3A_749, %swap3A_750, %swap3A_751, %swap3A_752], %gather3A_746 {strides = array<i32>} : memref<4x4x8x128xf32, #tpu.memory_space<vmem>>, vector<16xf32>,
      %mul3A_754 = arith.constant 128 : i32
      %mul3A_755 = arith.muli %scan3A_14, %mul3A_754 : i32
      %add3A_756 = arith.constant 64 : i32
      %add3A_757 = arith.addi %mul3A_755, %add3A_756 : i32
      %add3A_758 = vector.broadcast %add3A_757 : i32 to vector<16xi32>
      %add3A_759 = arith.addi %add3A_758, %iota3A : vector<16xi32>
      %gather3A_760 = tpu.vector_load_idx %arg6[%add3A_759, %broadcast_in_dim3A_697] : memref<512x32xf32, #tpu.memory_space<vmem>>[vector<16xi32>, vector<16xi32>], vector<16xf32>,
      %swap3A_761 = arith.constant 0 : i32
      %swap3A_762 = arith.constant 6 : i32
      %swap3A_763 = arith.index_cast %swap3A_761 : i32 to index
      %swap3A_764 = arith.index_cast %scan3A_14 : i32 to index
      %swap3A_765 = arith.index_cast %swap3A_762 : i32 to index
      %swap3A_766 = arith.constant 64 : index
      %swap3A_767 = tpu.vector_load %arg7[%swap3A_763, %swap3A_764, %swap3A_765, %swap3A_766] {strides = array<i32>} : memref<4x4x8x128xf32, #tpu.memory_space<vmem>>, vector<16xf32>,
      tpu.vector_store %arg7[%swap3A_763, %swap3A_764, %swap3A_765, %swap3A_766], %gather3A_760 {strides = array<i32>} : memref<4x4x8x128xf32, #tpu.memory_space<vmem>>, vector<16xf32>,
      %mul3A_768 = arith.constant 128 : i32
      %mul3A_769 = arith.muli %scan3A_14, %mul3A_768 : i32
      %add3A_770 = arith.constant 80 : i32
      %add3A_771 = arith.addi %mul3A_769, %add3A_770 : i32
      %add3A_772 = vector.broadcast %add3A_771 : i32 to vector<16xi32>
      %add3A_773 = arith.addi %add3A_772, %iota3A : vector<16xi32>
      %gather3A_774 = tpu.vector_load_idx %arg6[%add3A_773, %broadcast_in_dim3A_697] : memref<512x32xf32, #tpu.memory_space<vmem>>[vector<16xi32>, vector<16xi32>], vector<16xf32>,
      %swap3A_775 = arith.constant 0 : i32
      %swap3A_776 = arith.constant 6 : i32
      %swap3A_777 = arith.index_cast %swap3A_775 : i32 to index
      %swap3A_778 = arith.index_cast %scan3A_14 : i32 to index
      %swap3A_779 = arith.index_cast %swap3A_776 : i32 to index
      %swap3A_780 = arith.constant 80 : index
      %swap3A_781 = tpu.vector_load %arg7[%swap3A_777, %swap3A_778, %swap3A_779, %swap3A_780] {strides = array<i32>} : memref<4x4x8x128xf32, #tpu.memory_space<vmem>>, vector<16xf32>,
      tpu.vector_store %arg7[%swap3A_777, %swap3A_778, %swap3A_779, %swap3A_780], %gather3A_774 {strides = array<i32>} : memref<4x4x8x128xf32, #tpu.memory_space<vmem>>, vector<16xf32>,
      %mul3A_782 = arith.constant 128 : i32
      %mul3A_783 = arith.muli %scan3A_14, %mul3A_782 : i32
      %add3A_784 = arith.constant 96 : i32
      %add3A_785 = arith.addi %mul3A_783, %add3A_784 : i32
      %add3A_786 = vector.broadcast %add3A_785 : i32 to vector<16xi32>
      %add3A_787 = arith.addi %add3A_786, %iota3A : vector<16xi32>
      %gather3A_788 = tpu.vector_load_idx %arg6[%add3A_787, %broadcast_in_dim3A_697] : memref<512x32xf32, #tpu.memory_space<vmem>>[vector<16xi32>, vector<16xi32>], vector<16xf32>,
      %swap3A_789 = arith.constant 0 : i32
      %swap3A_790 = arith.constant 6 : i32
      %swap3A_791 = arith.index_cast %swap3A_789 : i32 to index
      %swap3A_792 = arith.index_cast %scan3A_14 : i32 to index
      %swap3A_793 = arith.index_cast %swap3A_790 : i32 to index
      %swap3A_794 = arith.constant 96 : index
      %swap3A_795 = tpu.vector_load %arg7[%swap3A_791, %swap3A_792, %swap3A_793, %swap3A_794] {strides = array<i32>} : memref<4x4x8x128xf32, #tpu.memory_space<vmem>>, vector<16xf32>,
      tpu.vector_store %arg7[%swap3A_791, %swap3A_792, %swap3A_793, %swap3A_794], %gather3A_788 {strides = array<i32>} : memref<4x4x8x128xf32, #tpu.memory_space<vmem>>, vector<16xf32>,
      %mul3A_796 = arith.constant 128 : i32
      %mul3A_797 = arith.muli %scan3A_14, %mul3A_796 : i32
      %add3A_798 = arith.constant 112 : i32
      %add3A_799 = arith.addi %mul3A_797, %add3A_798 : i32
      %add3A_800 = vector.broadcast %add3A_799 : i32 to vector<16xi32>
      %add3A_801 = arith.addi %add3A_800, %iota3A : vector<16xi32>
      %gather3A_802 = tpu.vector_load_idx %arg6[%add3A_801, %broadcast_in_dim3A_697] : memref<512x32xf32, #tpu.memory_space<vmem>>[vector<16xi32>, vector<16xi32>], vector<16xf32>,
      %swap3A_803 = arith.constant 0 : i32
      %swap3A_804 = arith.constant 6 : i32
      %swap3A_805 = arith.index_cast %swap3A_803 : i32 to index
      %swap3A_806 = arith.index_cast %scan3A_14 : i32 to index
      %swap3A_807 = arith.index_cast %swap3A_804 : i32 to index
      %swap3A_808 = arith.constant 112 : index
      %swap3A_809 = tpu.vector_load %arg7[%swap3A_805, %swap3A_806, %swap3A_807, %swap3A_808] {strides = array<i32>} : memref<4x4x8x128xf32, #tpu.memory_space<vmem>>, vector<16xf32>,
      tpu.vector_store %arg7[%swap3A_805, %swap3A_806, %swap3A_807, %swap3A_808], %gather3A_802 {strides = array<i32>} : memref<4x4x8x128xf32, #tpu.memory_space<vmem>>, vector<16xf32>,
      %broadcast_in_dim3A_810 = arith.constant 7 : i32
      %broadcast_in_dim3A_811 = vector.broadcast %broadcast_in_dim3A_810 : i32 to vector<16xi32>
      %mul3A_812 = arith.constant 128 : i32
      %mul3A_813 = arith.muli %scan3A_14, %mul3A_812 : i32
      %add3A_814 = arith.constant 0 : i32
      %add3A_815 = arith.addi %mul3A_813, %add3A_814 : i32
      %add3A_816 = vector.broadcast %add3A_815 : i32 to vector<16xi32>
      %add3A_817 = arith.addi %add3A_816, %iota3A : vector<16xi32>
      %gather3A_818 = tpu.vector_load_idx %arg6[%add3A_817, %broadcast_in_dim3A_811] : memref<512x32xf32, #tpu.memory_space<vmem>>[vector<16xi32>, vector<16xi32>], vector<16xf32>,
      %swap3A_819 = arith.constant 0 : i32
      %swap3A_820 = arith.constant 7 : i32
      %swap3A_821 = arith.index_cast %swap3A_819 : i32 to index
      %swap3A_822 = arith.index_cast %scan3A_14 : i32 to index
      %swap3A_823 = arith.index_cast %swap3A_820 : i32 to index
      %swap3A_824 = arith.constant 0 : index
      %swap3A_825 = tpu.vector_load %arg7[%swap3A_821, %swap3A_822, %swap3A_823, %swap3A_824] {strides = array<i32>} : memref<4x4x8x128xf32, #tpu.memory_space<vmem>>, vector<16xf32>,
      tpu.vector_store %arg7[%swap3A_821, %swap3A_822, %swap3A_823, %swap3A_824], %gather3A_818 {strides = array<i32>} : memref<4x4x8x128xf32, #tpu.memory_space<vmem>>, vector<16xf32>,
      %mul3A_826 = arith.constant 128 : i32
      %mul3A_827 = arith.muli %scan3A_14, %mul3A_826 : i32
      %add3A_828 = arith.constant 16 : i32
      %add3A_829 = arith.addi %mul3A_827, %add3A_828 : i32
      %add3A_830 = vector.broadcast %add3A_829 : i32 to vector<16xi32>
      %add3A_831 = arith.addi %add3A_830, %iota3A : vector<16xi32>
      %gather3A_832 = tpu.vector_load_idx %arg6[%add3A_831, %broadcast_in_dim3A_811] : memref<512x32xf32, #tpu.memory_space<vmem>>[vector<16xi32>, vector<16xi32>], vector<16xf32>,
      %swap3A_833 = arith.constant 0 : i32
      %swap3A_834 = arith.constant 7 : i32
      %swap3A_835 = arith.index_cast %swap3A_833 : i32 to index
      %swap3A_836 = arith.index_cast %scan3A_14 : i32 to index
      %swap3A_837 = arith.index_cast %swap3A_834 : i32 to index
      %swap3A_838 = arith.constant 16 : index
      %swap3A_839 = tpu.vector_load %arg7[%swap3A_835, %swap3A_836, %swap3A_837, %swap3A_838] {strides = array<i32>} : memref<4x4x8x128xf32, #tpu.memory_space<vmem>>, vector<16xf32>,
      tpu.vector_store %arg7[%swap3A_835, %swap3A_836, %swap3A_837, %swap3A_838], %gather3A_832 {strides = array<i32>} : memref<4x4x8x128xf32, #tpu.memory_space<vmem>>, vector<16xf32>,
      %mul3A_840 = arith.constant 128 : i32
      %mul3A_841 = arith.muli %scan3A_14, %mul3A_840 : i32
      %add3A_842 = arith.constant 32 : i32
      %add3A_843 = arith.addi %mul3A_841, %add3A_842 : i32
      %add3A_844 = vector.broadcast %add3A_843 : i32 to vector<16xi32>
      %add3A_845 = arith.addi %add3A_844, %iota3A : vector<16xi32>
      %gather3A_846 = tpu.vector_load_idx %arg6[%add3A_845, %broadcast_in_dim3A_811] : memref<512x32xf32, #tpu.memory_space<vmem>>[vector<16xi32>, vector<16xi32>], vector<16xf32>,
      %swap3A_847 = arith.constant 0 : i32
      %swap3A_848 = arith.constant 7 : i32
      %swap3A_849 = arith.index_cast %swap3A_847 : i32 to index
      %swap3A_850 = arith.index_cast %scan3A_14 : i32 to index
      %swap3A_851 = arith.index_cast %swap3A_848 : i32 to index
      %swap3A_852 = arith.constant 32 : index
      %swap3A_853 = tpu.vector_load %arg7[%swap3A_849, %swap3A_850, %swap3A_851, %swap3A_852] {strides = array<i32>} : memref<4x4x8x128xf32, #tpu.memory_space<vmem>>, vector<16xf32>,
      tpu.vector_store %arg7[%swap3A_849, %swap3A_850, %swap3A_851, %swap3A_852], %gather3A_846 {strides = array<i32>} : memref<4x4x8x128xf32, #tpu.memory_space<vmem>>, vector<16xf32>,
      %mul3A_854 = arith.constant 128 : i32
      %mul3A_855 = arith.muli %scan3A_14, %mul3A_854 : i32
      %add3A_856 = arith.constant 48 : i32
      %add3A_857 = arith.addi %mul3A_855, %add3A_856 : i32
      %add3A_858 = vector.broadcast %add3A_857 : i32 to vector<16xi32>
      %add3A_859 = arith.addi %add3A_858, %iota3A : vector<16xi32>
      %gather3A_860 = tpu.vector_load_idx %arg6[%add3A_859, %broadcast_in_dim3A_811] : memref<512x32xf32, #tpu.memory_space<vmem>>[vector<16xi32>, vector<16xi32>], vector<16xf32>,
      %swap3A_861 = arith.constant 0 : i32
      %swap3A_862 = arith.constant 7 : i32
      %swap3A_863 = arith.index_cast %swap3A_861 : i32 to index
      %swap3A_864 = arith.index_cast %scan3A_14 : i32 to index
      %swap3A_865 = arith.index_cast %swap3A_862 : i32 to index
      %swap3A_866 = arith.constant 48 : index
      %swap3A_867 = tpu.vector_load %arg7[%swap3A_863, %swap3A_864, %swap3A_865, %swap3A_866] {strides = array<i32>} : memref<4x4x8x128xf32, #tpu.memory_space<vmem>>, vector<16xf32>,
      tpu.vector_store %arg7[%swap3A_863, %swap3A_864, %swap3A_865, %swap3A_866], %gather3A_860 {strides = array<i32>} : memref<4x4x8x128xf32, #tpu.memory_space<vmem>>, vector<16xf32>,
      %mul3A_868 = arith.constant 128 : i32
      %mul3A_869 = arith.muli %scan3A_14, %mul3A_868 : i32
      %add3A_870 = arith.constant 64 : i32
      %add3A_871 = arith.addi %mul3A_869, %add3A_870 : i32
      %add3A_872 = vector.broadcast %add3A_871 : i32 to vector<16xi32>
      %add3A_873 = arith.addi %add3A_872, %iota3A : vector<16xi32>
      %gather3A_874 = tpu.vector_load_idx %arg6[%add3A_873, %broadcast_in_dim3A_811] : memref<512x32xf32, #tpu.memory_space<vmem>>[vector<16xi32>, vector<16xi32>], vector<16xf32>,
      %swap3A_875 = arith.constant 0 : i32
      %swap3A_876 = arith.constant 7 : i32
      %swap3A_877 = arith.index_cast %swap3A_875 : i32 to index
      %swap3A_878 = arith.index_cast %scan3A_14 : i32 to index
      %swap3A_879 = arith.index_cast %swap3A_876 : i32 to index
      %swap3A_880 = arith.constant 64 : index
      %swap3A_881 = tpu.vector_load %arg7[%swap3A_877, %swap3A_878, %swap3A_879, %swap3A_880] {strides = array<i32>} : memref<4x4x8x128xf32, #tpu.memory_space<vmem>>, vector<16xf32>,
      tpu.vector_store %arg7[%swap3A_877, %swap3A_878, %swap3A_879, %swap3A_880], %gather3A_874 {strides = array<i32>} : memref<4x4x8x128xf32, #tpu.memory_space<vmem>>, vector<16xf32>,
      %mul3A_882 = arith.constant 128 : i32
      %mul3A_883 = arith.muli %scan3A_14, %mul3A_882 : i32
      %add3A_884 = arith.constant 80 : i32
      %add3A_885 = arith.addi %mul3A_883, %add3A_884 : i32
      %add3A_886 = vector.broadcast %add3A_885 : i32 to vector<16xi32>
      %add3A_887 = arith.addi %add3A_886, %iota3A : vector<16xi32>
      %gather3A_888 = tpu.vector_load_idx %arg6[%add3A_887, %broadcast_in_dim3A_811] : memref<512x32xf32, #tpu.memory_space<vmem>>[vector<16xi32>, vector<16xi32>], vector<16xf32>,
      %swap3A_889 = arith.constant 0 : i32
      %swap3A_890 = arith.constant 7 : i32
      %swap3A_891 = arith.index_cast %swap3A_889 : i32 to index
      %swap3A_892 = arith.index_cast %scan3A_14 : i32 to index
      %swap3A_893 = arith.index_cast %swap3A_890 : i32 to index
      %swap3A_894 = arith.constant 80 : index
      %swap3A_895 = tpu.vector_load %arg7[%swap3A_891, %swap3A_892, %swap3A_893, %swap3A_894] {strides = array<i32>} : memref<4x4x8x128xf32, #tpu.memory_space<vmem>>, vector<16xf32>,
      tpu.vector_store %arg7[%swap3A_891, %swap3A_892, %swap3A_893, %swap3A_894], %gather3A_888 {strides = array<i32>} : memref<4x4x8x128xf32, #tpu.memory_space<vmem>>, vector<16xf32>,
      %mul3A_896 = arith.constant 128 : i32
      %mul3A_897 = arith.muli %scan3A_14, %mul3A_896 : i32
      %add3A_898 = arith.constant 96 : i32
      %add3A_899 = arith.addi %mul3A_897, %add3A_898 : i32
      %add3A_900 = vector.broadcast %add3A_899 : i32 to vector<16xi32>
      %add3A_901 = arith.addi %add3A_900, %iota3A : vector<16xi32>
      %gather3A_902 = tpu.vector_load_idx %arg6[%add3A_901, %broadcast_in_dim3A_811] : memref<512x32xf32, #tpu.memory_space<vmem>>[vector<16xi32>, vector<16xi32>], vector<16xf32>,
      %swap3A_903 = arith.constant 0 : i32
      %swap3A_904 = arith.constant 7 : i32
      %swap3A_905 = arith.index_cast %swap3A_903 : i32 to index
      %swap3A_906 = arith.index_cast %scan3A_14 : i32 to index
      %swap3A_907 = arith.index_cast %swap3A_904 : i32 to index
      %swap3A_908 = arith.constant 96 : index
      %swap3A_909 = tpu.vector_load %arg7[%swap3A_905, %swap3A_906, %swap3A_907, %swap3A_908] {strides = array<i32>} : memref<4x4x8x128xf32, #tpu.memory_space<vmem>>, vector<16xf32>,
      tpu.vector_store %arg7[%swap3A_905, %swap3A_906, %swap3A_907, %swap3A_908], %gather3A_902 {strides = array<i32>} : memref<4x4x8x128xf32, #tpu.memory_space<vmem>>, vector<16xf32>,
      %mul3A_910 = arith.constant 128 : i32
      %mul3A_911 = arith.muli %scan3A_14, %mul3A_910 : i32
      %add3A_912 = arith.constant 112 : i32
      %add3A_913 = arith.addi %mul3A_911, %add3A_912 : i32
      %add3A_914 = vector.broadcast %add3A_913 : i32 to vector<16xi32>
      %add3A_915 = arith.addi %add3A_914, %iota3A : vector<16xi32>
      %gather3A_916 = tpu.vector_load_idx %arg6[%add3A_915, %broadcast_in_dim3A_811] : memref<512x32xf32, #tpu.memory_space<vmem>>[vector<16xi32>, vector<16xi32>], vector<16xf32>,
      %swap3A_917 = arith.constant 0 : i32
      %swap3A_918 = arith.constant 7 : i32
      %swap3A_919 = arith.index_cast %swap3A_917 : i32 to index
      %swap3A_920 = arith.index_cast %scan3A_14 : i32 to index
      %swap3A_921 = arith.index_cast %swap3A_918 : i32 to index
      %swap3A_922 = arith.constant 112 : index
      %swap3A_923 = tpu.vector_load %arg7[%swap3A_919, %swap3A_920, %swap3A_921, %swap3A_922] {strides = array<i32>} : memref<4x4x8x128xf32, #tpu.memory_space<vmem>>, vector<16xf32>,
      tpu.vector_store %arg7[%swap3A_919, %swap3A_920, %swap3A_921, %swap3A_922], %gather3A_916 {strides = array<i32>} : memref<4x4x8x128xf32, #tpu.memory_space<vmem>>, vector<16xf32>,
      %broadcast_in_dim3A_924 = arith.constant 8 : i32
      %broadcast_in_dim3A_925 = vector.broadcast %broadcast_in_dim3A_924 : i32 to vector<16xi32>
      %mul3A_926 = arith.constant 128 : i32
      %mul3A_927 = arith.muli %scan3A_14, %mul3A_926 : i32
      %add3A_928 = arith.constant 0 : i32
      %add3A_929 = arith.addi %mul3A_927, %add3A_928 : i32
      %add3A_930 = vector.broadcast %add3A_929 : i32 to vector<16xi32>
      %add3A_931 = arith.addi %add3A_930, %iota3A : vector<16xi32>
      %gather3A_932 = tpu.vector_load_idx %arg6[%add3A_931, %broadcast_in_dim3A_925] : memref<512x32xf32, #tpu.memory_space<vmem>>[vector<16xi32>, vector<16xi32>], vector<16xf32>,
      %swap3A_933 = arith.constant 1 : i32
      %swap3A_934 = arith.constant 0 : i32
      %swap3A_935 = arith.index_cast %swap3A_933 : i32 to index
      %swap3A_936 = arith.index_cast %scan3A_14 : i32 to index
      %swap3A_937 = arith.index_cast %swap3A_934 : i32 to index
      %swap3A_938 = arith.constant 0 : index
      %swap3A_939 = tpu.vector_load %arg7[%swap3A_935, %swap3A_936, %swap3A_937, %swap3A_938] {strides = array<i32>} : memref<4x4x8x128xf32, #tpu.memory_space<vmem>>, vector<16xf32>,
      tpu.vector_store %arg7[%swap3A_935, %swap3A_936, %swap3A_937, %swap3A_938], %gather3A_932 {strides = array<i32>} : memref<4x4x8x128xf32, #tpu.memory_space<vmem>>, vector<16xf32>,
      %mul3A_940 = arith.constant 128 : i32
      %mul3A_941 = arith.muli %scan3A_14, %mul3A_940 : i32
      %add3A_942 = arith.constant 16 : i32
      %add3A_943 = arith.addi %mul3A_941, %add3A_942 : i32
      %add3A_944 = vector.broadcast %add3A_943 : i32 to vector<16xi32>
      %add3A_945 = arith.addi %add3A_944, %iota3A : vector<16xi32>
      %gather3A_946 = tpu.vector_load_idx %arg6[%add3A_945, %broadcast_in_dim3A_925] : memref<512x32xf32, #tpu.memory_space<vmem>>[vector<16xi32>, vector<16xi32>], vector<16xf32>,
      %swap3A_947 = arith.constant 1 : i32
      %swap3A_948 = arith.constant 0 : i32
      %swap3A_949 = arith.index_cast %swap3A_947 : i32 to index
      %swap3A_950 = arith.index_cast %scan3A_14 : i32 to index
      %swap3A_951 = arith.index_cast %swap3A_948 : i32 to index
      %swap3A_952 = arith.constant 16 : index
      %swap3A_953 = tpu.vector_load %arg7[%swap3A_949, %swap3A_950, %swap3A_951, %swap3A_952] {strides = array<i32>} : memref<4x4x8x128xf32, #tpu.memory_space<vmem>>, vector<16xf32>,
      tpu.vector_store %arg7[%swap3A_949, %swap3A_950, %swap3A_951, %swap3A_952], %gather3A_946 {strides = array<i32>} : memref<4x4x8x128xf32, #tpu.memory_space<vmem>>, vector<16xf32>,
      %mul3A_954 = arith.constant 128 : i32
      %mul3A_955 = arith.muli %scan3A_14, %mul3A_954 : i32
      %add3A_956 = arith.constant 32 : i32
      %add3A_957 = arith.addi %mul3A_955, %add3A_956 : i32
      %add3A_958 = vector.broadcast %add3A_957 : i32 to vector<16xi32>
      %add3A_959 = arith.addi %add3A_958, %iota3A : vector<16xi32>
      %gather3A_960 = tpu.vector_load_idx %arg6[%add3A_959, %broadcast_in_dim3A_925] : memref<512x32xf32, #tpu.memory_space<vmem>>[vector<16xi32>, vector<16xi32>], vector<16xf32>,
      %swap3A_961 = arith.constant 1 : i32
      %swap3A_962 = arith.constant 0 : i32
      %swap3A_963 = arith.index_cast %swap3A_961 : i32 to index
      %swap3A_964 = arith.index_cast %scan3A_14 : i32 to index
      %swap3A_965 = arith.index_cast %swap3A_962 : i32 to index
      %swap3A_966 = arith.constant 32 : index
      %swap3A_967 = tpu.vector_load %arg7[%swap3A_963, %swap3A_964, %swap3A_965, %swap3A_966] {strides = array<i32>} : memref<4x4x8x128xf32, #tpu.memory_space<vmem>>, vector<16xf32>,
      tpu.vector_store %arg7[%swap3A_963, %swap3A_964, %swap3A_965, %swap3A_966], %gather3A_960 {strides = array<i32>} : memref<4x4x8x128xf32, #tpu.memory_space<vmem>>, vector<16xf32>,
      %mul3A_968 = arith.constant 128 : i32
      %mul3A_969 = arith.muli %scan3A_14, %mul3A_968 : i32
      %add3A_970 = arith.constant 48 : i32
      %add3A_971 = arith.addi %mul3A_969, %add3A_970 : i32
      %add3A_972 = vector.broadcast %add3A_971 : i32 to vector<16xi32>
      %add3A_973 = arith.addi %add3A_972, %iota3A : vector<16xi32>
      %gather3A_974 = tpu.vector_load_idx %arg6[%add3A_973, %broadcast_in_dim3A_925] : memref<512x32xf32, #tpu.memory_space<vmem>>[vector<16xi32>, vector<16xi32>], vector<16xf32>,
      %swap3A_975 = arith.constant 1 : i32
      %swap3A_976 = arith.constant 0 : i32
      %swap3A_977 = arith.index_cast %swap3A_975 : i32 to index
      %swap3A_978 = arith.index_cast %scan3A_14 : i32 to index
      %swap3A_979 = arith.index_cast %swap3A_976 : i32 to index
      %swap3A_980 = arith.constant 48 : index
      %swap3A_981 = tpu.vector_load %arg7[%swap3A_977, %swap3A_978, %swap3A_979, %swap3A_980] {strides = array<i32>} : memref<4x4x8x128xf32, #tpu.memory_space<vmem>>, vector<16xf32>,
      tpu.vector_store %arg7[%swap3A_977, %swap3A_978, %swap3A_979, %swap3A_980], %gather3A_974 {strides = array<i32>} : memref<4x4x8x128xf32, #tpu.memory_space<vmem>>, vector<16xf32>,
      %mul3A_982 = arith.constant 128 : i32
      %mul3A_983 = arith.muli %scan3A_14, %mul3A_982 : i32
      %add3A_984 = arith.constant 64 : i32
      %add3A_985 = arith.addi %mul3A_983, %add3A_984 : i32
      %add3A_986 = vector.broadcast %add3A_985 : i32 to vector<16xi32>
      %add3A_987 = arith.addi %add3A_986, %iota3A : vector<16xi32>
      %gather3A_988 = tpu.vector_load_idx %arg6[%add3A_987, %broadcast_in_dim3A_925] : memref<512x32xf32, #tpu.memory_space<vmem>>[vector<16xi32>, vector<16xi32>], vector<16xf32>,
      %swap3A_989 = arith.constant 1 : i32
      %swap3A_990 = arith.constant 0 : i32
      %swap3A_991 = arith.index_cast %swap3A_989 : i32 to index
      %swap3A_992 = arith.index_cast %scan3A_14 : i32 to index
      %swap3A_993 = arith.index_cast %swap3A_990 : i32 to index
      %swap3A_994 = arith.constant 64 : index
      %swap3A_995 = tpu.vector_load %arg7[%swap3A_991, %swap3A_992, %swap3A_993, %swap3A_994] {strides = array<i32>} : memref<4x4x8x128xf32, #tpu.memory_space<vmem>>, vector<16xf32>,
      tpu.vector_store %arg7[%swap3A_991, %swap3A_992, %swap3A_993, %swap3A_994], %gather3A_988 {strides = array<i32>} : memref<4x4x8x128xf32, #tpu.memory_space<vmem>>, vector<16xf32>,
      %mul3A_996 = arith.constant 128 : i32
      %mul3A_997 = arith.muli %scan3A_14, %mul3A_996 : i32
      %add3A_998 = arith.constant 80 : i32
      %add3A_999 = arith.addi %mul3A_997, %add3A_998 : i32
      %add3A_1000 = vector.broadcast %add3A_999 : i32 to vector<16xi32>
      %add3A_1001 = arith.addi %add3A_1000, %iota3A : vector<16xi32>
      %gather3A_1002 = tpu.vector_load_idx %arg6[%add3A_1001, %broadcast_in_dim3A_925] : memref<512x32xf32, #tpu.memory_space<vmem>>[vector<16xi32>, vector<16xi32>], vector<16xf32>,
      %swap3A_1003 = arith.constant 1 : i32
      %swap3A_1004 = arith.constant 0 : i32
      %swap3A_1005 = arith.index_cast %swap3A_1003 : i32 to index
      %swap3A_1006 = arith.index_cast %scan3A_14 : i32 to index
      %swap3A_1007 = arith.index_cast %swap3A_1004 : i32 to index
      %swap3A_1008 = arith.constant 80 : index
      %swap3A_1009 = tpu.vector_load %arg7[%swap3A_1005, %swap3A_1006, %swap3A_1007, %swap3A_1008] {strides = array<i32>} : memref<4x4x8x128xf32, #tpu.memory_space<vmem>>, vector<16xf32>,
      tpu.vector_store %arg7[%swap3A_1005, %swap3A_1006, %swap3A_1007, %swap3A_1008], %gather3A_1002 {strides = array<i32>} : memref<4x4x8x128xf32, #tpu.memory_space<vmem>>, vector<16xf32>,
      %mul3A_1010 = arith.constant 128 : i32
      %mul3A_1011 = arith.muli %scan3A_14, %mul3A_1010 : i32
      %add3A_1012 = arith.constant 96 : i32
      %add3A_1013 = arith.addi %mul3A_1011, %add3A_1012 : i32
      %add3A_1014 = vector.broadcast %add3A_1013 : i32 to vector<16xi32>
      %add3A_1015 = arith.addi %add3A_1014, %iota3A : vector<16xi32>
      %gather3A_1016 = tpu.vector_load_idx %arg6[%add3A_1015, %broadcast_in_dim3A_925] : memref<512x32xf32, #tpu.memory_space<vmem>>[vector<16xi32>, vector<16xi32>], vector<16xf32>,
      %swap3A_1017 = arith.constant 1 : i32
      %swap3A_1018 = arith.constant 0 : i32
      %swap3A_1019 = arith.index_cast %swap3A_1017 : i32 to index
      %swap3A_1020 = arith.index_cast %scan3A_14 : i32 to index
      %swap3A_1021 = arith.index_cast %swap3A_1018 : i32 to index
      %swap3A_1022 = arith.constant 96 : index
      %swap3A_1023 = tpu.vector_load %arg7[%swap3A_1019, %swap3A_1020, %swap3A_1021, %swap3A_1022] {strides = array<i32>} : memref<4x4x8x128xf32, #tpu.memory_space<vmem>>, vector<16xf32>,
      tpu.vector_store %arg7[%swap3A_1019, %swap3A_1020, %swap3A_1021, %swap3A_1022], %gather3A_1016 {strides = array<i32>} : memref<4x4x8x128xf32, #tpu.memory_space<vmem>>, vector<16xf32>,
      %mul3A_1024 = arith.constant 128 : i32
      %mul3A_1025 = arith.muli %scan3A_14, %mul3A_1024 : i32
      %add3A_1026 = arith.constant 112 : i32
      %add3A_1027 = arith.addi %mul3A_1025, %add3A_1026 : i32
      %add3A_1028 = vector.broadcast %add3A_1027 : i32 to vector<16xi32>
      %add3A_1029 = arith.addi %add3A_1028, %iota3A : vector<16xi32>
      %gather3A_1030 = tpu.vector_load_idx %arg6[%add3A_1029, %broadcast_in_dim3A_925] : memref<512x32xf32, #tpu.memory_space<vmem>>[vector<16xi32>, vector<16xi32>], vector<16xf32>,
      %swap3A_1031 = arith.constant 1 : i32
      %swap3A_1032 = arith.constant 0 : i32
      %swap3A_1033 = arith.index_cast %swap3A_1031 : i32 to index
      %swap3A_1034 = arith.index_cast %scan3A_14 : i32 to index
      %swap3A_1035 = arith.index_cast %swap3A_1032 : i32 to index
      %swap3A_1036 = arith.constant 112 : index
      %swap3A_1037 = tpu.vector_load %arg7[%swap3A_1033, %swap3A_1034, %swap3A_1035, %swap3A_1036] {strides = array<i32>} : memref<4x4x8x128xf32, #tpu.memory_space<vmem>>, vector<16xf32>,
      tpu.vector_store %arg7[%swap3A_1033, %swap3A_1034, %swap3A_1035, %swap3A_1036], %gather3A_1030 {strides = array<i32>} : memref<4x4x8x128xf32, #tpu.memory_space<vmem>>, vector<16xf32>,
      %broadcast_in_dim3A_1038 = arith.constant 9 : i32
      %broadcast_in_dim3A_1039 = vector.broadcast %broadcast_in_dim3A_1038 : i32 to vector<16xi32>
      %mul3A_1040 = arith.constant 128 : i32
      %mul3A_1041 = arith.muli %scan3A_14, %mul3A_1040 : i32
      %add3A_1042 = arith.constant 0 : i32
      %add3A_1043 = arith.addi %mul3A_1041, %add3A_1042 : i32
      %add3A_1044 = vector.broadcast %add3A_1043 : i32 to vector<16xi32>
      %add3A_1045 = arith.addi %add3A_1044, %iota3A : vector<16xi32>
      %gather3A_1046 = tpu.vector_load_idx %arg6[%add3A_1045, %broadcast_in_dim3A_1039] : memref<512x32xf32, #tpu.memory_space<vmem>>[vector<16xi32>, vector<16xi32>], vector<16xf32>,
      %swap3A_1047 = arith.constant 1 : i32
      %swap3A_1048 = arith.constant 1 : i32
      %swap3A_1049 = arith.index_cast %swap3A_1047 : i32 to index
      %swap3A_1050 = arith.index_cast %scan3A_14 : i32 to index
      %swap3A_1051 = arith.index_cast %swap3A_1048 : i32 to index
      %swap3A_1052 = arith.constant 0 : index
      %swap3A_1053 = tpu.vector_load %arg7[%swap3A_1049, %swap3A_1050, %swap3A_1051, %swap3A_1052] {strides = array<i32>} : memref<4x4x8x128xf32, #tpu.memory_space<vmem>>, vector<16xf32>,
      tpu.vector_store %arg7[%swap3A_1049, %swap3A_1050, %swap3A_1051, %swap3A_1052], %gather3A_1046 {strides = array<i32>} : memref<4x4x8x128xf32, #tpu.memory_space<vmem>>, vector<16xf32>,
      %mul3A_1054 = arith.constant 128 : i32
      %mul3A_1055 = arith.muli %scan3A_14, %mul3A_1054 : i32
      %add3A_1056 = arith.constant 16 : i32
      %add3A_1057 = arith.addi %mul3A_1055, %add3A_1056 : i32
      %add3A_1058 = vector.broadcast %add3A_1057 : i32 to vector<16xi32>
      %add3A_1059 = arith.addi %add3A_1058, %iota3A : vector<16xi32>
      %gather3A_1060 = tpu.vector_load_idx %arg6[%add3A_1059, %broadcast_in_dim3A_1039] : memref<512x32xf32, #tpu.memory_space<vmem>>[vector<16xi32>, vector<16xi32>], vector<16xf32>,
      %swap3A_1061 = arith.constant 1 : i32
      %swap3A_1062 = arith.constant 1 : i32
      %swap3A_1063 = arith.index_cast %swap3A_1061 : i32 to index
      %swap3A_1064 = arith.index_cast %scan3A_14 : i32 to index
      %swap3A_1065 = arith.index_cast %swap3A_1062 : i32 to index
      %swap3A_1066 = arith.constant 16 : index
      %swap3A_1067 = tpu.vector_load %arg7[%swap3A_1063, %swap3A_1064, %swap3A_1065, %swap3A_1066] {strides = array<i32>} : memref<4x4x8x128xf32, #tpu.memory_space<vmem>>, vector<16xf32>,
      tpu.vector_store %arg7[%swap3A_1063, %swap3A_1064, %swap3A_1065, %swap3A_1066], %gather3A_1060 {strides = array<i32>} : memref<4x4x8x128xf32, #tpu.memory_space<vmem>>, vector<16xf32>,
      %mul3A_1068 = arith.constant 128 : i32
      %mul3A_1069 = arith.muli %scan3A_14, %mul3A_1068 : i32
      %add3A_1070 = arith.constant 32 : i32
      %add3A_1071 = arith.addi %mul3A_1069, %add3A_1070 : i32
      %add3A_1072 = vector.broadcast %add3A_1071 : i32 to vector<16xi32>
      %add3A_1073 = arith.addi %add3A_1072, %iota3A : vector<16xi32>
      %gather3A_1074 = tpu.vector_load_idx %arg6[%add3A_1073, %broadcast_in_dim3A_1039] : memref<512x32xf32, #tpu.memory_space<vmem>>[vector<16xi32>, vector<16xi32>], vector<16xf32>,
      %swap3A_1075 = arith.constant 1 : i32
      %swap3A_1076 = arith.constant 1 : i32
      %swap3A_1077 = arith.index_cast %swap3A_1075 : i32 to index
      %swap3A_1078 = arith.index_cast %scan3A_14 : i32 to index
      %swap3A_1079 = arith.index_cast %swap3A_1076 : i32 to index
      %swap3A_1080 = arith.constant 32 : index
      %swap3A_1081 = tpu.vector_load %arg7[%swap3A_1077, %swap3A_1078, %swap3A_1079, %swap3A_1080] {strides = array<i32>} : memref<4x4x8x128xf32, #tpu.memory_space<vmem>>, vector<16xf32>,
      tpu.vector_store %arg7[%swap3A_1077, %swap3A_1078, %swap3A_1079, %swap3A_1080], %gather3A_1074 {strides = array<i32>} : memref<4x4x8x128xf32, #tpu.memory_space<vmem>>, vector<16xf32>,
      %mul3A_1082 = arith.constant 128 : i32
      %mul3A_1083 = arith.muli %scan3A_14, %mul3A_1082 : i32
      %add3A_1084 = arith.constant 48 : i32
      %add3A_1085 = arith.addi %mul3A_1083, %add3A_1084 : i32
      %add3A_1086 = vector.broadcast %add3A_1085 : i32 to vector<16xi32>
      %add3A_1087 = arith.addi %add3A_1086, %iota3A : vector<16xi32>
      %gather3A_1088 = tpu.vector_load_idx %arg6[%add3A_1087, %broadcast_in_dim3A_1039] : memref<512x32xf32, #tpu.memory_space<vmem>>[vector<16xi32>, vector<16xi32>], vector<16xf32>,
      %swap3A_1089 = arith.constant 1 : i32
      %swap3A_1090 = arith.constant 1 : i32
      %swap3A_1091 = arith.index_cast %swap3A_1089 : i32 to index
      %swap3A_1092 = arith.index_cast %scan3A_14 : i32 to index
      %swap3A_1093 = arith.index_cast %swap3A_1090 : i32 to index
      %swap3A_1094 = arith.constant 48 : index
      %swap3A_1095 = tpu.vector_load %arg7[%swap3A_1091, %swap3A_1092, %swap3A_1093, %swap3A_1094] {strides = array<i32>} : memref<4x4x8x128xf32, #tpu.memory_space<vmem>>, vector<16xf32>,
      tpu.vector_store %arg7[%swap3A_1091, %swap3A_1092, %swap3A_1093, %swap3A_1094], %gather3A_1088 {strides = array<i32>} : memref<4x4x8x128xf32, #tpu.memory_space<vmem>>, vector<16xf32>,
      %mul3A_1096 = arith.constant 128 : i32
      %mul3A_1097 = arith.muli %scan3A_14, %mul3A_1096 : i32
      %add3A_1098 = arith.constant 64 : i32
      %add3A_1099 = arith.addi %mul3A_1097, %add3A_1098 : i32
      %add3A_1100 = vector.broadcast %add3A_1099 : i32 to vector<16xi32>
      %add3A_1101 = arith.addi %add3A_1100, %iota3A : vector<16xi32>
      %gather3A_1102 = tpu.vector_load_idx %arg6[%add3A_1101, %broadcast_in_dim3A_1039] : memref<512x32xf32, #tpu.memory_space<vmem>>[vector<16xi32>, vector<16xi32>], vector<16xf32>,
      %swap3A_1103 = arith.constant 1 : i32
      %swap3A_1104 = arith.constant 1 : i32
      %swap3A_1105 = arith.index_cast %swap3A_1103 : i32 to index
      %swap3A_1106 = arith.index_cast %scan3A_14 : i32 to index
      %swap3A_1107 = arith.index_cast %swap3A_1104 : i32 to index
      %swap3A_1108 = arith.constant 64 : index
      %swap3A_1109 = tpu.vector_load %arg7[%swap3A_1105, %swap3A_1106, %swap3A_1107, %swap3A_1108] {strides = array<i32>} : memref<4x4x8x128xf32, #tpu.memory_space<vmem>>, vector<16xf32>,
      tpu.vector_store %arg7[%swap3A_1105, %swap3A_1106, %swap3A_1107, %swap3A_1108], %gather3A_1102 {strides = array<i32>} : memref<4x4x8x128xf32, #tpu.memory_space<vmem>>, vector<16xf32>,
      %mul3A_1110 = arith.constant 128 : i32
      %mul3A_1111 = arith.muli %scan3A_14, %mul3A_1110 : i32
      %add3A_1112 = arith.constant 80 : i32
      %add3A_1113 = arith.addi %mul3A_1111, %add3A_1112 : i32
      %add3A_1114 = vector.broadcast %add3A_1113 : i32 to vector<16xi32>
      %add3A_1115 = arith.addi %add3A_1114, %iota3A : vector<16xi32>
      %gather3A_1116 = tpu.vector_load_idx %arg6[%add3A_1115, %broadcast_in_dim3A_1039] : memref<512x32xf32, #tpu.memory_space<vmem>>[vector<16xi32>, vector<16xi32>], vector<16xf32>,
      %swap3A_1117 = arith.constant 1 : i32
      %swap3A_1118 = arith.constant 1 : i32
      %swap3A_1119 = arith.index_cast %swap3A_1117 : i32 to index
      %swap3A_1120 = arith.index_cast %scan3A_14 : i32 to index
      %swap3A_1121 = arith.index_cast %swap3A_1118 : i32 to index
      %swap3A_1122 = arith.constant 80 : index
      %swap3A_1123 = tpu.vector_load %arg7[%swap3A_1119, %swap3A_1120, %swap3A_1121, %swap3A_1122] {strides = array<i32>} : memref<4x4x8x128xf32, #tpu.memory_space<vmem>>, vector<16xf32>,
      tpu.vector_store %arg7[%swap3A_1119, %swap3A_1120, %swap3A_1121, %swap3A_1122], %gather3A_1116 {strides = array<i32>} : memref<4x4x8x128xf32, #tpu.memory_space<vmem>>, vector<16xf32>,
      %mul3A_1124 = arith.constant 128 : i32
      %mul3A_1125 = arith.muli %scan3A_14, %mul3A_1124 : i32
      %add3A_1126 = arith.constant 96 : i32
      %add3A_1127 = arith.addi %mul3A_1125, %add3A_1126 : i32
      %add3A_1128 = vector.broadcast %add3A_1127 : i32 to vector<16xi32>
      %add3A_1129 = arith.addi %add3A_1128, %iota3A : vector<16xi32>
      %gather3A_1130 = tpu.vector_load_idx %arg6[%add3A_1129, %broadcast_in_dim3A_1039] : memref<512x32xf32, #tpu.memory_space<vmem>>[vector<16xi32>, vector<16xi32>], vector<16xf32>,
      %swap3A_1131 = arith.constant 1 : i32
      %swap3A_1132 = arith.constant 1 : i32
      %swap3A_1133 = arith.index_cast %swap3A_1131 : i32 to index
      %swap3A_1134 = arith.index_cast %scan3A_14 : i32 to index
      %swap3A_1135 = arith.index_cast %swap3A_1132 : i32 to index
      %swap3A_1136 = arith.constant 96 : index
      %swap3A_1137 = tpu.vector_load %arg7[%swap3A_1133, %swap3A_1134, %swap3A_1135, %swap3A_1136] {strides = array<i32>} : memref<4x4x8x128xf32, #tpu.memory_space<vmem>>, vector<16xf32>,
      tpu.vector_store %arg7[%swap3A_1133, %swap3A_1134, %swap3A_1135, %swap3A_1136], %gather3A_1130 {strides = array<i32>} : memref<4x4x8x128xf32, #tpu.memory_space<vmem>>, vector<16xf32>,
      %mul3A_1138 = arith.constant 128 : i32
      %mul3A_1139 = arith.muli %scan3A_14, %mul3A_1138 : i32
      %add3A_1140 = arith.constant 112 : i32
      %add3A_1141 = arith.addi %mul3A_1139, %add3A_1140 : i32
      %add3A_1142 = vector.broadcast %add3A_1141 : i32 to vector<16xi32>
      %add3A_1143 = arith.addi %add3A_1142, %iota3A : vector<16xi32>
      %gather3A_1144 = tpu.vector_load_idx %arg6[%add3A_1143, %broadcast_in_dim3A_1039] : memref<512x32xf32, #tpu.memory_space<vmem>>[vector<16xi32>, vector<16xi32>], vector<16xf32>,
      %swap3A_1145 = arith.constant 1 : i32
      %swap3A_1146 = arith.constant 1 : i32
      %swap3A_1147 = arith.index_cast %swap3A_1145 : i32 to index
      %swap3A_1148 = arith.index_cast %scan3A_14 : i32 to index
      %swap3A_1149 = arith.index_cast %swap3A_1146 : i32 to index
      %swap3A_1150 = arith.constant 112 : index
      %swap3A_1151 = tpu.vector_load %arg7[%swap3A_1147, %swap3A_1148, %swap3A_1149, %swap3A_1150] {strides = array<i32>} : memref<4x4x8x128xf32, #tpu.memory_space<vmem>>, vector<16xf32>,
      tpu.vector_store %arg7[%swap3A_1147, %swap3A_1148, %swap3A_1149, %swap3A_1150], %gather3A_1144 {strides = array<i32>} : memref<4x4x8x128xf32, #tpu.memory_space<vmem>>, vector<16xf32>,
      %broadcast_in_dim3A_1152 = arith.constant 10 : i32
      %broadcast_in_dim3A_1153 = vector.broadcast %broadcast_in_dim3A_1152 : i32 to vector<16xi32>
      %mul3A_1154 = arith.constant 128 : i32
      %mul3A_1155 = arith.muli %scan3A_14, %mul3A_1154 : i32
      %add3A_1156 = arith.constant 0 : i32
      %add3A_1157 = arith.addi %mul3A_1155, %add3A_1156 : i32
      %add3A_1158 = vector.broadcast %add3A_1157 : i32 to vector<16xi32>
      %add3A_1159 = arith.addi %add3A_1158, %iota3A : vector<16xi32>
      %gather3A_1160 = tpu.vector_load_idx %arg6[%add3A_1159, %broadcast_in_dim3A_1153] : memref<512x32xf32, #tpu.memory_space<vmem>>[vector<16xi32>, vector<16xi32>], vector<16xf32>,
      %swap3A_1161 = arith.constant 1 : i32
      %swap3A_1162 = arith.constant 2 : i32
      %swap3A_1163 = arith.index_cast %swap3A_1161 : i32 to index
      %swap3A_1164 = arith.index_cast %scan3A_14 : i32 to index
      %swap3A_1165 = arith.index_cast %swap3A_1162 : i32 to index
      %swap3A_1166 = arith.constant 0 : index
      %swap3A_1167 = tpu.vector_load %arg7[%swap3A_1163, %swap3A_1164, %swap3A_1165, %swap3A_1166] {strides = array<i32>} : memref<4x4x8x128xf32, #tpu.memory_space<vmem>>, vector<16xf32>,
      tpu.vector_store %arg7[%swap3A_1163, %swap3A_1164, %swap3A_1165, %swap3A_1166], %gather3A_1160 {strides = array<i32>} : memref<4x4x8x128xf32, #tpu.memory_space<vmem>>, vector<16xf32>,
      %mul3A_1168 = arith.constant 128 : i32
      %mul3A_1169 = arith.muli %scan3A_14, %mul3A_1168 : i32
      %add3A_1170 = arith.constant 16 : i32
      %add3A_1171 = arith.addi %mul3A_1169, %add3A_1170 : i32
      %add3A_1172 = vector.broadcast %add3A_1171 : i32 to vector<16xi32>
      %add3A_1173 = arith.addi %add3A_1172, %iota3A : vector<16xi32>
      %gather3A_1174 = tpu.vector_load_idx %arg6[%add3A_1173, %broadcast_in_dim3A_1153] : memref<512x32xf32, #tpu.memory_space<vmem>>[vector<16xi32>, vector<16xi32>], vector<16xf32>,
      %swap3A_1175 = arith.constant 1 : i32
      %swap3A_1176 = arith.constant 2 : i32
      %swap3A_1177 = arith.index_cast %swap3A_1175 : i32 to index
      %swap3A_1178 = arith.index_cast %scan3A_14 : i32 to index
      %swap3A_1179 = arith.index_cast %swap3A_1176 : i32 to index
      %swap3A_1180 = arith.constant 16 : index
      %swap3A_1181 = tpu.vector_load %arg7[%swap3A_1177, %swap3A_1178, %swap3A_1179, %swap3A_1180] {strides = array<i32>} : memref<4x4x8x128xf32, #tpu.memory_space<vmem>>, vector<16xf32>,
      tpu.vector_store %arg7[%swap3A_1177, %swap3A_1178, %swap3A_1179, %swap3A_1180], %gather3A_1174 {strides = array<i32>} : memref<4x4x8x128xf32, #tpu.memory_space<vmem>>, vector<16xf32>,
      %mul3A_1182 = arith.constant 128 : i32
      %mul3A_1183 = arith.muli %scan3A_14, %mul3A_1182 : i32
      %add3A_1184 = arith.constant 32 : i32
      %add3A_1185 = arith.addi %mul3A_1183, %add3A_1184 : i32
      %add3A_1186 = vector.broadcast %add3A_1185 : i32 to vector<16xi32>
      %add3A_1187 = arith.addi %add3A_1186, %iota3A : vector<16xi32>
      %gather3A_1188 = tpu.vector_load_idx %arg6[%add3A_1187, %broadcast_in_dim3A_1153] : memref<512x32xf32, #tpu.memory_space<vmem>>[vector<16xi32>, vector<16xi32>], vector<16xf32>,
      %swap3A_1189 = arith.constant 1 : i32
      %swap3A_1190 = arith.constant 2 : i32
      %swap3A_1191 = arith.index_cast %swap3A_1189 : i32 to index
      %swap3A_1192 = arith.index_cast %scan3A_14 : i32 to index
      %swap3A_1193 = arith.index_cast %swap3A_1190 : i32 to index
      %swap3A_1194 = arith.constant 32 : index
      %swap3A_1195 = tpu.vector_load %arg7[%swap3A_1191, %swap3A_1192, %swap3A_1193, %swap3A_1194] {strides = array<i32>} : memref<4x4x8x128xf32, #tpu.memory_space<vmem>>, vector<16xf32>,
      tpu.vector_store %arg7[%swap3A_1191, %swap3A_1192, %swap3A_1193, %swap3A_1194], %gather3A_1188 {strides = array<i32>} : memref<4x4x8x128xf32, #tpu.memory_space<vmem>>, vector<16xf32>,
      %mul3A_1196 = arith.constant 128 : i32
      %mul3A_1197 = arith.muli %scan3A_14, %mul3A_1196 : i32
      %add3A_1198 = arith.constant 48 : i32
      %add3A_1199 = arith.addi %mul3A_1197, %add3A_1198 : i32
      %add3A_1200 = vector.broadcast %add3A_1199 : i32 to vector<16xi32>
      %add3A_1201 = arith.addi %add3A_1200, %iota3A : vector<16xi32>
      %gather3A_1202 = tpu.vector_load_idx %arg6[%add3A_1201, %broadcast_in_dim3A_1153] : memref<512x32xf32, #tpu.memory_space<vmem>>[vector<16xi32>, vector<16xi32>], vector<16xf32>,
      %swap3A_1203 = arith.constant 1 : i32
      %swap3A_1204 = arith.constant 2 : i32
      %swap3A_1205 = arith.index_cast %swap3A_1203 : i32 to index
      %swap3A_1206 = arith.index_cast %scan3A_14 : i32 to index
      %swap3A_1207 = arith.index_cast %swap3A_1204 : i32 to index
      %swap3A_1208 = arith.constant 48 : index
      %swap3A_1209 = tpu.vector_load %arg7[%swap3A_1205, %swap3A_1206, %swap3A_1207, %swap3A_1208] {strides = array<i32>} : memref<4x4x8x128xf32, #tpu.memory_space<vmem>>, vector<16xf32>,
      tpu.vector_store %arg7[%swap3A_1205, %swap3A_1206, %swap3A_1207, %swap3A_1208], %gather3A_1202 {strides = array<i32>} : memref<4x4x8x128xf32, #tpu.memory_space<vmem>>, vector<16xf32>,
      %mul3A_1210 = arith.constant 128 : i32
      %mul3A_1211 = arith.muli %scan3A_14, %mul3A_1210 : i32
      %add3A_1212 = arith.constant 64 : i32
      %add3A_1213 = arith.addi %mul3A_1211, %add3A_1212 : i32
      %add3A_1214 = vector.broadcast %add3A_1213 : i32 to vector<16xi32>
      %add3A_1215 = arith.addi %add3A_1214, %iota3A : vector<16xi32>
      %gather3A_1216 = tpu.vector_load_idx %arg6[%add3A_1215, %broadcast_in_dim3A_1153] : memref<512x32xf32, #tpu.memory_space<vmem>>[vector<16xi32>, vector<16xi32>], vector<16xf32>,
      %swap3A_1217 = arith.constant 1 : i32
      %swap3A_1218 = arith.constant 2 : i32
      %swap3A_1219 = arith.index_cast %swap3A_1217 : i32 to index
      %swap3A_1220 = arith.index_cast %scan3A_14 : i32 to index
      %swap3A_1221 = arith.index_cast %swap3A_1218 : i32 to index
      %swap3A_1222 = arith.constant 64 : index
      %swap3A_1223 = tpu.vector_load %arg7[%swap3A_1219, %swap3A_1220, %swap3A_1221, %swap3A_1222] {strides = array<i32>} : memref<4x4x8x128xf32, #tpu.memory_space<vmem>>, vector<16xf32>,
      tpu.vector_store %arg7[%swap3A_1219, %swap3A_1220, %swap3A_1221, %swap3A_1222], %gather3A_1216 {strides = array<i32>} : memref<4x4x8x128xf32, #tpu.memory_space<vmem>>, vector<16xf32>,
      %mul3A_1224 = arith.constant 128 : i32
      %mul3A_1225 = arith.muli %scan3A_14, %mul3A_1224 : i32
      %add3A_1226 = arith.constant 80 : i32
      %add3A_1227 = arith.addi %mul3A_1225, %add3A_1226 : i32
      %add3A_1228 = vector.broadcast %add3A_1227 : i32 to vector<16xi32>
      %add3A_1229 = arith.addi %add3A_1228, %iota3A : vector<16xi32>
      %gather3A_1230 = tpu.vector_load_idx %arg6[%add3A_1229, %broadcast_in_dim3A_1153] : memref<512x32xf32, #tpu.memory_space<vmem>>[vector<16xi32>, vector<16xi32>], vector<16xf32>,
      %swap3A_1231 = arith.constant 1 : i32
      %swap3A_1232 = arith.constant 2 : i32
      %swap3A_1233 = arith.index_cast %swap3A_1231 : i32 to index
      %swap3A_1234 = arith.index_cast %scan3A_14 : i32 to index
      %swap3A_1235 = arith.index_cast %swap3A_1232 : i32 to index
      %swap3A_1236 = arith.constant 80 : index
      %swap3A_1237 = tpu.vector_load %arg7[%swap3A_1233, %swap3A_1234, %swap3A_1235, %swap3A_1236] {strides = array<i32>} : memref<4x4x8x128xf32, #tpu.memory_space<vmem>>, vector<16xf32>,
      tpu.vector_store %arg7[%swap3A_1233, %swap3A_1234, %swap3A_1235, %swap3A_1236], %gather3A_1230 {strides = array<i32>} : memref<4x4x8x128xf32, #tpu.memory_space<vmem>>, vector<16xf32>,
      %mul3A_1238 = arith.constant 128 : i32
      %mul3A_1239 = arith.muli %scan3A_14, %mul3A_1238 : i32
      %add3A_1240 = arith.constant 96 : i32
      %add3A_1241 = arith.addi %mul3A_1239, %add3A_1240 : i32
      %add3A_1242 = vector.broadcast %add3A_1241 : i32 to vector<16xi32>
      %add3A_1243 = arith.addi %add3A_1242, %iota3A : vector<16xi32>
      %gather3A_1244 = tpu.vector_load_idx %arg6[%add3A_1243, %broadcast_in_dim3A_1153] : memref<512x32xf32, #tpu.memory_space<vmem>>[vector<16xi32>, vector<16xi32>], vector<16xf32>,
      %swap3A_1245 = arith.constant 1 : i32
      %swap3A_1246 = arith.constant 2 : i32
      %swap3A_1247 = arith.index_cast %swap3A_1245 : i32 to index
      %swap3A_1248 = arith.index_cast %scan3A_14 : i32 to index
      %swap3A_1249 = arith.index_cast %swap3A_1246 : i32 to index
      %swap3A_1250 = arith.constant 96 : index
      %swap3A_1251 = tpu.vector_load %arg7[%swap3A_1247, %swap3A_1248, %swap3A_1249, %swap3A_1250] {strides = array<i32>} : memref<4x4x8x128xf32, #tpu.memory_space<vmem>>, vector<16xf32>,
      tpu.vector_store %arg7[%swap3A_1247, %swap3A_1248, %swap3A_1249, %swap3A_1250], %gather3A_1244 {strides = array<i32>} : memref<4x4x8x128xf32, #tpu.memory_space<vmem>>, vector<16xf32>,
      %mul3A_1252 = arith.constant 128 : i32
      %mul3A_1253 = arith.muli %scan3A_14, %mul3A_1252 : i32
      %add3A_1254 = arith.constant 112 : i32
      %add3A_1255 = arith.addi %mul3A_1253, %add3A_1254 : i32
      %add3A_1256 = vector.broadcast %add3A_1255 : i32 to vector<16xi32>
      %add3A_1257 = arith.addi %add3A_1256, %iota3A : vector<16xi32>
      %gather3A_1258 = tpu.vector_load_idx %arg6[%add3A_1257, %broadcast_in_dim3A_1153] : memref<512x32xf32, #tpu.memory_space<vmem>>[vector<16xi32>, vector<16xi32>], vector<16xf32>,
      %swap3A_1259 = arith.constant 1 : i32
      %swap3A_1260 = arith.constant 2 : i32
      %swap3A_1261 = arith.index_cast %swap3A_1259 : i32 to index
      %swap3A_1262 = arith.index_cast %scan3A_14 : i32 to index
      %swap3A_1263 = arith.index_cast %swap3A_1260 : i32 to index
      %swap3A_1264 = arith.constant 112 : index
      %swap3A_1265 = tpu.vector_load %arg7[%swap3A_1261, %swap3A_1262, %swap3A_1263, %swap3A_1264] {strides = array<i32>} : memref<4x4x8x128xf32, #tpu.memory_space<vmem>>, vector<16xf32>,
      tpu.vector_store %arg7[%swap3A_1261, %swap3A_1262, %swap3A_1263, %swap3A_1264], %gather3A_1258 {strides = array<i32>} : memref<4x4x8x128xf32, #tpu.memory_space<vmem>>, vector<16xf32>,
      %broadcast_in_dim3A_1266 = arith.constant 11 : i32
      %broadcast_in_dim3A_1267 = vector.broadcast %broadcast_in_dim3A_1266 : i32 to vector<16xi32>
      %mul3A_1268 = arith.constant 128 : i32
      %mul3A_1269 = arith.muli %scan3A_14, %mul3A_1268 : i32
      %add3A_1270 = arith.constant 0 : i32
      %add3A_1271 = arith.addi %mul3A_1269, %add3A_1270 : i32
      %add3A_1272 = vector.broadcast %add3A_1271 : i32 to vector<16xi32>
      %add3A_1273 = arith.addi %add3A_1272, %iota3A : vector<16xi32>
      %gather3A_1274 = tpu.vector_load_idx %arg6[%add3A_1273, %broadcast_in_dim3A_1267] : memref<512x32xf32, #tpu.memory_space<vmem>>[vector<16xi32>, vector<16xi32>], vector<16xf32>,
      %swap3A_1275 = arith.constant 1 : i32
      %swap3A_1276 = arith.constant 3 : i32
      %swap3A_1277 = arith.index_cast %swap3A_1275 : i32 to index
      %swap3A_1278 = arith.index_cast %scan3A_14 : i32 to index
      %swap3A_1279 = arith.index_cast %swap3A_1276 : i32 to index
      %swap3A_1280 = arith.constant 0 : index
      %swap3A_1281 = tpu.vector_load %arg7[%swap3A_1277, %swap3A_1278, %swap3A_1279, %swap3A_1280] {strides = array<i32>} : memref<4x4x8x128xf32, #tpu.memory_space<vmem>>, vector<16xf32>,
      tpu.vector_store %arg7[%swap3A_1277, %swap3A_1278, %swap3A_1279, %swap3A_1280], %gather3A_1274 {strides = array<i32>} : memref<4x4x8x128xf32, #tpu.memory_space<vmem>>, vector<16xf32>,
      %mul3A_1282 = arith.constant 128 : i32
      %mul3A_1283 = arith.muli %scan3A_14, %mul3A_1282 : i32
      %add3A_1284 = arith.constant 16 : i32
      %add3A_1285 = arith.addi %mul3A_1283, %add3A_1284 : i32
      %add3A_1286 = vector.broadcast %add3A_1285 : i32 to vector<16xi32>
      %add3A_1287 = arith.addi %add3A_1286, %iota3A : vector<16xi32>
      %gather3A_1288 = tpu.vector_load_idx %arg6[%add3A_1287, %broadcast_in_dim3A_1267] : memref<512x32xf32, #tpu.memory_space<vmem>>[vector<16xi32>, vector<16xi32>], vector<16xf32>,
      %swap3A_1289 = arith.constant 1 : i32
      %swap3A_1290 = arith.constant 3 : i32
      %swap3A_1291 = arith.index_cast %swap3A_1289 : i32 to index
      %swap3A_1292 = arith.index_cast %scan3A_14 : i32 to index
      %swap3A_1293 = arith.index_cast %swap3A_1290 : i32 to index
      %swap3A_1294 = arith.constant 16 : index
      %swap3A_1295 = tpu.vector_load %arg7[%swap3A_1291, %swap3A_1292, %swap3A_1293, %swap3A_1294] {strides = array<i32>} : memref<4x4x8x128xf32, #tpu.memory_space<vmem>>, vector<16xf32>,
      tpu.vector_store %arg7[%swap3A_1291, %swap3A_1292, %swap3A_1293, %swap3A_1294], %gather3A_1288 {strides = array<i32>} : memref<4x4x8x128xf32, #tpu.memory_space<vmem>>, vector<16xf32>,
      %mul3A_1296 = arith.constant 128 : i32
      %mul3A_1297 = arith.muli %scan3A_14, %mul3A_1296 : i32
      %add3A_1298 = arith.constant 32 : i32
      %add3A_1299 = arith.addi %mul3A_1297, %add3A_1298 : i32
      %add3A_1300 = vector.broadcast %add3A_1299 : i32 to vector<16xi32>
      %add3A_1301 = arith.addi %add3A_1300, %iota3A : vector<16xi32>
      %gather3A_1302 = tpu.vector_load_idx %arg6[%add3A_1301, %broadcast_in_dim3A_1267] : memref<512x32xf32, #tpu.memory_space<vmem>>[vector<16xi32>, vector<16xi32>], vector<16xf32>,
      %swap3A_1303 = arith.constant 1 : i32
      %swap3A_1304 = arith.constant 3 : i32
      %swap3A_1305 = arith.index_cast %swap3A_1303 : i32 to index
      %swap3A_1306 = arith.index_cast %scan3A_14 : i32 to index
      %swap3A_1307 = arith.index_cast %swap3A_1304 : i32 to index
      %swap3A_1308 = arith.constant 32 : index
      %swap3A_1309 = tpu.vector_load %arg7[%swap3A_1305, %swap3A_1306, %swap3A_1307, %swap3A_1308] {strides = array<i32>} : memref<4x4x8x128xf32, #tpu.memory_space<vmem>>, vector<16xf32>,
      tpu.vector_store %arg7[%swap3A_1305, %swap3A_1306, %swap3A_1307, %swap3A_1308], %gather3A_1302 {strides = array<i32>} : memref<4x4x8x128xf32, #tpu.memory_space<vmem>>, vector<16xf32>,
      %mul3A_1310 = arith.constant 128 : i32
      %mul3A_1311 = arith.muli %scan3A_14, %mul3A_1310 : i32
      %add3A_1312 = arith.constant 48 : i32
      %add3A_1313 = arith.addi %mul3A_1311, %add3A_1312 : i32
      %add3A_1314 = vector.broadcast %add3A_1313 : i32 to vector<16xi32>
      %add3A_1315 = arith.addi %add3A_1314, %iota3A : vector<16xi32>
      %gather3A_1316 = tpu.vector_load_idx %arg6[%add3A_1315, %broadcast_in_dim3A_1267] : memref<512x32xf32, #tpu.memory_space<vmem>>[vector<16xi32>, vector<16xi32>], vector<16xf32>,
      %swap3A_1317 = arith.constant 1 : i32
      %swap3A_1318 = arith.constant 3 : i32
      %swap3A_1319 = arith.index_cast %swap3A_1317 : i32 to index
      %swap3A_1320 = arith.index_cast %scan3A_14 : i32 to index
      %swap3A_1321 = arith.index_cast %swap3A_1318 : i32 to index
      %swap3A_1322 = arith.constant 48 : index
      %swap3A_1323 = tpu.vector_load %arg7[%swap3A_1319, %swap3A_1320, %swap3A_1321, %swap3A_1322] {strides = array<i32>} : memref<4x4x8x128xf32, #tpu.memory_space<vmem>>, vector<16xf32>,
      tpu.vector_store %arg7[%swap3A_1319, %swap3A_1320, %swap3A_1321, %swap3A_1322], %gather3A_1316 {strides = array<i32>} : memref<4x4x8x128xf32, #tpu.memory_space<vmem>>, vector<16xf32>,
      %mul3A_1324 = arith.constant 128 : i32
      %mul3A_1325 = arith.muli %scan3A_14, %mul3A_1324 : i32
      %add3A_1326 = arith.constant 64 : i32
      %add3A_1327 = arith.addi %mul3A_1325, %add3A_1326 : i32
      %add3A_1328 = vector.broadcast %add3A_1327 : i32 to vector<16xi32>
      %add3A_1329 = arith.addi %add3A_1328, %iota3A : vector<16xi32>
      %gather3A_1330 = tpu.vector_load_idx %arg6[%add3A_1329, %broadcast_in_dim3A_1267] : memref<512x32xf32, #tpu.memory_space<vmem>>[vector<16xi32>, vector<16xi32>], vector<16xf32>,
      %swap3A_1331 = arith.constant 1 : i32
      %swap3A_1332 = arith.constant 3 : i32
      %swap3A_1333 = arith.index_cast %swap3A_1331 : i32 to index
      %swap3A_1334 = arith.index_cast %scan3A_14 : i32 to index
      %swap3A_1335 = arith.index_cast %swap3A_1332 : i32 to index
      %swap3A_1336 = arith.constant 64 : index
      %swap3A_1337 = tpu.vector_load %arg7[%swap3A_1333, %swap3A_1334, %swap3A_1335, %swap3A_1336] {strides = array<i32>} : memref<4x4x8x128xf32, #tpu.memory_space<vmem>>, vector<16xf32>,
      tpu.vector_store %arg7[%swap3A_1333, %swap3A_1334, %swap3A_1335, %swap3A_1336], %gather3A_1330 {strides = array<i32>} : memref<4x4x8x128xf32, #tpu.memory_space<vmem>>, vector<16xf32>,
      %mul3A_1338 = arith.constant 128 : i32
      %mul3A_1339 = arith.muli %scan3A_14, %mul3A_1338 : i32
      %add3A_1340 = arith.constant 80 : i32
      %add3A_1341 = arith.addi %mul3A_1339, %add3A_1340 : i32
      %add3A_1342 = vector.broadcast %add3A_1341 : i32 to vector<16xi32>
      %add3A_1343 = arith.addi %add3A_1342, %iota3A : vector<16xi32>
      %gather3A_1344 = tpu.vector_load_idx %arg6[%add3A_1343, %broadcast_in_dim3A_1267] : memref<512x32xf32, #tpu.memory_space<vmem>>[vector<16xi32>, vector<16xi32>], vector<16xf32>,
      %swap3A_1345 = arith.constant 1 : i32
      %swap3A_1346 = arith.constant 3 : i32
      %swap3A_1347 = arith.index_cast %swap3A_1345 : i32 to index
      %swap3A_1348 = arith.index_cast %scan3A_14 : i32 to index
      %swap3A_1349 = arith.index_cast %swap3A_1346 : i32 to index
      %swap3A_1350 = arith.constant 80 : index
      %swap3A_1351 = tpu.vector_load %arg7[%swap3A_1347, %swap3A_1348, %swap3A_1349, %swap3A_1350] {strides = array<i32>} : memref<4x4x8x128xf32, #tpu.memory_space<vmem>>, vector<16xf32>,
      tpu.vector_store %arg7[%swap3A_1347, %swap3A_1348, %swap3A_1349, %swap3A_1350], %gather3A_1344 {strides = array<i32>} : memref<4x4x8x128xf32, #tpu.memory_space<vmem>>, vector<16xf32>,
      %mul3A_1352 = arith.constant 128 : i32
      %mul3A_1353 = arith.muli %scan3A_14, %mul3A_1352 : i32
      %add3A_1354 = arith.constant 96 : i32
      %add3A_1355 = arith.addi %mul3A_1353, %add3A_1354 : i32
      %add3A_1356 = vector.broadcast %add3A_1355 : i32 to vector<16xi32>
      %add3A_1357 = arith.addi %add3A_1356, %iota3A : vector<16xi32>
      %gather3A_1358 = tpu.vector_load_idx %arg6[%add3A_1357, %broadcast_in_dim3A_1267] : memref<512x32xf32, #tpu.memory_space<vmem>>[vector<16xi32>, vector<16xi32>], vector<16xf32>,
      %swap3A_1359 = arith.constant 1 : i32
      %swap3A_1360 = arith.constant 3 : i32
      %swap3A_1361 = arith.index_cast %swap3A_1359 : i32 to index
      %swap3A_1362 = arith.index_cast %scan3A_14 : i32 to index
      %swap3A_1363 = arith.index_cast %swap3A_1360 : i32 to index
      %swap3A_1364 = arith.constant 96 : index
      %swap3A_1365 = tpu.vector_load %arg7[%swap3A_1361, %swap3A_1362, %swap3A_1363, %swap3A_1364] {strides = array<i32>} : memref<4x4x8x128xf32, #tpu.memory_space<vmem>>, vector<16xf32>,
      tpu.vector_store %arg7[%swap3A_1361, %swap3A_1362, %swap3A_1363, %swap3A_1364], %gather3A_1358 {strides = array<i32>} : memref<4x4x8x128xf32, #tpu.memory_space<vmem>>, vector<16xf32>,
      %mul3A_1366 = arith.constant 128 : i32
      %mul3A_1367 = arith.muli %scan3A_14, %mul3A_1366 : i32
      %add3A_1368 = arith.constant 112 : i32
      %add3A_1369 = arith.addi %mul3A_1367, %add3A_1368 : i32
      %add3A_1370 = vector.broadcast %add3A_1369 : i32 to vector<16xi32>
      %add3A_1371 = arith.addi %add3A_1370, %iota3A : vector<16xi32>
      %gather3A_1372 = tpu.vector_load_idx %arg6[%add3A_1371, %broadcast_in_dim3A_1267] : memref<512x32xf32, #tpu.memory_space<vmem>>[vector<16xi32>, vector<16xi32>], vector<16xf32>,
      %swap3A_1373 = arith.constant 1 : i32
      %swap3A_1374 = arith.constant 3 : i32
      %swap3A_1375 = arith.index_cast %swap3A_1373 : i32 to index
      %swap3A_1376 = arith.index_cast %scan3A_14 : i32 to index
      %swap3A_1377 = arith.index_cast %swap3A_1374 : i32 to index
      %swap3A_1378 = arith.constant 112 : index
      %swap3A_1379 = tpu.vector_load %arg7[%swap3A_1375, %swap3A_1376, %swap3A_1377, %swap3A_1378] {strides = array<i32>} : memref<4x4x8x128xf32, #tpu.memory_space<vmem>>, vector<16xf32>,
      tpu.vector_store %arg7[%swap3A_1375, %swap3A_1376, %swap3A_1377, %swap3A_1378], %gather3A_1372 {strides = array<i32>} : memref<4x4x8x128xf32, #tpu.memory_space<vmem>>, vector<16xf32>,
      %broadcast_in_dim3A_1380 = arith.constant 12 : i32
      %broadcast_in_dim3A_1381 = vector.broadcast %broadcast_in_dim3A_1380 : i32 to vector<16xi32>
      %mul3A_1382 = arith.constant 128 : i32
      %mul3A_1383 = arith.muli %scan3A_14, %mul3A_1382 : i32
      %add3A_1384 = arith.constant 0 : i32
      %add3A_1385 = arith.addi %mul3A_1383, %add3A_1384 : i32
      %add3A_1386 = vector.broadcast %add3A_1385 : i32 to vector<16xi32>
      %add3A_1387 = arith.addi %add3A_1386, %iota3A : vector<16xi32>
      %gather3A_1388 = tpu.vector_load_idx %arg6[%add3A_1387, %broadcast_in_dim3A_1381] : memref<512x32xf32, #tpu.memory_space<vmem>>[vector<16xi32>, vector<16xi32>], vector<16xf32>,
      %swap3A_1389 = arith.constant 1 : i32
      %swap3A_1390 = arith.constant 4 : i32
      %swap3A_1391 = arith.index_cast %swap3A_1389 : i32 to index
      %swap3A_1392 = arith.index_cast %scan3A_14 : i32 to index
      %swap3A_1393 = arith.index_cast %swap3A_1390 : i32 to index
      %swap3A_1394 = arith.constant 0 : index
      %swap3A_1395 = tpu.vector_load %arg7[%swap3A_1391, %swap3A_1392, %swap3A_1393, %swap3A_1394] {strides = array<i32>} : memref<4x4x8x128xf32, #tpu.memory_space<vmem>>, vector<16xf32>,
      tpu.vector_store %arg7[%swap3A_1391, %swap3A_1392, %swap3A_1393, %swap3A_1394], %gather3A_1388 {strides = array<i32>} : memref<4x4x8x128xf32, #tpu.memory_space<vmem>>, vector<16xf32>,
      %mul3A_1396 = arith.constant 128 : i32
      %mul3A_1397 = arith.muli %scan3A_14, %mul3A_1396 : i32
      %add3A_1398 = arith.constant 16 : i32
      %add3A_1399 = arith.addi %mul3A_1397, %add3A_1398 : i32
      %add3A_1400 = vector.broadcast %add3A_1399 : i32 to vector<16xi32>
      %add3A_1401 = arith.addi %add3A_1400, %iota3A : vector<16xi32>
      %gather3A_1402 = tpu.vector_load_idx %arg6[%add3A_1401, %broadcast_in_dim3A_1381] : memref<512x32xf32, #tpu.memory_space<vmem>>[vector<16xi32>, vector<16xi32>], vector<16xf32>,
      %swap3A_1403 = arith.constant 1 : i32
      %swap3A_1404 = arith.constant 4 : i32
      %swap3A_1405 = arith.index_cast %swap3A_1403 : i32 to index
      %swap3A_1406 = arith.index_cast %scan3A_14 : i32 to index
      %swap3A_1407 = arith.index_cast %swap3A_1404 : i32 to index
      %swap3A_1408 = arith.constant 16 : index
      %swap3A_1409 = tpu.vector_load %arg7[%swap3A_1405, %swap3A_1406, %swap3A_1407, %swap3A_1408] {strides = array<i32>} : memref<4x4x8x128xf32, #tpu.memory_space<vmem>>, vector<16xf32>,
      tpu.vector_store %arg7[%swap3A_1405, %swap3A_1406, %swap3A_1407, %swap3A_1408], %gather3A_1402 {strides = array<i32>} : memref<4x4x8x128xf32, #tpu.memory_space<vmem>>, vector<16xf32>,
      %mul3A_1410 = arith.constant 128 : i32
      %mul3A_1411 = arith.muli %scan3A_14, %mul3A_1410 : i32
      %add3A_1412 = arith.constant 32 : i32
      %add3A_1413 = arith.addi %mul3A_1411, %add3A_1412 : i32
      %add3A_1414 = vector.broadcast %add3A_1413 : i32 to vector<16xi32>
      %add3A_1415 = arith.addi %add3A_1414, %iota3A : vector<16xi32>
      %gather3A_1416 = tpu.vector_load_idx %arg6[%add3A_1415, %broadcast_in_dim3A_1381] : memref<512x32xf32, #tpu.memory_space<vmem>>[vector<16xi32>, vector<16xi32>], vector<16xf32>,
      %swap3A_1417 = arith.constant 1 : i32
      %swap3A_1418 = arith.constant 4 : i32
      %swap3A_1419 = arith.index_cast %swap3A_1417 : i32 to index
      %swap3A_1420 = arith.index_cast %scan3A_14 : i32 to index
      %swap3A_1421 = arith.index_cast %swap3A_1418 : i32 to index
      %swap3A_1422 = arith.constant 32 : index
      %swap3A_1423 = tpu.vector_load %arg7[%swap3A_1419, %swap3A_1420, %swap3A_1421, %swap3A_1422] {strides = array<i32>} : memref<4x4x8x128xf32, #tpu.memory_space<vmem>>, vector<16xf32>,
      tpu.vector_store %arg7[%swap3A_1419, %swap3A_1420, %swap3A_1421, %swap3A_1422], %gather3A_1416 {strides = array<i32>} : memref<4x4x8x128xf32, #tpu.memory_space<vmem>>, vector<16xf32>,
      %mul3A_1424 = arith.constant 128 : i32
      %mul3A_1425 = arith.muli %scan3A_14, %mul3A_1424 : i32
      %add3A_1426 = arith.constant 48 : i32
      %add3A_1427 = arith.addi %mul3A_1425, %add3A_1426 : i32
      %add3A_1428 = vector.broadcast %add3A_1427 : i32 to vector<16xi32>
      %add3A_1429 = arith.addi %add3A_1428, %iota3A : vector<16xi32>
      %gather3A_1430 = tpu.vector_load_idx %arg6[%add3A_1429, %broadcast_in_dim3A_1381] : memref<512x32xf32, #tpu.memory_space<vmem>>[vector<16xi32>, vector<16xi32>], vector<16xf32>,
      %swap3A_1431 = arith.constant 1 : i32
      %swap3A_1432 = arith.constant 4 : i32
      %swap3A_1433 = arith.index_cast %swap3A_1431 : i32 to index
      %swap3A_1434 = arith.index_cast %scan3A_14 : i32 to index
      %swap3A_1435 = arith.index_cast %swap3A_1432 : i32 to index
      %swap3A_1436 = arith.constant 48 : index
      %swap3A_1437 = tpu.vector_load %arg7[%swap3A_1433, %swap3A_1434, %swap3A_1435, %swap3A_1436] {strides = array<i32>} : memref<4x4x8x128xf32, #tpu.memory_space<vmem>>, vector<16xf32>,
      tpu.vector_store %arg7[%swap3A_1433, %swap3A_1434, %swap3A_1435, %swap3A_1436], %gather3A_1430 {strides = array<i32>} : memref<4x4x8x128xf32, #tpu.memory_space<vmem>>, vector<16xf32>,
      %mul3A_1438 = arith.constant 128 : i32
      %mul3A_1439 = arith.muli %scan3A_14, %mul3A_1438 : i32
      %add3A_1440 = arith.constant 64 : i32
      %add3A_1441 = arith.addi %mul3A_1439, %add3A_1440 : i32
      %add3A_1442 = vector.broadcast %add3A_1441 : i32 to vector<16xi32>
      %add3A_1443 = arith.addi %add3A_1442, %iota3A : vector<16xi32>
      %gather3A_1444 = tpu.vector_load_idx %arg6[%add3A_1443, %broadcast_in_dim3A_1381] : memref<512x32xf32, #tpu.memory_space<vmem>>[vector<16xi32>, vector<16xi32>], vector<16xf32>,
      %swap3A_1445 = arith.constant 1 : i32
      %swap3A_1446 = arith.constant 4 : i32
      %swap3A_1447 = arith.index_cast %swap3A_1445 : i32 to index
      %swap3A_1448 = arith.index_cast %scan3A_14 : i32 to index
      %swap3A_1449 = arith.index_cast %swap3A_1446 : i32 to index
      %swap3A_1450 = arith.constant 64 : index
      %swap3A_1451 = tpu.vector_load %arg7[%swap3A_1447, %swap3A_1448, %swap3A_1449, %swap3A_1450] {strides = array<i32>} : memref<4x4x8x128xf32, #tpu.memory_space<vmem>>, vector<16xf32>,
      tpu.vector_store %arg7[%swap3A_1447, %swap3A_1448, %swap3A_1449, %swap3A_1450], %gather3A_1444 {strides = array<i32>} : memref<4x4x8x128xf32, #tpu.memory_space<vmem>>, vector<16xf32>,
      %mul3A_1452 = arith.constant 128 : i32
      %mul3A_1453 = arith.muli %scan3A_14, %mul3A_1452 : i32
      %add3A_1454 = arith.constant 80 : i32
      %add3A_1455 = arith.addi %mul3A_1453, %add3A_1454 : i32
      %add3A_1456 = vector.broadcast %add3A_1455 : i32 to vector<16xi32>
      %add3A_1457 = arith.addi %add3A_1456, %iota3A : vector<16xi32>
      %gather3A_1458 = tpu.vector_load_idx %arg6[%add3A_1457, %broadcast_in_dim3A_1381] : memref<512x32xf32, #tpu.memory_space<vmem>>[vector<16xi32>, vector<16xi32>], vector<16xf32>,
      %swap3A_1459 = arith.constant 1 : i32
      %swap3A_1460 = arith.constant 4 : i32
      %swap3A_1461 = arith.index_cast %swap3A_1459 : i32 to index
      %swap3A_1462 = arith.index_cast %scan3A_14 : i32 to index
      %swap3A_1463 = arith.index_cast %swap3A_1460 : i32 to index
      %swap3A_1464 = arith.constant 80 : index
      %swap3A_1465 = tpu.vector_load %arg7[%swap3A_1461, %swap3A_1462, %swap3A_1463, %swap3A_1464] {strides = array<i32>} : memref<4x4x8x128xf32, #tpu.memory_space<vmem>>, vector<16xf32>,
      tpu.vector_store %arg7[%swap3A_1461, %swap3A_1462, %swap3A_1463, %swap3A_1464], %gather3A_1458 {strides = array<i32>} : memref<4x4x8x128xf32, #tpu.memory_space<vmem>>, vector<16xf32>,
      %mul3A_1466 = arith.constant 128 : i32
      %mul3A_1467 = arith.muli %scan3A_14, %mul3A_1466 : i32
      %add3A_1468 = arith.constant 96 : i32
      %add3A_1469 = arith.addi %mul3A_1467, %add3A_1468 : i32
      %add3A_1470 = vector.broadcast %add3A_1469 : i32 to vector<16xi32>
      %add3A_1471 = arith.addi %add3A_1470, %iota3A : vector<16xi32>
      %gather3A_1472 = tpu.vector_load_idx %arg6[%add3A_1471, %broadcast_in_dim3A_1381] : memref<512x32xf32, #tpu.memory_space<vmem>>[vector<16xi32>, vector<16xi32>], vector<16xf32>,
      %swap3A_1473 = arith.constant 1 : i32
      %swap3A_1474 = arith.constant 4 : i32
      %swap3A_1475 = arith.index_cast %swap3A_1473 : i32 to index
      %swap3A_1476 = arith.index_cast %scan3A_14 : i32 to index
      %swap3A_1477 = arith.index_cast %swap3A_1474 : i32 to index
      %swap3A_1478 = arith.constant 96 : index
      %swap3A_1479 = tpu.vector_load %arg7[%swap3A_1475, %swap3A_1476, %swap3A_1477, %swap3A_1478] {strides = array<i32>} : memref<4x4x8x128xf32, #tpu.memory_space<vmem>>, vector<16xf32>,
      tpu.vector_store %arg7[%swap3A_1475, %swap3A_1476, %swap3A_1477, %swap3A_1478], %gather3A_1472 {strides = array<i32>} : memref<4x4x8x128xf32, #tpu.memory_space<vmem>>, vector<16xf32>,
      %mul3A_1480 = arith.constant 128 : i32
      %mul3A_1481 = arith.muli %scan3A_14, %mul3A_1480 : i32
      %add3A_1482 = arith.constant 112 : i32
      %add3A_1483 = arith.addi %mul3A_1481, %add3A_1482 : i32
      %add3A_1484 = vector.broadcast %add3A_1483 : i32 to vector<16xi32>
      %add3A_1485 = arith.addi %add3A_1484, %iota3A : vector<16xi32>
      %gather3A_1486 = tpu.vector_load_idx %arg6[%add3A_1485, %broadcast_in_dim3A_1381] : memref<512x32xf32, #tpu.memory_space<vmem>>[vector<16xi32>, vector<16xi32>], vector<16xf32>,
      %swap3A_1487 = arith.constant 1 : i32
      %swap3A_1488 = arith.constant 4 : i32
      %swap3A_1489 = arith.index_cast %swap3A_1487 : i32 to index
      %swap3A_1490 = arith.index_cast %scan3A_14 : i32 to index
      %swap3A_1491 = arith.index_cast %swap3A_1488 : i32 to index
      %swap3A_1492 = arith.constant 112 : index
      %swap3A_1493 = tpu.vector_load %arg7[%swap3A_1489, %swap3A_1490, %swap3A_1491, %swap3A_1492] {strides = array<i32>} : memref<4x4x8x128xf32, #tpu.memory_space<vmem>>, vector<16xf32>,
      tpu.vector_store %arg7[%swap3A_1489, %swap3A_1490, %swap3A_1491, %swap3A_1492], %gather3A_1486 {strides = array<i32>} : memref<4x4x8x128xf32, #tpu.memory_space<vmem>>, vector<16xf32>,
      %broadcast_in_dim3A_1494 = arith.constant 13 : i32
      %broadcast_in_dim3A_1495 = vector.broadcast %broadcast_in_dim3A_1494 : i32 to vector<16xi32>
      %mul3A_1496 = arith.constant 128 : i32
      %mul3A_1497 = arith.muli %scan3A_14, %mul3A_1496 : i32
      %add3A_1498 = arith.constant 0 : i32
      %add3A_1499 = arith.addi %mul3A_1497, %add3A_1498 : i32
      %add3A_1500 = vector.broadcast %add3A_1499 : i32 to vector<16xi32>
      %add3A_1501 = arith.addi %add3A_1500, %iota3A : vector<16xi32>
      %gather3A_1502 = tpu.vector_load_idx %arg6[%add3A_1501, %broadcast_in_dim3A_1495] : memref<512x32xf32, #tpu.memory_space<vmem>>[vector<16xi32>, vector<16xi32>], vector<16xf32>,
      %swap3A_1503 = arith.constant 1 : i32
      %swap3A_1504 = arith.constant 5 : i32
      %swap3A_1505 = arith.index_cast %swap3A_1503 : i32 to index
      %swap3A_1506 = arith.index_cast %scan3A_14 : i32 to index
      %swap3A_1507 = arith.index_cast %swap3A_1504 : i32 to index
      %swap3A_1508 = arith.constant 0 : index
      %swap3A_1509 = tpu.vector_load %arg7[%swap3A_1505, %swap3A_1506, %swap3A_1507, %swap3A_1508] {strides = array<i32>} : memref<4x4x8x128xf32, #tpu.memory_space<vmem>>, vector<16xf32>,
      tpu.vector_store %arg7[%swap3A_1505, %swap3A_1506, %swap3A_1507, %swap3A_1508], %gather3A_1502 {strides = array<i32>} : memref<4x4x8x128xf32, #tpu.memory_space<vmem>>, vector<16xf32>,
      %mul3A_1510 = arith.constant 128 : i32
      %mul3A_1511 = arith.muli %scan3A_14, %mul3A_1510 : i32
      %add3A_1512 = arith.constant 16 : i32
      %add3A_1513 = arith.addi %mul3A_1511, %add3A_1512 : i32
      %add3A_1514 = vector.broadcast %add3A_1513 : i32 to vector<16xi32>
      %add3A_1515 = arith.addi %add3A_1514, %iota3A : vector<16xi32>
      %gather3A_1516 = tpu.vector_load_idx %arg6[%add3A_1515, %broadcast_in_dim3A_1495] : memref<512x32xf32, #tpu.memory_space<vmem>>[vector<16xi32>, vector<16xi32>], vector<16xf32>,
      %swap3A_1517 = arith.constant 1 : i32
      %swap3A_1518 = arith.constant 5 : i32
      %swap3A_1519 = arith.index_cast %swap3A_1517 : i32 to index
      %swap3A_1520 = arith.index_cast %scan3A_14 : i32 to index
      %swap3A_1521 = arith.index_cast %swap3A_1518 : i32 to index
      %swap3A_1522 = arith.constant 16 : index
      %swap3A_1523 = tpu.vector_load %arg7[%swap3A_1519, %swap3A_1520, %swap3A_1521, %swap3A_1522] {strides = array<i32>} : memref<4x4x8x128xf32, #tpu.memory_space<vmem>>, vector<16xf32>,
      tpu.vector_store %arg7[%swap3A_1519, %swap3A_1520, %swap3A_1521, %swap3A_1522], %gather3A_1516 {strides = array<i32>} : memref<4x4x8x128xf32, #tpu.memory_space<vmem>>, vector<16xf32>,
      %mul3A_1524 = arith.constant 128 : i32
      %mul3A_1525 = arith.muli %scan3A_14, %mul3A_1524 : i32
      %add3A_1526 = arith.constant 32 : i32
      %add3A_1527 = arith.addi %mul3A_1525, %add3A_1526 : i32
      %add3A_1528 = vector.broadcast %add3A_1527 : i32 to vector<16xi32>
      %add3A_1529 = arith.addi %add3A_1528, %iota3A : vector<16xi32>
      %gather3A_1530 = tpu.vector_load_idx %arg6[%add3A_1529, %broadcast_in_dim3A_1495] : memref<512x32xf32, #tpu.memory_space<vmem>>[vector<16xi32>, vector<16xi32>], vector<16xf32>,
      %swap3A_1531 = arith.constant 1 : i32
      %swap3A_1532 = arith.constant 5 : i32
      %swap3A_1533 = arith.index_cast %swap3A_1531 : i32 to index
      %swap3A_1534 = arith.index_cast %scan3A_14 : i32 to index
      %swap3A_1535 = arith.index_cast %swap3A_1532 : i32 to index
      %swap3A_1536 = arith.constant 32 : index
      %swap3A_1537 = tpu.vector_load %arg7[%swap3A_1533, %swap3A_1534, %swap3A_1535, %swap3A_1536] {strides = array<i32>} : memref<4x4x8x128xf32, #tpu.memory_space<vmem>>, vector<16xf32>,
      tpu.vector_store %arg7[%swap3A_1533, %swap3A_1534, %swap3A_1535, %swap3A_1536], %gather3A_1530 {strides = array<i32>} : memref<4x4x8x128xf32, #tpu.memory_space<vmem>>, vector<16xf32>,
      %mul3A_1538 = arith.constant 128 : i32
      %mul3A_1539 = arith.muli %scan3A_14, %mul3A_1538 : i32
      %add3A_1540 = arith.constant 48 : i32
      %add3A_1541 = arith.addi %mul3A_1539, %add3A_1540 : i32
      %add3A_1542 = vector.broadcast %add3A_1541 : i32 to vector<16xi32>
      %add3A_1543 = arith.addi %add3A_1542, %iota3A : vector<16xi32>
      %gather3A_1544 = tpu.vector_load_idx %arg6[%add3A_1543, %broadcast_in_dim3A_1495] : memref<512x32xf32, #tpu.memory_space<vmem>>[vector<16xi32>, vector<16xi32>], vector<16xf32>,
      %swap3A_1545 = arith.constant 1 : i32
      %swap3A_1546 = arith.constant 5 : i32
      %swap3A_1547 = arith.index_cast %swap3A_1545 : i32 to index
      %swap3A_1548 = arith.index_cast %scan3A_14 : i32 to index
      %swap3A_1549 = arith.index_cast %swap3A_1546 : i32 to index
      %swap3A_1550 = arith.constant 48 : index
      %swap3A_1551 = tpu.vector_load %arg7[%swap3A_1547, %swap3A_1548, %swap3A_1549, %swap3A_1550] {strides = array<i32>} : memref<4x4x8x128xf32, #tpu.memory_space<vmem>>, vector<16xf32>,
      tpu.vector_store %arg7[%swap3A_1547, %swap3A_1548, %swap3A_1549, %swap3A_1550], %gather3A_1544 {strides = array<i32>} : memref<4x4x8x128xf32, #tpu.memory_space<vmem>>, vector<16xf32>,
      %mul3A_1552 = arith.constant 128 : i32
      %mul3A_1553 = arith.muli %scan3A_14, %mul3A_1552 : i32
      %add3A_1554 = arith.constant 64 : i32
      %add3A_1555 = arith.addi %mul3A_1553, %add3A_1554 : i32
      %add3A_1556 = vector.broadcast %add3A_1555 : i32 to vector<16xi32>
      %add3A_1557 = arith.addi %add3A_1556, %iota3A : vector<16xi32>
      %gather3A_1558 = tpu.vector_load_idx %arg6[%add3A_1557, %broadcast_in_dim3A_1495] : memref<512x32xf32, #tpu.memory_space<vmem>>[vector<16xi32>, vector<16xi32>], vector<16xf32>,
      %swap3A_1559 = arith.constant 1 : i32
      %swap3A_1560 = arith.constant 5 : i32
      %swap3A_1561 = arith.index_cast %swap3A_1559 : i32 to index
      %swap3A_1562 = arith.index_cast %scan3A_14 : i32 to index
      %swap3A_1563 = arith.index_cast %swap3A_1560 : i32 to index
      %swap3A_1564 = arith.constant 64 : index
      %swap3A_1565 = tpu.vector_load %arg7[%swap3A_1561, %swap3A_1562, %swap3A_1563, %swap3A_1564] {strides = array<i32>} : memref<4x4x8x128xf32, #tpu.memory_space<vmem>>, vector<16xf32>,
      tpu.vector_store %arg7[%swap3A_1561, %swap3A_1562, %swap3A_1563, %swap3A_1564], %gather3A_1558 {strides = array<i32>} : memref<4x4x8x128xf32, #tpu.memory_space<vmem>>, vector<16xf32>,
      %mul3A_1566 = arith.constant 128 : i32
      %mul3A_1567 = arith.muli %scan3A_14, %mul3A_1566 : i32
      %add3A_1568 = arith.constant 80 : i32
      %add3A_1569 = arith.addi %mul3A_1567, %add3A_1568 : i32
      %add3A_1570 = vector.broadcast %add3A_1569 : i32 to vector<16xi32>
      %add3A_1571 = arith.addi %add3A_1570, %iota3A : vector<16xi32>
      %gather3A_1572 = tpu.vector_load_idx %arg6[%add3A_1571, %broadcast_in_dim3A_1495] : memref<512x32xf32, #tpu.memory_space<vmem>>[vector<16xi32>, vector<16xi32>], vector<16xf32>,
      %swap3A_1573 = arith.constant 1 : i32
      %swap3A_1574 = arith.constant 5 : i32
      %swap3A_1575 = arith.index_cast %swap3A_1573 : i32 to index
      %swap3A_1576 = arith.index_cast %scan3A_14 : i32 to index
      %swap3A_1577 = arith.index_cast %swap3A_1574 : i32 to index
      %swap3A_1578 = arith.constant 80 : index
      %swap3A_1579 = tpu.vector_load %arg7[%swap3A_1575, %swap3A_1576, %swap3A_1577, %swap3A_1578] {strides = array<i32>} : memref<4x4x8x128xf32, #tpu.memory_space<vmem>>, vector<16xf32>,
      tpu.vector_store %arg7[%swap3A_1575, %swap3A_1576, %swap3A_1577, %swap3A_1578], %gather3A_1572 {strides = array<i32>} : memref<4x4x8x128xf32, #tpu.memory_space<vmem>>, vector<16xf32>,
      %mul3A_1580 = arith.constant 128 : i32
      %mul3A_1581 = arith.muli %scan3A_14, %mul3A_1580 : i32
      %add3A_1582 = arith.constant 96 : i32
      %add3A_1583 = arith.addi %mul3A_1581, %add3A_1582 : i32
      %add3A_1584 = vector.broadcast %add3A_1583 : i32 to vector<16xi32>
      %add3A_1585 = arith.addi %add3A_1584, %iota3A : vector<16xi32>
      %gather3A_1586 = tpu.vector_load_idx %arg6[%add3A_1585, %broadcast_in_dim3A_1495] : memref<512x32xf32, #tpu.memory_space<vmem>>[vector<16xi32>, vector<16xi32>], vector<16xf32>,
      %swap3A_1587 = arith.constant 1 : i32
      %swap3A_1588 = arith.constant 5 : i32
      %swap3A_1589 = arith.index_cast %swap3A_1587 : i32 to index
      %swap3A_1590 = arith.index_cast %scan3A_14 : i32 to index
      %swap3A_1591 = arith.index_cast %swap3A_1588 : i32 to index
      %swap3A_1592 = arith.constant 96 : index
      %swap3A_1593 = tpu.vector_load %arg7[%swap3A_1589, %swap3A_1590, %swap3A_1591, %swap3A_1592] {strides = array<i32>} : memref<4x4x8x128xf32, #tpu.memory_space<vmem>>, vector<16xf32>,
      tpu.vector_store %arg7[%swap3A_1589, %swap3A_1590, %swap3A_1591, %swap3A_1592], %gather3A_1586 {strides = array<i32>} : memref<4x4x8x128xf32, #tpu.memory_space<vmem>>, vector<16xf32>,
      %mul3A_1594 = arith.constant 128 : i32
      %mul3A_1595 = arith.muli %scan3A_14, %mul3A_1594 : i32
      %add3A_1596 = arith.constant 112 : i32
      %add3A_1597 = arith.addi %mul3A_1595, %add3A_1596 : i32
      %add3A_1598 = vector.broadcast %add3A_1597 : i32 to vector<16xi32>
      %add3A_1599 = arith.addi %add3A_1598, %iota3A : vector<16xi32>
      %gather3A_1600 = tpu.vector_load_idx %arg6[%add3A_1599, %broadcast_in_dim3A_1495] : memref<512x32xf32, #tpu.memory_space<vmem>>[vector<16xi32>, vector<16xi32>], vector<16xf32>,
      %swap3A_1601 = arith.constant 1 : i32
      %swap3A_1602 = arith.constant 5 : i32
      %swap3A_1603 = arith.index_cast %swap3A_1601 : i32 to index
      %swap3A_1604 = arith.index_cast %scan3A_14 : i32 to index
      %swap3A_1605 = arith.index_cast %swap3A_1602 : i32 to index
      %swap3A_1606 = arith.constant 112 : index
      %swap3A_1607 = tpu.vector_load %arg7[%swap3A_1603, %swap3A_1604, %swap3A_1605, %swap3A_1606] {strides = array<i32>} : memref<4x4x8x128xf32, #tpu.memory_space<vmem>>, vector<16xf32>,
      tpu.vector_store %arg7[%swap3A_1603, %swap3A_1604, %swap3A_1605, %swap3A_1606], %gather3A_1600 {strides = array<i32>} : memref<4x4x8x128xf32, #tpu.memory_space<vmem>>, vector<16xf32>,
      %broadcast_in_dim3A_1608 = arith.constant 14 : i32
      %broadcast_in_dim3A_1609 = vector.broadcast %broadcast_in_dim3A_1608 : i32 to vector<16xi32>
      %mul3A_1610 = arith.constant 128 : i32
      %mul3A_1611 = arith.muli %scan3A_14, %mul3A_1610 : i32
      %add3A_1612 = arith.constant 0 : i32
      %add3A_1613 = arith.addi %mul3A_1611, %add3A_1612 : i32
      %add3A_1614 = vector.broadcast %add3A_1613 : i32 to vector<16xi32>
      %add3A_1615 = arith.addi %add3A_1614, %iota3A : vector<16xi32>
      %gather3A_1616 = tpu.vector_load_idx %arg6[%add3A_1615, %broadcast_in_dim3A_1609] : memref<512x32xf32, #tpu.memory_space<vmem>>[vector<16xi32>, vector<16xi32>], vector<16xf32>,
      %swap3A_1617 = arith.constant 1 : i32
      %swap3A_1618 = arith.constant 6 : i32
      %swap3A_1619 = arith.index_cast %swap3A_1617 : i32 to index
      %swap3A_1620 = arith.index_cast %scan3A_14 : i32 to index
      %swap3A_1621 = arith.index_cast %swap3A_1618 : i32 to index
      %swap3A_1622 = arith.constant 0 : index
      %swap3A_1623 = tpu.vector_load %arg7[%swap3A_1619, %swap3A_1620, %swap3A_1621, %swap3A_1622] {strides = array<i32>} : memref<4x4x8x128xf32, #tpu.memory_space<vmem>>, vector<16xf32>,
      tpu.vector_store %arg7[%swap3A_1619, %swap3A_1620, %swap3A_1621, %swap3A_1622], %gather3A_1616 {strides = array<i32>} : memref<4x4x8x128xf32, #tpu.memory_space<vmem>>, vector<16xf32>,
      %mul3A_1624 = arith.constant 128 : i32
      %mul3A_1625 = arith.muli %scan3A_14, %mul3A_1624 : i32
      %add3A_1626 = arith.constant 16 : i32
      %add3A_1627 = arith.addi %mul3A_1625, %add3A_1626 : i32
      %add3A_1628 = vector.broadcast %add3A_1627 : i32 to vector<16xi32>
      %add3A_1629 = arith.addi %add3A_1628, %iota3A : vector<16xi32>
      %gather3A_1630 = tpu.vector_load_idx %arg6[%add3A_1629, %broadcast_in_dim3A_1609] : memref<512x32xf32, #tpu.memory_space<vmem>>[vector<16xi32>, vector<16xi32>], vector<16xf32>,
      %swap3A_1631 = arith.constant 1 : i32
      %swap3A_1632 = arith.constant 6 : i32
      %swap3A_1633 = arith.index_cast %swap3A_1631 : i32 to index
      %swap3A_1634 = arith.index_cast %scan3A_14 : i32 to index
      %swap3A_1635 = arith.index_cast %swap3A_1632 : i32 to index
      %swap3A_1636 = arith.constant 16 : index
      %swap3A_1637 = tpu.vector_load %arg7[%swap3A_1633, %swap3A_1634, %swap3A_1635, %swap3A_1636] {strides = array<i32>} : memref<4x4x8x128xf32, #tpu.memory_space<vmem>>, vector<16xf32>,
      tpu.vector_store %arg7[%swap3A_1633, %swap3A_1634, %swap3A_1635, %swap3A_1636], %gather3A_1630 {strides = array<i32>} : memref<4x4x8x128xf32, #tpu.memory_space<vmem>>, vector<16xf32>,
      %mul3A_1638 = arith.constant 128 : i32
      %mul3A_1639 = arith.muli %scan3A_14, %mul3A_1638 : i32
      %add3A_1640 = arith.constant 32 : i32
      %add3A_1641 = arith.addi %mul3A_1639, %add3A_1640 : i32
      %add3A_1642 = vector.broadcast %add3A_1641 : i32 to vector<16xi32>
      %add3A_1643 = arith.addi %add3A_1642, %iota3A : vector<16xi32>
      %gather3A_1644 = tpu.vector_load_idx %arg6[%add3A_1643, %broadcast_in_dim3A_1609] : memref<512x32xf32, #tpu.memory_space<vmem>>[vector<16xi32>, vector<16xi32>], vector<16xf32>,
      %swap3A_1645 = arith.constant 1 : i32
      %swap3A_1646 = arith.constant 6 : i32
      %swap3A_1647 = arith.index_cast %swap3A_1645 : i32 to index
      %swap3A_1648 = arith.index_cast %scan3A_14 : i32 to index
      %swap3A_1649 = arith.index_cast %swap3A_1646 : i32 to index
      %swap3A_1650 = arith.constant 32 : index
      %swap3A_1651 = tpu.vector_load %arg7[%swap3A_1647, %swap3A_1648, %swap3A_1649, %swap3A_1650] {strides = array<i32>} : memref<4x4x8x128xf32, #tpu.memory_space<vmem>>, vector<16xf32>,
      tpu.vector_store %arg7[%swap3A_1647, %swap3A_1648, %swap3A_1649, %swap3A_1650], %gather3A_1644 {strides = array<i32>} : memref<4x4x8x128xf32, #tpu.memory_space<vmem>>, vector<16xf32>,
      %mul3A_1652 = arith.constant 128 : i32
      %mul3A_1653 = arith.muli %scan3A_14, %mul3A_1652 : i32
      %add3A_1654 = arith.constant 48 : i32
      %add3A_1655 = arith.addi %mul3A_1653, %add3A_1654 : i32
      %add3A_1656 = vector.broadcast %add3A_1655 : i32 to vector<16xi32>
      %add3A_1657 = arith.addi %add3A_1656, %iota3A : vector<16xi32>
      %gather3A_1658 = tpu.vector_load_idx %arg6[%add3A_1657, %broadcast_in_dim3A_1609] : memref<512x32xf32, #tpu.memory_space<vmem>>[vector<16xi32>, vector<16xi32>], vector<16xf32>,
      %swap3A_1659 = arith.constant 1 : i32
      %swap3A_1660 = arith.constant 6 : i32
      %swap3A_1661 = arith.index_cast %swap3A_1659 : i32 to index
      %swap3A_1662 = arith.index_cast %scan3A_14 : i32 to index
      %swap3A_1663 = arith.index_cast %swap3A_1660 : i32 to index
      %swap3A_1664 = arith.constant 48 : index
      %swap3A_1665 = tpu.vector_load %arg7[%swap3A_1661, %swap3A_1662, %swap3A_1663, %swap3A_1664] {strides = array<i32>} : memref<4x4x8x128xf32, #tpu.memory_space<vmem>>, vector<16xf32>,
      tpu.vector_store %arg7[%swap3A_1661, %swap3A_1662, %swap3A_1663, %swap3A_1664], %gather3A_1658 {strides = array<i32>} : memref<4x4x8x128xf32, #tpu.memory_space<vmem>>, vector<16xf32>,
      %mul3A_1666 = arith.constant 128 : i32
      %mul3A_1667 = arith.muli %scan3A_14, %mul3A_1666 : i32
      %add3A_1668 = arith.constant 64 : i32
      %add3A_1669 = arith.addi %mul3A_1667, %add3A_1668 : i32
      %add3A_1670 = vector.broadcast %add3A_1669 : i32 to vector<16xi32>
      %add3A_1671 = arith.addi %add3A_1670, %iota3A : vector<16xi32>
      %gather3A_1672 = tpu.vector_load_idx %arg6[%add3A_1671, %broadcast_in_dim3A_1609] : memref<512x32xf32, #tpu.memory_space<vmem>>[vector<16xi32>, vector<16xi32>], vector<16xf32>,
      %swap3A_1673 = arith.constant 1 : i32
      %swap3A_1674 = arith.constant 6 : i32
      %swap3A_1675 = arith.index_cast %swap3A_1673 : i32 to index
      %swap3A_1676 = arith.index_cast %scan3A_14 : i32 to index
      %swap3A_1677 = arith.index_cast %swap3A_1674 : i32 to index
      %swap3A_1678 = arith.constant 64 : index
      %swap3A_1679 = tpu.vector_load %arg7[%swap3A_1675, %swap3A_1676, %swap3A_1677, %swap3A_1678] {strides = array<i32>} : memref<4x4x8x128xf32, #tpu.memory_space<vmem>>, vector<16xf32>,
      tpu.vector_store %arg7[%swap3A_1675, %swap3A_1676, %swap3A_1677, %swap3A_1678], %gather3A_1672 {strides = array<i32>} : memref<4x4x8x128xf32, #tpu.memory_space<vmem>>, vector<16xf32>,
      %mul3A_1680 = arith.constant 128 : i32
      %mul3A_1681 = arith.muli %scan3A_14, %mul3A_1680 : i32
      %add3A_1682 = arith.constant 80 : i32
      %add3A_1683 = arith.addi %mul3A_1681, %add3A_1682 : i32
      %add3A_1684 = vector.broadcast %add3A_1683 : i32 to vector<16xi32>
      %add3A_1685 = arith.addi %add3A_1684, %iota3A : vector<16xi32>
      %gather3A_1686 = tpu.vector_load_idx %arg6[%add3A_1685, %broadcast_in_dim3A_1609] : memref<512x32xf32, #tpu.memory_space<vmem>>[vector<16xi32>, vector<16xi32>], vector<16xf32>,
      %swap3A_1687 = arith.constant 1 : i32
      %swap3A_1688 = arith.constant 6 : i32
      %swap3A_1689 = arith.index_cast %swap3A_1687 : i32 to index
      %swap3A_1690 = arith.index_cast %scan3A_14 : i32 to index
      %swap3A_1691 = arith.index_cast %swap3A_1688 : i32 to index
      %swap3A_1692 = arith.constant 80 : index
      %swap3A_1693 = tpu.vector_load %arg7[%swap3A_1689, %swap3A_1690, %swap3A_1691, %swap3A_1692] {strides = array<i32>} : memref<4x4x8x128xf32, #tpu.memory_space<vmem>>, vector<16xf32>,
      tpu.vector_store %arg7[%swap3A_1689, %swap3A_1690, %swap3A_1691, %swap3A_1692], %gather3A_1686 {strides = array<i32>} : memref<4x4x8x128xf32, #tpu.memory_space<vmem>>, vector<16xf32>,
      %mul3A_1694 = arith.constant 128 : i32
      %mul3A_1695 = arith.muli %scan3A_14, %mul3A_1694 : i32
      %add3A_1696 = arith.constant 96 : i32
      %add3A_1697 = arith.addi %mul3A_1695, %add3A_1696 : i32
      %add3A_1698 = vector.broadcast %add3A_1697 : i32 to vector<16xi32>
      %add3A_1699 = arith.addi %add3A_1698, %iota3A : vector<16xi32>
      %gather3A_1700 = tpu.vector_load_idx %arg6[%add3A_1699, %broadcast_in_dim3A_1609] : memref<512x32xf32, #tpu.memory_space<vmem>>[vector<16xi32>, vector<16xi32>], vector<16xf32>,
      %swap3A_1701 = arith.constant 1 : i32
      %swap3A_1702 = arith.constant 6 : i32
      %swap3A_1703 = arith.index_cast %swap3A_1701 : i32 to index
      %swap3A_1704 = arith.index_cast %scan3A_14 : i32 to index
      %swap3A_1705 = arith.index_cast %swap3A_1702 : i32 to index
      %swap3A_1706 = arith.constant 96 : index
      %swap3A_1707 = tpu.vector_load %arg7[%swap3A_1703, %swap3A_1704, %swap3A_1705, %swap3A_1706] {strides = array<i32>} : memref<4x4x8x128xf32, #tpu.memory_space<vmem>>, vector<16xf32>,
      tpu.vector_store %arg7[%swap3A_1703, %swap3A_1704, %swap3A_1705, %swap3A_1706], %gather3A_1700 {strides = array<i32>} : memref<4x4x8x128xf32, #tpu.memory_space<vmem>>, vector<16xf32>,
      %mul3A_1708 = arith.constant 128 : i32
      %mul3A_1709 = arith.muli %scan3A_14, %mul3A_1708 : i32
      %add3A_1710 = arith.constant 112 : i32
      %add3A_1711 = arith.addi %mul3A_1709, %add3A_1710 : i32
      %add3A_1712 = vector.broadcast %add3A_1711 : i32 to vector<16xi32>
      %add3A_1713 = arith.addi %add3A_1712, %iota3A : vector<16xi32>
      %gather3A_1714 = tpu.vector_load_idx %arg6[%add3A_1713, %broadcast_in_dim3A_1609] : memref<512x32xf32, #tpu.memory_space<vmem>>[vector<16xi32>, vector<16xi32>], vector<16xf32>,
      %swap3A_1715 = arith.constant 1 : i32
      %swap3A_1716 = arith.constant 6 : i32
      %swap3A_1717 = arith.index_cast %swap3A_1715 : i32 to index
      %swap3A_1718 = arith.index_cast %scan3A_14 : i32 to index
      %swap3A_1719 = arith.index_cast %swap3A_1716 : i32 to index
      %swap3A_1720 = arith.constant 112 : index
      %swap3A_1721 = tpu.vector_load %arg7[%swap3A_1717, %swap3A_1718, %swap3A_1719, %swap3A_1720] {strides = array<i32>} : memref<4x4x8x128xf32, #tpu.memory_space<vmem>>, vector<16xf32>,
      tpu.vector_store %arg7[%swap3A_1717, %swap3A_1718, %swap3A_1719, %swap3A_1720], %gather3A_1714 {strides = array<i32>} : memref<4x4x8x128xf32, #tpu.memory_space<vmem>>, vector<16xf32>,
      %broadcast_in_dim3A_1722 = arith.constant 15 : i32
      %broadcast_in_dim3A_1723 = vector.broadcast %broadcast_in_dim3A_1722 : i32 to vector<16xi32>
      %mul3A_1724 = arith.constant 128 : i32
      %mul3A_1725 = arith.muli %scan3A_14, %mul3A_1724 : i32
      %add3A_1726 = arith.constant 0 : i32
      %add3A_1727 = arith.addi %mul3A_1725, %add3A_1726 : i32
      %add3A_1728 = vector.broadcast %add3A_1727 : i32 to vector<16xi32>
      %add3A_1729 = arith.addi %add3A_1728, %iota3A : vector<16xi32>
      %gather3A_1730 = tpu.vector_load_idx %arg6[%add3A_1729, %broadcast_in_dim3A_1723] : memref<512x32xf32, #tpu.memory_space<vmem>>[vector<16xi32>, vector<16xi32>], vector<16xf32>,
      %swap3A_1731 = arith.constant 1 : i32
      %swap3A_1732 = arith.constant 7 : i32
      %swap3A_1733 = arith.index_cast %swap3A_1731 : i32 to index
      %swap3A_1734 = arith.index_cast %scan3A_14 : i32 to index
      %swap3A_1735 = arith.index_cast %swap3A_1732 : i32 to index
      %swap3A_1736 = arith.constant 0 : index
      %swap3A_1737 = tpu.vector_load %arg7[%swap3A_1733, %swap3A_1734, %swap3A_1735, %swap3A_1736] {strides = array<i32>} : memref<4x4x8x128xf32, #tpu.memory_space<vmem>>, vector<16xf32>,
      tpu.vector_store %arg7[%swap3A_1733, %swap3A_1734, %swap3A_1735, %swap3A_1736], %gather3A_1730 {strides = array<i32>} : memref<4x4x8x128xf32, #tpu.memory_space<vmem>>, vector<16xf32>,
      %mul3A_1738 = arith.constant 128 : i32
      %mul3A_1739 = arith.muli %scan3A_14, %mul3A_1738 : i32
      %add3A_1740 = arith.constant 16 : i32
      %add3A_1741 = arith.addi %mul3A_1739, %add3A_1740 : i32
      %add3A_1742 = vector.broadcast %add3A_1741 : i32 to vector<16xi32>
      %add3A_1743 = arith.addi %add3A_1742, %iota3A : vector<16xi32>
      %gather3A_1744 = tpu.vector_load_idx %arg6[%add3A_1743, %broadcast_in_dim3A_1723] : memref<512x32xf32, #tpu.memory_space<vmem>>[vector<16xi32>, vector<16xi32>], vector<16xf32>,
      %swap3A_1745 = arith.constant 1 : i32
      %swap3A_1746 = arith.constant 7 : i32
      %swap3A_1747 = arith.index_cast %swap3A_1745 : i32 to index
      %swap3A_1748 = arith.index_cast %scan3A_14 : i32 to index
      %swap3A_1749 = arith.index_cast %swap3A_1746 : i32 to index
      %swap3A_1750 = arith.constant 16 : index
      %swap3A_1751 = tpu.vector_load %arg7[%swap3A_1747, %swap3A_1748, %swap3A_1749, %swap3A_1750] {strides = array<i32>} : memref<4x4x8x128xf32, #tpu.memory_space<vmem>>, vector<16xf32>,
      tpu.vector_store %arg7[%swap3A_1747, %swap3A_1748, %swap3A_1749, %swap3A_1750], %gather3A_1744 {strides = array<i32>} : memref<4x4x8x128xf32, #tpu.memory_space<vmem>>, vector<16xf32>,
      %mul3A_1752 = arith.constant 128 : i32
      %mul3A_1753 = arith.muli %scan3A_14, %mul3A_1752 : i32
      %add3A_1754 = arith.constant 32 : i32
      %add3A_1755 = arith.addi %mul3A_1753, %add3A_1754 : i32
      %add3A_1756 = vector.broadcast %add3A_1755 : i32 to vector<16xi32>
      %add3A_1757 = arith.addi %add3A_1756, %iota3A : vector<16xi32>
      %gather3A_1758 = tpu.vector_load_idx %arg6[%add3A_1757, %broadcast_in_dim3A_1723] : memref<512x32xf32, #tpu.memory_space<vmem>>[vector<16xi32>, vector<16xi32>], vector<16xf32>,
      %swap3A_1759 = arith.constant 1 : i32
      %swap3A_1760 = arith.constant 7 : i32
      %swap3A_1761 = arith.index_cast %swap3A_1759 : i32 to index
      %swap3A_1762 = arith.index_cast %scan3A_14 : i32 to index
      %swap3A_1763 = arith.index_cast %swap3A_1760 : i32 to index
      %swap3A_1764 = arith.constant 32 : index
      %swap3A_1765 = tpu.vector_load %arg7[%swap3A_1761, %swap3A_1762, %swap3A_1763, %swap3A_1764] {strides = array<i32>} : memref<4x4x8x128xf32, #tpu.memory_space<vmem>>, vector<16xf32>,
      tpu.vector_store %arg7[%swap3A_1761, %swap3A_1762, %swap3A_1763, %swap3A_1764], %gather3A_1758 {strides = array<i32>} : memref<4x4x8x128xf32, #tpu.memory_space<vmem>>, vector<16xf32>,
      %mul3A_1766 = arith.constant 128 : i32
      %mul3A_1767 = arith.muli %scan3A_14, %mul3A_1766 : i32
      %add3A_1768 = arith.constant 48 : i32
      %add3A_1769 = arith.addi %mul3A_1767, %add3A_1768 : i32
      %add3A_1770 = vector.broadcast %add3A_1769 : i32 to vector<16xi32>
      %add3A_1771 = arith.addi %add3A_1770, %iota3A : vector<16xi32>
      %gather3A_1772 = tpu.vector_load_idx %arg6[%add3A_1771, %broadcast_in_dim3A_1723] : memref<512x32xf32, #tpu.memory_space<vmem>>[vector<16xi32>, vector<16xi32>], vector<16xf32>,
      %swap3A_1773 = arith.constant 1 : i32
      %swap3A_1774 = arith.constant 7 : i32
      %swap3A_1775 = arith.index_cast %swap3A_1773 : i32 to index
      %swap3A_1776 = arith.index_cast %scan3A_14 : i32 to index
      %swap3A_1777 = arith.index_cast %swap3A_1774 : i32 to index
      %swap3A_1778 = arith.constant 48 : index
      %swap3A_1779 = tpu.vector_load %arg7[%swap3A_1775, %swap3A_1776, %swap3A_1777, %swap3A_1778] {strides = array<i32>} : memref<4x4x8x128xf32, #tpu.memory_space<vmem>>, vector<16xf32>,
      tpu.vector_store %arg7[%swap3A_1775, %swap3A_1776, %swap3A_1777, %swap3A_1778], %gather3A_1772 {strides = array<i32>} : memref<4x4x8x128xf32, #tpu.memory_space<vmem>>, vector<16xf32>,
      %mul3A_1780 = arith.constant 128 : i32
      %mul3A_1781 = arith.muli %scan3A_14, %mul3A_1780 : i32
      %add3A_1782 = arith.constant 64 : i32
      %add3A_1783 = arith.addi %mul3A_1781, %add3A_1782 : i32
      %add3A_1784 = vector.broadcast %add3A_1783 : i32 to vector<16xi32>
      %add3A_1785 = arith.addi %add3A_1784, %iota3A : vector<16xi32>
      %gather3A_1786 = tpu.vector_load_idx %arg6[%add3A_1785, %broadcast_in_dim3A_1723] : memref<512x32xf32, #tpu.memory_space<vmem>>[vector<16xi32>, vector<16xi32>], vector<16xf32>,
      %swap3A_1787 = arith.constant 1 : i32
      %swap3A_1788 = arith.constant 7 : i32
      %swap3A_1789 = arith.index_cast %swap3A_1787 : i32 to index
      %swap3A_1790 = arith.index_cast %scan3A_14 : i32 to index
      %swap3A_1791 = arith.index_cast %swap3A_1788 : i32 to index
      %swap3A_1792 = arith.constant 64 : index
      %swap3A_1793 = tpu.vector_load %arg7[%swap3A_1789, %swap3A_1790, %swap3A_1791, %swap3A_1792] {strides = array<i32>} : memref<4x4x8x128xf32, #tpu.memory_space<vmem>>, vector<16xf32>,
      tpu.vector_store %arg7[%swap3A_1789, %swap3A_1790, %swap3A_1791, %swap3A_1792], %gather3A_1786 {strides = array<i32>} : memref<4x4x8x128xf32, #tpu.memory_space<vmem>>, vector<16xf32>,
      %mul3A_1794 = arith.constant 128 : i32
      %mul3A_1795 = arith.muli %scan3A_14, %mul3A_1794 : i32
      %add3A_1796 = arith.constant 80 : i32
      %add3A_1797 = arith.addi %mul3A_1795, %add3A_1796 : i32
      %add3A_1798 = vector.broadcast %add3A_1797 : i32 to vector<16xi32>
      %add3A_1799 = arith.addi %add3A_1798, %iota3A : vector<16xi32>
      %gather3A_1800 = tpu.vector_load_idx %arg6[%add3A_1799, %broadcast_in_dim3A_1723] : memref<512x32xf32, #tpu.memory_space<vmem>>[vector<16xi32>, vector<16xi32>], vector<16xf32>,
      %swap3A_1801 = arith.constant 1 : i32
      %swap3A_1802 = arith.constant 7 : i32
      %swap3A_1803 = arith.index_cast %swap3A_1801 : i32 to index
      %swap3A_1804 = arith.index_cast %scan3A_14 : i32 to index
      %swap3A_1805 = arith.index_cast %swap3A_1802 : i32 to index
      %swap3A_1806 = arith.constant 80 : index
      %swap3A_1807 = tpu.vector_load %arg7[%swap3A_1803, %swap3A_1804, %swap3A_1805, %swap3A_1806] {strides = array<i32>} : memref<4x4x8x128xf32, #tpu.memory_space<vmem>>, vector<16xf32>,
      tpu.vector_store %arg7[%swap3A_1803, %swap3A_1804, %swap3A_1805, %swap3A_1806], %gather3A_1800 {strides = array<i32>} : memref<4x4x8x128xf32, #tpu.memory_space<vmem>>, vector<16xf32>,
      %mul3A_1808 = arith.constant 128 : i32
      %mul3A_1809 = arith.muli %scan3A_14, %mul3A_1808 : i32
      %add3A_1810 = arith.constant 96 : i32
      %add3A_1811 = arith.addi %mul3A_1809, %add3A_1810 : i32
      %add3A_1812 = vector.broadcast %add3A_1811 : i32 to vector<16xi32>
      %add3A_1813 = arith.addi %add3A_1812, %iota3A : vector<16xi32>
      %gather3A_1814 = tpu.vector_load_idx %arg6[%add3A_1813, %broadcast_in_dim3A_1723] : memref<512x32xf32, #tpu.memory_space<vmem>>[vector<16xi32>, vector<16xi32>], vector<16xf32>,
      %swap3A_1815 = arith.constant 1 : i32
      %swap3A_1816 = arith.constant 7 : i32
      %swap3A_1817 = arith.index_cast %swap3A_1815 : i32 to index
      %swap3A_1818 = arith.index_cast %scan3A_14 : i32 to index
      %swap3A_1819 = arith.index_cast %swap3A_1816 : i32 to index
      %swap3A_1820 = arith.constant 96 : index
      %swap3A_1821 = tpu.vector_load %arg7[%swap3A_1817, %swap3A_1818, %swap3A_1819, %swap3A_1820] {strides = array<i32>} : memref<4x4x8x128xf32, #tpu.memory_space<vmem>>, vector<16xf32>,
      tpu.vector_store %arg7[%swap3A_1817, %swap3A_1818, %swap3A_1819, %swap3A_1820], %gather3A_1814 {strides = array<i32>} : memref<4x4x8x128xf32, #tpu.memory_space<vmem>>, vector<16xf32>,
      %mul3A_1822 = arith.constant 128 : i32
      %mul3A_1823 = arith.muli %scan3A_14, %mul3A_1822 : i32
      %add3A_1824 = arith.constant 112 : i32
      %add3A_1825 = arith.addi %mul3A_1823, %add3A_1824 : i32
      %add3A_1826 = vector.broadcast %add3A_1825 : i32 to vector<16xi32>
      %add3A_1827 = arith.addi %add3A_1826, %iota3A : vector<16xi32>
      %gather3A_1828 = tpu.vector_load_idx %arg6[%add3A_1827, %broadcast_in_dim3A_1723] : memref<512x32xf32, #tpu.memory_space<vmem>>[vector<16xi32>, vector<16xi32>], vector<16xf32>,
      %swap3A_1829 = arith.constant 1 : i32
      %swap3A_1830 = arith.constant 7 : i32
      %swap3A_1831 = arith.index_cast %swap3A_1829 : i32 to index
      %swap3A_1832 = arith.index_cast %scan3A_14 : i32 to index
      %swap3A_1833 = arith.index_cast %swap3A_1830 : i32 to index
      %swap3A_1834 = arith.constant 112 : index
      %swap3A_1835 = tpu.vector_load %arg7[%swap3A_1831, %swap3A_1832, %swap3A_1833, %swap3A_1834] {strides = array<i32>} : memref<4x4x8x128xf32, #tpu.memory_space<vmem>>, vector<16xf32>,
      tpu.vector_store %arg7[%swap3A_1831, %swap3A_1832, %swap3A_1833, %swap3A_1834], %gather3A_1828 {strides = array<i32>} : memref<4x4x8x128xf32, #tpu.memory_space<vmem>>, vector<16xf32>,
      %broadcast_in_dim3A_1836 = arith.constant 16 : i32
      %broadcast_in_dim3A_1837 = vector.broadcast %broadcast_in_dim3A_1836 : i32 to vector<16xi32>
      %mul3A_1838 = arith.constant 128 : i32
      %mul3A_1839 = arith.muli %scan3A_14, %mul3A_1838 : i32
      %add3A_1840 = arith.constant 0 : i32
      %add3A_1841 = arith.addi %mul3A_1839, %add3A_1840 : i32
      %add3A_1842 = vector.broadcast %add3A_1841 : i32 to vector<16xi32>
      %add3A_1843 = arith.addi %add3A_1842, %iota3A : vector<16xi32>
      %gather3A_1844 = tpu.vector_load_idx %arg6[%add3A_1843, %broadcast_in_dim3A_1837] : memref<512x32xf32, #tpu.memory_space<vmem>>[vector<16xi32>, vector<16xi32>], vector<16xf32>,
      %swap3A_1845 = arith.constant 2 : i32
      %swap3A_1846 = arith.constant 0 : i32
      %swap3A_1847 = arith.index_cast %swap3A_1845 : i32 to index
      %swap3A_1848 = arith.index_cast %scan3A_14 : i32 to index
      %swap3A_1849 = arith.index_cast %swap3A_1846 : i32 to index
      %swap3A_1850 = arith.constant 0 : index
      %swap3A_1851 = tpu.vector_load %arg7[%swap3A_1847, %swap3A_1848, %swap3A_1849, %swap3A_1850] {strides = array<i32>} : memref<4x4x8x128xf32, #tpu.memory_space<vmem>>, vector<16xf32>,
      tpu.vector_store %arg7[%swap3A_1847, %swap3A_1848, %swap3A_1849, %swap3A_1850], %gather3A_1844 {strides = array<i32>} : memref<4x4x8x128xf32, #tpu.memory_space<vmem>>, vector<16xf32>,
      %mul3A_1852 = arith.constant 128 : i32
      %mul3A_1853 = arith.muli %scan3A_14, %mul3A_1852 : i32
      %add3A_1854 = arith.constant 16 : i32
      %add3A_1855 = arith.addi %mul3A_1853, %add3A_1854 : i32
      %add3A_1856 = vector.broadcast %add3A_1855 : i32 to vector<16xi32>
      %add3A_1857 = arith.addi %add3A_1856, %iota3A : vector<16xi32>
      %gather3A_1858 = tpu.vector_load_idx %arg6[%add3A_1857, %broadcast_in_dim3A_1837] : memref<512x32xf32, #tpu.memory_space<vmem>>[vector<16xi32>, vector<16xi32>], vector<16xf32>,
      %swap3A_1859 = arith.constant 2 : i32
      %swap3A_1860 = arith.constant 0 : i32
      %swap3A_1861 = arith.index_cast %swap3A_1859 : i32 to index
      %swap3A_1862 = arith.index_cast %scan3A_14 : i32 to index
      %swap3A_1863 = arith.index_cast %swap3A_1860 : i32 to index
      %swap3A_1864 = arith.constant 16 : index
      %swap3A_1865 = tpu.vector_load %arg7[%swap3A_1861, %swap3A_1862, %swap3A_1863, %swap3A_1864] {strides = array<i32>} : memref<4x4x8x128xf32, #tpu.memory_space<vmem>>, vector<16xf32>,
      tpu.vector_store %arg7[%swap3A_1861, %swap3A_1862, %swap3A_1863, %swap3A_1864], %gather3A_1858 {strides = array<i32>} : memref<4x4x8x128xf32, #tpu.memory_space<vmem>>, vector<16xf32>,
      %mul3A_1866 = arith.constant 128 : i32
      %mul3A_1867 = arith.muli %scan3A_14, %mul3A_1866 : i32
      %add3A_1868 = arith.constant 32 : i32
      %add3A_1869 = arith.addi %mul3A_1867, %add3A_1868 : i32
      %add3A_1870 = vector.broadcast %add3A_1869 : i32 to vector<16xi32>
      %add3A_1871 = arith.addi %add3A_1870, %iota3A : vector<16xi32>
      %gather3A_1872 = tpu.vector_load_idx %arg6[%add3A_1871, %broadcast_in_dim3A_1837] : memref<512x32xf32, #tpu.memory_space<vmem>>[vector<16xi32>, vector<16xi32>], vector<16xf32>,
      %swap3A_1873 = arith.constant 2 : i32
      %swap3A_1874 = arith.constant 0 : i32
      %swap3A_1875 = arith.index_cast %swap3A_1873 : i32 to index
      %swap3A_1876 = arith.index_cast %scan3A_14 : i32 to index
      %swap3A_1877 = arith.index_cast %swap3A_1874 : i32 to index
      %swap3A_1878 = arith.constant 32 : index
      %swap3A_1879 = tpu.vector_load %arg7[%swap3A_1875, %swap3A_1876, %swap3A_1877, %swap3A_1878] {strides = array<i32>} : memref<4x4x8x128xf32, #tpu.memory_space<vmem>>, vector<16xf32>,
      tpu.vector_store %arg7[%swap3A_1875, %swap3A_1876, %swap3A_1877, %swap3A_1878], %gather3A_1872 {strides = array<i32>} : memref<4x4x8x128xf32, #tpu.memory_space<vmem>>, vector<16xf32>,
      %mul3A_1880 = arith.constant 128 : i32
      %mul3A_1881 = arith.muli %scan3A_14, %mul3A_1880 : i32
      %add3A_1882 = arith.constant 48 : i32
      %add3A_1883 = arith.addi %mul3A_1881, %add3A_1882 : i32
      %add3A_1884 = vector.broadcast %add3A_1883 : i32 to vector<16xi32>
      %add3A_1885 = arith.addi %add3A_1884, %iota3A : vector<16xi32>
      %gather3A_1886 = tpu.vector_load_idx %arg6[%add3A_1885, %broadcast_in_dim3A_1837] : memref<512x32xf32, #tpu.memory_space<vmem>>[vector<16xi32>, vector<16xi32>], vector<16xf32>,
      %swap3A_1887 = arith.constant 2 : i32
      %swap3A_1888 = arith.constant 0 : i32
      %swap3A_1889 = arith.index_cast %swap3A_1887 : i32 to index
      %swap3A_1890 = arith.index_cast %scan3A_14 : i32 to index
      %swap3A_1891 = arith.index_cast %swap3A_1888 : i32 to index
      %swap3A_1892 = arith.constant 48 : index
      %swap3A_1893 = tpu.vector_load %arg7[%swap3A_1889, %swap3A_1890, %swap3A_1891, %swap3A_1892] {strides = array<i32>} : memref<4x4x8x128xf32, #tpu.memory_space<vmem>>, vector<16xf32>,
      tpu.vector_store %arg7[%swap3A_1889, %swap3A_1890, %swap3A_1891, %swap3A_1892], %gather3A_1886 {strides = array<i32>} : memref<4x4x8x128xf32, #tpu.memory_space<vmem>>, vector<16xf32>,
      %mul3A_1894 = arith.constant 128 : i32
      %mul3A_1895 = arith.muli %scan3A_14, %mul3A_1894 : i32
      %add3A_1896 = arith.constant 64 : i32
      %add3A_1897 = arith.addi %mul3A_1895, %add3A_1896 : i32
      %add3A_1898 = vector.broadcast %add3A_1897 : i32 to vector<16xi32>
      %add3A_1899 = arith.addi %add3A_1898, %iota3A : vector<16xi32>
      %gather3A_1900 = tpu.vector_load_idx %arg6[%add3A_1899, %broadcast_in_dim3A_1837] : memref<512x32xf32, #tpu.memory_space<vmem>>[vector<16xi32>, vector<16xi32>], vector<16xf32>,
      %swap3A_1901 = arith.constant 2 : i32
      %swap3A_1902 = arith.constant 0 : i32
      %swap3A_1903 = arith.index_cast %swap3A_1901 : i32 to index
      %swap3A_1904 = arith.index_cast %scan3A_14 : i32 to index
      %swap3A_1905 = arith.index_cast %swap3A_1902 : i32 to index
      %swap3A_1906 = arith.constant 64 : index
      %swap3A_1907 = tpu.vector_load %arg7[%swap3A_1903, %swap3A_1904, %swap3A_1905, %swap3A_1906] {strides = array<i32>} : memref<4x4x8x128xf32, #tpu.memory_space<vmem>>, vector<16xf32>,
      tpu.vector_store %arg7[%swap3A_1903, %swap3A_1904, %swap3A_1905, %swap3A_1906], %gather3A_1900 {strides = array<i32>} : memref<4x4x8x128xf32, #tpu.memory_space<vmem>>, vector<16xf32>,
      %mul3A_1908 = arith.constant 128 : i32
      %mul3A_1909 = arith.muli %scan3A_14, %mul3A_1908 : i32
      %add3A_1910 = arith.constant 80 : i32
      %add3A_1911 = arith.addi %mul3A_1909, %add3A_1910 : i32
      %add3A_1912 = vector.broadcast %add3A_1911 : i32 to vector<16xi32>
      %add3A_1913 = arith.addi %add3A_1912, %iota3A : vector<16xi32>
      %gather3A_1914 = tpu.vector_load_idx %arg6[%add3A_1913, %broadcast_in_dim3A_1837] : memref<512x32xf32, #tpu.memory_space<vmem>>[vector<16xi32>, vector<16xi32>], vector<16xf32>,
      %swap3A_1915 = arith.constant 2 : i32
      %swap3A_1916 = arith.constant 0 : i32
      %swap3A_1917 = arith.index_cast %swap3A_1915 : i32 to index
      %swap3A_1918 = arith.index_cast %scan3A_14 : i32 to index
      %swap3A_1919 = arith.index_cast %swap3A_1916 : i32 to index
      %swap3A_1920 = arith.constant 80 : index
      %swap3A_1921 = tpu.vector_load %arg7[%swap3A_1917, %swap3A_1918, %swap3A_1919, %swap3A_1920] {strides = array<i32>} : memref<4x4x8x128xf32, #tpu.memory_space<vmem>>, vector<16xf32>,
      tpu.vector_store %arg7[%swap3A_1917, %swap3A_1918, %swap3A_1919, %swap3A_1920], %gather3A_1914 {strides = array<i32>} : memref<4x4x8x128xf32, #tpu.memory_space<vmem>>, vector<16xf32>,
      %mul3A_1922 = arith.constant 128 : i32
      %mul3A_1923 = arith.muli %scan3A_14, %mul3A_1922 : i32
      %add3A_1924 = arith.constant 96 : i32
      %add3A_1925 = arith.addi %mul3A_1923, %add3A_1924 : i32
      %add3A_1926 = vector.broadcast %add3A_1925 : i32 to vector<16xi32>
      %add3A_1927 = arith.addi %add3A_1926, %iota3A : vector<16xi32>
      %gather3A_1928 = tpu.vector_load_idx %arg6[%add3A_1927, %broadcast_in_dim3A_1837] : memref<512x32xf32, #tpu.memory_space<vmem>>[vector<16xi32>, vector<16xi32>], vector<16xf32>,
      %swap3A_1929 = arith.constant 2 : i32
      %swap3A_1930 = arith.constant 0 : i32
      %swap3A_1931 = arith.index_cast %swap3A_1929 : i32 to index
      %swap3A_1932 = arith.index_cast %scan3A_14 : i32 to index
      %swap3A_1933 = arith.index_cast %swap3A_1930 : i32 to index
      %swap3A_1934 = arith.constant 96 : index
      %swap3A_1935 = tpu.vector_load %arg7[%swap3A_1931, %swap3A_1932, %swap3A_1933, %swap3A_1934] {strides = array<i32>} : memref<4x4x8x128xf32, #tpu.memory_space<vmem>>, vector<16xf32>,
      tpu.vector_store %arg7[%swap3A_1931, %swap3A_1932, %swap3A_1933, %swap3A_1934], %gather3A_1928 {strides = array<i32>} : memref<4x4x8x128xf32, #tpu.memory_space<vmem>>, vector<16xf32>,
      %mul3A_1936 = arith.constant 128 : i32
      %mul3A_1937 = arith.muli %scan3A_14, %mul3A_1936 : i32
      %add3A_1938 = arith.constant 112 : i32
      %add3A_1939 = arith.addi %mul3A_1937, %add3A_1938 : i32
      %add3A_1940 = vector.broadcast %add3A_1939 : i32 to vector<16xi32>
      %add3A_1941 = arith.addi %add3A_1940, %iota3A : vector<16xi32>
      %gather3A_1942 = tpu.vector_load_idx %arg6[%add3A_1941, %broadcast_in_dim3A_1837] : memref<512x32xf32, #tpu.memory_space<vmem>>[vector<16xi32>, vector<16xi32>], vector<16xf32>,
      %swap3A_1943 = arith.constant 2 : i32
      %swap3A_1944 = arith.constant 0 : i32
      %swap3A_1945 = arith.index_cast %swap3A_1943 : i32 to index
      %swap3A_1946 = arith.index_cast %scan3A_14 : i32 to index
      %swap3A_1947 = arith.index_cast %swap3A_1944 : i32 to index
      %swap3A_1948 = arith.constant 112 : index
      %swap3A_1949 = tpu.vector_load %arg7[%swap3A_1945, %swap3A_1946, %swap3A_1947, %swap3A_1948] {strides = array<i32>} : memref<4x4x8x128xf32, #tpu.memory_space<vmem>>, vector<16xf32>,
      tpu.vector_store %arg7[%swap3A_1945, %swap3A_1946, %swap3A_1947, %swap3A_1948], %gather3A_1942 {strides = array<i32>} : memref<4x4x8x128xf32, #tpu.memory_space<vmem>>, vector<16xf32>,
      %broadcast_in_dim3A_1950 = arith.constant 17 : i32
      %broadcast_in_dim3A_1951 = vector.broadcast %broadcast_in_dim3A_1950 : i32 to vector<16xi32>
      %mul3A_1952 = arith.constant 128 : i32
      %mul3A_1953 = arith.muli %scan3A_14, %mul3A_1952 : i32
      %add3A_1954 = arith.constant 0 : i32
      %add3A_1955 = arith.addi %mul3A_1953, %add3A_1954 : i32
      %add3A_1956 = vector.broadcast %add3A_1955 : i32 to vector<16xi32>
      %add3A_1957 = arith.addi %add3A_1956, %iota3A : vector<16xi32>
      %gather3A_1958 = tpu.vector_load_idx %arg6[%add3A_1957, %broadcast_in_dim3A_1951] : memref<512x32xf32, #tpu.memory_space<vmem>>[vector<16xi32>, vector<16xi32>], vector<16xf32>,
      %swap3A_1959 = arith.constant 2 : i32
      %swap3A_1960 = arith.constant 1 : i32
      %swap3A_1961 = arith.index_cast %swap3A_1959 : i32 to index
      %swap3A_1962 = arith.index_cast %scan3A_14 : i32 to index
      %swap3A_1963 = arith.index_cast %swap3A_1960 : i32 to index
      %swap3A_1964 = arith.constant 0 : index
      %swap3A_1965 = tpu.vector_load %arg7[%swap3A_1961, %swap3A_1962, %swap3A_1963, %swap3A_1964] {strides = array<i32>} : memref<4x4x8x128xf32, #tpu.memory_space<vmem>>, vector<16xf32>,
      tpu.vector_store %arg7[%swap3A_1961, %swap3A_1962, %swap3A_1963, %swap3A_1964], %gather3A_1958 {strides = array<i32>} : memref<4x4x8x128xf32, #tpu.memory_space<vmem>>, vector<16xf32>,
      %mul3A_1966 = arith.constant 128 : i32
      %mul3A_1967 = arith.muli %scan3A_14, %mul3A_1966 : i32
      %add3A_1968 = arith.constant 16 : i32
      %add3A_1969 = arith.addi %mul3A_1967, %add3A_1968 : i32
      %add3A_1970 = vector.broadcast %add3A_1969 : i32 to vector<16xi32>
      %add3A_1971 = arith.addi %add3A_1970, %iota3A : vector<16xi32>
      %gather3A_1972 = tpu.vector_load_idx %arg6[%add3A_1971, %broadcast_in_dim3A_1951] : memref<512x32xf32, #tpu.memory_space<vmem>>[vector<16xi32>, vector<16xi32>], vector<16xf32>,
      %swap3A_1973 = arith.constant 2 : i32
      %swap3A_1974 = arith.constant 1 : i32
      %swap3A_1975 = arith.index_cast %swap3A_1973 : i32 to index
      %swap3A_1976 = arith.index_cast %scan3A_14 : i32 to index
      %swap3A_1977 = arith.index_cast %swap3A_1974 : i32 to index
      %swap3A_1978 = arith.constant 16 : index
      %swap3A_1979 = tpu.vector_load %arg7[%swap3A_1975, %swap3A_1976, %swap3A_1977, %swap3A_1978] {strides = array<i32>} : memref<4x4x8x128xf32, #tpu.memory_space<vmem>>, vector<16xf32>,
      tpu.vector_store %arg7[%swap3A_1975, %swap3A_1976, %swap3A_1977, %swap3A_1978], %gather3A_1972 {strides = array<i32>} : memref<4x4x8x128xf32, #tpu.memory_space<vmem>>, vector<16xf32>,
      %mul3A_1980 = arith.constant 128 : i32
      %mul3A_1981 = arith.muli %scan3A_14, %mul3A_1980 : i32
      %add3A_1982 = arith.constant 32 : i32
      %add3A_1983 = arith.addi %mul3A_1981, %add3A_1982 : i32
      %add3A_1984 = vector.broadcast %add3A_1983 : i32 to vector<16xi32>
      %add3A_1985 = arith.addi %add3A_1984, %iota3A : vector<16xi32>
      %gather3A_1986 = tpu.vector_load_idx %arg6[%add3A_1985, %broadcast_in_dim3A_1951] : memref<512x32xf32, #tpu.memory_space<vmem>>[vector<16xi32>, vector<16xi32>], vector<16xf32>,
      %swap3A_1987 = arith.constant 2 : i32
      %swap3A_1988 = arith.constant 1 : i32
      %swap3A_1989 = arith.index_cast %swap3A_1987 : i32 to index
      %swap3A_1990 = arith.index_cast %scan3A_14 : i32 to index
      %swap3A_1991 = arith.index_cast %swap3A_1988 : i32 to index
      %swap3A_1992 = arith.constant 32 : index
      %swap3A_1993 = tpu.vector_load %arg7[%swap3A_1989, %swap3A_1990, %swap3A_1991, %swap3A_1992] {strides = array<i32>} : memref<4x4x8x128xf32, #tpu.memory_space<vmem>>, vector<16xf32>,
      tpu.vector_store %arg7[%swap3A_1989, %swap3A_1990, %swap3A_1991, %swap3A_1992], %gather3A_1986 {strides = array<i32>} : memref<4x4x8x128xf32, #tpu.memory_space<vmem>>, vector<16xf32>,
      %mul3A_1994 = arith.constant 128 : i32
      %mul3A_1995 = arith.muli %scan3A_14, %mul3A_1994 : i32
      %add3A_1996 = arith.constant 48 : i32
      %add3A_1997 = arith.addi %mul3A_1995, %add3A_1996 : i32
      %add3A_1998 = vector.broadcast %add3A_1997 : i32 to vector<16xi32>
      %add3A_1999 = arith.addi %add3A_1998, %iota3A : vector<16xi32>
      %gather3A_2000 = tpu.vector_load_idx %arg6[%add3A_1999, %broadcast_in_dim3A_1951] : memref<512x32xf32, #tpu.memory_space<vmem>>[vector<16xi32>, vector<16xi32>], vector<16xf32>,
      %swap3A_2001 = arith.constant 2 : i32
      %swap3A_2002 = arith.constant 1 : i32
      %swap3A_2003 = arith.index_cast %swap3A_2001 : i32 to index
      %swap3A_2004 = arith.index_cast %scan3A_14 : i32 to index
      %swap3A_2005 = arith.index_cast %swap3A_2002 : i32 to index
      %swap3A_2006 = arith.constant 48 : index
      %swap3A_2007 = tpu.vector_load %arg7[%swap3A_2003, %swap3A_2004, %swap3A_2005, %swap3A_2006] {strides = array<i32>} : memref<4x4x8x128xf32, #tpu.memory_space<vmem>>, vector<16xf32>,
      tpu.vector_store %arg7[%swap3A_2003, %swap3A_2004, %swap3A_2005, %swap3A_2006], %gather3A_2000 {strides = array<i32>} : memref<4x4x8x128xf32, #tpu.memory_space<vmem>>, vector<16xf32>,
      %mul3A_2008 = arith.constant 128 : i32
      %mul3A_2009 = arith.muli %scan3A_14, %mul3A_2008 : i32
      %add3A_2010 = arith.constant 64 : i32
      %add3A_2011 = arith.addi %mul3A_2009, %add3A_2010 : i32
      %add3A_2012 = vector.broadcast %add3A_2011 : i32 to vector<16xi32>
      %add3A_2013 = arith.addi %add3A_2012, %iota3A : vector<16xi32>
      %gather3A_2014 = tpu.vector_load_idx %arg6[%add3A_2013, %broadcast_in_dim3A_1951] : memref<512x32xf32, #tpu.memory_space<vmem>>[vector<16xi32>, vector<16xi32>], vector<16xf32>,
      %swap3A_2015 = arith.constant 2 : i32
      %swap3A_2016 = arith.constant 1 : i32
      %swap3A_2017 = arith.index_cast %swap3A_2015 : i32 to index
      %swap3A_2018 = arith.index_cast %scan3A_14 : i32 to index
      %swap3A_2019 = arith.index_cast %swap3A_2016 : i32 to index
      %swap3A_2020 = arith.constant 64 : index
      %swap3A_2021 = tpu.vector_load %arg7[%swap3A_2017, %swap3A_2018, %swap3A_2019, %swap3A_2020] {strides = array<i32>} : memref<4x4x8x128xf32, #tpu.memory_space<vmem>>, vector<16xf32>,
      tpu.vector_store %arg7[%swap3A_2017, %swap3A_2018, %swap3A_2019, %swap3A_2020], %gather3A_2014 {strides = array<i32>} : memref<4x4x8x128xf32, #tpu.memory_space<vmem>>, vector<16xf32>,
      %mul3A_2022 = arith.constant 128 : i32
      %mul3A_2023 = arith.muli %scan3A_14, %mul3A_2022 : i32
      %add3A_2024 = arith.constant 80 : i32
      %add3A_2025 = arith.addi %mul3A_2023, %add3A_2024 : i32
      %add3A_2026 = vector.broadcast %add3A_2025 : i32 to vector<16xi32>
      %add3A_2027 = arith.addi %add3A_2026, %iota3A : vector<16xi32>
      %gather3A_2028 = tpu.vector_load_idx %arg6[%add3A_2027, %broadcast_in_dim3A_1951] : memref<512x32xf32, #tpu.memory_space<vmem>>[vector<16xi32>, vector<16xi32>], vector<16xf32>,
      %swap3A_2029 = arith.constant 2 : i32
      %swap3A_2030 = arith.constant 1 : i32
      %swap3A_2031 = arith.index_cast %swap3A_2029 : i32 to index
      %swap3A_2032 = arith.index_cast %scan3A_14 : i32 to index
      %swap3A_2033 = arith.index_cast %swap3A_2030 : i32 to index
      %swap3A_2034 = arith.constant 80 : index
      %swap3A_2035 = tpu.vector_load %arg7[%swap3A_2031, %swap3A_2032, %swap3A_2033, %swap3A_2034] {strides = array<i32>} : memref<4x4x8x128xf32, #tpu.memory_space<vmem>>, vector<16xf32>,
      tpu.vector_store %arg7[%swap3A_2031, %swap3A_2032, %swap3A_2033, %swap3A_2034], %gather3A_2028 {strides = array<i32>} : memref<4x4x8x128xf32, #tpu.memory_space<vmem>>, vector<16xf32>,
      %mul3A_2036 = arith.constant 128 : i32
      %mul3A_2037 = arith.muli %scan3A_14, %mul3A_2036 : i32
      %add3A_2038 = arith.constant 96 : i32
      %add3A_2039 = arith.addi %mul3A_2037, %add3A_2038 : i32
      %add3A_2040 = vector.broadcast %add3A_2039 : i32 to vector<16xi32>
      %add3A_2041 = arith.addi %add3A_2040, %iota3A : vector<16xi32>
      %gather3A_2042 = tpu.vector_load_idx %arg6[%add3A_2041, %broadcast_in_dim3A_1951] : memref<512x32xf32, #tpu.memory_space<vmem>>[vector<16xi32>, vector<16xi32>], vector<16xf32>,
      %swap3A_2043 = arith.constant 2 : i32
      %swap3A_2044 = arith.constant 1 : i32
      %swap3A_2045 = arith.index_cast %swap3A_2043 : i32 to index
      %swap3A_2046 = arith.index_cast %scan3A_14 : i32 to index
      %swap3A_2047 = arith.index_cast %swap3A_2044 : i32 to index
      %swap3A_2048 = arith.constant 96 : index
      %swap3A_2049 = tpu.vector_load %arg7[%swap3A_2045, %swap3A_2046, %swap3A_2047, %swap3A_2048] {strides = array<i32>} : memref<4x4x8x128xf32, #tpu.memory_space<vmem>>, vector<16xf32>,
      tpu.vector_store %arg7[%swap3A_2045, %swap3A_2046, %swap3A_2047, %swap3A_2048], %gather3A_2042 {strides = array<i32>} : memref<4x4x8x128xf32, #tpu.memory_space<vmem>>, vector<16xf32>,
      %mul3A_2050 = arith.constant 128 : i32
      %mul3A_2051 = arith.muli %scan3A_14, %mul3A_2050 : i32
      %add3A_2052 = arith.constant 112 : i32
      %add3A_2053 = arith.addi %mul3A_2051, %add3A_2052 : i32
      %add3A_2054 = vector.broadcast %add3A_2053 : i32 to vector<16xi32>
      %add3A_2055 = arith.addi %add3A_2054, %iota3A : vector<16xi32>
      %gather3A_2056 = tpu.vector_load_idx %arg6[%add3A_2055, %broadcast_in_dim3A_1951] : memref<512x32xf32, #tpu.memory_space<vmem>>[vector<16xi32>, vector<16xi32>], vector<16xf32>,
      %swap3A_2057 = arith.constant 2 : i32
      %swap3A_2058 = arith.constant 1 : i32
      %swap3A_2059 = arith.index_cast %swap3A_2057 : i32 to index
      %swap3A_2060 = arith.index_cast %scan3A_14 : i32 to index
      %swap3A_2061 = arith.index_cast %swap3A_2058 : i32 to index
      %swap3A_2062 = arith.constant 112 : index
      %swap3A_2063 = tpu.vector_load %arg7[%swap3A_2059, %swap3A_2060, %swap3A_2061, %swap3A_2062] {strides = array<i32>} : memref<4x4x8x128xf32, #tpu.memory_space<vmem>>, vector<16xf32>,
      tpu.vector_store %arg7[%swap3A_2059, %swap3A_2060, %swap3A_2061, %swap3A_2062], %gather3A_2056 {strides = array<i32>} : memref<4x4x8x128xf32, #tpu.memory_space<vmem>>, vector<16xf32>,
      %broadcast_in_dim3A_2064 = arith.constant 18 : i32
      %broadcast_in_dim3A_2065 = vector.broadcast %broadcast_in_dim3A_2064 : i32 to vector<16xi32>
      %mul3A_2066 = arith.constant 128 : i32
      %mul3A_2067 = arith.muli %scan3A_14, %mul3A_2066 : i32
      %add3A_2068 = arith.constant 0 : i32
      %add3A_2069 = arith.addi %mul3A_2067, %add3A_2068 : i32
      %add3A_2070 = vector.broadcast %add3A_2069 : i32 to vector<16xi32>
      %add3A_2071 = arith.addi %add3A_2070, %iota3A : vector<16xi32>
      %gather3A_2072 = tpu.vector_load_idx %arg6[%add3A_2071, %broadcast_in_dim3A_2065] : memref<512x32xf32, #tpu.memory_space<vmem>>[vector<16xi32>, vector<16xi32>], vector<16xf32>,
      %swap3A_2073 = arith.constant 2 : i32
      %swap3A_2074 = arith.constant 2 : i32
      %swap3A_2075 = arith.index_cast %swap3A_2073 : i32 to index
      %swap3A_2076 = arith.index_cast %scan3A_14 : i32 to index
      %swap3A_2077 = arith.index_cast %swap3A_2074 : i32 to index
      %swap3A_2078 = arith.constant 0 : index
      %swap3A_2079 = tpu.vector_load %arg7[%swap3A_2075, %swap3A_2076, %swap3A_2077, %swap3A_2078] {strides = array<i32>} : memref<4x4x8x128xf32, #tpu.memory_space<vmem>>, vector<16xf32>,
      tpu.vector_store %arg7[%swap3A_2075, %swap3A_2076, %swap3A_2077, %swap3A_2078], %gather3A_2072 {strides = array<i32>} : memref<4x4x8x128xf32, #tpu.memory_space<vmem>>, vector<16xf32>,
      %mul3A_2080 = arith.constant 128 : i32
      %mul3A_2081 = arith.muli %scan3A_14, %mul3A_2080 : i32
      %add3A_2082 = arith.constant 16 : i32
      %add3A_2083 = arith.addi %mul3A_2081, %add3A_2082 : i32
      %add3A_2084 = vector.broadcast %add3A_2083 : i32 to vector<16xi32>
      %add3A_2085 = arith.addi %add3A_2084, %iota3A : vector<16xi32>
      %gather3A_2086 = tpu.vector_load_idx %arg6[%add3A_2085, %broadcast_in_dim3A_2065] : memref<512x32xf32, #tpu.memory_space<vmem>>[vector<16xi32>, vector<16xi32>], vector<16xf32>,
      %swap3A_2087 = arith.constant 2 : i32
      %swap3A_2088 = arith.constant 2 : i32
      %swap3A_2089 = arith.index_cast %swap3A_2087 : i32 to index
      %swap3A_2090 = arith.index_cast %scan3A_14 : i32 to index
      %swap3A_2091 = arith.index_cast %swap3A_2088 : i32 to index
      %swap3A_2092 = arith.constant 16 : index
      %swap3A_2093 = tpu.vector_load %arg7[%swap3A_2089, %swap3A_2090, %swap3A_2091, %swap3A_2092] {strides = array<i32>} : memref<4x4x8x128xf32, #tpu.memory_space<vmem>>, vector<16xf32>,
      tpu.vector_store %arg7[%swap3A_2089, %swap3A_2090, %swap3A_2091, %swap3A_2092], %gather3A_2086 {strides = array<i32>} : memref<4x4x8x128xf32, #tpu.memory_space<vmem>>, vector<16xf32>,
      %mul3A_2094 = arith.constant 128 : i32
      %mul3A_2095 = arith.muli %scan3A_14, %mul3A_2094 : i32
      %add3A_2096 = arith.constant 32 : i32
      %add3A_2097 = arith.addi %mul3A_2095, %add3A_2096 : i32
      %add3A_2098 = vector.broadcast %add3A_2097 : i32 to vector<16xi32>
      %add3A_2099 = arith.addi %add3A_2098, %iota3A : vector<16xi32>
      %gather3A_2100 = tpu.vector_load_idx %arg6[%add3A_2099, %broadcast_in_dim3A_2065] : memref<512x32xf32, #tpu.memory_space<vmem>>[vector<16xi32>, vector<16xi32>], vector<16xf32>,
      %swap3A_2101 = arith.constant 2 : i32
      %swap3A_2102 = arith.constant 2 : i32
      %swap3A_2103 = arith.index_cast %swap3A_2101 : i32 to index
      %swap3A_2104 = arith.index_cast %scan3A_14 : i32 to index
      %swap3A_2105 = arith.index_cast %swap3A_2102 : i32 to index
      %swap3A_2106 = arith.constant 32 : index
      %swap3A_2107 = tpu.vector_load %arg7[%swap3A_2103, %swap3A_2104, %swap3A_2105, %swap3A_2106] {strides = array<i32>} : memref<4x4x8x128xf32, #tpu.memory_space<vmem>>, vector<16xf32>,
      tpu.vector_store %arg7[%swap3A_2103, %swap3A_2104, %swap3A_2105, %swap3A_2106], %gather3A_2100 {strides = array<i32>} : memref<4x4x8x128xf32, #tpu.memory_space<vmem>>, vector<16xf32>,
      %mul3A_2108 = arith.constant 128 : i32
      %mul3A_2109 = arith.muli %scan3A_14, %mul3A_2108 : i32
      %add3A_2110 = arith.constant 48 : i32
      %add3A_2111 = arith.addi %mul3A_2109, %add3A_2110 : i32
      %add3A_2112 = vector.broadcast %add3A_2111 : i32 to vector<16xi32>
      %add3A_2113 = arith.addi %add3A_2112, %iota3A : vector<16xi32>
      %gather3A_2114 = tpu.vector_load_idx %arg6[%add3A_2113, %broadcast_in_dim3A_2065] : memref<512x32xf32, #tpu.memory_space<vmem>>[vector<16xi32>, vector<16xi32>], vector<16xf32>,
      %swap3A_2115 = arith.constant 2 : i32
      %swap3A_2116 = arith.constant 2 : i32
      %swap3A_2117 = arith.index_cast %swap3A_2115 : i32 to index
      %swap3A_2118 = arith.index_cast %scan3A_14 : i32 to index
      %swap3A_2119 = arith.index_cast %swap3A_2116 : i32 to index
      %swap3A_2120 = arith.constant 48 : index
      %swap3A_2121 = tpu.vector_load %arg7[%swap3A_2117, %swap3A_2118, %swap3A_2119, %swap3A_2120] {strides = array<i32>} : memref<4x4x8x128xf32, #tpu.memory_space<vmem>>, vector<16xf32>,
      tpu.vector_store %arg7[%swap3A_2117, %swap3A_2118, %swap3A_2119, %swap3A_2120], %gather3A_2114 {strides = array<i32>} : memref<4x4x8x128xf32, #tpu.memory_space<vmem>>, vector<16xf32>,
      %mul3A_2122 = arith.constant 128 : i32
      %mul3A_2123 = arith.muli %scan3A_14, %mul3A_2122 : i32
      %add3A_2124 = arith.constant 64 : i32
      %add3A_2125 = arith.addi %mul3A_2123, %add3A_2124 : i32
      %add3A_2126 = vector.broadcast %add3A_2125 : i32 to vector<16xi32>
      %add3A_2127 = arith.addi %add3A_2126, %iota3A : vector<16xi32>
      %gather3A_2128 = tpu.vector_load_idx %arg6[%add3A_2127, %broadcast_in_dim3A_2065] : memref<512x32xf32, #tpu.memory_space<vmem>>[vector<16xi32>, vector<16xi32>], vector<16xf32>,
      %swap3A_2129 = arith.constant 2 : i32
      %swap3A_2130 = arith.constant 2 : i32
      %swap3A_2131 = arith.index_cast %swap3A_2129 : i32 to index
      %swap3A_2132 = arith.index_cast %scan3A_14 : i32 to index
      %swap3A_2133 = arith.index_cast %swap3A_2130 : i32 to index
      %swap3A_2134 = arith.constant 64 : index
      %swap3A_2135 = tpu.vector_load %arg7[%swap3A_2131, %swap3A_2132, %swap3A_2133, %swap3A_2134] {strides = array<i32>} : memref<4x4x8x128xf32, #tpu.memory_space<vmem>>, vector<16xf32>,
      tpu.vector_store %arg7[%swap3A_2131, %swap3A_2132, %swap3A_2133, %swap3A_2134], %gather3A_2128 {strides = array<i32>} : memref<4x4x8x128xf32, #tpu.memory_space<vmem>>, vector<16xf32>,
      %mul3A_2136 = arith.constant 128 : i32
      %mul3A_2137 = arith.muli %scan3A_14, %mul3A_2136 : i32
      %add3A_2138 = arith.constant 80 : i32
      %add3A_2139 = arith.addi %mul3A_2137, %add3A_2138 : i32
      %add3A_2140 = vector.broadcast %add3A_2139 : i32 to vector<16xi32>
      %add3A_2141 = arith.addi %add3A_2140, %iota3A : vector<16xi32>
      %gather3A_2142 = tpu.vector_load_idx %arg6[%add3A_2141, %broadcast_in_dim3A_2065] : memref<512x32xf32, #tpu.memory_space<vmem>>[vector<16xi32>, vector<16xi32>], vector<16xf32>,
      %swap3A_2143 = arith.constant 2 : i32
      %swap3A_2144 = arith.constant 2 : i32
      %swap3A_2145 = arith.index_cast %swap3A_2143 : i32 to index
      %swap3A_2146 = arith.index_cast %scan3A_14 : i32 to index
      %swap3A_2147 = arith.index_cast %swap3A_2144 : i32 to index
      %swap3A_2148 = arith.constant 80 : index
      %swap3A_2149 = tpu.vector_load %arg7[%swap3A_2145, %swap3A_2146, %swap3A_2147, %swap3A_2148] {strides = array<i32>} : memref<4x4x8x128xf32, #tpu.memory_space<vmem>>, vector<16xf32>,
      tpu.vector_store %arg7[%swap3A_2145, %swap3A_2146, %swap3A_2147, %swap3A_2148], %gather3A_2142 {strides = array<i32>} : memref<4x4x8x128xf32, #tpu.memory_space<vmem>>, vector<16xf32>,
      %mul3A_2150 = arith.constant 128 : i32
      %mul3A_2151 = arith.muli %scan3A_14, %mul3A_2150 : i32
      %add3A_2152 = arith.constant 96 : i32
      %add3A_2153 = arith.addi %mul3A_2151, %add3A_2152 : i32
      %add3A_2154 = vector.broadcast %add3A_2153 : i32 to vector<16xi32>
      %add3A_2155 = arith.addi %add3A_2154, %iota3A : vector<16xi32>
      %gather3A_2156 = tpu.vector_load_idx %arg6[%add3A_2155, %broadcast_in_dim3A_2065] : memref<512x32xf32, #tpu.memory_space<vmem>>[vector<16xi32>, vector<16xi32>], vector<16xf32>,
      %swap3A_2157 = arith.constant 2 : i32
      %swap3A_2158 = arith.constant 2 : i32
      %swap3A_2159 = arith.index_cast %swap3A_2157 : i32 to index
      %swap3A_2160 = arith.index_cast %scan3A_14 : i32 to index
      %swap3A_2161 = arith.index_cast %swap3A_2158 : i32 to index
      %swap3A_2162 = arith.constant 96 : index
      %swap3A_2163 = tpu.vector_load %arg7[%swap3A_2159, %swap3A_2160, %swap3A_2161, %swap3A_2162] {strides = array<i32>} : memref<4x4x8x128xf32, #tpu.memory_space<vmem>>, vector<16xf32>,
      tpu.vector_store %arg7[%swap3A_2159, %swap3A_2160, %swap3A_2161, %swap3A_2162], %gather3A_2156 {strides = array<i32>} : memref<4x4x8x128xf32, #tpu.memory_space<vmem>>, vector<16xf32>,
      %mul3A_2164 = arith.constant 128 : i32
      %mul3A_2165 = arith.muli %scan3A_14, %mul3A_2164 : i32
      %add3A_2166 = arith.constant 112 : i32
      %add3A_2167 = arith.addi %mul3A_2165, %add3A_2166 : i32
      %add3A_2168 = vector.broadcast %add3A_2167 : i32 to vector<16xi32>
      %add3A_2169 = arith.addi %add3A_2168, %iota3A : vector<16xi32>
      %gather3A_2170 = tpu.vector_load_idx %arg6[%add3A_2169, %broadcast_in_dim3A_2065] : memref<512x32xf32, #tpu.memory_space<vmem>>[vector<16xi32>, vector<16xi32>], vector<16xf32>,
      %swap3A_2171 = arith.constant 2 : i32
      %swap3A_2172 = arith.constant 2 : i32
      %swap3A_2173 = arith.index_cast %swap3A_2171 : i32 to index
      %swap3A_2174 = arith.index_cast %scan3A_14 : i32 to index
      %swap3A_2175 = arith.index_cast %swap3A_2172 : i32 to index
      %swap3A_2176 = arith.constant 112 : index
      %swap3A_2177 = tpu.vector_load %arg7[%swap3A_2173, %swap3A_2174, %swap3A_2175, %swap3A_2176] {strides = array<i32>} : memref<4x4x8x128xf32, #tpu.memory_space<vmem>>, vector<16xf32>,
      tpu.vector_store %arg7[%swap3A_2173, %swap3A_2174, %swap3A_2175, %swap3A_2176], %gather3A_2170 {strides = array<i32>} : memref<4x4x8x128xf32, #tpu.memory_space<vmem>>, vector<16xf32>,
      %broadcast_in_dim3A_2178 = arith.constant 19 : i32
      %broadcast_in_dim3A_2179 = vector.broadcast %broadcast_in_dim3A_2178 : i32 to vector<16xi32>
      %mul3A_2180 = arith.constant 128 : i32
      %mul3A_2181 = arith.muli %scan3A_14, %mul3A_2180 : i32
      %add3A_2182 = arith.constant 0 : i32
      %add3A_2183 = arith.addi %mul3A_2181, %add3A_2182 : i32
      %add3A_2184 = vector.broadcast %add3A_2183 : i32 to vector<16xi32>
      %add3A_2185 = arith.addi %add3A_2184, %iota3A : vector<16xi32>
      %gather3A_2186 = tpu.vector_load_idx %arg6[%add3A_2185, %broadcast_in_dim3A_2179] : memref<512x32xf32, #tpu.memory_space<vmem>>[vector<16xi32>, vector<16xi32>], vector<16xf32>,
      %swap3A_2187 = arith.constant 2 : i32
      %swap3A_2188 = arith.constant 3 : i32
      %swap3A_2189 = arith.index_cast %swap3A_2187 : i32 to index
      %swap3A_2190 = arith.index_cast %scan3A_14 : i32 to index
      %swap3A_2191 = arith.index_cast %swap3A_2188 : i32 to index
      %swap3A_2192 = arith.constant 0 : index
      %swap3A_2193 = tpu.vector_load %arg7[%swap3A_2189, %swap3A_2190, %swap3A_2191, %swap3A_2192] {strides = array<i32>} : memref<4x4x8x128xf32, #tpu.memory_space<vmem>>, vector<16xf32>,
      tpu.vector_store %arg7[%swap3A_2189, %swap3A_2190, %swap3A_2191, %swap3A_2192], %gather3A_2186 {strides = array<i32>} : memref<4x4x8x128xf32, #tpu.memory_space<vmem>>, vector<16xf32>,
      %mul3A_2194 = arith.constant 128 : i32
      %mul3A_2195 = arith.muli %scan3A_14, %mul3A_2194 : i32
      %add3A_2196 = arith.constant 16 : i32
      %add3A_2197 = arith.addi %mul3A_2195, %add3A_2196 : i32
      %add3A_2198 = vector.broadcast %add3A_2197 : i32 to vector<16xi32>
      %add3A_2199 = arith.addi %add3A_2198, %iota3A : vector<16xi32>
      %gather3A_2200 = tpu.vector_load_idx %arg6[%add3A_2199, %broadcast_in_dim3A_2179] : memref<512x32xf32, #tpu.memory_space<vmem>>[vector<16xi32>, vector<16xi32>], vector<16xf32>,
      %swap3A_2201 = arith.constant 2 : i32
      %swap3A_2202 = arith.constant 3 : i32
      %swap3A_2203 = arith.index_cast %swap3A_2201 : i32 to index
      %swap3A_2204 = arith.index_cast %scan3A_14 : i32 to index
      %swap3A_2205 = arith.index_cast %swap3A_2202 : i32 to index
      %swap3A_2206 = arith.constant 16 : index
      %swap3A_2207 = tpu.vector_load %arg7[%swap3A_2203, %swap3A_2204, %swap3A_2205, %swap3A_2206] {strides = array<i32>} : memref<4x4x8x128xf32, #tpu.memory_space<vmem>>, vector<16xf32>,
      tpu.vector_store %arg7[%swap3A_2203, %swap3A_2204, %swap3A_2205, %swap3A_2206], %gather3A_2200 {strides = array<i32>} : memref<4x4x8x128xf32, #tpu.memory_space<vmem>>, vector<16xf32>,
      %mul3A_2208 = arith.constant 128 : i32
      %mul3A_2209 = arith.muli %scan3A_14, %mul3A_2208 : i32
      %add3A_2210 = arith.constant 32 : i32
      %add3A_2211 = arith.addi %mul3A_2209, %add3A_2210 : i32
      %add3A_2212 = vector.broadcast %add3A_2211 : i32 to vector<16xi32>
      %add3A_2213 = arith.addi %add3A_2212, %iota3A : vector<16xi32>
      %gather3A_2214 = tpu.vector_load_idx %arg6[%add3A_2213, %broadcast_in_dim3A_2179] : memref<512x32xf32, #tpu.memory_space<vmem>>[vector<16xi32>, vector<16xi32>], vector<16xf32>,
      %swap3A_2215 = arith.constant 2 : i32
      %swap3A_2216 = arith.constant 3 : i32
      %swap3A_2217 = arith.index_cast %swap3A_2215 : i32 to index
      %swap3A_2218 = arith.index_cast %scan3A_14 : i32 to index
      %swap3A_2219 = arith.index_cast %swap3A_2216 : i32 to index
      %swap3A_2220 = arith.constant 32 : index
      %swap3A_2221 = tpu.vector_load %arg7[%swap3A_2217, %swap3A_2218, %swap3A_2219, %swap3A_2220] {strides = array<i32>} : memref<4x4x8x128xf32, #tpu.memory_space<vmem>>, vector<16xf32>,
      tpu.vector_store %arg7[%swap3A_2217, %swap3A_2218, %swap3A_2219, %swap3A_2220], %gather3A_2214 {strides = array<i32>} : memref<4x4x8x128xf32, #tpu.memory_space<vmem>>, vector<16xf32>,
      %mul3A_2222 = arith.constant 128 : i32
      %mul3A_2223 = arith.muli %scan3A_14, %mul3A_2222 : i32
      %add3A_2224 = arith.constant 48 : i32
      %add3A_2225 = arith.addi %mul3A_2223, %add3A_2224 : i32
      %add3A_2226 = vector.broadcast %add3A_2225 : i32 to vector<16xi32>
      %add3A_2227 = arith.addi %add3A_2226, %iota3A : vector<16xi32>
      %gather3A_2228 = tpu.vector_load_idx %arg6[%add3A_2227, %broadcast_in_dim3A_2179] : memref<512x32xf32, #tpu.memory_space<vmem>>[vector<16xi32>, vector<16xi32>], vector<16xf32>,
      %swap3A_2229 = arith.constant 2 : i32
      %swap3A_2230 = arith.constant 3 : i32
      %swap3A_2231 = arith.index_cast %swap3A_2229 : i32 to index
      %swap3A_2232 = arith.index_cast %scan3A_14 : i32 to index
      %swap3A_2233 = arith.index_cast %swap3A_2230 : i32 to index
      %swap3A_2234 = arith.constant 48 : index
      %swap3A_2235 = tpu.vector_load %arg7[%swap3A_2231, %swap3A_2232, %swap3A_2233, %swap3A_2234] {strides = array<i32>} : memref<4x4x8x128xf32, #tpu.memory_space<vmem>>, vector<16xf32>,
      tpu.vector_store %arg7[%swap3A_2231, %swap3A_2232, %swap3A_2233, %swap3A_2234], %gather3A_2228 {strides = array<i32>} : memref<4x4x8x128xf32, #tpu.memory_space<vmem>>, vector<16xf32>,
      %mul3A_2236 = arith.constant 128 : i32
      %mul3A_2237 = arith.muli %scan3A_14, %mul3A_2236 : i32
      %add3A_2238 = arith.constant 64 : i32
      %add3A_2239 = arith.addi %mul3A_2237, %add3A_2238 : i32
      %add3A_2240 = vector.broadcast %add3A_2239 : i32 to vector<16xi32>
      %add3A_2241 = arith.addi %add3A_2240, %iota3A : vector<16xi32>
      %gather3A_2242 = tpu.vector_load_idx %arg6[%add3A_2241, %broadcast_in_dim3A_2179] : memref<512x32xf32, #tpu.memory_space<vmem>>[vector<16xi32>, vector<16xi32>], vector<16xf32>,
      %swap3A_2243 = arith.constant 2 : i32
      %swap3A_2244 = arith.constant 3 : i32
      %swap3A_2245 = arith.index_cast %swap3A_2243 : i32 to index
      %swap3A_2246 = arith.index_cast %scan3A_14 : i32 to index
      %swap3A_2247 = arith.index_cast %swap3A_2244 : i32 to index
      %swap3A_2248 = arith.constant 64 : index
      %swap3A_2249 = tpu.vector_load %arg7[%swap3A_2245, %swap3A_2246, %swap3A_2247, %swap3A_2248] {strides = array<i32>} : memref<4x4x8x128xf32, #tpu.memory_space<vmem>>, vector<16xf32>,
      tpu.vector_store %arg7[%swap3A_2245, %swap3A_2246, %swap3A_2247, %swap3A_2248], %gather3A_2242 {strides = array<i32>} : memref<4x4x8x128xf32, #tpu.memory_space<vmem>>, vector<16xf32>,
      %mul3A_2250 = arith.constant 128 : i32
      %mul3A_2251 = arith.muli %scan3A_14, %mul3A_2250 : i32
      %add3A_2252 = arith.constant 80 : i32
      %add3A_2253 = arith.addi %mul3A_2251, %add3A_2252 : i32
      %add3A_2254 = vector.broadcast %add3A_2253 : i32 to vector<16xi32>
      %add3A_2255 = arith.addi %add3A_2254, %iota3A : vector<16xi32>
      %gather3A_2256 = tpu.vector_load_idx %arg6[%add3A_2255, %broadcast_in_dim3A_2179] : memref<512x32xf32, #tpu.memory_space<vmem>>[vector<16xi32>, vector<16xi32>], vector<16xf32>,
      %swap3A_2257 = arith.constant 2 : i32
      %swap3A_2258 = arith.constant 3 : i32
      %swap3A_2259 = arith.index_cast %swap3A_2257 : i32 to index
      %swap3A_2260 = arith.index_cast %scan3A_14 : i32 to index
      %swap3A_2261 = arith.index_cast %swap3A_2258 : i32 to index
      %swap3A_2262 = arith.constant 80 : index
      %swap3A_2263 = tpu.vector_load %arg7[%swap3A_2259, %swap3A_2260, %swap3A_2261, %swap3A_2262] {strides = array<i32>} : memref<4x4x8x128xf32, #tpu.memory_space<vmem>>, vector<16xf32>,
      tpu.vector_store %arg7[%swap3A_2259, %swap3A_2260, %swap3A_2261, %swap3A_2262], %gather3A_2256 {strides = array<i32>} : memref<4x4x8x128xf32, #tpu.memory_space<vmem>>, vector<16xf32>,
      %mul3A_2264 = arith.constant 128 : i32
      %mul3A_2265 = arith.muli %scan3A_14, %mul3A_2264 : i32
      %add3A_2266 = arith.constant 96 : i32
      %add3A_2267 = arith.addi %mul3A_2265, %add3A_2266 : i32
      %add3A_2268 = vector.broadcast %add3A_2267 : i32 to vector<16xi32>
      %add3A_2269 = arith.addi %add3A_2268, %iota3A : vector<16xi32>
      %gather3A_2270 = tpu.vector_load_idx %arg6[%add3A_2269, %broadcast_in_dim3A_2179] : memref<512x32xf32, #tpu.memory_space<vmem>>[vector<16xi32>, vector<16xi32>], vector<16xf32>,
      %swap3A_2271 = arith.constant 2 : i32
      %swap3A_2272 = arith.constant 3 : i32
      %swap3A_2273 = arith.index_cast %swap3A_2271 : i32 to index
      %swap3A_2274 = arith.index_cast %scan3A_14 : i32 to index
      %swap3A_2275 = arith.index_cast %swap3A_2272 : i32 to index
      %swap3A_2276 = arith.constant 96 : index
      %swap3A_2277 = tpu.vector_load %arg7[%swap3A_2273, %swap3A_2274, %swap3A_2275, %swap3A_2276] {strides = array<i32>} : memref<4x4x8x128xf32, #tpu.memory_space<vmem>>, vector<16xf32>,
      tpu.vector_store %arg7[%swap3A_2273, %swap3A_2274, %swap3A_2275, %swap3A_2276], %gather3A_2270 {strides = array<i32>} : memref<4x4x8x128xf32, #tpu.memory_space<vmem>>, vector<16xf32>,
      %mul3A_2278 = arith.constant 128 : i32
      %mul3A_2279 = arith.muli %scan3A_14, %mul3A_2278 : i32
      %add3A_2280 = arith.constant 112 : i32
      %add3A_2281 = arith.addi %mul3A_2279, %add3A_2280 : i32
      %add3A_2282 = vector.broadcast %add3A_2281 : i32 to vector<16xi32>
      %add3A_2283 = arith.addi %add3A_2282, %iota3A : vector<16xi32>
      %gather3A_2284 = tpu.vector_load_idx %arg6[%add3A_2283, %broadcast_in_dim3A_2179] : memref<512x32xf32, #tpu.memory_space<vmem>>[vector<16xi32>, vector<16xi32>], vector<16xf32>,
      %swap3A_2285 = arith.constant 2 : i32
      %swap3A_2286 = arith.constant 3 : i32
      %swap3A_2287 = arith.index_cast %swap3A_2285 : i32 to index
      %swap3A_2288 = arith.index_cast %scan3A_14 : i32 to index
      %swap3A_2289 = arith.index_cast %swap3A_2286 : i32 to index
      %swap3A_2290 = arith.constant 112 : index
      %swap3A_2291 = tpu.vector_load %arg7[%swap3A_2287, %swap3A_2288, %swap3A_2289, %swap3A_2290] {strides = array<i32>} : memref<4x4x8x128xf32, #tpu.memory_space<vmem>>, vector<16xf32>,
      tpu.vector_store %arg7[%swap3A_2287, %swap3A_2288, %swap3A_2289, %swap3A_2290], %gather3A_2284 {strides = array<i32>} : memref<4x4x8x128xf32, #tpu.memory_space<vmem>>, vector<16xf32>,
      %broadcast_in_dim3A_2292 = arith.constant 20 : i32
      %broadcast_in_dim3A_2293 = vector.broadcast %broadcast_in_dim3A_2292 : i32 to vector<16xi32>
      %mul3A_2294 = arith.constant 128 : i32
      %mul3A_2295 = arith.muli %scan3A_14, %mul3A_2294 : i32
      %add3A_2296 = arith.constant 0 : i32
      %add3A_2297 = arith.addi %mul3A_2295, %add3A_2296 : i32
      %add3A_2298 = vector.broadcast %add3A_2297 : i32 to vector<16xi32>
      %add3A_2299 = arith.addi %add3A_2298, %iota3A : vector<16xi32>
      %gather3A_2300 = tpu.vector_load_idx %arg6[%add3A_2299, %broadcast_in_dim3A_2293] : memref<512x32xf32, #tpu.memory_space<vmem>>[vector<16xi32>, vector<16xi32>], vector<16xf32>,
      %swap3A_2301 = arith.constant 2 : i32
      %swap3A_2302 = arith.constant 4 : i32
      %swap3A_2303 = arith.index_cast %swap3A_2301 : i32 to index
      %swap3A_2304 = arith.index_cast %scan3A_14 : i32 to index
      %swap3A_2305 = arith.index_cast %swap3A_2302 : i32 to index
      %swap3A_2306 = arith.constant 0 : index
      %swap3A_2307 = tpu.vector_load %arg7[%swap3A_2303, %swap3A_2304, %swap3A_2305, %swap3A_2306] {strides = array<i32>} : memref<4x4x8x128xf32, #tpu.memory_space<vmem>>, vector<16xf32>,
      tpu.vector_store %arg7[%swap3A_2303, %swap3A_2304, %swap3A_2305, %swap3A_2306], %gather3A_2300 {strides = array<i32>} : memref<4x4x8x128xf32, #tpu.memory_space<vmem>>, vector<16xf32>,
      %mul3A_2308 = arith.constant 128 : i32
      %mul3A_2309 = arith.muli %scan3A_14, %mul3A_2308 : i32
      %add3A_2310 = arith.constant 16 : i32
      %add3A_2311 = arith.addi %mul3A_2309, %add3A_2310 : i32
      %add3A_2312 = vector.broadcast %add3A_2311 : i32 to vector<16xi32>
      %add3A_2313 = arith.addi %add3A_2312, %iota3A : vector<16xi32>
      %gather3A_2314 = tpu.vector_load_idx %arg6[%add3A_2313, %broadcast_in_dim3A_2293] : memref<512x32xf32, #tpu.memory_space<vmem>>[vector<16xi32>, vector<16xi32>], vector<16xf32>,
      %swap3A_2315 = arith.constant 2 : i32
      %swap3A_2316 = arith.constant 4 : i32
      %swap3A_2317 = arith.index_cast %swap3A_2315 : i32 to index
      %swap3A_2318 = arith.index_cast %scan3A_14 : i32 to index
      %swap3A_2319 = arith.index_cast %swap3A_2316 : i32 to index
      %swap3A_2320 = arith.constant 16 : index
      %swap3A_2321 = tpu.vector_load %arg7[%swap3A_2317, %swap3A_2318, %swap3A_2319, %swap3A_2320] {strides = array<i32>} : memref<4x4x8x128xf32, #tpu.memory_space<vmem>>, vector<16xf32>,
      tpu.vector_store %arg7[%swap3A_2317, %swap3A_2318, %swap3A_2319, %swap3A_2320], %gather3A_2314 {strides = array<i32>} : memref<4x4x8x128xf32, #tpu.memory_space<vmem>>, vector<16xf32>,
      %mul3A_2322 = arith.constant 128 : i32
      %mul3A_2323 = arith.muli %scan3A_14, %mul3A_2322 : i32
      %add3A_2324 = arith.constant 32 : i32
      %add3A_2325 = arith.addi %mul3A_2323, %add3A_2324 : i32
      %add3A_2326 = vector.broadcast %add3A_2325 : i32 to vector<16xi32>
      %add3A_2327 = arith.addi %add3A_2326, %iota3A : vector<16xi32>
      %gather3A_2328 = tpu.vector_load_idx %arg6[%add3A_2327, %broadcast_in_dim3A_2293] : memref<512x32xf32, #tpu.memory_space<vmem>>[vector<16xi32>, vector<16xi32>], vector<16xf32>,
      %swap3A_2329 = arith.constant 2 : i32
      %swap3A_2330 = arith.constant 4 : i32
      %swap3A_2331 = arith.index_cast %swap3A_2329 : i32 to index
      %swap3A_2332 = arith.index_cast %scan3A_14 : i32 to index
      %swap3A_2333 = arith.index_cast %swap3A_2330 : i32 to index
      %swap3A_2334 = arith.constant 32 : index
      %swap3A_2335 = tpu.vector_load %arg7[%swap3A_2331, %swap3A_2332, %swap3A_2333, %swap3A_2334] {strides = array<i32>} : memref<4x4x8x128xf32, #tpu.memory_space<vmem>>, vector<16xf32>,
      tpu.vector_store %arg7[%swap3A_2331, %swap3A_2332, %swap3A_2333, %swap3A_2334], %gather3A_2328 {strides = array<i32>} : memref<4x4x8x128xf32, #tpu.memory_space<vmem>>, vector<16xf32>,
      %mul3A_2336 = arith.constant 128 : i32
      %mul3A_2337 = arith.muli %scan3A_14, %mul3A_2336 : i32
      %add3A_2338 = arith.constant 48 : i32
      %add3A_2339 = arith.addi %mul3A_2337, %add3A_2338 : i32
      %add3A_2340 = vector.broadcast %add3A_2339 : i32 to vector<16xi32>
      %add3A_2341 = arith.addi %add3A_2340, %iota3A : vector<16xi32>
      %gather3A_2342 = tpu.vector_load_idx %arg6[%add3A_2341, %broadcast_in_dim3A_2293] : memref<512x32xf32, #tpu.memory_space<vmem>>[vector<16xi32>, vector<16xi32>], vector<16xf32>,
      %swap3A_2343 = arith.constant 2 : i32
      %swap3A_2344 = arith.constant 4 : i32
      %swap3A_2345 = arith.index_cast %swap3A_2343 : i32 to index
      %swap3A_2346 = arith.index_cast %scan3A_14 : i32 to index
      %swap3A_2347 = arith.index_cast %swap3A_2344 : i32 to index
      %swap3A_2348 = arith.constant 48 : index
      %swap3A_2349 = tpu.vector_load %arg7[%swap3A_2345, %swap3A_2346, %swap3A_2347, %swap3A_2348] {strides = array<i32>} : memref<4x4x8x128xf32, #tpu.memory_space<vmem>>, vector<16xf32>,
      tpu.vector_store %arg7[%swap3A_2345, %swap3A_2346, %swap3A_2347, %swap3A_2348], %gather3A_2342 {strides = array<i32>} : memref<4x4x8x128xf32, #tpu.memory_space<vmem>>, vector<16xf32>,
      %mul3A_2350 = arith.constant 128 : i32
      %mul3A_2351 = arith.muli %scan3A_14, %mul3A_2350 : i32
      %add3A_2352 = arith.constant 64 : i32
      %add3A_2353 = arith.addi %mul3A_2351, %add3A_2352 : i32
      %add3A_2354 = vector.broadcast %add3A_2353 : i32 to vector<16xi32>
      %add3A_2355 = arith.addi %add3A_2354, %iota3A : vector<16xi32>
      %gather3A_2356 = tpu.vector_load_idx %arg6[%add3A_2355, %broadcast_in_dim3A_2293] : memref<512x32xf32, #tpu.memory_space<vmem>>[vector<16xi32>, vector<16xi32>], vector<16xf32>,
      %swap3A_2357 = arith.constant 2 : i32
      %swap3A_2358 = arith.constant 4 : i32
      %swap3A_2359 = arith.index_cast %swap3A_2357 : i32 to index
      %swap3A_2360 = arith.index_cast %scan3A_14 : i32 to index
      %swap3A_2361 = arith.index_cast %swap3A_2358 : i32 to index
      %swap3A_2362 = arith.constant 64 : index
      %swap3A_2363 = tpu.vector_load %arg7[%swap3A_2359, %swap3A_2360, %swap3A_2361, %swap3A_2362] {strides = array<i32>} : memref<4x4x8x128xf32, #tpu.memory_space<vmem>>, vector<16xf32>,
      tpu.vector_store %arg7[%swap3A_2359, %swap3A_2360, %swap3A_2361, %swap3A_2362], %gather3A_2356 {strides = array<i32>} : memref<4x4x8x128xf32, #tpu.memory_space<vmem>>, vector<16xf32>,
      %mul3A_2364 = arith.constant 128 : i32
      %mul3A_2365 = arith.muli %scan3A_14, %mul3A_2364 : i32
      %add3A_2366 = arith.constant 80 : i32
      %add3A_2367 = arith.addi %mul3A_2365, %add3A_2366 : i32
      %add3A_2368 = vector.broadcast %add3A_2367 : i32 to vector<16xi32>
      %add3A_2369 = arith.addi %add3A_2368, %iota3A : vector<16xi32>
      %gather3A_2370 = tpu.vector_load_idx %arg6[%add3A_2369, %broadcast_in_dim3A_2293] : memref<512x32xf32, #tpu.memory_space<vmem>>[vector<16xi32>, vector<16xi32>], vector<16xf32>,
      %swap3A_2371 = arith.constant 2 : i32
      %swap3A_2372 = arith.constant 4 : i32
      %swap3A_2373 = arith.index_cast %swap3A_2371 : i32 to index
      %swap3A_2374 = arith.index_cast %scan3A_14 : i32 to index
      %swap3A_2375 = arith.index_cast %swap3A_2372 : i32 to index
      %swap3A_2376 = arith.constant 80 : index
      %swap3A_2377 = tpu.vector_load %arg7[%swap3A_2373, %swap3A_2374, %swap3A_2375, %swap3A_2376] {strides = array<i32>} : memref<4x4x8x128xf32, #tpu.memory_space<vmem>>, vector<16xf32>,
      tpu.vector_store %arg7[%swap3A_2373, %swap3A_2374, %swap3A_2375, %swap3A_2376], %gather3A_2370 {strides = array<i32>} : memref<4x4x8x128xf32, #tpu.memory_space<vmem>>, vector<16xf32>,
      %mul3A_2378 = arith.constant 128 : i32
      %mul3A_2379 = arith.muli %scan3A_14, %mul3A_2378 : i32
      %add3A_2380 = arith.constant 96 : i32
      %add3A_2381 = arith.addi %mul3A_2379, %add3A_2380 : i32
      %add3A_2382 = vector.broadcast %add3A_2381 : i32 to vector<16xi32>
      %add3A_2383 = arith.addi %add3A_2382, %iota3A : vector<16xi32>
      %gather3A_2384 = tpu.vector_load_idx %arg6[%add3A_2383, %broadcast_in_dim3A_2293] : memref<512x32xf32, #tpu.memory_space<vmem>>[vector<16xi32>, vector<16xi32>], vector<16xf32>,
      %swap3A_2385 = arith.constant 2 : i32
      %swap3A_2386 = arith.constant 4 : i32
      %swap3A_2387 = arith.index_cast %swap3A_2385 : i32 to index
      %swap3A_2388 = arith.index_cast %scan3A_14 : i32 to index
      %swap3A_2389 = arith.index_cast %swap3A_2386 : i32 to index
      %swap3A_2390 = arith.constant 96 : index
      %swap3A_2391 = tpu.vector_load %arg7[%swap3A_2387, %swap3A_2388, %swap3A_2389, %swap3A_2390] {strides = array<i32>} : memref<4x4x8x128xf32, #tpu.memory_space<vmem>>, vector<16xf32>,
      tpu.vector_store %arg7[%swap3A_2387, %swap3A_2388, %swap3A_2389, %swap3A_2390], %gather3A_2384 {strides = array<i32>} : memref<4x4x8x128xf32, #tpu.memory_space<vmem>>, vector<16xf32>,
      %mul3A_2392 = arith.constant 128 : i32
      %mul3A_2393 = arith.muli %scan3A_14, %mul3A_2392 : i32
      %add3A_2394 = arith.constant 112 : i32
      %add3A_2395 = arith.addi %mul3A_2393, %add3A_2394 : i32
      %add3A_2396 = vector.broadcast %add3A_2395 : i32 to vector<16xi32>
      %add3A_2397 = arith.addi %add3A_2396, %iota3A : vector<16xi32>
      %gather3A_2398 = tpu.vector_load_idx %arg6[%add3A_2397, %broadcast_in_dim3A_2293] : memref<512x32xf32, #tpu.memory_space<vmem>>[vector<16xi32>, vector<16xi32>], vector<16xf32>,
      %swap3A_2399 = arith.constant 2 : i32
      %swap3A_2400 = arith.constant 4 : i32
      %swap3A_2401 = arith.index_cast %swap3A_2399 : i32 to index
      %swap3A_2402 = arith.index_cast %scan3A_14 : i32 to index
      %swap3A_2403 = arith.index_cast %swap3A_2400 : i32 to index
      %swap3A_2404 = arith.constant 112 : index
      %swap3A_2405 = tpu.vector_load %arg7[%swap3A_2401, %swap3A_2402, %swap3A_2403, %swap3A_2404] {strides = array<i32>} : memref<4x4x8x128xf32, #tpu.memory_space<vmem>>, vector<16xf32>,
      tpu.vector_store %arg7[%swap3A_2401, %swap3A_2402, %swap3A_2403, %swap3A_2404], %gather3A_2398 {strides = array<i32>} : memref<4x4x8x128xf32, #tpu.memory_space<vmem>>, vector<16xf32>,
      %broadcast_in_dim3A_2406 = arith.constant 21 : i32
      %broadcast_in_dim3A_2407 = vector.broadcast %broadcast_in_dim3A_2406 : i32 to vector<16xi32>
      %mul3A_2408 = arith.constant 128 : i32
      %mul3A_2409 = arith.muli %scan3A_14, %mul3A_2408 : i32
      %add3A_2410 = arith.constant 0 : i32
      %add3A_2411 = arith.addi %mul3A_2409, %add3A_2410 : i32
      %add3A_2412 = vector.broadcast %add3A_2411 : i32 to vector<16xi32>
      %add3A_2413 = arith.addi %add3A_2412, %iota3A : vector<16xi32>
      %gather3A_2414 = tpu.vector_load_idx %arg6[%add3A_2413, %broadcast_in_dim3A_2407] : memref<512x32xf32, #tpu.memory_space<vmem>>[vector<16xi32>, vector<16xi32>], vector<16xf32>,
      %swap3A_2415 = arith.constant 2 : i32
      %swap3A_2416 = arith.constant 5 : i32
      %swap3A_2417 = arith.index_cast %swap3A_2415 : i32 to index
      %swap3A_2418 = arith.index_cast %scan3A_14 : i32 to index
      %swap3A_2419 = arith.index_cast %swap3A_2416 : i32 to index
      %swap3A_2420 = arith.constant 0 : index
      %swap3A_2421 = tpu.vector_load %arg7[%swap3A_2417, %swap3A_2418, %swap3A_2419, %swap3A_2420] {strides = array<i32>} : memref<4x4x8x128xf32, #tpu.memory_space<vmem>>, vector<16xf32>,
      tpu.vector_store %arg7[%swap3A_2417, %swap3A_2418, %swap3A_2419, %swap3A_2420], %gather3A_2414 {strides = array<i32>} : memref<4x4x8x128xf32, #tpu.memory_space<vmem>>, vector<16xf32>,
      %mul3A_2422 = arith.constant 128 : i32
      %mul3A_2423 = arith.muli %scan3A_14, %mul3A_2422 : i32
      %add3A_2424 = arith.constant 16 : i32
      %add3A_2425 = arith.addi %mul3A_2423, %add3A_2424 : i32
      %add3A_2426 = vector.broadcast %add3A_2425 : i32 to vector<16xi32>
      %add3A_2427 = arith.addi %add3A_2426, %iota3A : vector<16xi32>
      %gather3A_2428 = tpu.vector_load_idx %arg6[%add3A_2427, %broadcast_in_dim3A_2407] : memref<512x32xf32, #tpu.memory_space<vmem>>[vector<16xi32>, vector<16xi32>], vector<16xf32>,
      %swap3A_2429 = arith.constant 2 : i32
      %swap3A_2430 = arith.constant 5 : i32
      %swap3A_2431 = arith.index_cast %swap3A_2429 : i32 to index
      %swap3A_2432 = arith.index_cast %scan3A_14 : i32 to index
      %swap3A_2433 = arith.index_cast %swap3A_2430 : i32 to index
      %swap3A_2434 = arith.constant 16 : index
      %swap3A_2435 = tpu.vector_load %arg7[%swap3A_2431, %swap3A_2432, %swap3A_2433, %swap3A_2434] {strides = array<i32>} : memref<4x4x8x128xf32, #tpu.memory_space<vmem>>, vector<16xf32>,
      tpu.vector_store %arg7[%swap3A_2431, %swap3A_2432, %swap3A_2433, %swap3A_2434], %gather3A_2428 {strides = array<i32>} : memref<4x4x8x128xf32, #tpu.memory_space<vmem>>, vector<16xf32>,
      %mul3A_2436 = arith.constant 128 : i32
      %mul3A_2437 = arith.muli %scan3A_14, %mul3A_2436 : i32
      %add3A_2438 = arith.constant 32 : i32
      %add3A_2439 = arith.addi %mul3A_2437, %add3A_2438 : i32
      %add3A_2440 = vector.broadcast %add3A_2439 : i32 to vector<16xi32>
      %add3A_2441 = arith.addi %add3A_2440, %iota3A : vector<16xi32>
      %gather3A_2442 = tpu.vector_load_idx %arg6[%add3A_2441, %broadcast_in_dim3A_2407] : memref<512x32xf32, #tpu.memory_space<vmem>>[vector<16xi32>, vector<16xi32>], vector<16xf32>,
      %swap3A_2443 = arith.constant 2 : i32
      %swap3A_2444 = arith.constant 5 : i32
      %swap3A_2445 = arith.index_cast %swap3A_2443 : i32 to index
      %swap3A_2446 = arith.index_cast %scan3A_14 : i32 to index
      %swap3A_2447 = arith.index_cast %swap3A_2444 : i32 to index
      %swap3A_2448 = arith.constant 32 : index
      %swap3A_2449 = tpu.vector_load %arg7[%swap3A_2445, %swap3A_2446, %swap3A_2447, %swap3A_2448] {strides = array<i32>} : memref<4x4x8x128xf32, #tpu.memory_space<vmem>>, vector<16xf32>,
      tpu.vector_store %arg7[%swap3A_2445, %swap3A_2446, %swap3A_2447, %swap3A_2448], %gather3A_2442 {strides = array<i32>} : memref<4x4x8x128xf32, #tpu.memory_space<vmem>>, vector<16xf32>,
      %mul3A_2450 = arith.constant 128 : i32
      %mul3A_2451 = arith.muli %scan3A_14, %mul3A_2450 : i32
      %add3A_2452 = arith.constant 48 : i32
      %add3A_2453 = arith.addi %mul3A_2451, %add3A_2452 : i32
      %add3A_2454 = vector.broadcast %add3A_2453 : i32 to vector<16xi32>
      %add3A_2455 = arith.addi %add3A_2454, %iota3A : vector<16xi32>
      %gather3A_2456 = tpu.vector_load_idx %arg6[%add3A_2455, %broadcast_in_dim3A_2407] : memref<512x32xf32, #tpu.memory_space<vmem>>[vector<16xi32>, vector<16xi32>], vector<16xf32>,
      %swap3A_2457 = arith.constant 2 : i32
      %swap3A_2458 = arith.constant 5 : i32
      %swap3A_2459 = arith.index_cast %swap3A_2457 : i32 to index
      %swap3A_2460 = arith.index_cast %scan3A_14 : i32 to index
      %swap3A_2461 = arith.index_cast %swap3A_2458 : i32 to index
      %swap3A_2462 = arith.constant 48 : index
      %swap3A_2463 = tpu.vector_load %arg7[%swap3A_2459, %swap3A_2460, %swap3A_2461, %swap3A_2462] {strides = array<i32>} : memref<4x4x8x128xf32, #tpu.memory_space<vmem>>, vector<16xf32>,
      tpu.vector_store %arg7[%swap3A_2459, %swap3A_2460, %swap3A_2461, %swap3A_2462], %gather3A_2456 {strides = array<i32>} : memref<4x4x8x128xf32, #tpu.memory_space<vmem>>, vector<16xf32>,
      %mul3A_2464 = arith.constant 128 : i32
      %mul3A_2465 = arith.muli %scan3A_14, %mul3A_2464 : i32
      %add3A_2466 = arith.constant 64 : i32
      %add3A_2467 = arith.addi %mul3A_2465, %add3A_2466 : i32
      %add3A_2468 = vector.broadcast %add3A_2467 : i32 to vector<16xi32>
      %add3A_2469 = arith.addi %add3A_2468, %iota3A : vector<16xi32>
      %gather3A_2470 = tpu.vector_load_idx %arg6[%add3A_2469, %broadcast_in_dim3A_2407] : memref<512x32xf32, #tpu.memory_space<vmem>>[vector<16xi32>, vector<16xi32>], vector<16xf32>,
      %swap3A_2471 = arith.constant 2 : i32
      %swap3A_2472 = arith.constant 5 : i32
      %swap3A_2473 = arith.index_cast %swap3A_2471 : i32 to index
      %swap3A_2474 = arith.index_cast %scan3A_14 : i32 to index
      %swap3A_2475 = arith.index_cast %swap3A_2472 : i32 to index
      %swap3A_2476 = arith.constant 64 : index
      %swap3A_2477 = tpu.vector_load %arg7[%swap3A_2473, %swap3A_2474, %swap3A_2475, %swap3A_2476] {strides = array<i32>} : memref<4x4x8x128xf32, #tpu.memory_space<vmem>>, vector<16xf32>,
      tpu.vector_store %arg7[%swap3A_2473, %swap3A_2474, %swap3A_2475, %swap3A_2476], %gather3A_2470 {strides = array<i32>} : memref<4x4x8x128xf32, #tpu.memory_space<vmem>>, vector<16xf32>,
      %mul3A_2478 = arith.constant 128 : i32
      %mul3A_2479 = arith.muli %scan3A_14, %mul3A_2478 : i32
      %add3A_2480 = arith.constant 80 : i32
      %add3A_2481 = arith.addi %mul3A_2479, %add3A_2480 : i32
      %add3A_2482 = vector.broadcast %add3A_2481 : i32 to vector<16xi32>
      %add3A_2483 = arith.addi %add3A_2482, %iota3A : vector<16xi32>
      %gather3A_2484 = tpu.vector_load_idx %arg6[%add3A_2483, %broadcast_in_dim3A_2407] : memref<512x32xf32, #tpu.memory_space<vmem>>[vector<16xi32>, vector<16xi32>], vector<16xf32>,
      %swap3A_2485 = arith.constant 2 : i32
      %swap3A_2486 = arith.constant 5 : i32
      %swap3A_2487 = arith.index_cast %swap3A_2485 : i32 to index
      %swap3A_2488 = arith.index_cast %scan3A_14 : i32 to index
      %swap3A_2489 = arith.index_cast %swap3A_2486 : i32 to index
      %swap3A_2490 = arith.constant 80 : index
      %swap3A_2491 = tpu.vector_load %arg7[%swap3A_2487, %swap3A_2488, %swap3A_2489, %swap3A_2490] {strides = array<i32>} : memref<4x4x8x128xf32, #tpu.memory_space<vmem>>, vector<16xf32>,
      tpu.vector_store %arg7[%swap3A_2487, %swap3A_2488, %swap3A_2489, %swap3A_2490], %gather3A_2484 {strides = array<i32>} : memref<4x4x8x128xf32, #tpu.memory_space<vmem>>, vector<16xf32>,
      %mul3A_2492 = arith.constant 128 : i32
      %mul3A_2493 = arith.muli %scan3A_14, %mul3A_2492 : i32
      %add3A_2494 = arith.constant 96 : i32
      %add3A_2495 = arith.addi %mul3A_2493, %add3A_2494 : i32
      %add3A_2496 = vector.broadcast %add3A_2495 : i32 to vector<16xi32>
      %add3A_2497 = arith.addi %add3A_2496, %iota3A : vector<16xi32>
      %gather3A_2498 = tpu.vector_load_idx %arg6[%add3A_2497, %broadcast_in_dim3A_2407] : memref<512x32xf32, #tpu.memory_space<vmem>>[vector<16xi32>, vector<16xi32>], vector<16xf32>,
      %swap3A_2499 = arith.constant 2 : i32
      %swap3A_2500 = arith.constant 5 : i32
      %swap3A_2501 = arith.index_cast %swap3A_2499 : i32 to index
      %swap3A_2502 = arith.index_cast %scan3A_14 : i32 to index
      %swap3A_2503 = arith.index_cast %swap3A_2500 : i32 to index
      %swap3A_2504 = arith.constant 96 : index
      %swap3A_2505 = tpu.vector_load %arg7[%swap3A_2501, %swap3A_2502, %swap3A_2503, %swap3A_2504] {strides = array<i32>} : memref<4x4x8x128xf32, #tpu.memory_space<vmem>>, vector<16xf32>,
      tpu.vector_store %arg7[%swap3A_2501, %swap3A_2502, %swap3A_2503, %swap3A_2504], %gather3A_2498 {strides = array<i32>} : memref<4x4x8x128xf32, #tpu.memory_space<vmem>>, vector<16xf32>,
      %mul3A_2506 = arith.constant 128 : i32
      %mul3A_2507 = arith.muli %scan3A_14, %mul3A_2506 : i32
      %add3A_2508 = arith.constant 112 : i32
      %add3A_2509 = arith.addi %mul3A_2507, %add3A_2508 : i32
      %add3A_2510 = vector.broadcast %add3A_2509 : i32 to vector<16xi32>
      %add3A_2511 = arith.addi %add3A_2510, %iota3A : vector<16xi32>
      %gather3A_2512 = tpu.vector_load_idx %arg6[%add3A_2511, %broadcast_in_dim3A_2407] : memref<512x32xf32, #tpu.memory_space<vmem>>[vector<16xi32>, vector<16xi32>], vector<16xf32>,
      %swap3A_2513 = arith.constant 2 : i32
      %swap3A_2514 = arith.constant 5 : i32
      %swap3A_2515 = arith.index_cast %swap3A_2513 : i32 to index
      %swap3A_2516 = arith.index_cast %scan3A_14 : i32 to index
      %swap3A_2517 = arith.index_cast %swap3A_2514 : i32 to index
      %swap3A_2518 = arith.constant 112 : index
      %swap3A_2519 = tpu.vector_load %arg7[%swap3A_2515, %swap3A_2516, %swap3A_2517, %swap3A_2518] {strides = array<i32>} : memref<4x4x8x128xf32, #tpu.memory_space<vmem>>, vector<16xf32>,
      tpu.vector_store %arg7[%swap3A_2515, %swap3A_2516, %swap3A_2517, %swap3A_2518], %gather3A_2512 {strides = array<i32>} : memref<4x4x8x128xf32, #tpu.memory_space<vmem>>, vector<16xf32>,
      %broadcast_in_dim3A_2520 = arith.constant 22 : i32
      %broadcast_in_dim3A_2521 = vector.broadcast %broadcast_in_dim3A_2520 : i32 to vector<16xi32>
      %mul3A_2522 = arith.constant 128 : i32
      %mul3A_2523 = arith.muli %scan3A_14, %mul3A_2522 : i32
      %add3A_2524 = arith.constant 0 : i32
      %add3A_2525 = arith.addi %mul3A_2523, %add3A_2524 : i32
      %add3A_2526 = vector.broadcast %add3A_2525 : i32 to vector<16xi32>
      %add3A_2527 = arith.addi %add3A_2526, %iota3A : vector<16xi32>
      %gather3A_2528 = tpu.vector_load_idx %arg6[%add3A_2527, %broadcast_in_dim3A_2521] : memref<512x32xf32, #tpu.memory_space<vmem>>[vector<16xi32>, vector<16xi32>], vector<16xf32>,
      %swap3A_2529 = arith.constant 2 : i32
      %swap3A_2530 = arith.constant 6 : i32
      %swap3A_2531 = arith.index_cast %swap3A_2529 : i32 to index
      %swap3A_2532 = arith.index_cast %scan3A_14 : i32 to index
      %swap3A_2533 = arith.index_cast %swap3A_2530 : i32 to index
      %swap3A_2534 = arith.constant 0 : index
      %swap3A_2535 = tpu.vector_load %arg7[%swap3A_2531, %swap3A_2532, %swap3A_2533, %swap3A_2534] {strides = array<i32>} : memref<4x4x8x128xf32, #tpu.memory_space<vmem>>, vector<16xf32>,
      tpu.vector_store %arg7[%swap3A_2531, %swap3A_2532, %swap3A_2533, %swap3A_2534], %gather3A_2528 {strides = array<i32>} : memref<4x4x8x128xf32, #tpu.memory_space<vmem>>, vector<16xf32>,
      %mul3A_2536 = arith.constant 128 : i32
      %mul3A_2537 = arith.muli %scan3A_14, %mul3A_2536 : i32
      %add3A_2538 = arith.constant 16 : i32
      %add3A_2539 = arith.addi %mul3A_2537, %add3A_2538 : i32
      %add3A_2540 = vector.broadcast %add3A_2539 : i32 to vector<16xi32>
      %add3A_2541 = arith.addi %add3A_2540, %iota3A : vector<16xi32>
      %gather3A_2542 = tpu.vector_load_idx %arg6[%add3A_2541, %broadcast_in_dim3A_2521] : memref<512x32xf32, #tpu.memory_space<vmem>>[vector<16xi32>, vector<16xi32>], vector<16xf32>,
      %swap3A_2543 = arith.constant 2 : i32
      %swap3A_2544 = arith.constant 6 : i32
      %swap3A_2545 = arith.index_cast %swap3A_2543 : i32 to index
      %swap3A_2546 = arith.index_cast %scan3A_14 : i32 to index
      %swap3A_2547 = arith.index_cast %swap3A_2544 : i32 to index
      %swap3A_2548 = arith.constant 16 : index
      %swap3A_2549 = tpu.vector_load %arg7[%swap3A_2545, %swap3A_2546, %swap3A_2547, %swap3A_2548] {strides = array<i32>} : memref<4x4x8x128xf32, #tpu.memory_space<vmem>>, vector<16xf32>,
      tpu.vector_store %arg7[%swap3A_2545, %swap3A_2546, %swap3A_2547, %swap3A_2548], %gather3A_2542 {strides = array<i32>} : memref<4x4x8x128xf32, #tpu.memory_space<vmem>>, vector<16xf32>,
      %mul3A_2550 = arith.constant 128 : i32
      %mul3A_2551 = arith.muli %scan3A_14, %mul3A_2550 : i32
      %add3A_2552 = arith.constant 32 : i32
      %add3A_2553 = arith.addi %mul3A_2551, %add3A_2552 : i32
      %add3A_2554 = vector.broadcast %add3A_2553 : i32 to vector<16xi32>
      %add3A_2555 = arith.addi %add3A_2554, %iota3A : vector<16xi32>
      %gather3A_2556 = tpu.vector_load_idx %arg6[%add3A_2555, %broadcast_in_dim3A_2521] : memref<512x32xf32, #tpu.memory_space<vmem>>[vector<16xi32>, vector<16xi32>], vector<16xf32>,
      %swap3A_2557 = arith.constant 2 : i32
      %swap3A_2558 = arith.constant 6 : i32
      %swap3A_2559 = arith.index_cast %swap3A_2557 : i32 to index
      %swap3A_2560 = arith.index_cast %scan3A_14 : i32 to index
      %swap3A_2561 = arith.index_cast %swap3A_2558 : i32 to index
      %swap3A_2562 = arith.constant 32 : index
      %swap3A_2563 = tpu.vector_load %arg7[%swap3A_2559, %swap3A_2560, %swap3A_2561, %swap3A_2562] {strides = array<i32>} : memref<4x4x8x128xf32, #tpu.memory_space<vmem>>, vector<16xf32>,
      tpu.vector_store %arg7[%swap3A_2559, %swap3A_2560, %swap3A_2561, %swap3A_2562], %gather3A_2556 {strides = array<i32>} : memref<4x4x8x128xf32, #tpu.memory_space<vmem>>, vector<16xf32>,
      %mul3A_2564 = arith.constant 128 : i32
      %mul3A_2565 = arith.muli %scan3A_14, %mul3A_2564 : i32
      %add3A_2566 = arith.constant 48 : i32
      %add3A_2567 = arith.addi %mul3A_2565, %add3A_2566 : i32
      %add3A_2568 = vector.broadcast %add3A_2567 : i32 to vector<16xi32>
      %add3A_2569 = arith.addi %add3A_2568, %iota3A : vector<16xi32>
      %gather3A_2570 = tpu.vector_load_idx %arg6[%add3A_2569, %broadcast_in_dim3A_2521] : memref<512x32xf32, #tpu.memory_space<vmem>>[vector<16xi32>, vector<16xi32>], vector<16xf32>,
      %swap3A_2571 = arith.constant 2 : i32
      %swap3A_2572 = arith.constant 6 : i32
      %swap3A_2573 = arith.index_cast %swap3A_2571 : i32 to index
      %swap3A_2574 = arith.index_cast %scan3A_14 : i32 to index
      %swap3A_2575 = arith.index_cast %swap3A_2572 : i32 to index
      %swap3A_2576 = arith.constant 48 : index
      %swap3A_2577 = tpu.vector_load %arg7[%swap3A_2573, %swap3A_2574, %swap3A_2575, %swap3A_2576] {strides = array<i32>} : memref<4x4x8x128xf32, #tpu.memory_space<vmem>>, vector<16xf32>,
      tpu.vector_store %arg7[%swap3A_2573, %swap3A_2574, %swap3A_2575, %swap3A_2576], %gather3A_2570 {strides = array<i32>} : memref<4x4x8x128xf32, #tpu.memory_space<vmem>>, vector<16xf32>,
      %mul3A_2578 = arith.constant 128 : i32
      %mul3A_2579 = arith.muli %scan3A_14, %mul3A_2578 : i32
      %add3A_2580 = arith.constant 64 : i32
      %add3A_2581 = arith.addi %mul3A_2579, %add3A_2580 : i32
      %add3A_2582 = vector.broadcast %add3A_2581 : i32 to vector<16xi32>
      %add3A_2583 = arith.addi %add3A_2582, %iota3A : vector<16xi32>
      %gather3A_2584 = tpu.vector_load_idx %arg6[%add3A_2583, %broadcast_in_dim3A_2521] : memref<512x32xf32, #tpu.memory_space<vmem>>[vector<16xi32>, vector<16xi32>], vector<16xf32>,
      %swap3A_2585 = arith.constant 2 : i32
      %swap3A_2586 = arith.constant 6 : i32
      %swap3A_2587 = arith.index_cast %swap3A_2585 : i32 to index
      %swap3A_2588 = arith.index_cast %scan3A_14 : i32 to index
      %swap3A_2589 = arith.index_cast %swap3A_2586 : i32 to index
      %swap3A_2590 = arith.constant 64 : index
      %swap3A_2591 = tpu.vector_load %arg7[%swap3A_2587, %swap3A_2588, %swap3A_2589, %swap3A_2590] {strides = array<i32>} : memref<4x4x8x128xf32, #tpu.memory_space<vmem>>, vector<16xf32>,
      tpu.vector_store %arg7[%swap3A_2587, %swap3A_2588, %swap3A_2589, %swap3A_2590], %gather3A_2584 {strides = array<i32>} : memref<4x4x8x128xf32, #tpu.memory_space<vmem>>, vector<16xf32>,
      %mul3A_2592 = arith.constant 128 : i32
      %mul3A_2593 = arith.muli %scan3A_14, %mul3A_2592 : i32
      %add3A_2594 = arith.constant 80 : i32
      %add3A_2595 = arith.addi %mul3A_2593, %add3A_2594 : i32
      %add3A_2596 = vector.broadcast %add3A_2595 : i32 to vector<16xi32>
      %add3A_2597 = arith.addi %add3A_2596, %iota3A : vector<16xi32>
      %gather3A_2598 = tpu.vector_load_idx %arg6[%add3A_2597, %broadcast_in_dim3A_2521] : memref<512x32xf32, #tpu.memory_space<vmem>>[vector<16xi32>, vector<16xi32>], vector<16xf32>,
      %swap3A_2599 = arith.constant 2 : i32
      %swap3A_2600 = arith.constant 6 : i32
      %swap3A_2601 = arith.index_cast %swap3A_2599 : i32 to index
      %swap3A_2602 = arith.index_cast %scan3A_14 : i32 to index
      %swap3A_2603 = arith.index_cast %swap3A_2600 : i32 to index
      %swap3A_2604 = arith.constant 80 : index
      %swap3A_2605 = tpu.vector_load %arg7[%swap3A_2601, %swap3A_2602, %swap3A_2603, %swap3A_2604] {strides = array<i32>} : memref<4x4x8x128xf32, #tpu.memory_space<vmem>>, vector<16xf32>,
      tpu.vector_store %arg7[%swap3A_2601, %swap3A_2602, %swap3A_2603, %swap3A_2604], %gather3A_2598 {strides = array<i32>} : memref<4x4x8x128xf32, #tpu.memory_space<vmem>>, vector<16xf32>,
      %mul3A_2606 = arith.constant 128 : i32
      %mul3A_2607 = arith.muli %scan3A_14, %mul3A_2606 : i32
      %add3A_2608 = arith.constant 96 : i32
      %add3A_2609 = arith.addi %mul3A_2607, %add3A_2608 : i32
      %add3A_2610 = vector.broadcast %add3A_2609 : i32 to vector<16xi32>
      %add3A_2611 = arith.addi %add3A_2610, %iota3A : vector<16xi32>
      %gather3A_2612 = tpu.vector_load_idx %arg6[%add3A_2611, %broadcast_in_dim3A_2521] : memref<512x32xf32, #tpu.memory_space<vmem>>[vector<16xi32>, vector<16xi32>], vector<16xf32>,
      %swap3A_2613 = arith.constant 2 : i32
      %swap3A_2614 = arith.constant 6 : i32
      %swap3A_2615 = arith.index_cast %swap3A_2613 : i32 to index
      %swap3A_2616 = arith.index_cast %scan3A_14 : i32 to index
      %swap3A_2617 = arith.index_cast %swap3A_2614 : i32 to index
      %swap3A_2618 = arith.constant 96 : index
      %swap3A_2619 = tpu.vector_load %arg7[%swap3A_2615, %swap3A_2616, %swap3A_2617, %swap3A_2618] {strides = array<i32>} : memref<4x4x8x128xf32, #tpu.memory_space<vmem>>, vector<16xf32>,
      tpu.vector_store %arg7[%swap3A_2615, %swap3A_2616, %swap3A_2617, %swap3A_2618], %gather3A_2612 {strides = array<i32>} : memref<4x4x8x128xf32, #tpu.memory_space<vmem>>, vector<16xf32>,
      %mul3A_2620 = arith.constant 128 : i32
      %mul3A_2621 = arith.muli %scan3A_14, %mul3A_2620 : i32
      %add3A_2622 = arith.constant 112 : i32
      %add3A_2623 = arith.addi %mul3A_2621, %add3A_2622 : i32
      %add3A_2624 = vector.broadcast %add3A_2623 : i32 to vector<16xi32>
      %add3A_2625 = arith.addi %add3A_2624, %iota3A : vector<16xi32>
      %gather3A_2626 = tpu.vector_load_idx %arg6[%add3A_2625, %broadcast_in_dim3A_2521] : memref<512x32xf32, #tpu.memory_space<vmem>>[vector<16xi32>, vector<16xi32>], vector<16xf32>,
      %swap3A_2627 = arith.constant 2 : i32
      %swap3A_2628 = arith.constant 6 : i32
      %swap3A_2629 = arith.index_cast %swap3A_2627 : i32 to index
      %swap3A_2630 = arith.index_cast %scan3A_14 : i32 to index
      %swap3A_2631 = arith.index_cast %swap3A_2628 : i32 to index
      %swap3A_2632 = arith.constant 112 : index
      %swap3A_2633 = tpu.vector_load %arg7[%swap3A_2629, %swap3A_2630, %swap3A_2631, %swap3A_2632] {strides = array<i32>} : memref<4x4x8x128xf32, #tpu.memory_space<vmem>>, vector<16xf32>,
      tpu.vector_store %arg7[%swap3A_2629, %swap3A_2630, %swap3A_2631, %swap3A_2632], %gather3A_2626 {strides = array<i32>} : memref<4x4x8x128xf32, #tpu.memory_space<vmem>>, vector<16xf32>,
      %broadcast_in_dim3A_2634 = arith.constant 23 : i32
      %broadcast_in_dim3A_2635 = vector.broadcast %broadcast_in_dim3A_2634 : i32 to vector<16xi32>
      %mul3A_2636 = arith.constant 128 : i32
      %mul3A_2637 = arith.muli %scan3A_14, %mul3A_2636 : i32
      %add3A_2638 = arith.constant 0 : i32
      %add3A_2639 = arith.addi %mul3A_2637, %add3A_2638 : i32
      %add3A_2640 = vector.broadcast %add3A_2639 : i32 to vector<16xi32>
      %add3A_2641 = arith.addi %add3A_2640, %iota3A : vector<16xi32>
      %gather3A_2642 = tpu.vector_load_idx %arg6[%add3A_2641, %broadcast_in_dim3A_2635] : memref<512x32xf32, #tpu.memory_space<vmem>>[vector<16xi32>, vector<16xi32>], vector<16xf32>,
      %swap3A_2643 = arith.constant 2 : i32
      %swap3A_2644 = arith.constant 7 : i32
      %swap3A_2645 = arith.index_cast %swap3A_2643 : i32 to index
      %swap3A_2646 = arith.index_cast %scan3A_14 : i32 to index
      %swap3A_2647 = arith.index_cast %swap3A_2644 : i32 to index
      %swap3A_2648 = arith.constant 0 : index
      %swap3A_2649 = tpu.vector_load %arg7[%swap3A_2645, %swap3A_2646, %swap3A_2647, %swap3A_2648] {strides = array<i32>} : memref<4x4x8x128xf32, #tpu.memory_space<vmem>>, vector<16xf32>,
      tpu.vector_store %arg7[%swap3A_2645, %swap3A_2646, %swap3A_2647, %swap3A_2648], %gather3A_2642 {strides = array<i32>} : memref<4x4x8x128xf32, #tpu.memory_space<vmem>>, vector<16xf32>,
      %mul3A_2650 = arith.constant 128 : i32
      %mul3A_2651 = arith.muli %scan3A_14, %mul3A_2650 : i32
      %add3A_2652 = arith.constant 16 : i32
      %add3A_2653 = arith.addi %mul3A_2651, %add3A_2652 : i32
      %add3A_2654 = vector.broadcast %add3A_2653 : i32 to vector<16xi32>
      %add3A_2655 = arith.addi %add3A_2654, %iota3A : vector<16xi32>
      %gather3A_2656 = tpu.vector_load_idx %arg6[%add3A_2655, %broadcast_in_dim3A_2635] : memref<512x32xf32, #tpu.memory_space<vmem>>[vector<16xi32>, vector<16xi32>], vector<16xf32>,
      %swap3A_2657 = arith.constant 2 : i32
      %swap3A_2658 = arith.constant 7 : i32
      %swap3A_2659 = arith.index_cast %swap3A_2657 : i32 to index
      %swap3A_2660 = arith.index_cast %scan3A_14 : i32 to index
      %swap3A_2661 = arith.index_cast %swap3A_2658 : i32 to index
      %swap3A_2662 = arith.constant 16 : index
      %swap3A_2663 = tpu.vector_load %arg7[%swap3A_2659, %swap3A_2660, %swap3A_2661, %swap3A_2662] {strides = array<i32>} : memref<4x4x8x128xf32, #tpu.memory_space<vmem>>, vector<16xf32>,
      tpu.vector_store %arg7[%swap3A_2659, %swap3A_2660, %swap3A_2661, %swap3A_2662], %gather3A_2656 {strides = array<i32>} : memref<4x4x8x128xf32, #tpu.memory_space<vmem>>, vector<16xf32>,
      %mul3A_2664 = arith.constant 128 : i32
      %mul3A_2665 = arith.muli %scan3A_14, %mul3A_2664 : i32
      %add3A_2666 = arith.constant 32 : i32
      %add3A_2667 = arith.addi %mul3A_2665, %add3A_2666 : i32
      %add3A_2668 = vector.broadcast %add3A_2667 : i32 to vector<16xi32>
      %add3A_2669 = arith.addi %add3A_2668, %iota3A : vector<16xi32>
      %gather3A_2670 = tpu.vector_load_idx %arg6[%add3A_2669, %broadcast_in_dim3A_2635] : memref<512x32xf32, #tpu.memory_space<vmem>>[vector<16xi32>, vector<16xi32>], vector<16xf32>,
      %swap3A_2671 = arith.constant 2 : i32
      %swap3A_2672 = arith.constant 7 : i32
      %swap3A_2673 = arith.index_cast %swap3A_2671 : i32 to index
      %swap3A_2674 = arith.index_cast %scan3A_14 : i32 to index
      %swap3A_2675 = arith.index_cast %swap3A_2672 : i32 to index
      %swap3A_2676 = arith.constant 32 : index
      %swap3A_2677 = tpu.vector_load %arg7[%swap3A_2673, %swap3A_2674, %swap3A_2675, %swap3A_2676] {strides = array<i32>} : memref<4x4x8x128xf32, #tpu.memory_space<vmem>>, vector<16xf32>,
      tpu.vector_store %arg7[%swap3A_2673, %swap3A_2674, %swap3A_2675, %swap3A_2676], %gather3A_2670 {strides = array<i32>} : memref<4x4x8x128xf32, #tpu.memory_space<vmem>>, vector<16xf32>,
      %mul3A_2678 = arith.constant 128 : i32
      %mul3A_2679 = arith.muli %scan3A_14, %mul3A_2678 : i32
      %add3A_2680 = arith.constant 48 : i32
      %add3A_2681 = arith.addi %mul3A_2679, %add3A_2680 : i32
      %add3A_2682 = vector.broadcast %add3A_2681 : i32 to vector<16xi32>
      %add3A_2683 = arith.addi %add3A_2682, %iota3A : vector<16xi32>
      %gather3A_2684 = tpu.vector_load_idx %arg6[%add3A_2683, %broadcast_in_dim3A_2635] : memref<512x32xf32, #tpu.memory_space<vmem>>[vector<16xi32>, vector<16xi32>], vector<16xf32>,
      %swap3A_2685 = arith.constant 2 : i32
      %swap3A_2686 = arith.constant 7 : i32
      %swap3A_2687 = arith.index_cast %swap3A_2685 : i32 to index
      %swap3A_2688 = arith.index_cast %scan3A_14 : i32 to index
      %swap3A_2689 = arith.index_cast %swap3A_2686 : i32 to index
      %swap3A_2690 = arith.constant 48 : index
      %swap3A_2691 = tpu.vector_load %arg7[%swap3A_2687, %swap3A_2688, %swap3A_2689, %swap3A_2690] {strides = array<i32>} : memref<4x4x8x128xf32, #tpu.memory_space<vmem>>, vector<16xf32>,
      tpu.vector_store %arg7[%swap3A_2687, %swap3A_2688, %swap3A_2689, %swap3A_2690], %gather3A_2684 {strides = array<i32>} : memref<4x4x8x128xf32, #tpu.memory_space<vmem>>, vector<16xf32>,
      %mul3A_2692 = arith.constant 128 : i32
      %mul3A_2693 = arith.muli %scan3A_14, %mul3A_2692 : i32
      %add3A_2694 = arith.constant 64 : i32
      %add3A_2695 = arith.addi %mul3A_2693, %add3A_2694 : i32
      %add3A_2696 = vector.broadcast %add3A_2695 : i32 to vector<16xi32>
      %add3A_2697 = arith.addi %add3A_2696, %iota3A : vector<16xi32>
      %gather3A_2698 = tpu.vector_load_idx %arg6[%add3A_2697, %broadcast_in_dim3A_2635] : memref<512x32xf32, #tpu.memory_space<vmem>>[vector<16xi32>, vector<16xi32>], vector<16xf32>,
      %swap3A_2699 = arith.constant 2 : i32
      %swap3A_2700 = arith.constant 7 : i32
      %swap3A_2701 = arith.index_cast %swap3A_2699 : i32 to index
      %swap3A_2702 = arith.index_cast %scan3A_14 : i32 to index
      %swap3A_2703 = arith.index_cast %swap3A_2700 : i32 to index
      %swap3A_2704 = arith.constant 64 : index
      %swap3A_2705 = tpu.vector_load %arg7[%swap3A_2701, %swap3A_2702, %swap3A_2703, %swap3A_2704] {strides = array<i32>} : memref<4x4x8x128xf32, #tpu.memory_space<vmem>>, vector<16xf32>,
      tpu.vector_store %arg7[%swap3A_2701, %swap3A_2702, %swap3A_2703, %swap3A_2704], %gather3A_2698 {strides = array<i32>} : memref<4x4x8x128xf32, #tpu.memory_space<vmem>>, vector<16xf32>,
      %mul3A_2706 = arith.constant 128 : i32
      %mul3A_2707 = arith.muli %scan3A_14, %mul3A_2706 : i32
      %add3A_2708 = arith.constant 80 : i32
      %add3A_2709 = arith.addi %mul3A_2707, %add3A_2708 : i32
      %add3A_2710 = vector.broadcast %add3A_2709 : i32 to vector<16xi32>
      %add3A_2711 = arith.addi %add3A_2710, %iota3A : vector<16xi32>
      %gather3A_2712 = tpu.vector_load_idx %arg6[%add3A_2711, %broadcast_in_dim3A_2635] : memref<512x32xf32, #tpu.memory_space<vmem>>[vector<16xi32>, vector<16xi32>], vector<16xf32>,
      %swap3A_2713 = arith.constant 2 : i32
      %swap3A_2714 = arith.constant 7 : i32
      %swap3A_2715 = arith.index_cast %swap3A_2713 : i32 to index
      %swap3A_2716 = arith.index_cast %scan3A_14 : i32 to index
      %swap3A_2717 = arith.index_cast %swap3A_2714 : i32 to index
      %swap3A_2718 = arith.constant 80 : index
      %swap3A_2719 = tpu.vector_load %arg7[%swap3A_2715, %swap3A_2716, %swap3A_2717, %swap3A_2718] {strides = array<i32>} : memref<4x4x8x128xf32, #tpu.memory_space<vmem>>, vector<16xf32>,
      tpu.vector_store %arg7[%swap3A_2715, %swap3A_2716, %swap3A_2717, %swap3A_2718], %gather3A_2712 {strides = array<i32>} : memref<4x4x8x128xf32, #tpu.memory_space<vmem>>, vector<16xf32>,
      %mul3A_2720 = arith.constant 128 : i32
      %mul3A_2721 = arith.muli %scan3A_14, %mul3A_2720 : i32
      %add3A_2722 = arith.constant 96 : i32
      %add3A_2723 = arith.addi %mul3A_2721, %add3A_2722 : i32
      %add3A_2724 = vector.broadcast %add3A_2723 : i32 to vector<16xi32>
      %add3A_2725 = arith.addi %add3A_2724, %iota3A : vector<16xi32>
      %gather3A_2726 = tpu.vector_load_idx %arg6[%add3A_2725, %broadcast_in_dim3A_2635] : memref<512x32xf32, #tpu.memory_space<vmem>>[vector<16xi32>, vector<16xi32>], vector<16xf32>,
      %swap3A_2727 = arith.constant 2 : i32
      %swap3A_2728 = arith.constant 7 : i32
      %swap3A_2729 = arith.index_cast %swap3A_2727 : i32 to index
      %swap3A_2730 = arith.index_cast %scan3A_14 : i32 to index
      %swap3A_2731 = arith.index_cast %swap3A_2728 : i32 to index
      %swap3A_2732 = arith.constant 96 : index
      %swap3A_2733 = tpu.vector_load %arg7[%swap3A_2729, %swap3A_2730, %swap3A_2731, %swap3A_2732] {strides = array<i32>} : memref<4x4x8x128xf32, #tpu.memory_space<vmem>>, vector<16xf32>,
      tpu.vector_store %arg7[%swap3A_2729, %swap3A_2730, %swap3A_2731, %swap3A_2732], %gather3A_2726 {strides = array<i32>} : memref<4x4x8x128xf32, #tpu.memory_space<vmem>>, vector<16xf32>,
      %mul3A_2734 = arith.constant 128 : i32
      %mul3A_2735 = arith.muli %scan3A_14, %mul3A_2734 : i32
      %add3A_2736 = arith.constant 112 : i32
      %add3A_2737 = arith.addi %mul3A_2735, %add3A_2736 : i32
      %add3A_2738 = vector.broadcast %add3A_2737 : i32 to vector<16xi32>
      %add3A_2739 = arith.addi %add3A_2738, %iota3A : vector<16xi32>
      %gather3A_2740 = tpu.vector_load_idx %arg6[%add3A_2739, %broadcast_in_dim3A_2635] : memref<512x32xf32, #tpu.memory_space<vmem>>[vector<16xi32>, vector<16xi32>], vector<16xf32>,
      %swap3A_2741 = arith.constant 2 : i32
      %swap3A_2742 = arith.constant 7 : i32
      %swap3A_2743 = arith.index_cast %swap3A_2741 : i32 to index
      %swap3A_2744 = arith.index_cast %scan3A_14 : i32 to index
      %swap3A_2745 = arith.index_cast %swap3A_2742 : i32 to index
      %swap3A_2746 = arith.constant 112 : index
      %swap3A_2747 = tpu.vector_load %arg7[%swap3A_2743, %swap3A_2744, %swap3A_2745, %swap3A_2746] {strides = array<i32>} : memref<4x4x8x128xf32, #tpu.memory_space<vmem>>, vector<16xf32>,
      tpu.vector_store %arg7[%swap3A_2743, %swap3A_2744, %swap3A_2745, %swap3A_2746], %gather3A_2740 {strides = array<i32>} : memref<4x4x8x128xf32, #tpu.memory_space<vmem>>, vector<16xf32>,
      %broadcast_in_dim3A_2748 = arith.constant 24 : i32
      %broadcast_in_dim3A_2749 = vector.broadcast %broadcast_in_dim3A_2748 : i32 to vector<16xi32>
      %mul3A_2750 = arith.constant 128 : i32
      %mul3A_2751 = arith.muli %scan3A_14, %mul3A_2750 : i32
      %add3A_2752 = arith.constant 0 : i32
      %add3A_2753 = arith.addi %mul3A_2751, %add3A_2752 : i32
      %add3A_2754 = vector.broadcast %add3A_2753 : i32 to vector<16xi32>
      %add3A_2755 = arith.addi %add3A_2754, %iota3A : vector<16xi32>
      %gather3A_2756 = tpu.vector_load_idx %arg6[%add3A_2755, %broadcast_in_dim3A_2749] : memref<512x32xf32, #tpu.memory_space<vmem>>[vector<16xi32>, vector<16xi32>], vector<16xf32>,
      %swap3A_2757 = arith.constant 3 : i32
      %swap3A_2758 = arith.constant 0 : i32
      %swap3A_2759 = arith.index_cast %swap3A_2757 : i32 to index
      %swap3A_2760 = arith.index_cast %scan3A_14 : i32 to index
      %swap3A_2761 = arith.index_cast %swap3A_2758 : i32 to index
      %swap3A_2762 = arith.constant 0 : index
      %swap3A_2763 = tpu.vector_load %arg7[%swap3A_2759, %swap3A_2760, %swap3A_2761, %swap3A_2762] {strides = array<i32>} : memref<4x4x8x128xf32, #tpu.memory_space<vmem>>, vector<16xf32>,
      tpu.vector_store %arg7[%swap3A_2759, %swap3A_2760, %swap3A_2761, %swap3A_2762], %gather3A_2756 {strides = array<i32>} : memref<4x4x8x128xf32, #tpu.memory_space<vmem>>, vector<16xf32>,
      %mul3A_2764 = arith.constant 128 : i32
      %mul3A_2765 = arith.muli %scan3A_14, %mul3A_2764 : i32
      %add3A_2766 = arith.constant 16 : i32
      %add3A_2767 = arith.addi %mul3A_2765, %add3A_2766 : i32
      %add3A_2768 = vector.broadcast %add3A_2767 : i32 to vector<16xi32>
      %add3A_2769 = arith.addi %add3A_2768, %iota3A : vector<16xi32>
      %gather3A_2770 = tpu.vector_load_idx %arg6[%add3A_2769, %broadcast_in_dim3A_2749] : memref<512x32xf32, #tpu.memory_space<vmem>>[vector<16xi32>, vector<16xi32>], vector<16xf32>,
      %swap3A_2771 = arith.constant 3 : i32
      %swap3A_2772 = arith.constant 0 : i32
      %swap3A_2773 = arith.index_cast %swap3A_2771 : i32 to index
      %swap3A_2774 = arith.index_cast %scan3A_14 : i32 to index
      %swap3A_2775 = arith.index_cast %swap3A_2772 : i32 to index
      %swap3A_2776 = arith.constant 16 : index
      %swap3A_2777 = tpu.vector_load %arg7[%swap3A_2773, %swap3A_2774, %swap3A_2775, %swap3A_2776] {strides = array<i32>} : memref<4x4x8x128xf32, #tpu.memory_space<vmem>>, vector<16xf32>,
      tpu.vector_store %arg7[%swap3A_2773, %swap3A_2774, %swap3A_2775, %swap3A_2776], %gather3A_2770 {strides = array<i32>} : memref<4x4x8x128xf32, #tpu.memory_space<vmem>>, vector<16xf32>,
      %mul3A_2778 = arith.constant 128 : i32
      %mul3A_2779 = arith.muli %scan3A_14, %mul3A_2778 : i32
      %add3A_2780 = arith.constant 32 : i32
      %add3A_2781 = arith.addi %mul3A_2779, %add3A_2780 : i32
      %add3A_2782 = vector.broadcast %add3A_2781 : i32 to vector<16xi32>
      %add3A_2783 = arith.addi %add3A_2782, %iota3A : vector<16xi32>
      %gather3A_2784 = tpu.vector_load_idx %arg6[%add3A_2783, %broadcast_in_dim3A_2749] : memref<512x32xf32, #tpu.memory_space<vmem>>[vector<16xi32>, vector<16xi32>], vector<16xf32>,
      %swap3A_2785 = arith.constant 3 : i32
      %swap3A_2786 = arith.constant 0 : i32
      %swap3A_2787 = arith.index_cast %swap3A_2785 : i32 to index
      %swap3A_2788 = arith.index_cast %scan3A_14 : i32 to index
      %swap3A_2789 = arith.index_cast %swap3A_2786 : i32 to index
      %swap3A_2790 = arith.constant 32 : index
      %swap3A_2791 = tpu.vector_load %arg7[%swap3A_2787, %swap3A_2788, %swap3A_2789, %swap3A_2790] {strides = array<i32>} : memref<4x4x8x128xf32, #tpu.memory_space<vmem>>, vector<16xf32>,
      tpu.vector_store %arg7[%swap3A_2787, %swap3A_2788, %swap3A_2789, %swap3A_2790], %gather3A_2784 {strides = array<i32>} : memref<4x4x8x128xf32, #tpu.memory_space<vmem>>, vector<16xf32>,
      %mul3A_2792 = arith.constant 128 : i32
      %mul3A_2793 = arith.muli %scan3A_14, %mul3A_2792 : i32
      %add3A_2794 = arith.constant 48 : i32
      %add3A_2795 = arith.addi %mul3A_2793, %add3A_2794 : i32
      %add3A_2796 = vector.broadcast %add3A_2795 : i32 to vector<16xi32>
      %add3A_2797 = arith.addi %add3A_2796, %iota3A : vector<16xi32>
      %gather3A_2798 = tpu.vector_load_idx %arg6[%add3A_2797, %broadcast_in_dim3A_2749] : memref<512x32xf32, #tpu.memory_space<vmem>>[vector<16xi32>, vector<16xi32>], vector<16xf32>,
      %swap3A_2799 = arith.constant 3 : i32
      %swap3A_2800 = arith.constant 0 : i32
      %swap3A_2801 = arith.index_cast %swap3A_2799 : i32 to index
      %swap3A_2802 = arith.index_cast %scan3A_14 : i32 to index
      %swap3A_2803 = arith.index_cast %swap3A_2800 : i32 to index
      %swap3A_2804 = arith.constant 48 : index
      %swap3A_2805 = tpu.vector_load %arg7[%swap3A_2801, %swap3A_2802, %swap3A_2803, %swap3A_2804] {strides = array<i32>} : memref<4x4x8x128xf32, #tpu.memory_space<vmem>>, vector<16xf32>,
      tpu.vector_store %arg7[%swap3A_2801, %swap3A_2802, %swap3A_2803, %swap3A_2804], %gather3A_2798 {strides = array<i32>} : memref<4x4x8x128xf32, #tpu.memory_space<vmem>>, vector<16xf32>,
      %mul3A_2806 = arith.constant 128 : i32
      %mul3A_2807 = arith.muli %scan3A_14, %mul3A_2806 : i32
      %add3A_2808 = arith.constant 64 : i32
      %add3A_2809 = arith.addi %mul3A_2807, %add3A_2808 : i32
      %add3A_2810 = vector.broadcast %add3A_2809 : i32 to vector<16xi32>
      %add3A_2811 = arith.addi %add3A_2810, %iota3A : vector<16xi32>
      %gather3A_2812 = tpu.vector_load_idx %arg6[%add3A_2811, %broadcast_in_dim3A_2749] : memref<512x32xf32, #tpu.memory_space<vmem>>[vector<16xi32>, vector<16xi32>], vector<16xf32>,
      %swap3A_2813 = arith.constant 3 : i32
      %swap3A_2814 = arith.constant 0 : i32
      %swap3A_2815 = arith.index_cast %swap3A_2813 : i32 to index
      %swap3A_2816 = arith.index_cast %scan3A_14 : i32 to index
      %swap3A_2817 = arith.index_cast %swap3A_2814 : i32 to index
      %swap3A_2818 = arith.constant 64 : index
      %swap3A_2819 = tpu.vector_load %arg7[%swap3A_2815, %swap3A_2816, %swap3A_2817, %swap3A_2818] {strides = array<i32>} : memref<4x4x8x128xf32, #tpu.memory_space<vmem>>, vector<16xf32>,
      tpu.vector_store %arg7[%swap3A_2815, %swap3A_2816, %swap3A_2817, %swap3A_2818], %gather3A_2812 {strides = array<i32>} : memref<4x4x8x128xf32, #tpu.memory_space<vmem>>, vector<16xf32>,
      %mul3A_2820 = arith.constant 128 : i32
      %mul3A_2821 = arith.muli %scan3A_14, %mul3A_2820 : i32
      %add3A_2822 = arith.constant 80 : i32
      %add3A_2823 = arith.addi %mul3A_2821, %add3A_2822 : i32
      %add3A_2824 = vector.broadcast %add3A_2823 : i32 to vector<16xi32>
      %add3A_2825 = arith.addi %add3A_2824, %iota3A : vector<16xi32>
      %gather3A_2826 = tpu.vector_load_idx %arg6[%add3A_2825, %broadcast_in_dim3A_2749] : memref<512x32xf32, #tpu.memory_space<vmem>>[vector<16xi32>, vector<16xi32>], vector<16xf32>,
      %swap3A_2827 = arith.constant 3 : i32
      %swap3A_2828 = arith.constant 0 : i32
      %swap3A_2829 = arith.index_cast %swap3A_2827 : i32 to index
      %swap3A_2830 = arith.index_cast %scan3A_14 : i32 to index
      %swap3A_2831 = arith.index_cast %swap3A_2828 : i32 to index
      %swap3A_2832 = arith.constant 80 : index
      %swap3A_2833 = tpu.vector_load %arg7[%swap3A_2829, %swap3A_2830, %swap3A_2831, %swap3A_2832] {strides = array<i32>} : memref<4x4x8x128xf32, #tpu.memory_space<vmem>>, vector<16xf32>,
      tpu.vector_store %arg7[%swap3A_2829, %swap3A_2830, %swap3A_2831, %swap3A_2832], %gather3A_2826 {strides = array<i32>} : memref<4x4x8x128xf32, #tpu.memory_space<vmem>>, vector<16xf32>,
      %mul3A_2834 = arith.constant 128 : i32
      %mul3A_2835 = arith.muli %scan3A_14, %mul3A_2834 : i32
      %add3A_2836 = arith.constant 96 : i32
      %add3A_2837 = arith.addi %mul3A_2835, %add3A_2836 : i32
      %add3A_2838 = vector.broadcast %add3A_2837 : i32 to vector<16xi32>
      %add3A_2839 = arith.addi %add3A_2838, %iota3A : vector<16xi32>
      %gather3A_2840 = tpu.vector_load_idx %arg6[%add3A_2839, %broadcast_in_dim3A_2749] : memref<512x32xf32, #tpu.memory_space<vmem>>[vector<16xi32>, vector<16xi32>], vector<16xf32>,
      %swap3A_2841 = arith.constant 3 : i32
      %swap3A_2842 = arith.constant 0 : i32
      %swap3A_2843 = arith.index_cast %swap3A_2841 : i32 to index
      %swap3A_2844 = arith.index_cast %scan3A_14 : i32 to index
      %swap3A_2845 = arith.index_cast %swap3A_2842 : i32 to index
      %swap3A_2846 = arith.constant 96 : index
      %swap3A_2847 = tpu.vector_load %arg7[%swap3A_2843, %swap3A_2844, %swap3A_2845, %swap3A_2846] {strides = array<i32>} : memref<4x4x8x128xf32, #tpu.memory_space<vmem>>, vector<16xf32>,
      tpu.vector_store %arg7[%swap3A_2843, %swap3A_2844, %swap3A_2845, %swap3A_2846], %gather3A_2840 {strides = array<i32>} : memref<4x4x8x128xf32, #tpu.memory_space<vmem>>, vector<16xf32>,
      %mul3A_2848 = arith.constant 128 : i32
      %mul3A_2849 = arith.muli %scan3A_14, %mul3A_2848 : i32
      %add3A_2850 = arith.constant 112 : i32
      %add3A_2851 = arith.addi %mul3A_2849, %add3A_2850 : i32
      %add3A_2852 = vector.broadcast %add3A_2851 : i32 to vector<16xi32>
      %add3A_2853 = arith.addi %add3A_2852, %iota3A : vector<16xi32>
      %gather3A_2854 = tpu.vector_load_idx %arg6[%add3A_2853, %broadcast_in_dim3A_2749] : memref<512x32xf32, #tpu.memory_space<vmem>>[vector<16xi32>, vector<16xi32>], vector<16xf32>,
      %swap3A_2855 = arith.constant 3 : i32
      %swap3A_2856 = arith.constant 0 : i32
      %swap3A_2857 = arith.index_cast %swap3A_2855 : i32 to index
      %swap3A_2858 = arith.index_cast %scan3A_14 : i32 to index
      %swap3A_2859 = arith.index_cast %swap3A_2856 : i32 to index
      %swap3A_2860 = arith.constant 112 : index
      %swap3A_2861 = tpu.vector_load %arg7[%swap3A_2857, %swap3A_2858, %swap3A_2859, %swap3A_2860] {strides = array<i32>} : memref<4x4x8x128xf32, #tpu.memory_space<vmem>>, vector<16xf32>,
      tpu.vector_store %arg7[%swap3A_2857, %swap3A_2858, %swap3A_2859, %swap3A_2860], %gather3A_2854 {strides = array<i32>} : memref<4x4x8x128xf32, #tpu.memory_space<vmem>>, vector<16xf32>,
      %broadcast_in_dim3A_2862 = arith.constant 25 : i32
      %broadcast_in_dim3A_2863 = vector.broadcast %broadcast_in_dim3A_2862 : i32 to vector<16xi32>
      %mul3A_2864 = arith.constant 128 : i32
      %mul3A_2865 = arith.muli %scan3A_14, %mul3A_2864 : i32
      %add3A_2866 = arith.constant 0 : i32
      %add3A_2867 = arith.addi %mul3A_2865, %add3A_2866 : i32
      %add3A_2868 = vector.broadcast %add3A_2867 : i32 to vector<16xi32>
      %add3A_2869 = arith.addi %add3A_2868, %iota3A : vector<16xi32>
      %gather3A_2870 = tpu.vector_load_idx %arg6[%add3A_2869, %broadcast_in_dim3A_2863] : memref<512x32xf32, #tpu.memory_space<vmem>>[vector<16xi32>, vector<16xi32>], vector<16xf32>,
      %swap3A_2871 = arith.constant 3 : i32
      %swap3A_2872 = arith.constant 1 : i32
      %swap3A_2873 = arith.index_cast %swap3A_2871 : i32 to index
      %swap3A_2874 = arith.index_cast %scan3A_14 : i32 to index
      %swap3A_2875 = arith.index_cast %swap3A_2872 : i32 to index
      %swap3A_2876 = arith.constant 0 : index
      %swap3A_2877 = tpu.vector_load %arg7[%swap3A_2873, %swap3A_2874, %swap3A_2875, %swap3A_2876] {strides = array<i32>} : memref<4x4x8x128xf32, #tpu.memory_space<vmem>>, vector<16xf32>,
      tpu.vector_store %arg7[%swap3A_2873, %swap3A_2874, %swap3A_2875, %swap3A_2876], %gather3A_2870 {strides = array<i32>} : memref<4x4x8x128xf32, #tpu.memory_space<vmem>>, vector<16xf32>,
      %mul3A_2878 = arith.constant 128 : i32
      %mul3A_2879 = arith.muli %scan3A_14, %mul3A_2878 : i32
      %add3A_2880 = arith.constant 16 : i32
      %add3A_2881 = arith.addi %mul3A_2879, %add3A_2880 : i32
      %add3A_2882 = vector.broadcast %add3A_2881 : i32 to vector<16xi32>
      %add3A_2883 = arith.addi %add3A_2882, %iota3A : vector<16xi32>
      %gather3A_2884 = tpu.vector_load_idx %arg6[%add3A_2883, %broadcast_in_dim3A_2863] : memref<512x32xf32, #tpu.memory_space<vmem>>[vector<16xi32>, vector<16xi32>], vector<16xf32>,
      %swap3A_2885 = arith.constant 3 : i32
      %swap3A_2886 = arith.constant 1 : i32
      %swap3A_2887 = arith.index_cast %swap3A_2885 : i32 to index
      %swap3A_2888 = arith.index_cast %scan3A_14 : i32 to index
      %swap3A_2889 = arith.index_cast %swap3A_2886 : i32 to index
      %swap3A_2890 = arith.constant 16 : index
      %swap3A_2891 = tpu.vector_load %arg7[%swap3A_2887, %swap3A_2888, %swap3A_2889, %swap3A_2890] {strides = array<i32>} : memref<4x4x8x128xf32, #tpu.memory_space<vmem>>, vector<16xf32>,
      tpu.vector_store %arg7[%swap3A_2887, %swap3A_2888, %swap3A_2889, %swap3A_2890], %gather3A_2884 {strides = array<i32>} : memref<4x4x8x128xf32, #tpu.memory_space<vmem>>, vector<16xf32>,
      %mul3A_2892 = arith.constant 128 : i32
      %mul3A_2893 = arith.muli %scan3A_14, %mul3A_2892 : i32
      %add3A_2894 = arith.constant 32 : i32
      %add3A_2895 = arith.addi %mul3A_2893, %add3A_2894 : i32
      %add3A_2896 = vector.broadcast %add3A_2895 : i32 to vector<16xi32>
      %add3A_2897 = arith.addi %add3A_2896, %iota3A : vector<16xi32>
      %gather3A_2898 = tpu.vector_load_idx %arg6[%add3A_2897, %broadcast_in_dim3A_2863] : memref<512x32xf32, #tpu.memory_space<vmem>>[vector<16xi32>, vector<16xi32>], vector<16xf32>,
      %swap3A_2899 = arith.constant 3 : i32
      %swap3A_2900 = arith.constant 1 : i32
      %swap3A_2901 = arith.index_cast %swap3A_2899 : i32 to index
      %swap3A_2902 = arith.index_cast %scan3A_14 : i32 to index
      %swap3A_2903 = arith.index_cast %swap3A_2900 : i32 to index
      %swap3A_2904 = arith.constant 32 : index
      %swap3A_2905 = tpu.vector_load %arg7[%swap3A_2901, %swap3A_2902, %swap3A_2903, %swap3A_2904] {strides = array<i32>} : memref<4x4x8x128xf32, #tpu.memory_space<vmem>>, vector<16xf32>,
      tpu.vector_store %arg7[%swap3A_2901, %swap3A_2902, %swap3A_2903, %swap3A_2904], %gather3A_2898 {strides = array<i32>} : memref<4x4x8x128xf32, #tpu.memory_space<vmem>>, vector<16xf32>,
      %mul3A_2906 = arith.constant 128 : i32
      %mul3A_2907 = arith.muli %scan3A_14, %mul3A_2906 : i32
      %add3A_2908 = arith.constant 48 : i32
      %add3A_2909 = arith.addi %mul3A_2907, %add3A_2908 : i32
      %add3A_2910 = vector.broadcast %add3A_2909 : i32 to vector<16xi32>
      %add3A_2911 = arith.addi %add3A_2910, %iota3A : vector<16xi32>
      %gather3A_2912 = tpu.vector_load_idx %arg6[%add3A_2911, %broadcast_in_dim3A_2863] : memref<512x32xf32, #tpu.memory_space<vmem>>[vector<16xi32>, vector<16xi32>], vector<16xf32>,
      %swap3A_2913 = arith.constant 3 : i32
      %swap3A_2914 = arith.constant 1 : i32
      %swap3A_2915 = arith.index_cast %swap3A_2913 : i32 to index
      %swap3A_2916 = arith.index_cast %scan3A_14 : i32 to index
      %swap3A_2917 = arith.index_cast %swap3A_2914 : i32 to index
      %swap3A_2918 = arith.constant 48 : index
      %swap3A_2919 = tpu.vector_load %arg7[%swap3A_2915, %swap3A_2916, %swap3A_2917, %swap3A_2918] {strides = array<i32>} : memref<4x4x8x128xf32, #tpu.memory_space<vmem>>, vector<16xf32>,
      tpu.vector_store %arg7[%swap3A_2915, %swap3A_2916, %swap3A_2917, %swap3A_2918], %gather3A_2912 {strides = array<i32>} : memref<4x4x8x128xf32, #tpu.memory_space<vmem>>, vector<16xf32>,
      %mul3A_2920 = arith.constant 128 : i32
      %mul3A_2921 = arith.muli %scan3A_14, %mul3A_2920 : i32
      %add3A_2922 = arith.constant 64 : i32
      %add3A_2923 = arith.addi %mul3A_2921, %add3A_2922 : i32
      %add3A_2924 = vector.broadcast %add3A_2923 : i32 to vector<16xi32>
      %add3A_2925 = arith.addi %add3A_2924, %iota3A : vector<16xi32>
      %gather3A_2926 = tpu.vector_load_idx %arg6[%add3A_2925, %broadcast_in_dim3A_2863] : memref<512x32xf32, #tpu.memory_space<vmem>>[vector<16xi32>, vector<16xi32>], vector<16xf32>,
      %swap3A_2927 = arith.constant 3 : i32
      %swap3A_2928 = arith.constant 1 : i32
      %swap3A_2929 = arith.index_cast %swap3A_2927 : i32 to index
      %swap3A_2930 = arith.index_cast %scan3A_14 : i32 to index
      %swap3A_2931 = arith.index_cast %swap3A_2928 : i32 to index
      %swap3A_2932 = arith.constant 64 : index
      %swap3A_2933 = tpu.vector_load %arg7[%swap3A_2929, %swap3A_2930, %swap3A_2931, %swap3A_2932] {strides = array<i32>} : memref<4x4x8x128xf32, #tpu.memory_space<vmem>>, vector<16xf32>,
      tpu.vector_store %arg7[%swap3A_2929, %swap3A_2930, %swap3A_2931, %swap3A_2932], %gather3A_2926 {strides = array<i32>} : memref<4x4x8x128xf32, #tpu.memory_space<vmem>>, vector<16xf32>,
      %mul3A_2934 = arith.constant 128 : i32
      %mul3A_2935 = arith.muli %scan3A_14, %mul3A_2934 : i32
      %add3A_2936 = arith.constant 80 : i32
      %add3A_2937 = arith.addi %mul3A_2935, %add3A_2936 : i32
      %add3A_2938 = vector.broadcast %add3A_2937 : i32 to vector<16xi32>
      %add3A_2939 = arith.addi %add3A_2938, %iota3A : vector<16xi32>
      %gather3A_2940 = tpu.vector_load_idx %arg6[%add3A_2939, %broadcast_in_dim3A_2863] : memref<512x32xf32, #tpu.memory_space<vmem>>[vector<16xi32>, vector<16xi32>], vector<16xf32>,
      %swap3A_2941 = arith.constant 3 : i32
      %swap3A_2942 = arith.constant 1 : i32
      %swap3A_2943 = arith.index_cast %swap3A_2941 : i32 to index
      %swap3A_2944 = arith.index_cast %scan3A_14 : i32 to index
      %swap3A_2945 = arith.index_cast %swap3A_2942 : i32 to index
      %swap3A_2946 = arith.constant 80 : index
      %swap3A_2947 = tpu.vector_load %arg7[%swap3A_2943, %swap3A_2944, %swap3A_2945, %swap3A_2946] {strides = array<i32>} : memref<4x4x8x128xf32, #tpu.memory_space<vmem>>, vector<16xf32>,
      tpu.vector_store %arg7[%swap3A_2943, %swap3A_2944, %swap3A_2945, %swap3A_2946], %gather3A_2940 {strides = array<i32>} : memref<4x4x8x128xf32, #tpu.memory_space<vmem>>, vector<16xf32>,
      %mul3A_2948 = arith.constant 128 : i32
      %mul3A_2949 = arith.muli %scan3A_14, %mul3A_2948 : i32
      %add3A_2950 = arith.constant 96 : i32
      %add3A_2951 = arith.addi %mul3A_2949, %add3A_2950 : i32
      %add3A_2952 = vector.broadcast %add3A_2951 : i32 to vector<16xi32>
      %add3A_2953 = arith.addi %add3A_2952, %iota3A : vector<16xi32>
      %gather3A_2954 = tpu.vector_load_idx %arg6[%add3A_2953, %broadcast_in_dim3A_2863] : memref<512x32xf32, #tpu.memory_space<vmem>>[vector<16xi32>, vector<16xi32>], vector<16xf32>,
      %swap3A_2955 = arith.constant 3 : i32
      %swap3A_2956 = arith.constant 1 : i32
      %swap3A_2957 = arith.index_cast %swap3A_2955 : i32 to index
      %swap3A_2958 = arith.index_cast %scan3A_14 : i32 to index
      %swap3A_2959 = arith.index_cast %swap3A_2956 : i32 to index
      %swap3A_2960 = arith.constant 96 : index
      %swap3A_2961 = tpu.vector_load %arg7[%swap3A_2957, %swap3A_2958, %swap3A_2959, %swap3A_2960] {strides = array<i32>} : memref<4x4x8x128xf32, #tpu.memory_space<vmem>>, vector<16xf32>,
      tpu.vector_store %arg7[%swap3A_2957, %swap3A_2958, %swap3A_2959, %swap3A_2960], %gather3A_2954 {strides = array<i32>} : memref<4x4x8x128xf32, #tpu.memory_space<vmem>>, vector<16xf32>,
      %mul3A_2962 = arith.constant 128 : i32
      %mul3A_2963 = arith.muli %scan3A_14, %mul3A_2962 : i32
      %add3A_2964 = arith.constant 112 : i32
      %add3A_2965 = arith.addi %mul3A_2963, %add3A_2964 : i32
      %add3A_2966 = vector.broadcast %add3A_2965 : i32 to vector<16xi32>
      %add3A_2967 = arith.addi %add3A_2966, %iota3A : vector<16xi32>
      %gather3A_2968 = tpu.vector_load_idx %arg6[%add3A_2967, %broadcast_in_dim3A_2863] : memref<512x32xf32, #tpu.memory_space<vmem>>[vector<16xi32>, vector<16xi32>], vector<16xf32>,
      %swap3A_2969 = arith.constant 3 : i32
      %swap3A_2970 = arith.constant 1 : i32
      %swap3A_2971 = arith.index_cast %swap3A_2969 : i32 to index
      %swap3A_2972 = arith.index_cast %scan3A_14 : i32 to index
      %swap3A_2973 = arith.index_cast %swap3A_2970 : i32 to index
      %swap3A_2974 = arith.constant 112 : index
      %swap3A_2975 = tpu.vector_load %arg7[%swap3A_2971, %swap3A_2972, %swap3A_2973, %swap3A_2974] {strides = array<i32>} : memref<4x4x8x128xf32, #tpu.memory_space<vmem>>, vector<16xf32>,
      tpu.vector_store %arg7[%swap3A_2971, %swap3A_2972, %swap3A_2973, %swap3A_2974], %gather3A_2968 {strides = array<i32>} : memref<4x4x8x128xf32, #tpu.memory_space<vmem>>, vector<16xf32>,
      %broadcast_in_dim3A_2976 = arith.constant 26 : i32
      %broadcast_in_dim3A_2977 = vector.broadcast %broadcast_in_dim3A_2976 : i32 to vector<16xi32>
      %mul3A_2978 = arith.constant 128 : i32
      %mul3A_2979 = arith.muli %scan3A_14, %mul3A_2978 : i32
      %add3A_2980 = arith.constant 0 : i32
      %add3A_2981 = arith.addi %mul3A_2979, %add3A_2980 : i32
      %add3A_2982 = vector.broadcast %add3A_2981 : i32 to vector<16xi32>
      %add3A_2983 = arith.addi %add3A_2982, %iota3A : vector<16xi32>
      %gather3A_2984 = tpu.vector_load_idx %arg6[%add3A_2983, %broadcast_in_dim3A_2977] : memref<512x32xf32, #tpu.memory_space<vmem>>[vector<16xi32>, vector<16xi32>], vector<16xf32>,
      %swap3A_2985 = arith.constant 3 : i32
      %swap3A_2986 = arith.constant 2 : i32
      %swap3A_2987 = arith.index_cast %swap3A_2985 : i32 to index
      %swap3A_2988 = arith.index_cast %scan3A_14 : i32 to index
      %swap3A_2989 = arith.index_cast %swap3A_2986 : i32 to index
      %swap3A_2990 = arith.constant 0 : index
      %swap3A_2991 = tpu.vector_load %arg7[%swap3A_2987, %swap3A_2988, %swap3A_2989, %swap3A_2990] {strides = array<i32>} : memref<4x4x8x128xf32, #tpu.memory_space<vmem>>, vector<16xf32>,
      tpu.vector_store %arg7[%swap3A_2987, %swap3A_2988, %swap3A_2989, %swap3A_2990], %gather3A_2984 {strides = array<i32>} : memref<4x4x8x128xf32, #tpu.memory_space<vmem>>, vector<16xf32>,
      %mul3A_2992 = arith.constant 128 : i32
      %mul3A_2993 = arith.muli %scan3A_14, %mul3A_2992 : i32
      %add3A_2994 = arith.constant 16 : i32
      %add3A_2995 = arith.addi %mul3A_2993, %add3A_2994 : i32
      %add3A_2996 = vector.broadcast %add3A_2995 : i32 to vector<16xi32>
      %add3A_2997 = arith.addi %add3A_2996, %iota3A : vector<16xi32>
      %gather3A_2998 = tpu.vector_load_idx %arg6[%add3A_2997, %broadcast_in_dim3A_2977] : memref<512x32xf32, #tpu.memory_space<vmem>>[vector<16xi32>, vector<16xi32>], vector<16xf32>,
      %swap3A_2999 = arith.constant 3 : i32
      %swap3A_3000 = arith.constant 2 : i32
      %swap3A_3001 = arith.index_cast %swap3A_2999 : i32 to index
      %swap3A_3002 = arith.index_cast %scan3A_14 : i32 to index
      %swap3A_3003 = arith.index_cast %swap3A_3000 : i32 to index
      %swap3A_3004 = arith.constant 16 : index
      %swap3A_3005 = tpu.vector_load %arg7[%swap3A_3001, %swap3A_3002, %swap3A_3003, %swap3A_3004] {strides = array<i32>} : memref<4x4x8x128xf32, #tpu.memory_space<vmem>>, vector<16xf32>,
      tpu.vector_store %arg7[%swap3A_3001, %swap3A_3002, %swap3A_3003, %swap3A_3004], %gather3A_2998 {strides = array<i32>} : memref<4x4x8x128xf32, #tpu.memory_space<vmem>>, vector<16xf32>,
      %mul3A_3006 = arith.constant 128 : i32
      %mul3A_3007 = arith.muli %scan3A_14, %mul3A_3006 : i32
      %add3A_3008 = arith.constant 32 : i32
      %add3A_3009 = arith.addi %mul3A_3007, %add3A_3008 : i32
      %add3A_3010 = vector.broadcast %add3A_3009 : i32 to vector<16xi32>
      %add3A_3011 = arith.addi %add3A_3010, %iota3A : vector<16xi32>
      %gather3A_3012 = tpu.vector_load_idx %arg6[%add3A_3011, %broadcast_in_dim3A_2977] : memref<512x32xf32, #tpu.memory_space<vmem>>[vector<16xi32>, vector<16xi32>], vector<16xf32>,
      %swap3A_3013 = arith.constant 3 : i32
      %swap3A_3014 = arith.constant 2 : i32
      %swap3A_3015 = arith.index_cast %swap3A_3013 : i32 to index
      %swap3A_3016 = arith.index_cast %scan3A_14 : i32 to index
      %swap3A_3017 = arith.index_cast %swap3A_3014 : i32 to index
      %swap3A_3018 = arith.constant 32 : index
      %swap3A_3019 = tpu.vector_load %arg7[%swap3A_3015, %swap3A_3016, %swap3A_3017, %swap3A_3018] {strides = array<i32>} : memref<4x4x8x128xf32, #tpu.memory_space<vmem>>, vector<16xf32>,
      tpu.vector_store %arg7[%swap3A_3015, %swap3A_3016, %swap3A_3017, %swap3A_3018], %gather3A_3012 {strides = array<i32>} : memref<4x4x8x128xf32, #tpu.memory_space<vmem>>, vector<16xf32>,
      %mul3A_3020 = arith.constant 128 : i32
      %mul3A_3021 = arith.muli %scan3A_14, %mul3A_3020 : i32
      %add3A_3022 = arith.constant 48 : i32
      %add3A_3023 = arith.addi %mul3A_3021, %add3A_3022 : i32
      %add3A_3024 = vector.broadcast %add3A_3023 : i32 to vector<16xi32>
      %add3A_3025 = arith.addi %add3A_3024, %iota3A : vector<16xi32>
      %gather3A_3026 = tpu.vector_load_idx %arg6[%add3A_3025, %broadcast_in_dim3A_2977] : memref<512x32xf32, #tpu.memory_space<vmem>>[vector<16xi32>, vector<16xi32>], vector<16xf32>,
      %swap3A_3027 = arith.constant 3 : i32
      %swap3A_3028 = arith.constant 2 : i32
      %swap3A_3029 = arith.index_cast %swap3A_3027 : i32 to index
      %swap3A_3030 = arith.index_cast %scan3A_14 : i32 to index
      %swap3A_3031 = arith.index_cast %swap3A_3028 : i32 to index
      %swap3A_3032 = arith.constant 48 : index
      %swap3A_3033 = tpu.vector_load %arg7[%swap3A_3029, %swap3A_3030, %swap3A_3031, %swap3A_3032] {strides = array<i32>} : memref<4x4x8x128xf32, #tpu.memory_space<vmem>>, vector<16xf32>,
      tpu.vector_store %arg7[%swap3A_3029, %swap3A_3030, %swap3A_3031, %swap3A_3032], %gather3A_3026 {strides = array<i32>} : memref<4x4x8x128xf32, #tpu.memory_space<vmem>>, vector<16xf32>,
      %mul3A_3034 = arith.constant 128 : i32
      %mul3A_3035 = arith.muli %scan3A_14, %mul3A_3034 : i32
      %add3A_3036 = arith.constant 64 : i32
      %add3A_3037 = arith.addi %mul3A_3035, %add3A_3036 : i32
      %add3A_3038 = vector.broadcast %add3A_3037 : i32 to vector<16xi32>
      %add3A_3039 = arith.addi %add3A_3038, %iota3A : vector<16xi32>
      %gather3A_3040 = tpu.vector_load_idx %arg6[%add3A_3039, %broadcast_in_dim3A_2977] : memref<512x32xf32, #tpu.memory_space<vmem>>[vector<16xi32>, vector<16xi32>], vector<16xf32>,
      %swap3A_3041 = arith.constant 3 : i32
      %swap3A_3042 = arith.constant 2 : i32
      %swap3A_3043 = arith.index_cast %swap3A_3041 : i32 to index
      %swap3A_3044 = arith.index_cast %scan3A_14 : i32 to index
      %swap3A_3045 = arith.index_cast %swap3A_3042 : i32 to index
      %swap3A_3046 = arith.constant 64 : index
      %swap3A_3047 = tpu.vector_load %arg7[%swap3A_3043, %swap3A_3044, %swap3A_3045, %swap3A_3046] {strides = array<i32>} : memref<4x4x8x128xf32, #tpu.memory_space<vmem>>, vector<16xf32>,
      tpu.vector_store %arg7[%swap3A_3043, %swap3A_3044, %swap3A_3045, %swap3A_3046], %gather3A_3040 {strides = array<i32>} : memref<4x4x8x128xf32, #tpu.memory_space<vmem>>, vector<16xf32>,
      %mul3A_3048 = arith.constant 128 : i32
      %mul3A_3049 = arith.muli %scan3A_14, %mul3A_3048 : i32
      %add3A_3050 = arith.constant 80 : i32
      %add3A_3051 = arith.addi %mul3A_3049, %add3A_3050 : i32
      %add3A_3052 = vector.broadcast %add3A_3051 : i32 to vector<16xi32>
      %add3A_3053 = arith.addi %add3A_3052, %iota3A : vector<16xi32>
      %gather3A_3054 = tpu.vector_load_idx %arg6[%add3A_3053, %broadcast_in_dim3A_2977] : memref<512x32xf32, #tpu.memory_space<vmem>>[vector<16xi32>, vector<16xi32>], vector<16xf32>,
      %swap3A_3055 = arith.constant 3 : i32
      %swap3A_3056 = arith.constant 2 : i32
      %swap3A_3057 = arith.index_cast %swap3A_3055 : i32 to index
      %swap3A_3058 = arith.index_cast %scan3A_14 : i32 to index
      %swap3A_3059 = arith.index_cast %swap3A_3056 : i32 to index
      %swap3A_3060 = arith.constant 80 : index
      %swap3A_3061 = tpu.vector_load %arg7[%swap3A_3057, %swap3A_3058, %swap3A_3059, %swap3A_3060] {strides = array<i32>} : memref<4x4x8x128xf32, #tpu.memory_space<vmem>>, vector<16xf32>,
      tpu.vector_store %arg7[%swap3A_3057, %swap3A_3058, %swap3A_3059, %swap3A_3060], %gather3A_3054 {strides = array<i32>} : memref<4x4x8x128xf32, #tpu.memory_space<vmem>>, vector<16xf32>,
      %mul3A_3062 = arith.constant 128 : i32
      %mul3A_3063 = arith.muli %scan3A_14, %mul3A_3062 : i32
      %add3A_3064 = arith.constant 96 : i32
      %add3A_3065 = arith.addi %mul3A_3063, %add3A_3064 : i32
      %add3A_3066 = vector.broadcast %add3A_3065 : i32 to vector<16xi32>
      %add3A_3067 = arith.addi %add3A_3066, %iota3A : vector<16xi32>
      %gather3A_3068 = tpu.vector_load_idx %arg6[%add3A_3067, %broadcast_in_dim3A_2977] : memref<512x32xf32, #tpu.memory_space<vmem>>[vector<16xi32>, vector<16xi32>], vector<16xf32>,
      %swap3A_3069 = arith.constant 3 : i32
      %swap3A_3070 = arith.constant 2 : i32
      %swap3A_3071 = arith.index_cast %swap3A_3069 : i32 to index
      %swap3A_3072 = arith.index_cast %scan3A_14 : i32 to index
      %swap3A_3073 = arith.index_cast %swap3A_3070 : i32 to index
      %swap3A_3074 = arith.constant 96 : index
      %swap3A_3075 = tpu.vector_load %arg7[%swap3A_3071, %swap3A_3072, %swap3A_3073, %swap3A_3074] {strides = array<i32>} : memref<4x4x8x128xf32, #tpu.memory_space<vmem>>, vector<16xf32>,
      tpu.vector_store %arg7[%swap3A_3071, %swap3A_3072, %swap3A_3073, %swap3A_3074], %gather3A_3068 {strides = array<i32>} : memref<4x4x8x128xf32, #tpu.memory_space<vmem>>, vector<16xf32>,
      %mul3A_3076 = arith.constant 128 : i32
      %mul3A_3077 = arith.muli %scan3A_14, %mul3A_3076 : i32
      %add3A_3078 = arith.constant 112 : i32
      %add3A_3079 = arith.addi %mul3A_3077, %add3A_3078 : i32
      %add3A_3080 = vector.broadcast %add3A_3079 : i32 to vector<16xi32>
      %add3A_3081 = arith.addi %add3A_3080, %iota3A : vector<16xi32>
      %gather3A_3082 = tpu.vector_load_idx %arg6[%add3A_3081, %broadcast_in_dim3A_2977] : memref<512x32xf32, #tpu.memory_space<vmem>>[vector<16xi32>, vector<16xi32>], vector<16xf32>,
      %swap3A_3083 = arith.constant 3 : i32
      %swap3A_3084 = arith.constant 2 : i32
      %swap3A_3085 = arith.index_cast %swap3A_3083 : i32 to index
      %swap3A_3086 = arith.index_cast %scan3A_14 : i32 to index
      %swap3A_3087 = arith.index_cast %swap3A_3084 : i32 to index
      %swap3A_3088 = arith.constant 112 : index
      %swap3A_3089 = tpu.vector_load %arg7[%swap3A_3085, %swap3A_3086, %swap3A_3087, %swap3A_3088] {strides = array<i32>} : memref<4x4x8x128xf32, #tpu.memory_space<vmem>>, vector<16xf32>,
      tpu.vector_store %arg7[%swap3A_3085, %swap3A_3086, %swap3A_3087, %swap3A_3088], %gather3A_3082 {strides = array<i32>} : memref<4x4x8x128xf32, #tpu.memory_space<vmem>>, vector<16xf32>,
      %broadcast_in_dim3A_3090 = arith.constant 27 : i32
      %broadcast_in_dim3A_3091 = vector.broadcast %broadcast_in_dim3A_3090 : i32 to vector<16xi32>
      %mul3A_3092 = arith.constant 128 : i32
      %mul3A_3093 = arith.muli %scan3A_14, %mul3A_3092 : i32
      %add3A_3094 = arith.constant 0 : i32
      %add3A_3095 = arith.addi %mul3A_3093, %add3A_3094 : i32
      %add3A_3096 = vector.broadcast %add3A_3095 : i32 to vector<16xi32>
      %add3A_3097 = arith.addi %add3A_3096, %iota3A : vector<16xi32>
      %gather3A_3098 = tpu.vector_load_idx %arg6[%add3A_3097, %broadcast_in_dim3A_3091] : memref<512x32xf32, #tpu.memory_space<vmem>>[vector<16xi32>, vector<16xi32>], vector<16xf32>,
      %swap3A_3099 = arith.constant 3 : i32
      %swap3A_3100 = arith.constant 3 : i32
      %swap3A_3101 = arith.index_cast %swap3A_3099 : i32 to index
      %swap3A_3102 = arith.index_cast %scan3A_14 : i32 to index
      %swap3A_3103 = arith.index_cast %swap3A_3100 : i32 to index
      %swap3A_3104 = arith.constant 0 : index
      %swap3A_3105 = tpu.vector_load %arg7[%swap3A_3101, %swap3A_3102, %swap3A_3103, %swap3A_3104] {strides = array<i32>} : memref<4x4x8x128xf32, #tpu.memory_space<vmem>>, vector<16xf32>,
      tpu.vector_store %arg7[%swap3A_3101, %swap3A_3102, %swap3A_3103, %swap3A_3104], %gather3A_3098 {strides = array<i32>} : memref<4x4x8x128xf32, #tpu.memory_space<vmem>>, vector<16xf32>,
      %mul3A_3106 = arith.constant 128 : i32
      %mul3A_3107 = arith.muli %scan3A_14, %mul3A_3106 : i32
      %add3A_3108 = arith.constant 16 : i32
      %add3A_3109 = arith.addi %mul3A_3107, %add3A_3108 : i32
      %add3A_3110 = vector.broadcast %add3A_3109 : i32 to vector<16xi32>
      %add3A_3111 = arith.addi %add3A_3110, %iota3A : vector<16xi32>
      %gather3A_3112 = tpu.vector_load_idx %arg6[%add3A_3111, %broadcast_in_dim3A_3091] : memref<512x32xf32, #tpu.memory_space<vmem>>[vector<16xi32>, vector<16xi32>], vector<16xf32>,
      %swap3A_3113 = arith.constant 3 : i32
      %swap3A_3114 = arith.constant 3 : i32
      %swap3A_3115 = arith.index_cast %swap3A_3113 : i32 to index
      %swap3A_3116 = arith.index_cast %scan3A_14 : i32 to index
      %swap3A_3117 = arith.index_cast %swap3A_3114 : i32 to index
      %swap3A_3118 = arith.constant 16 : index
      %swap3A_3119 = tpu.vector_load %arg7[%swap3A_3115, %swap3A_3116, %swap3A_3117, %swap3A_3118] {strides = array<i32>} : memref<4x4x8x128xf32, #tpu.memory_space<vmem>>, vector<16xf32>,
      tpu.vector_store %arg7[%swap3A_3115, %swap3A_3116, %swap3A_3117, %swap3A_3118], %gather3A_3112 {strides = array<i32>} : memref<4x4x8x128xf32, #tpu.memory_space<vmem>>, vector<16xf32>,
      %mul3A_3120 = arith.constant 128 : i32
      %mul3A_3121 = arith.muli %scan3A_14, %mul3A_3120 : i32
      %add3A_3122 = arith.constant 32 : i32
      %add3A_3123 = arith.addi %mul3A_3121, %add3A_3122 : i32
      %add3A_3124 = vector.broadcast %add3A_3123 : i32 to vector<16xi32>
      %add3A_3125 = arith.addi %add3A_3124, %iota3A : vector<16xi32>
      %gather3A_3126 = tpu.vector_load_idx %arg6[%add3A_3125, %broadcast_in_dim3A_3091] : memref<512x32xf32, #tpu.memory_space<vmem>>[vector<16xi32>, vector<16xi32>], vector<16xf32>,
      %swap3A_3127 = arith.constant 3 : i32
      %swap3A_3128 = arith.constant 3 : i32
      %swap3A_3129 = arith.index_cast %swap3A_3127 : i32 to index
      %swap3A_3130 = arith.index_cast %scan3A_14 : i32 to index
      %swap3A_3131 = arith.index_cast %swap3A_3128 : i32 to index
      %swap3A_3132 = arith.constant 32 : index
      %swap3A_3133 = tpu.vector_load %arg7[%swap3A_3129, %swap3A_3130, %swap3A_3131, %swap3A_3132] {strides = array<i32>} : memref<4x4x8x128xf32, #tpu.memory_space<vmem>>, vector<16xf32>,
      tpu.vector_store %arg7[%swap3A_3129, %swap3A_3130, %swap3A_3131, %swap3A_3132], %gather3A_3126 {strides = array<i32>} : memref<4x4x8x128xf32, #tpu.memory_space<vmem>>, vector<16xf32>,
      %mul3A_3134 = arith.constant 128 : i32
      %mul3A_3135 = arith.muli %scan3A_14, %mul3A_3134 : i32
      %add3A_3136 = arith.constant 48 : i32
      %add3A_3137 = arith.addi %mul3A_3135, %add3A_3136 : i32
      %add3A_3138 = vector.broadcast %add3A_3137 : i32 to vector<16xi32>
      %add3A_3139 = arith.addi %add3A_3138, %iota3A : vector<16xi32>
      %gather3A_3140 = tpu.vector_load_idx %arg6[%add3A_3139, %broadcast_in_dim3A_3091] : memref<512x32xf32, #tpu.memory_space<vmem>>[vector<16xi32>, vector<16xi32>], vector<16xf32>,
      %swap3A_3141 = arith.constant 3 : i32
      %swap3A_3142 = arith.constant 3 : i32
      %swap3A_3143 = arith.index_cast %swap3A_3141 : i32 to index
      %swap3A_3144 = arith.index_cast %scan3A_14 : i32 to index
      %swap3A_3145 = arith.index_cast %swap3A_3142 : i32 to index
      %swap3A_3146 = arith.constant 48 : index
      %swap3A_3147 = tpu.vector_load %arg7[%swap3A_3143, %swap3A_3144, %swap3A_3145, %swap3A_3146] {strides = array<i32>} : memref<4x4x8x128xf32, #tpu.memory_space<vmem>>, vector<16xf32>,
      tpu.vector_store %arg7[%swap3A_3143, %swap3A_3144, %swap3A_3145, %swap3A_3146], %gather3A_3140 {strides = array<i32>} : memref<4x4x8x128xf32, #tpu.memory_space<vmem>>, vector<16xf32>,
      %mul3A_3148 = arith.constant 128 : i32
      %mul3A_3149 = arith.muli %scan3A_14, %mul3A_3148 : i32
      %add3A_3150 = arith.constant 64 : i32
      %add3A_3151 = arith.addi %mul3A_3149, %add3A_3150 : i32
      %add3A_3152 = vector.broadcast %add3A_3151 : i32 to vector<16xi32>
      %add3A_3153 = arith.addi %add3A_3152, %iota3A : vector<16xi32>
      %gather3A_3154 = tpu.vector_load_idx %arg6[%add3A_3153, %broadcast_in_dim3A_3091] : memref<512x32xf32, #tpu.memory_space<vmem>>[vector<16xi32>, vector<16xi32>], vector<16xf32>,
      %swap3A_3155 = arith.constant 3 : i32
      %swap3A_3156 = arith.constant 3 : i32
      %swap3A_3157 = arith.index_cast %swap3A_3155 : i32 to index
      %swap3A_3158 = arith.index_cast %scan3A_14 : i32 to index
      %swap3A_3159 = arith.index_cast %swap3A_3156 : i32 to index
      %swap3A_3160 = arith.constant 64 : index
      %swap3A_3161 = tpu.vector_load %arg7[%swap3A_3157, %swap3A_3158, %swap3A_3159, %swap3A_3160] {strides = array<i32>} : memref<4x4x8x128xf32, #tpu.memory_space<vmem>>, vector<16xf32>,
      tpu.vector_store %arg7[%swap3A_3157, %swap3A_3158, %swap3A_3159, %swap3A_3160], %gather3A_3154 {strides = array<i32>} : memref<4x4x8x128xf32, #tpu.memory_space<vmem>>, vector<16xf32>,
      %mul3A_3162 = arith.constant 128 : i32
      %mul3A_3163 = arith.muli %scan3A_14, %mul3A_3162 : i32
      %add3A_3164 = arith.constant 80 : i32
      %add3A_3165 = arith.addi %mul3A_3163, %add3A_3164 : i32
      %add3A_3166 = vector.broadcast %add3A_3165 : i32 to vector<16xi32>
      %add3A_3167 = arith.addi %add3A_3166, %iota3A : vector<16xi32>
      %gather3A_3168 = tpu.vector_load_idx %arg6[%add3A_3167, %broadcast_in_dim3A_3091] : memref<512x32xf32, #tpu.memory_space<vmem>>[vector<16xi32>, vector<16xi32>], vector<16xf32>,
      %swap3A_3169 = arith.constant 3 : i32
      %swap3A_3170 = arith.constant 3 : i32
      %swap3A_3171 = arith.index_cast %swap3A_3169 : i32 to index
      %swap3A_3172 = arith.index_cast %scan3A_14 : i32 to index
      %swap3A_3173 = arith.index_cast %swap3A_3170 : i32 to index
      %swap3A_3174 = arith.constant 80 : index
      %swap3A_3175 = tpu.vector_load %arg7[%swap3A_3171, %swap3A_3172, %swap3A_3173, %swap3A_3174] {strides = array<i32>} : memref<4x4x8x128xf32, #tpu.memory_space<vmem>>, vector<16xf32>,
      tpu.vector_store %arg7[%swap3A_3171, %swap3A_3172, %swap3A_3173, %swap3A_3174], %gather3A_3168 {strides = array<i32>} : memref<4x4x8x128xf32, #tpu.memory_space<vmem>>, vector<16xf32>,
      %mul3A_3176 = arith.constant 128 : i32
      %mul3A_3177 = arith.muli %scan3A_14, %mul3A_3176 : i32
      %add3A_3178 = arith.constant 96 : i32
      %add3A_3179 = arith.addi %mul3A_3177, %add3A_3178 : i32
      %add3A_3180 = vector.broadcast %add3A_3179 : i32 to vector<16xi32>
      %add3A_3181 = arith.addi %add3A_3180, %iota3A : vector<16xi32>
      %gather3A_3182 = tpu.vector_load_idx %arg6[%add3A_3181, %broadcast_in_dim3A_3091] : memref<512x32xf32, #tpu.memory_space<vmem>>[vector<16xi32>, vector<16xi32>], vector<16xf32>,
      %swap3A_3183 = arith.constant 3 : i32
      %swap3A_3184 = arith.constant 3 : i32
      %swap3A_3185 = arith.index_cast %swap3A_3183 : i32 to index
      %swap3A_3186 = arith.index_cast %scan3A_14 : i32 to index
      %swap3A_3187 = arith.index_cast %swap3A_3184 : i32 to index
      %swap3A_3188 = arith.constant 96 : index
      %swap3A_3189 = tpu.vector_load %arg7[%swap3A_3185, %swap3A_3186, %swap3A_3187, %swap3A_3188] {strides = array<i32>} : memref<4x4x8x128xf32, #tpu.memory_space<vmem>>, vector<16xf32>,
      tpu.vector_store %arg7[%swap3A_3185, %swap3A_3186, %swap3A_3187, %swap3A_3188], %gather3A_3182 {strides = array<i32>} : memref<4x4x8x128xf32, #tpu.memory_space<vmem>>, vector<16xf32>,
      %mul3A_3190 = arith.constant 128 : i32
      %mul3A_3191 = arith.muli %scan3A_14, %mul3A_3190 : i32
      %add3A_3192 = arith.constant 112 : i32
      %add3A_3193 = arith.addi %mul3A_3191, %add3A_3192 : i32
      %add3A_3194 = vector.broadcast %add3A_3193 : i32 to vector<16xi32>
      %add3A_3195 = arith.addi %add3A_3194, %iota3A : vector<16xi32>
      %gather3A_3196 = tpu.vector_load_idx %arg6[%add3A_3195, %broadcast_in_dim3A_3091] : memref<512x32xf32, #tpu.memory_space<vmem>>[vector<16xi32>, vector<16xi32>], vector<16xf32>,
      %swap3A_3197 = arith.constant 3 : i32
      %swap3A_3198 = arith.constant 3 : i32
      %swap3A_3199 = arith.index_cast %swap3A_3197 : i32 to index
      %swap3A_3200 = arith.index_cast %scan3A_14 : i32 to index
      %swap3A_3201 = arith.index_cast %swap3A_3198 : i32 to index
      %swap3A_3202 = arith.constant 112 : index
      %swap3A_3203 = tpu.vector_load %arg7[%swap3A_3199, %swap3A_3200, %swap3A_3201, %swap3A_3202] {strides = array<i32>} : memref<4x4x8x128xf32, #tpu.memory_space<vmem>>, vector<16xf32>,
      tpu.vector_store %arg7[%swap3A_3199, %swap3A_3200, %swap3A_3201, %swap3A_3202], %gather3A_3196 {strides = array<i32>} : memref<4x4x8x128xf32, #tpu.memory_space<vmem>>, vector<16xf32>,
      %broadcast_in_dim3A_3204 = arith.constant 28 : i32
      %broadcast_in_dim3A_3205 = vector.broadcast %broadcast_in_dim3A_3204 : i32 to vector<16xi32>
      %mul3A_3206 = arith.constant 128 : i32
      %mul3A_3207 = arith.muli %scan3A_14, %mul3A_3206 : i32
      %add3A_3208 = arith.constant 0 : i32
      %add3A_3209 = arith.addi %mul3A_3207, %add3A_3208 : i32
      %add3A_3210 = vector.broadcast %add3A_3209 : i32 to vector<16xi32>
      %add3A_3211 = arith.addi %add3A_3210, %iota3A : vector<16xi32>
      %gather3A_3212 = tpu.vector_load_idx %arg6[%add3A_3211, %broadcast_in_dim3A_3205] : memref<512x32xf32, #tpu.memory_space<vmem>>[vector<16xi32>, vector<16xi32>], vector<16xf32>,
      %swap3A_3213 = arith.constant 3 : i32
      %swap3A_3214 = arith.constant 4 : i32
      %swap3A_3215 = arith.index_cast %swap3A_3213 : i32 to index
      %swap3A_3216 = arith.index_cast %scan3A_14 : i32 to index
      %swap3A_3217 = arith.index_cast %swap3A_3214 : i32 to index
      %swap3A_3218 = arith.constant 0 : index
      %swap3A_3219 = tpu.vector_load %arg7[%swap3A_3215, %swap3A_3216, %swap3A_3217, %swap3A_3218] {strides = array<i32>} : memref<4x4x8x128xf32, #tpu.memory_space<vmem>>, vector<16xf32>,
      tpu.vector_store %arg7[%swap3A_3215, %swap3A_3216, %swap3A_3217, %swap3A_3218], %gather3A_3212 {strides = array<i32>} : memref<4x4x8x128xf32, #tpu.memory_space<vmem>>, vector<16xf32>,
      %mul3A_3220 = arith.constant 128 : i32
      %mul3A_3221 = arith.muli %scan3A_14, %mul3A_3220 : i32
      %add3A_3222 = arith.constant 16 : i32
      %add3A_3223 = arith.addi %mul3A_3221, %add3A_3222 : i32
      %add3A_3224 = vector.broadcast %add3A_3223 : i32 to vector<16xi32>
      %add3A_3225 = arith.addi %add3A_3224, %iota3A : vector<16xi32>
      %gather3A_3226 = tpu.vector_load_idx %arg6[%add3A_3225, %broadcast_in_dim3A_3205] : memref<512x32xf32, #tpu.memory_space<vmem>>[vector<16xi32>, vector<16xi32>], vector<16xf32>,
      %swap3A_3227 = arith.constant 3 : i32
      %swap3A_3228 = arith.constant 4 : i32
      %swap3A_3229 = arith.index_cast %swap3A_3227 : i32 to index
      %swap3A_3230 = arith.index_cast %scan3A_14 : i32 to index
      %swap3A_3231 = arith.index_cast %swap3A_3228 : i32 to index
      %swap3A_3232 = arith.constant 16 : index
      %swap3A_3233 = tpu.vector_load %arg7[%swap3A_3229, %swap3A_3230, %swap3A_3231, %swap3A_3232] {strides = array<i32>} : memref<4x4x8x128xf32, #tpu.memory_space<vmem>>, vector<16xf32>,
      tpu.vector_store %arg7[%swap3A_3229, %swap3A_3230, %swap3A_3231, %swap3A_3232], %gather3A_3226 {strides = array<i32>} : memref<4x4x8x128xf32, #tpu.memory_space<vmem>>, vector<16xf32>,
      %mul3A_3234 = arith.constant 128 : i32
      %mul3A_3235 = arith.muli %scan3A_14, %mul3A_3234 : i32
      %add3A_3236 = arith.constant 32 : i32
      %add3A_3237 = arith.addi %mul3A_3235, %add3A_3236 : i32
      %add3A_3238 = vector.broadcast %add3A_3237 : i32 to vector<16xi32>
      %add3A_3239 = arith.addi %add3A_3238, %iota3A : vector<16xi32>
      %gather3A_3240 = tpu.vector_load_idx %arg6[%add3A_3239, %broadcast_in_dim3A_3205] : memref<512x32xf32, #tpu.memory_space<vmem>>[vector<16xi32>, vector<16xi32>], vector<16xf32>,
      %swap3A_3241 = arith.constant 3 : i32
      %swap3A_3242 = arith.constant 4 : i32
      %swap3A_3243 = arith.index_cast %swap3A_3241 : i32 to index
      %swap3A_3244 = arith.index_cast %scan3A_14 : i32 to index
      %swap3A_3245 = arith.index_cast %swap3A_3242 : i32 to index
      %swap3A_3246 = arith.constant 32 : index
      %swap3A_3247 = tpu.vector_load %arg7[%swap3A_3243, %swap3A_3244, %swap3A_3245, %swap3A_3246] {strides = array<i32>} : memref<4x4x8x128xf32, #tpu.memory_space<vmem>>, vector<16xf32>,
      tpu.vector_store %arg7[%swap3A_3243, %swap3A_3244, %swap3A_3245, %swap3A_3246], %gather3A_3240 {strides = array<i32>} : memref<4x4x8x128xf32, #tpu.memory_space<vmem>>, vector<16xf32>,
      %mul3A_3248 = arith.constant 128 : i32
      %mul3A_3249 = arith.muli %scan3A_14, %mul3A_3248 : i32
      %add3A_3250 = arith.constant 48 : i32
      %add3A_3251 = arith.addi %mul3A_3249, %add3A_3250 : i32
      %add3A_3252 = vector.broadcast %add3A_3251 : i32 to vector<16xi32>
      %add3A_3253 = arith.addi %add3A_3252, %iota3A : vector<16xi32>
      %gather3A_3254 = tpu.vector_load_idx %arg6[%add3A_3253, %broadcast_in_dim3A_3205] : memref<512x32xf32, #tpu.memory_space<vmem>>[vector<16xi32>, vector<16xi32>], vector<16xf32>,
      %swap3A_3255 = arith.constant 3 : i32
      %swap3A_3256 = arith.constant 4 : i32
      %swap3A_3257 = arith.index_cast %swap3A_3255 : i32 to index
      %swap3A_3258 = arith.index_cast %scan3A_14 : i32 to index
      %swap3A_3259 = arith.index_cast %swap3A_3256 : i32 to index
      %swap3A_3260 = arith.constant 48 : index
      %swap3A_3261 = tpu.vector_load %arg7[%swap3A_3257, %swap3A_3258, %swap3A_3259, %swap3A_3260] {strides = array<i32>} : memref<4x4x8x128xf32, #tpu.memory_space<vmem>>, vector<16xf32>,
      tpu.vector_store %arg7[%swap3A_3257, %swap3A_3258, %swap3A_3259, %swap3A_3260], %gather3A_3254 {strides = array<i32>} : memref<4x4x8x128xf32, #tpu.memory_space<vmem>>, vector<16xf32>,
      %mul3A_3262 = arith.constant 128 : i32
      %mul3A_3263 = arith.muli %scan3A_14, %mul3A_3262 : i32
      %add3A_3264 = arith.constant 64 : i32
      %add3A_3265 = arith.addi %mul3A_3263, %add3A_3264 : i32
      %add3A_3266 = vector.broadcast %add3A_3265 : i32 to vector<16xi32>
      %add3A_3267 = arith.addi %add3A_3266, %iota3A : vector<16xi32>
      %gather3A_3268 = tpu.vector_load_idx %arg6[%add3A_3267, %broadcast_in_dim3A_3205] : memref<512x32xf32, #tpu.memory_space<vmem>>[vector<16xi32>, vector<16xi32>], vector<16xf32>,
      %swap3A_3269 = arith.constant 3 : i32
      %swap3A_3270 = arith.constant 4 : i32
      %swap3A_3271 = arith.index_cast %swap3A_3269 : i32 to index
      %swap3A_3272 = arith.index_cast %scan3A_14 : i32 to index
      %swap3A_3273 = arith.index_cast %swap3A_3270 : i32 to index
      %swap3A_3274 = arith.constant 64 : index
      %swap3A_3275 = tpu.vector_load %arg7[%swap3A_3271, %swap3A_3272, %swap3A_3273, %swap3A_3274] {strides = array<i32>} : memref<4x4x8x128xf32, #tpu.memory_space<vmem>>, vector<16xf32>,
      tpu.vector_store %arg7[%swap3A_3271, %swap3A_3272, %swap3A_3273, %swap3A_3274], %gather3A_3268 {strides = array<i32>} : memref<4x4x8x128xf32, #tpu.memory_space<vmem>>, vector<16xf32>,
      %mul3A_3276 = arith.constant 128 : i32
      %mul3A_3277 = arith.muli %scan3A_14, %mul3A_3276 : i32
      %add3A_3278 = arith.constant 80 : i32
      %add3A_3279 = arith.addi %mul3A_3277, %add3A_3278 : i32
      %add3A_3280 = vector.broadcast %add3A_3279 : i32 to vector<16xi32>
      %add3A_3281 = arith.addi %add3A_3280, %iota3A : vector<16xi32>
      %gather3A_3282 = tpu.vector_load_idx %arg6[%add3A_3281, %broadcast_in_dim3A_3205] : memref<512x32xf32, #tpu.memory_space<vmem>>[vector<16xi32>, vector<16xi32>], vector<16xf32>,
      %swap3A_3283 = arith.constant 3 : i32
      %swap3A_3284 = arith.constant 4 : i32
      %swap3A_3285 = arith.index_cast %swap3A_3283 : i32 to index
      %swap3A_3286 = arith.index_cast %scan3A_14 : i32 to index
      %swap3A_3287 = arith.index_cast %swap3A_3284 : i32 to index
      %swap3A_3288 = arith.constant 80 : index
      %swap3A_3289 = tpu.vector_load %arg7[%swap3A_3285, %swap3A_3286, %swap3A_3287, %swap3A_3288] {strides = array<i32>} : memref<4x4x8x128xf32, #tpu.memory_space<vmem>>, vector<16xf32>,
      tpu.vector_store %arg7[%swap3A_3285, %swap3A_3286, %swap3A_3287, %swap3A_3288], %gather3A_3282 {strides = array<i32>} : memref<4x4x8x128xf32, #tpu.memory_space<vmem>>, vector<16xf32>,
      %mul3A_3290 = arith.constant 128 : i32
      %mul3A_3291 = arith.muli %scan3A_14, %mul3A_3290 : i32
      %add3A_3292 = arith.constant 96 : i32
      %add3A_3293 = arith.addi %mul3A_3291, %add3A_3292 : i32
      %add3A_3294 = vector.broadcast %add3A_3293 : i32 to vector<16xi32>
      %add3A_3295 = arith.addi %add3A_3294, %iota3A : vector<16xi32>
      %gather3A_3296 = tpu.vector_load_idx %arg6[%add3A_3295, %broadcast_in_dim3A_3205] : memref<512x32xf32, #tpu.memory_space<vmem>>[vector<16xi32>, vector<16xi32>], vector<16xf32>,
      %swap3A_3297 = arith.constant 3 : i32
      %swap3A_3298 = arith.constant 4 : i32
      %swap3A_3299 = arith.index_cast %swap3A_3297 : i32 to index
      %swap3A_3300 = arith.index_cast %scan3A_14 : i32 to index
      %swap3A_3301 = arith.index_cast %swap3A_3298 : i32 to index
      %swap3A_3302 = arith.constant 96 : index
      %swap3A_3303 = tpu.vector_load %arg7[%swap3A_3299, %swap3A_3300, %swap3A_3301, %swap3A_3302] {strides = array<i32>} : memref<4x4x8x128xf32, #tpu.memory_space<vmem>>, vector<16xf32>,
      tpu.vector_store %arg7[%swap3A_3299, %swap3A_3300, %swap3A_3301, %swap3A_3302], %gather3A_3296 {strides = array<i32>} : memref<4x4x8x128xf32, #tpu.memory_space<vmem>>, vector<16xf32>,
      %mul3A_3304 = arith.constant 128 : i32
      %mul3A_3305 = arith.muli %scan3A_14, %mul3A_3304 : i32
      %add3A_3306 = arith.constant 112 : i32
      %add3A_3307 = arith.addi %mul3A_3305, %add3A_3306 : i32
      %add3A_3308 = vector.broadcast %add3A_3307 : i32 to vector<16xi32>
      %add3A_3309 = arith.addi %add3A_3308, %iota3A : vector<16xi32>
      %gather3A_3310 = tpu.vector_load_idx %arg6[%add3A_3309, %broadcast_in_dim3A_3205] : memref<512x32xf32, #tpu.memory_space<vmem>>[vector<16xi32>, vector<16xi32>], vector<16xf32>,
      %swap3A_3311 = arith.constant 3 : i32
      %swap3A_3312 = arith.constant 4 : i32
      %swap3A_3313 = arith.index_cast %swap3A_3311 : i32 to index
      %swap3A_3314 = arith.index_cast %scan3A_14 : i32 to index
      %swap3A_3315 = arith.index_cast %swap3A_3312 : i32 to index
      %swap3A_3316 = arith.constant 112 : index
      %swap3A_3317 = tpu.vector_load %arg7[%swap3A_3313, %swap3A_3314, %swap3A_3315, %swap3A_3316] {strides = array<i32>} : memref<4x4x8x128xf32, #tpu.memory_space<vmem>>, vector<16xf32>,
      tpu.vector_store %arg7[%swap3A_3313, %swap3A_3314, %swap3A_3315, %swap3A_3316], %gather3A_3310 {strides = array<i32>} : memref<4x4x8x128xf32, #tpu.memory_space<vmem>>, vector<16xf32>,
      %broadcast_in_dim3A_3318 = arith.constant 29 : i32
      %broadcast_in_dim3A_3319 = vector.broadcast %broadcast_in_dim3A_3318 : i32 to vector<16xi32>
      %mul3A_3320 = arith.constant 128 : i32
      %mul3A_3321 = arith.muli %scan3A_14, %mul3A_3320 : i32
      %add3A_3322 = arith.constant 0 : i32
      %add3A_3323 = arith.addi %mul3A_3321, %add3A_3322 : i32
      %add3A_3324 = vector.broadcast %add3A_3323 : i32 to vector<16xi32>
      %add3A_3325 = arith.addi %add3A_3324, %iota3A : vector<16xi32>
      %gather3A_3326 = tpu.vector_load_idx %arg6[%add3A_3325, %broadcast_in_dim3A_3319] : memref<512x32xf32, #tpu.memory_space<vmem>>[vector<16xi32>, vector<16xi32>], vector<16xf32>,
      %swap3A_3327 = arith.constant 3 : i32
      %swap3A_3328 = arith.constant 5 : i32
      %swap3A_3329 = arith.index_cast %swap3A_3327 : i32 to index
      %swap3A_3330 = arith.index_cast %scan3A_14 : i32 to index
      %swap3A_3331 = arith.index_cast %swap3A_3328 : i32 to index
      %swap3A_3332 = arith.constant 0 : index
      %swap3A_3333 = tpu.vector_load %arg7[%swap3A_3329, %swap3A_3330, %swap3A_3331, %swap3A_3332] {strides = array<i32>} : memref<4x4x8x128xf32, #tpu.memory_space<vmem>>, vector<16xf32>,
      tpu.vector_store %arg7[%swap3A_3329, %swap3A_3330, %swap3A_3331, %swap3A_3332], %gather3A_3326 {strides = array<i32>} : memref<4x4x8x128xf32, #tpu.memory_space<vmem>>, vector<16xf32>,
      %mul3A_3334 = arith.constant 128 : i32
      %mul3A_3335 = arith.muli %scan3A_14, %mul3A_3334 : i32
      %add3A_3336 = arith.constant 16 : i32
      %add3A_3337 = arith.addi %mul3A_3335, %add3A_3336 : i32
      %add3A_3338 = vector.broadcast %add3A_3337 : i32 to vector<16xi32>
      %add3A_3339 = arith.addi %add3A_3338, %iota3A : vector<16xi32>
      %gather3A_3340 = tpu.vector_load_idx %arg6[%add3A_3339, %broadcast_in_dim3A_3319] : memref<512x32xf32, #tpu.memory_space<vmem>>[vector<16xi32>, vector<16xi32>], vector<16xf32>,
      %swap3A_3341 = arith.constant 3 : i32
      %swap3A_3342 = arith.constant 5 : i32
      %swap3A_3343 = arith.index_cast %swap3A_3341 : i32 to index
      %swap3A_3344 = arith.index_cast %scan3A_14 : i32 to index
      %swap3A_3345 = arith.index_cast %swap3A_3342 : i32 to index
      %swap3A_3346 = arith.constant 16 : index
      %swap3A_3347 = tpu.vector_load %arg7[%swap3A_3343, %swap3A_3344, %swap3A_3345, %swap3A_3346] {strides = array<i32>} : memref<4x4x8x128xf32, #tpu.memory_space<vmem>>, vector<16xf32>,
      tpu.vector_store %arg7[%swap3A_3343, %swap3A_3344, %swap3A_3345, %swap3A_3346], %gather3A_3340 {strides = array<i32>} : memref<4x4x8x128xf32, #tpu.memory_space<vmem>>, vector<16xf32>,
      %mul3A_3348 = arith.constant 128 : i32
      %mul3A_3349 = arith.muli %scan3A_14, %mul3A_3348 : i32
      %add3A_3350 = arith.constant 32 : i32
      %add3A_3351 = arith.addi %mul3A_3349, %add3A_3350 : i32
      %add3A_3352 = vector.broadcast %add3A_3351 : i32 to vector<16xi32>
      %add3A_3353 = arith.addi %add3A_3352, %iota3A : vector<16xi32>
      %gather3A_3354 = tpu.vector_load_idx %arg6[%add3A_3353, %broadcast_in_dim3A_3319] : memref<512x32xf32, #tpu.memory_space<vmem>>[vector<16xi32>, vector<16xi32>], vector<16xf32>,
      %swap3A_3355 = arith.constant 3 : i32
      %swap3A_3356 = arith.constant 5 : i32
      %swap3A_3357 = arith.index_cast %swap3A_3355 : i32 to index
      %swap3A_3358 = arith.index_cast %scan3A_14 : i32 to index
      %swap3A_3359 = arith.index_cast %swap3A_3356 : i32 to index
      %swap3A_3360 = arith.constant 32 : index
      %swap3A_3361 = tpu.vector_load %arg7[%swap3A_3357, %swap3A_3358, %swap3A_3359, %swap3A_3360] {strides = array<i32>} : memref<4x4x8x128xf32, #tpu.memory_space<vmem>>, vector<16xf32>,
      tpu.vector_store %arg7[%swap3A_3357, %swap3A_3358, %swap3A_3359, %swap3A_3360], %gather3A_3354 {strides = array<i32>} : memref<4x4x8x128xf32, #tpu.memory_space<vmem>>, vector<16xf32>,
      %mul3A_3362 = arith.constant 128 : i32
      %mul3A_3363 = arith.muli %scan3A_14, %mul3A_3362 : i32
      %add3A_3364 = arith.constant 48 : i32
      %add3A_3365 = arith.addi %mul3A_3363, %add3A_3364 : i32
      %add3A_3366 = vector.broadcast %add3A_3365 : i32 to vector<16xi32>
      %add3A_3367 = arith.addi %add3A_3366, %iota3A : vector<16xi32>
      %gather3A_3368 = tpu.vector_load_idx %arg6[%add3A_3367, %broadcast_in_dim3A_3319] : memref<512x32xf32, #tpu.memory_space<vmem>>[vector<16xi32>, vector<16xi32>], vector<16xf32>,
      %swap3A_3369 = arith.constant 3 : i32
      %swap3A_3370 = arith.constant 5 : i32
      %swap3A_3371 = arith.index_cast %swap3A_3369 : i32 to index
      %swap3A_3372 = arith.index_cast %scan3A_14 : i32 to index
      %swap3A_3373 = arith.index_cast %swap3A_3370 : i32 to index
      %swap3A_3374 = arith.constant 48 : index
      %swap3A_3375 = tpu.vector_load %arg7[%swap3A_3371, %swap3A_3372, %swap3A_3373, %swap3A_3374] {strides = array<i32>} : memref<4x4x8x128xf32, #tpu.memory_space<vmem>>, vector<16xf32>,
      tpu.vector_store %arg7[%swap3A_3371, %swap3A_3372, %swap3A_3373, %swap3A_3374], %gather3A_3368 {strides = array<i32>} : memref<4x4x8x128xf32, #tpu.memory_space<vmem>>, vector<16xf32>,
      %mul3A_3376 = arith.constant 128 : i32
      %mul3A_3377 = arith.muli %scan3A_14, %mul3A_3376 : i32
      %add3A_3378 = arith.constant 64 : i32
      %add3A_3379 = arith.addi %mul3A_3377, %add3A_3378 : i32
      %add3A_3380 = vector.broadcast %add3A_3379 : i32 to vector<16xi32>
      %add3A_3381 = arith.addi %add3A_3380, %iota3A : vector<16xi32>
      %gather3A_3382 = tpu.vector_load_idx %arg6[%add3A_3381, %broadcast_in_dim3A_3319] : memref<512x32xf32, #tpu.memory_space<vmem>>[vector<16xi32>, vector<16xi32>], vector<16xf32>,
      %swap3A_3383 = arith.constant 3 : i32
      %swap3A_3384 = arith.constant 5 : i32
      %swap3A_3385 = arith.index_cast %swap3A_3383 : i32 to index
      %swap3A_3386 = arith.index_cast %scan3A_14 : i32 to index
      %swap3A_3387 = arith.index_cast %swap3A_3384 : i32 to index
      %swap3A_3388 = arith.constant 64 : index
      %swap3A_3389 = tpu.vector_load %arg7[%swap3A_3385, %swap3A_3386, %swap3A_3387, %swap3A_3388] {strides = array<i32>} : memref<4x4x8x128xf32, #tpu.memory_space<vmem>>, vector<16xf32>,
      tpu.vector_store %arg7[%swap3A_3385, %swap3A_3386, %swap3A_3387, %swap3A_3388], %gather3A_3382 {strides = array<i32>} : memref<4x4x8x128xf32, #tpu.memory_space<vmem>>, vector<16xf32>,
      %mul3A_3390 = arith.constant 128 : i32
      %mul3A_3391 = arith.muli %scan3A_14, %mul3A_3390 : i32
      %add3A_3392 = arith.constant 80 : i32
      %add3A_3393 = arith.addi %mul3A_3391, %add3A_3392 : i32
      %add3A_3394 = vector.broadcast %add3A_3393 : i32 to vector<16xi32>
      %add3A_3395 = arith.addi %add3A_3394, %iota3A : vector<16xi32>
      %gather3A_3396 = tpu.vector_load_idx %arg6[%add3A_3395, %broadcast_in_dim3A_3319] : memref<512x32xf32, #tpu.memory_space<vmem>>[vector<16xi32>, vector<16xi32>], vector<16xf32>,
      %swap3A_3397 = arith.constant 3 : i32
      %swap3A_3398 = arith.constant 5 : i32
      %swap3A_3399 = arith.index_cast %swap3A_3397 : i32 to index
      %swap3A_3400 = arith.index_cast %scan3A_14 : i32 to index
      %swap3A_3401 = arith.index_cast %swap3A_3398 : i32 to index
      %swap3A_3402 = arith.constant 80 : index
      %swap3A_3403 = tpu.vector_load %arg7[%swap3A_3399, %swap3A_3400, %swap3A_3401, %swap3A_3402] {strides = array<i32>} : memref<4x4x8x128xf32, #tpu.memory_space<vmem>>, vector<16xf32>,
      tpu.vector_store %arg7[%swap3A_3399, %swap3A_3400, %swap3A_3401, %swap3A_3402], %gather3A_3396 {strides = array<i32>} : memref<4x4x8x128xf32, #tpu.memory_space<vmem>>, vector<16xf32>,
      %mul3A_3404 = arith.constant 128 : i32
      %mul3A_3405 = arith.muli %scan3A_14, %mul3A_3404 : i32
      %add3A_3406 = arith.constant 96 : i32
      %add3A_3407 = arith.addi %mul3A_3405, %add3A_3406 : i32
      %add3A_3408 = vector.broadcast %add3A_3407 : i32 to vector<16xi32>
      %add3A_3409 = arith.addi %add3A_3408, %iota3A : vector<16xi32>
      %gather3A_3410 = tpu.vector_load_idx %arg6[%add3A_3409, %broadcast_in_dim3A_3319] : memref<512x32xf32, #tpu.memory_space<vmem>>[vector<16xi32>, vector<16xi32>], vector<16xf32>,
      %swap3A_3411 = arith.constant 3 : i32
      %swap3A_3412 = arith.constant 5 : i32
      %swap3A_3413 = arith.index_cast %swap3A_3411 : i32 to index
      %swap3A_3414 = arith.index_cast %scan3A_14 : i32 to index
      %swap3A_3415 = arith.index_cast %swap3A_3412 : i32 to index
      %swap3A_3416 = arith.constant 96 : index
      %swap3A_3417 = tpu.vector_load %arg7[%swap3A_3413, %swap3A_3414, %swap3A_3415, %swap3A_3416] {strides = array<i32>} : memref<4x4x8x128xf32, #tpu.memory_space<vmem>>, vector<16xf32>,
      tpu.vector_store %arg7[%swap3A_3413, %swap3A_3414, %swap3A_3415, %swap3A_3416], %gather3A_3410 {strides = array<i32>} : memref<4x4x8x128xf32, #tpu.memory_space<vmem>>, vector<16xf32>,
      %mul3A_3418 = arith.constant 128 : i32
      %mul3A_3419 = arith.muli %scan3A_14, %mul3A_3418 : i32
      %add3A_3420 = arith.constant 112 : i32
      %add3A_3421 = arith.addi %mul3A_3419, %add3A_3420 : i32
      %add3A_3422 = vector.broadcast %add3A_3421 : i32 to vector<16xi32>
      %add3A_3423 = arith.addi %add3A_3422, %iota3A : vector<16xi32>
      %gather3A_3424 = tpu.vector_load_idx %arg6[%add3A_3423, %broadcast_in_dim3A_3319] : memref<512x32xf32, #tpu.memory_space<vmem>>[vector<16xi32>, vector<16xi32>], vector<16xf32>,
      %swap3A_3425 = arith.constant 3 : i32
      %swap3A_3426 = arith.constant 5 : i32
      %swap3A_3427 = arith.index_cast %swap3A_3425 : i32 to index
      %swap3A_3428 = arith.index_cast %scan3A_14 : i32 to index
      %swap3A_3429 = arith.index_cast %swap3A_3426 : i32 to index
      %swap3A_3430 = arith.constant 112 : index
      %swap3A_3431 = tpu.vector_load %arg7[%swap3A_3427, %swap3A_3428, %swap3A_3429, %swap3A_3430] {strides = array<i32>} : memref<4x4x8x128xf32, #tpu.memory_space<vmem>>, vector<16xf32>,
      tpu.vector_store %arg7[%swap3A_3427, %swap3A_3428, %swap3A_3429, %swap3A_3430], %gather3A_3424 {strides = array<i32>} : memref<4x4x8x128xf32, #tpu.memory_space<vmem>>, vector<16xf32>,
      %broadcast_in_dim3A_3432 = arith.constant 30 : i32
      %broadcast_in_dim3A_3433 = vector.broadcast %broadcast_in_dim3A_3432 : i32 to vector<16xi32>
      %mul3A_3434 = arith.constant 128 : i32
      %mul3A_3435 = arith.muli %scan3A_14, %mul3A_3434 : i32
      %add3A_3436 = arith.constant 0 : i32
      %add3A_3437 = arith.addi %mul3A_3435, %add3A_3436 : i32
      %add3A_3438 = vector.broadcast %add3A_3437 : i32 to vector<16xi32>
      %add3A_3439 = arith.addi %add3A_3438, %iota3A : vector<16xi32>
      %gather3A_3440 = tpu.vector_load_idx %arg6[%add3A_3439, %broadcast_in_dim3A_3433] : memref<512x32xf32, #tpu.memory_space<vmem>>[vector<16xi32>, vector<16xi32>], vector<16xf32>,
      %swap3A_3441 = arith.constant 3 : i32
      %swap3A_3442 = arith.constant 6 : i32
      %swap3A_3443 = arith.index_cast %swap3A_3441 : i32 to index
      %swap3A_3444 = arith.index_cast %scan3A_14 : i32 to index
      %swap3A_3445 = arith.index_cast %swap3A_3442 : i32 to index
      %swap3A_3446 = arith.constant 0 : index
      %swap3A_3447 = tpu.vector_load %arg7[%swap3A_3443, %swap3A_3444, %swap3A_3445, %swap3A_3446] {strides = array<i32>} : memref<4x4x8x128xf32, #tpu.memory_space<vmem>>, vector<16xf32>,
      tpu.vector_store %arg7[%swap3A_3443, %swap3A_3444, %swap3A_3445, %swap3A_3446], %gather3A_3440 {strides = array<i32>} : memref<4x4x8x128xf32, #tpu.memory_space<vmem>>, vector<16xf32>,
      %mul3A_3448 = arith.constant 128 : i32
      %mul3A_3449 = arith.muli %scan3A_14, %mul3A_3448 : i32
      %add3A_3450 = arith.constant 16 : i32
      %add3A_3451 = arith.addi %mul3A_3449, %add3A_3450 : i32
      %add3A_3452 = vector.broadcast %add3A_3451 : i32 to vector<16xi32>
      %add3A_3453 = arith.addi %add3A_3452, %iota3A : vector<16xi32>
      %gather3A_3454 = tpu.vector_load_idx %arg6[%add3A_3453, %broadcast_in_dim3A_3433] : memref<512x32xf32, #tpu.memory_space<vmem>>[vector<16xi32>, vector<16xi32>], vector<16xf32>,
      %swap3A_3455 = arith.constant 3 : i32
      %swap3A_3456 = arith.constant 6 : i32
      %swap3A_3457 = arith.index_cast %swap3A_3455 : i32 to index
      %swap3A_3458 = arith.index_cast %scan3A_14 : i32 to index
      %swap3A_3459 = arith.index_cast %swap3A_3456 : i32 to index
      %swap3A_3460 = arith.constant 16 : index
      %swap3A_3461 = tpu.vector_load %arg7[%swap3A_3457, %swap3A_3458, %swap3A_3459, %swap3A_3460] {strides = array<i32>} : memref<4x4x8x128xf32, #tpu.memory_space<vmem>>, vector<16xf32>,
      tpu.vector_store %arg7[%swap3A_3457, %swap3A_3458, %swap3A_3459, %swap3A_3460], %gather3A_3454 {strides = array<i32>} : memref<4x4x8x128xf32, #tpu.memory_space<vmem>>, vector<16xf32>,
      %mul3A_3462 = arith.constant 128 : i32
      %mul3A_3463 = arith.muli %scan3A_14, %mul3A_3462 : i32
      %add3A_3464 = arith.constant 32 : i32
      %add3A_3465 = arith.addi %mul3A_3463, %add3A_3464 : i32
      %add3A_3466 = vector.broadcast %add3A_3465 : i32 to vector<16xi32>
      %add3A_3467 = arith.addi %add3A_3466, %iota3A : vector<16xi32>
      %gather3A_3468 = tpu.vector_load_idx %arg6[%add3A_3467, %broadcast_in_dim3A_3433] : memref<512x32xf32, #tpu.memory_space<vmem>>[vector<16xi32>, vector<16xi32>], vector<16xf32>,
      %swap3A_3469 = arith.constant 3 : i32
      %swap3A_3470 = arith.constant 6 : i32
      %swap3A_3471 = arith.index_cast %swap3A_3469 : i32 to index
      %swap3A_3472 = arith.index_cast %scan3A_14 : i32 to index
      %swap3A_3473 = arith.index_cast %swap3A_3470 : i32 to index
      %swap3A_3474 = arith.constant 32 : index
      %swap3A_3475 = tpu.vector_load %arg7[%swap3A_3471, %swap3A_3472, %swap3A_3473, %swap3A_3474] {strides = array<i32>} : memref<4x4x8x128xf32, #tpu.memory_space<vmem>>, vector<16xf32>,
      tpu.vector_store %arg7[%swap3A_3471, %swap3A_3472, %swap3A_3473, %swap3A_3474], %gather3A_3468 {strides = array<i32>} : memref<4x4x8x128xf32, #tpu.memory_space<vmem>>, vector<16xf32>,
      %mul3A_3476 = arith.constant 128 : i32
      %mul3A_3477 = arith.muli %scan3A_14, %mul3A_3476 : i32
      %add3A_3478 = arith.constant 48 : i32
      %add3A_3479 = arith.addi %mul3A_3477, %add3A_3478 : i32
      %add3A_3480 = vector.broadcast %add3A_3479 : i32 to vector<16xi32>
      %add3A_3481 = arith.addi %add3A_3480, %iota3A : vector<16xi32>
      %gather3A_3482 = tpu.vector_load_idx %arg6[%add3A_3481, %broadcast_in_dim3A_3433] : memref<512x32xf32, #tpu.memory_space<vmem>>[vector<16xi32>, vector<16xi32>], vector<16xf32>,
      %swap3A_3483 = arith.constant 3 : i32
      %swap3A_3484 = arith.constant 6 : i32
      %swap3A_3485 = arith.index_cast %swap3A_3483 : i32 to index
      %swap3A_3486 = arith.index_cast %scan3A_14 : i32 to index
      %swap3A_3487 = arith.index_cast %swap3A_3484 : i32 to index
      %swap3A_3488 = arith.constant 48 : index
      %swap3A_3489 = tpu.vector_load %arg7[%swap3A_3485, %swap3A_3486, %swap3A_3487, %swap3A_3488] {strides = array<i32>} : memref<4x4x8x128xf32, #tpu.memory_space<vmem>>, vector<16xf32>,
      tpu.vector_store %arg7[%swap3A_3485, %swap3A_3486, %swap3A_3487, %swap3A_3488], %gather3A_3482 {strides = array<i32>} : memref<4x4x8x128xf32, #tpu.memory_space<vmem>>, vector<16xf32>,
      %mul3A_3490 = arith.constant 128 : i32
      %mul3A_3491 = arith.muli %scan3A_14, %mul3A_3490 : i32
      %add3A_3492 = arith.constant 64 : i32
      %add3A_3493 = arith.addi %mul3A_3491, %add3A_3492 : i32
      %add3A_3494 = vector.broadcast %add3A_3493 : i32 to vector<16xi32>
      %add3A_3495 = arith.addi %add3A_3494, %iota3A : vector<16xi32>
      %gather3A_3496 = tpu.vector_load_idx %arg6[%add3A_3495, %broadcast_in_dim3A_3433] : memref<512x32xf32, #tpu.memory_space<vmem>>[vector<16xi32>, vector<16xi32>], vector<16xf32>,
      %swap3A_3497 = arith.constant 3 : i32
      %swap3A_3498 = arith.constant 6 : i32
      %swap3A_3499 = arith.index_cast %swap3A_3497 : i32 to index
      %swap3A_3500 = arith.index_cast %scan3A_14 : i32 to index
      %swap3A_3501 = arith.index_cast %swap3A_3498 : i32 to index
      %swap3A_3502 = arith.constant 64 : index
      %swap3A_3503 = tpu.vector_load %arg7[%swap3A_3499, %swap3A_3500, %swap3A_3501, %swap3A_3502] {strides = array<i32>} : memref<4x4x8x128xf32, #tpu.memory_space<vmem>>, vector<16xf32>,
      tpu.vector_store %arg7[%swap3A_3499, %swap3A_3500, %swap3A_3501, %swap3A_3502], %gather3A_3496 {strides = array<i32>} : memref<4x4x8x128xf32, #tpu.memory_space<vmem>>, vector<16xf32>,
      %mul3A_3504 = arith.constant 128 : i32
      %mul3A_3505 = arith.muli %scan3A_14, %mul3A_3504 : i32
      %add3A_3506 = arith.constant 80 : i32
      %add3A_3507 = arith.addi %mul3A_3505, %add3A_3506 : i32
      %add3A_3508 = vector.broadcast %add3A_3507 : i32 to vector<16xi32>
      %add3A_3509 = arith.addi %add3A_3508, %iota3A : vector<16xi32>
      %gather3A_3510 = tpu.vector_load_idx %arg6[%add3A_3509, %broadcast_in_dim3A_3433] : memref<512x32xf32, #tpu.memory_space<vmem>>[vector<16xi32>, vector<16xi32>], vector<16xf32>,
      %swap3A_3511 = arith.constant 3 : i32
      %swap3A_3512 = arith.constant 6 : i32
      %swap3A_3513 = arith.index_cast %swap3A_3511 : i32 to index
      %swap3A_3514 = arith.index_cast %scan3A_14 : i32 to index
      %swap3A_3515 = arith.index_cast %swap3A_3512 : i32 to index
      %swap3A_3516 = arith.constant 80 : index
      %swap3A_3517 = tpu.vector_load %arg7[%swap3A_3513, %swap3A_3514, %swap3A_3515, %swap3A_3516] {strides = array<i32>} : memref<4x4x8x128xf32, #tpu.memory_space<vmem>>, vector<16xf32>,
      tpu.vector_store %arg7[%swap3A_3513, %swap3A_3514, %swap3A_3515, %swap3A_3516], %gather3A_3510 {strides = array<i32>} : memref<4x4x8x128xf32, #tpu.memory_space<vmem>>, vector<16xf32>,
      %mul3A_3518 = arith.constant 128 : i32
      %mul3A_3519 = arith.muli %scan3A_14, %mul3A_3518 : i32
      %add3A_3520 = arith.constant 96 : i32
      %add3A_3521 = arith.addi %mul3A_3519, %add3A_3520 : i32
      %add3A_3522 = vector.broadcast %add3A_3521 : i32 to vector<16xi32>
      %add3A_3523 = arith.addi %add3A_3522, %iota3A : vector<16xi32>
      %gather3A_3524 = tpu.vector_load_idx %arg6[%add3A_3523, %broadcast_in_dim3A_3433] : memref<512x32xf32, #tpu.memory_space<vmem>>[vector<16xi32>, vector<16xi32>], vector<16xf32>,
      %swap3A_3525 = arith.constant 3 : i32
      %swap3A_3526 = arith.constant 6 : i32
      %swap3A_3527 = arith.index_cast %swap3A_3525 : i32 to index
      %swap3A_3528 = arith.index_cast %scan3A_14 : i32 to index
      %swap3A_3529 = arith.index_cast %swap3A_3526 : i32 to index
      %swap3A_3530 = arith.constant 96 : index
      %swap3A_3531 = tpu.vector_load %arg7[%swap3A_3527, %swap3A_3528, %swap3A_3529, %swap3A_3530] {strides = array<i32>} : memref<4x4x8x128xf32, #tpu.memory_space<vmem>>, vector<16xf32>,
      tpu.vector_store %arg7[%swap3A_3527, %swap3A_3528, %swap3A_3529, %swap3A_3530], %gather3A_3524 {strides = array<i32>} : memref<4x4x8x128xf32, #tpu.memory_space<vmem>>, vector<16xf32>,
      %mul3A_3532 = arith.constant 128 : i32
      %mul3A_3533 = arith.muli %scan3A_14, %mul3A_3532 : i32
      %add3A_3534 = arith.constant 112 : i32
      %add3A_3535 = arith.addi %mul3A_3533, %add3A_3534 : i32
      %add3A_3536 = vector.broadcast %add3A_3535 : i32 to vector<16xi32>
      %add3A_3537 = arith.addi %add3A_3536, %iota3A : vector<16xi32>
      %gather3A_3538 = tpu.vector_load_idx %arg6[%add3A_3537, %broadcast_in_dim3A_3433] : memref<512x32xf32, #tpu.memory_space<vmem>>[vector<16xi32>, vector<16xi32>], vector<16xf32>,
      %swap3A_3539 = arith.constant 3 : i32
      %swap3A_3540 = arith.constant 6 : i32
      %swap3A_3541 = arith.index_cast %swap3A_3539 : i32 to index
      %swap3A_3542 = arith.index_cast %scan3A_14 : i32 to index
      %swap3A_3543 = arith.index_cast %swap3A_3540 : i32 to index
      %swap3A_3544 = arith.constant 112 : index
      %swap3A_3545 = tpu.vector_load %arg7[%swap3A_3541, %swap3A_3542, %swap3A_3543, %swap3A_3544] {strides = array<i32>} : memref<4x4x8x128xf32, #tpu.memory_space<vmem>>, vector<16xf32>,
      tpu.vector_store %arg7[%swap3A_3541, %swap3A_3542, %swap3A_3543, %swap3A_3544], %gather3A_3538 {strides = array<i32>} : memref<4x4x8x128xf32, #tpu.memory_space<vmem>>, vector<16xf32>,
      %broadcast_in_dim3A_3546 = arith.constant 31 : i32
      %broadcast_in_dim3A_3547 = vector.broadcast %broadcast_in_dim3A_3546 : i32 to vector<16xi32>
      %mul3A_3548 = arith.constant 128 : i32
      %mul3A_3549 = arith.muli %scan3A_14, %mul3A_3548 : i32
      %add3A_3550 = arith.constant 0 : i32
      %add3A_3551 = arith.addi %mul3A_3549, %add3A_3550 : i32
      %add3A_3552 = vector.broadcast %add3A_3551 : i32 to vector<16xi32>
      %add3A_3553 = arith.addi %add3A_3552, %iota3A : vector<16xi32>
      %gather3A_3554 = tpu.vector_load_idx %arg6[%add3A_3553, %broadcast_in_dim3A_3547] : memref<512x32xf32, #tpu.memory_space<vmem>>[vector<16xi32>, vector<16xi32>], vector<16xf32>,
      %swap3A_3555 = arith.constant 3 : i32
      %swap3A_3556 = arith.constant 7 : i32
      %swap3A_3557 = arith.index_cast %swap3A_3555 : i32 to index
      %swap3A_3558 = arith.index_cast %scan3A_14 : i32 to index
      %swap3A_3559 = arith.index_cast %swap3A_3556 : i32 to index
      %swap3A_3560 = arith.constant 0 : index
      %swap3A_3561 = tpu.vector_load %arg7[%swap3A_3557, %swap3A_3558, %swap3A_3559, %swap3A_3560] {strides = array<i32>} : memref<4x4x8x128xf32, #tpu.memory_space<vmem>>, vector<16xf32>,
      tpu.vector_store %arg7[%swap3A_3557, %swap3A_3558, %swap3A_3559, %swap3A_3560], %gather3A_3554 {strides = array<i32>} : memref<4x4x8x128xf32, #tpu.memory_space<vmem>>, vector<16xf32>,
      %mul3A_3562 = arith.constant 128 : i32
      %mul3A_3563 = arith.muli %scan3A_14, %mul3A_3562 : i32
      %add3A_3564 = arith.constant 16 : i32
      %add3A_3565 = arith.addi %mul3A_3563, %add3A_3564 : i32
      %add3A_3566 = vector.broadcast %add3A_3565 : i32 to vector<16xi32>
      %add3A_3567 = arith.addi %add3A_3566, %iota3A : vector<16xi32>
      %gather3A_3568 = tpu.vector_load_idx %arg6[%add3A_3567, %broadcast_in_dim3A_3547] : memref<512x32xf32, #tpu.memory_space<vmem>>[vector<16xi32>, vector<16xi32>], vector<16xf32>,
      %swap3A_3569 = arith.constant 3 : i32
      %swap3A_3570 = arith.constant 7 : i32
      %swap3A_3571 = arith.index_cast %swap3A_3569 : i32 to index
      %swap3A_3572 = arith.index_cast %scan3A_14 : i32 to index
      %swap3A_3573 = arith.index_cast %swap3A_3570 : i32 to index
      %swap3A_3574 = arith.constant 16 : index
      %swap3A_3575 = tpu.vector_load %arg7[%swap3A_3571, %swap3A_3572, %swap3A_3573, %swap3A_3574] {strides = array<i32>} : memref<4x4x8x128xf32, #tpu.memory_space<vmem>>, vector<16xf32>,
      tpu.vector_store %arg7[%swap3A_3571, %swap3A_3572, %swap3A_3573, %swap3A_3574], %gather3A_3568 {strides = array<i32>} : memref<4x4x8x128xf32, #tpu.memory_space<vmem>>, vector<16xf32>,
      %mul3A_3576 = arith.constant 128 : i32
      %mul3A_3577 = arith.muli %scan3A_14, %mul3A_3576 : i32
      %add3A_3578 = arith.constant 32 : i32
      %add3A_3579 = arith.addi %mul3A_3577, %add3A_3578 : i32
      %add3A_3580 = vector.broadcast %add3A_3579 : i32 to vector<16xi32>
      %add3A_3581 = arith.addi %add3A_3580, %iota3A : vector<16xi32>
      %gather3A_3582 = tpu.vector_load_idx %arg6[%add3A_3581, %broadcast_in_dim3A_3547] : memref<512x32xf32, #tpu.memory_space<vmem>>[vector<16xi32>, vector<16xi32>], vector<16xf32>,
      %swap3A_3583 = arith.constant 3 : i32
      %swap3A_3584 = arith.constant 7 : i32
      %swap3A_3585 = arith.index_cast %swap3A_3583 : i32 to index
      %swap3A_3586 = arith.index_cast %scan3A_14 : i32 to index
      %swap3A_3587 = arith.index_cast %swap3A_3584 : i32 to index
      %swap3A_3588 = arith.constant 32 : index
      %swap3A_3589 = tpu.vector_load %arg7[%swap3A_3585, %swap3A_3586, %swap3A_3587, %swap3A_3588] {strides = array<i32>} : memref<4x4x8x128xf32, #tpu.memory_space<vmem>>, vector<16xf32>,
      tpu.vector_store %arg7[%swap3A_3585, %swap3A_3586, %swap3A_3587, %swap3A_3588], %gather3A_3582 {strides = array<i32>} : memref<4x4x8x128xf32, #tpu.memory_space<vmem>>, vector<16xf32>,
      %mul3A_3590 = arith.constant 128 : i32
      %mul3A_3591 = arith.muli %scan3A_14, %mul3A_3590 : i32
      %add3A_3592 = arith.constant 48 : i32
      %add3A_3593 = arith.addi %mul3A_3591, %add3A_3592 : i32
      %add3A_3594 = vector.broadcast %add3A_3593 : i32 to vector<16xi32>
      %add3A_3595 = arith.addi %add3A_3594, %iota3A : vector<16xi32>
      %gather3A_3596 = tpu.vector_load_idx %arg6[%add3A_3595, %broadcast_in_dim3A_3547] : memref<512x32xf32, #tpu.memory_space<vmem>>[vector<16xi32>, vector<16xi32>], vector<16xf32>,
      %swap3A_3597 = arith.constant 3 : i32
      %swap3A_3598 = arith.constant 7 : i32
      %swap3A_3599 = arith.index_cast %swap3A_3597 : i32 to index
      %swap3A_3600 = arith.index_cast %scan3A_14 : i32 to index
      %swap3A_3601 = arith.index_cast %swap3A_3598 : i32 to index
      %swap3A_3602 = arith.constant 48 : index
      %swap3A_3603 = tpu.vector_load %arg7[%swap3A_3599, %swap3A_3600, %swap3A_3601, %swap3A_3602] {strides = array<i32>} : memref<4x4x8x128xf32, #tpu.memory_space<vmem>>, vector<16xf32>,
      tpu.vector_store %arg7[%swap3A_3599, %swap3A_3600, %swap3A_3601, %swap3A_3602], %gather3A_3596 {strides = array<i32>} : memref<4x4x8x128xf32, #tpu.memory_space<vmem>>, vector<16xf32>,
      %mul3A_3604 = arith.constant 128 : i32
      %mul3A_3605 = arith.muli %scan3A_14, %mul3A_3604 : i32
      %add3A_3606 = arith.constant 64 : i32
      %add3A_3607 = arith.addi %mul3A_3605, %add3A_3606 : i32
      %add3A_3608 = vector.broadcast %add3A_3607 : i32 to vector<16xi32>
      %add3A_3609 = arith.addi %add3A_3608, %iota3A : vector<16xi32>
      %gather3A_3610 = tpu.vector_load_idx %arg6[%add3A_3609, %broadcast_in_dim3A_3547] : memref<512x32xf32, #tpu.memory_space<vmem>>[vector<16xi32>, vector<16xi32>], vector<16xf32>,
      %swap3A_3611 = arith.constant 3 : i32
      %swap3A_3612 = arith.constant 7 : i32
      %swap3A_3613 = arith.index_cast %swap3A_3611 : i32 to index
      %swap3A_3614 = arith.index_cast %scan3A_14 : i32 to index
      %swap3A_3615 = arith.index_cast %swap3A_3612 : i32 to index
      %swap3A_3616 = arith.constant 64 : index
      %swap3A_3617 = tpu.vector_load %arg7[%swap3A_3613, %swap3A_3614, %swap3A_3615, %swap3A_3616] {strides = array<i32>} : memref<4x4x8x128xf32, #tpu.memory_space<vmem>>, vector<16xf32>,
      tpu.vector_store %arg7[%swap3A_3613, %swap3A_3614, %swap3A_3615, %swap3A_3616], %gather3A_3610 {strides = array<i32>} : memref<4x4x8x128xf32, #tpu.memory_space<vmem>>, vector<16xf32>,
      %mul3A_3618 = arith.constant 128 : i32
      %mul3A_3619 = arith.muli %scan3A_14, %mul3A_3618 : i32
      %add3A_3620 = arith.constant 80 : i32
      %add3A_3621 = arith.addi %mul3A_3619, %add3A_3620 : i32
      %add3A_3622 = vector.broadcast %add3A_3621 : i32 to vector<16xi32>
      %add3A_3623 = arith.addi %add3A_3622, %iota3A : vector<16xi32>
      %gather3A_3624 = tpu.vector_load_idx %arg6[%add3A_3623, %broadcast_in_dim3A_3547] : memref<512x32xf32, #tpu.memory_space<vmem>>[vector<16xi32>, vector<16xi32>], vector<16xf32>,
      %swap3A_3625 = arith.constant 3 : i32
      %swap3A_3626 = arith.constant 7 : i32
      %swap3A_3627 = arith.index_cast %swap3A_3625 : i32 to index
      %swap3A_3628 = arith.index_cast %scan3A_14 : i32 to index
      %swap3A_3629 = arith.index_cast %swap3A_3626 : i32 to index
      %swap3A_3630 = arith.constant 80 : index
      %swap3A_3631 = tpu.vector_load %arg7[%swap3A_3627, %swap3A_3628, %swap3A_3629, %swap3A_3630] {strides = array<i32>} : memref<4x4x8x128xf32, #tpu.memory_space<vmem>>, vector<16xf32>,
      tpu.vector_store %arg7[%swap3A_3627, %swap3A_3628, %swap3A_3629, %swap3A_3630], %gather3A_3624 {strides = array<i32>} : memref<4x4x8x128xf32, #tpu.memory_space<vmem>>, vector<16xf32>,
      %mul3A_3632 = arith.constant 128 : i32
      %mul3A_3633 = arith.muli %scan3A_14, %mul3A_3632 : i32
      %add3A_3634 = arith.constant 96 : i32
      %add3A_3635 = arith.addi %mul3A_3633, %add3A_3634 : i32
      %add3A_3636 = vector.broadcast %add3A_3635 : i32 to vector<16xi32>
      %add3A_3637 = arith.addi %add3A_3636, %iota3A : vector<16xi32>
      %gather3A_3638 = tpu.vector_load_idx %arg6[%add3A_3637, %broadcast_in_dim3A_3547] : memref<512x32xf32, #tpu.memory_space<vmem>>[vector<16xi32>, vector<16xi32>], vector<16xf32>,
      %swap3A_3639 = arith.constant 3 : i32
      %swap3A_3640 = arith.constant 7 : i32
      %swap3A_3641 = arith.index_cast %swap3A_3639 : i32 to index
      %swap3A_3642 = arith.index_cast %scan3A_14 : i32 to index
      %swap3A_3643 = arith.index_cast %swap3A_3640 : i32 to index
      %swap3A_3644 = arith.constant 96 : index
      %swap3A_3645 = tpu.vector_load %arg7[%swap3A_3641, %swap3A_3642, %swap3A_3643, %swap3A_3644] {strides = array<i32>} : memref<4x4x8x128xf32, #tpu.memory_space<vmem>>, vector<16xf32>,
      tpu.vector_store %arg7[%swap3A_3641, %swap3A_3642, %swap3A_3643, %swap3A_3644], %gather3A_3638 {strides = array<i32>} : memref<4x4x8x128xf32, #tpu.memory_space<vmem>>, vector<16xf32>,
      %mul3A_3646 = arith.constant 128 : i32
      %mul3A_3647 = arith.muli %scan3A_14, %mul3A_3646 : i32
      %add3A_3648 = arith.constant 112 : i32
      %add3A_3649 = arith.addi %mul3A_3647, %add3A_3648 : i32
      %add3A_3650 = vector.broadcast %add3A_3649 : i32 to vector<16xi32>
      %add3A_3651 = arith.addi %add3A_3650, %iota3A : vector<16xi32>
      %gather3A_3652 = tpu.vector_load_idx %arg6[%add3A_3651, %broadcast_in_dim3A_3547] : memref<512x32xf32, #tpu.memory_space<vmem>>[vector<16xi32>, vector<16xi32>], vector<16xf32>,
      %swap3A_3653 = arith.constant 3 : i32
      %swap3A_3654 = arith.constant 7 : i32
      %swap3A_3655 = arith.index_cast %swap3A_3653 : i32 to index
      %swap3A_3656 = arith.index_cast %scan3A_14 : i32 to index
      %swap3A_3657 = arith.index_cast %swap3A_3654 : i32 to index
      %swap3A_3658 = arith.constant 112 : index
      %swap3A_3659 = tpu.vector_load %arg7[%swap3A_3655, %swap3A_3656, %swap3A_3657, %swap3A_3658] {strides = array<i32>} : memref<4x4x8x128xf32, #tpu.memory_space<vmem>>, vector<16xf32>,
      tpu.vector_store %arg7[%swap3A_3655, %swap3A_3656, %swap3A_3657, %swap3A_3658], %gather3A_3652 {strides = array<i32>} : memref<4x4x8x128xf32, #tpu.memory_space<vmem>>, vector<16xf32>,
    }
    %scan3A_11 = arith.constant 4 : i32
    %mul3A_12 = arith.constant 4 : i32
    %mul3A_13 = arith.muli %add3A, %mul3A_12 : i32
    "tpu.region"() ({
      %run_scoped3A = tpu.sem_alloc : memref<!tpu.dma_semaphore, #tpu.memory_space<semaphore_mem>>
      %dma_start3A_14 = arith.constant 0 : i32
      %dma_start3A_15 = arith.constant 0 : i32
      %dma_start3A_16 = arith.constant 0 : i32
      %dma_start3A_17 = tpu.memref_slice %arg4[%dma_start3A_14, %mul3A_13, %dma_start3A_15, %dma_start3A_16] : memref<4x128x8x128xf32, #tpu.memory_space<hbm>> -> memref<4x4x8x128xf32, #tpu.memory_space<hbm>>
      %dma_start3A_18 = arith.constant 0 : i32
      %dma_start3A_19 = arith.constant 0 : i32
      %dma_start3A_20 = arith.constant 0 : i32
      %dma_start3A_21 = tpu.memref_slice %arg4[%dma_start3A_18, %mul3A_13, %dma_start3A_19, %dma_start3A_20] : memref<4x128x8x128xf32, #tpu.memory_space<hbm>> -> memref<4x4x8x128xf32, #tpu.memory_space<hbm>>
      tpu.enqueue_dma source(%arg7 : memref<4x4x8x128xf32, #tpu.memory_space<vmem>>) target(%dma_start3A_21 : memref<4x4x8x128xf32, #tpu.memory_space<hbm>>) target_semaphore(%run_scoped3A : memref<!tpu.dma_semaphore, #tpu.memory_space<semaphore_mem>>)
      %dma_wait3A_22 = arith.constant 0 : i32
      %dma_wait3A_23 = arith.constant 0 : i32
      %dma_wait3A_24 = arith.constant 0 : i32
      %dma_wait3A_25 = tpu.memref_slice %arg4[%dma_wait3A_22, %mul3A_13, %dma_wait3A_23, %dma_wait3A_24] : memref<4x128x8x128xf32, #tpu.memory_space<hbm>> -> memref<4x4x8x128xf32, #tpu.memory_space<hbm>>
      %dma_wait3A_26 = arith.constant 0 : i32
      %dma_wait3A_27 = arith.constant 0 : i32
      %dma_wait3A_28 = arith.constant 0 : i32
      %dma_wait3A_29 = tpu.memref_slice %arg4[%dma_wait3A_26, %mul3A_13, %dma_wait3A_27, %dma_wait3A_28] : memref<4x128x8x128xf32, #tpu.memory_space<hbm>> -> memref<4x4x8x128xf32, #tpu.memory_space<hbm>>
      tpu.wait_dma2 semaphore(%run_scoped3A : memref<!tpu.dma_semaphore, #tpu.memory_space<semaphore_mem>>) src(%arg7 : memref<4x4x8x128xf32, #tpu.memory_space<vmem>>) dst(%dma_wait3A_29 : memref<4x4x8x128xf32, #tpu.memory_space<hbm>>)
      tpu.yield
    }) : () -> ()
    return
  }
}

</mosaic_0001>

<sc_bundles>
// kernel: kernel.3.cloned.1.call-start
scs
__scs_entry_jumppad:
0x0: {  	(pc) =	sbr.rel $0x88, $3  }
0x1: {  	(tag) =	ssettag $0x0;
	lr =	simm.s32 $0x1  }
0x2: {  	[smem:$0x3F9F] =	sst lr;
	_ =	strace $0xD0000000  }
0x3: {  	_ = 	snop  }
0x4: {  	_ = 	snop  }
0x5: {  	_ = 	snop  }
0x6: {  	_ = 	snop  }
0x7: {  	_ = 	snop  }
__scs_overlays_trampoline_lowered:
0x8: {  	[smem:$0x3FAE] =	sst s0  }
0x9: {  	[smem:$0x3FAF] =	sst s1  }
0xa: {  	[smem:$0x3FB0] =	sst s2  }
0xb: {  	[smem:$0x3FB1] =	sst s3  }
0xc: {  	[smem:$0x3FB2] =	sst s4  }
0xd: {  	[smem:$0x3FB3] =	sst s5  }
0xe: {  	[smem:$0x3FB4] =	sst s6  }
0xf: {  	[smem:$0x3FB5] =	sst s7  }
0x10: {  	[smem:$0x3FB6] =	sst s8  }
0x11: {  	[smem:$0x3FB7] =	sst s9;
	s0 =	simm.s32 @!p0 $0x0  }
0x12: {  	s1 =	sld [smem:$0x3F9D];
	s0 =	simm.s32 @p0 $0x1  }
0x13: {  	[smem:$0x3FB8] =	sst s0;
	s0 =	simm.s32 @!p1 $0x0  }
0x14: {  	s2 =	sld [smem:$0x3F9C];
	s0 =	simm.s32 @p1 $0x1  }
0x15: {  	[smem:$0x3FB9] =	sst s0;
	s0 =	simm.s32 @!p2 $0x0  }
0x16: {  	s3 =	sld [smem:$0x3FDB];
	s0 =	simm.s32 @p2 $0x1  }
0x17: {  	s4 =	simm.s32 $0x1BF5;
	[smem:$0x3FBB] =	sst s0  }
0x18: {  	s0 =	sld [smem:$0x3F9E];
	_ =	swait.ge [sflag:s4], $0x0  }
0x19: {  	s7 =	sld [smem:$0x3F9F]  }
0x1a: {  	s8 =	sadd.s32 $0xFFFFE003, lr  }
0x1b: {  	s9 =	sadd.s32 $0xFFFFFEF7, lr;
	s5 =	simm.s32 $0xFFFFFFFF;
	p2 =	slt.u32 s8, $0xFFFFF086  }
0x1c: {  	p1 =	slt.u32 s9, $0xF7A;
	s5 =	simm.s32 @!p2 $0x0  }
0x1d: {  	s5 =	simm.s32 @p1 $0x1;
	p0 =	seq.s32 s7, s2  }
0x1e: {  	s7 =	smul.u32 @!p0 $0xF7A, s2;
	p2 =	seq.s32 @!p0 s5, $0x0  }
0x1f: {  	s9 =	smul.u32 $0xF7A, s1;
	s8 =	simm.s32 @!p0 $0x1BF5;
	p2 =	por !p2, p0  }
0x20: {  	[sflag:s8] =	ssyncset.s32 @!p0 $0xFFFFF086;
	s6 =	sadd.s32 @!p0 s3, s7;
	s7 =	simm.s32 @!p0 $0x108  }
0x21: {  	s3 =	sadd.s32 s3, s9;
	s6 =	sadd.s32 @!p0 $0x88, s6;
	s7 =	simm.s32 @p2 $0x1082  }
0x22: {  	[simem:s7], [sflag:s8] =	dma.local @!p0 [hbm:s6], $0xF7A  }
0x23: {  	s9 =	sor.u32 $0xD0000000, s2;
	s6 =	simm.s32 $0x108;
	_ =	swait.ge @!p0 [sflag:s8], $0x0  }
0x24: {  	s3 =	sadd.s32 $0x88, s3;
	s6 =	simm.s32 @!p1 $0x1082;
	[sflag:s4] =	ssyncset.s32 $0xFFFFF086  }
0x25: {  	[simem:s6], [sflag:s4] =	dma.local [hbm:s3], $0xF7A  }
0x26: {  	[smem:$0x3F9F] =	sst s1;
	(tag) =	ssettag s2;
	_ =	strace s9  }
0x27: {  	s1 =	sld [smem:$0x3FAF]  }
0x28: {  	s2 =	sld [smem:$0x3FB0]  }
0x29: {  	s4 =	sld [smem:$0x3FB2]  }
0x2a: {  	p0 =	seq.s32 s5, $0x0;
	s5 =	sld [smem:$0x3FB3]  }
0x2b: {  	s6 =	sld [smem:$0x3FB4]  }
0x2c: {  	s7 =	sld [smem:$0x3FB5]  }
0x2d: {  	s3 =	simm.s32 $0x108;
	s8 =	sld [smem:$0x3FB6]  }
0x2e: {  	s3 =	simm.s32 @!p0 $0x1082;
	s9 =	sld [smem:$0x3FB7]  }
0x2f: {  	lr =	sadd.s32 s0, s3;
	s0 =	sld [smem:$0x3FAE]  }
0x30: {  	s3 =	sld [smem:$0x3FB1]  }
0x31: {  	[smem:$0x3FBA] =	sst s10  }
0x32: {  	s10 =	sld [smem:$0x3FB8];
	_ =	sdelay $0x3  }
0x33: {  	p0 =	seq.s32 s10, $0x1;
	s10 =	sld [smem:$0x3FBA];
	_ =	sdelay $0x3  }
0x34: {  	[smem:$0x3FBA] =	sst s10  }
0x35: {  	s10 =	sld [smem:$0x3FB9];
	_ =	sdelay $0x3  }
0x36: {  	p1 =	seq.s32 s10, $0x1;
	s10 =	sld [smem:$0x3FBA];
	_ =	sdelay $0x3  }
0x37: {  	[smem:$0x3FBA] =	sst s10  }
0x38: {  	s10 =	sld [smem:$0x3FBB]  }
0x39: {  	_ = 	snop;
	(pc) =	sbr.ind lr, $3  }
0x3a: {  	_ = 	snop  }
0x3b: {  	_ = 	snop  }
0x3c: {  	p2 =	seq.s32 s10, $0x1;
	s10 =	sld [smem:$0x3FBA]  }
0x3d: {  	_ =	shalt  }
0x3e: {  	_ =	shalt  }
0x3f: {  	_ =	shalt  }
0x40: {  	_ =	shalt  }
0x41: {  	_ =	shalt  }
0x42: {  	_ =	shalt  }
0x43: {  	_ =	shalt  }
0x44: {  	_ =	shalt  }
0x45: {  	_ =	shalt  }
0x46: {  	_ =	shalt  }
0x47: {  	_ =	shalt  }
0x48: {  	_ =	shalt  }
0x49: {  	_ =	shalt  }
0x4a: {  	_ =	shalt  }
0x4b: {  	_ =	shalt  }
0x4c: {  	_ =	shalt  }
0x4d: {  	_ =	shalt  }
0x4e: {  	_ =	shalt  }
0x4f: {  	_ =	shalt  }
0x50: {  	_ =	shalt  }
0x51: {  	_ =	shalt  }
0x52: {  	_ =	shalt  }
0x53: {  	_ =	shalt  }
0x54: {  	_ =	shalt  }
0x55: {  	_ =	shalt  }
0x56: {  	_ =	shalt  }
0x57: {  	_ =	shalt  }
0x58: {  	_ =	shalt  }
0x59: {  	_ =	shalt  }
0x5a: {  	_ =	shalt  }
0x5b: {  	_ =	shalt  }
0x5c: {  	_ =	shalt  }
0x5d: {  	_ =	shalt  }
0x5e: {  	_ =	shalt  }
0x5f: {  	_ =	shalt  }
0x60: {  	_ =	shalt  }
0x61: {  	_ =	shalt  }
0x62: {  	_ =	shalt  }
0x63: {  	_ =	shalt  }
0x64: {  	_ =	shalt  }
0x65: {  	_ =	shalt  }
0x66: {  	_ =	shalt  }
0x67: {  	_ =	shalt  }
0x68: {  	_ =	shalt  }
0x69: {  	_ =	shalt  }
0x6a: {  	_ =	shalt  }
0x6b: {  	_ =	shalt  }
0x6c: {  	_ =	shalt  }
0x6d: {  	_ =	shalt  }
0x6e: {  	_ =	shalt  }
0x6f: {  	_ =	shalt  }
0x70: {  	_ =	shalt  }
0x71: {  	_ =	shalt  }
0x72: {  	_ =	shalt  }
0x73: {  	_ =	shalt  }
0x74: {  	_ =	shalt  }
0x75: {  	_ =	shalt  }
0x76: {  	_ =	shalt  }
0x77: {  	_ =	shalt  }
0x78: {  	_ =	shalt  }
0x79: {  	_ =	shalt  }
0x7a: {  	_ =	shalt  }
0x7b: {  	_ =	shalt  }
0x7c: {  	_ =	shalt  }
0x7d: {  	_ =	shalt  }
0x7e: {  	_ =	shalt  }
0x7f: {  	_ =	shalt  }
0x80: {  	_ =	shalt  }
0x81: {  	_ =	shalt  }
0x82: {  	_ =	shalt  }
0x83: {  	_ =	shalt  }
0x84: {  	_ =	shalt  }
0x85: {  	_ =	shalt  }
0x86: {  	_ =	shalt  }
0x87: {  	_ =	shalt  }
.Lfunc_end0:
.L_simem_size_0:
called_computation_lowered:
.L_overlay_start_0:
0x88: {  	s2 =	sld [smem:$0x3FD9]  }
0x89: {  	s3 =	sld [smem:$0x3FFE];
	_ =	sdelay $0x1  }
0x8a: {  	s1 =	srdreg.scid  }
0x8b: {  	s0 =	sand.u32 $0x1, s1  }
0x8c: {  	s17 =	sshll.u32 s0, $0xA;
	s2 =	sadd.s32 s3, s2  }
0x8d: {  	s2 =	sadd.s32 s2, s17  }
0x8e: {  	[smem:$0x3FC6] =	sst s2  }
0x8f: {  	_ = 	snop  }
0x90: {  	s2 =	sld [smem:$0x3FC9]  }
0x91: {  	s18 =	sld [smem:$0x3FD0];
	(tm) =	ssettm $0x1  }
0x92: {  	s4 =	sld [smem:$0x3FFB];
	_ =	sdelay $0x3  }
0x93: {  	_ =	strace s4  }
0x94: {  	s4 =	sld [smem:$0x3FFC];
	_ =	sdelay $0x3  }
0x95: {  	_ =	strace s4  }
0x96: {  	s4 =	sld [smem:$0x3FFD];
	_ =	sdelay $0x3  }
0x97: {  	_ =	strace s4  }
0x98: {  	_ =	strace $0x8FFFFFFF  }
0x99: {  	s19 =	sld [smem:$0x3FDB];
	_ =	sdelay $0x1  }
0x9a: {  	s5 =	simm.s32 $_scs_section_size  }
0x9b: {  	s6 =	simm.s32 $_size__tile_overlayer_lowered;
	s7 =	simm.s32 $_tile_overlayer_lowered  }
0x9c: {  	s22 =	simm.s32 $0x1BFF;
	s21 =	sshll.u32 s7, $0x1;
	s4 =	sadd.s32 s5, s19  }
0x9d: {  	s8 =	simm.s32 $0x0;
	s20 =	sshll.u32 s6, $0x1;
	s6 =	sadd.s32 s21, s4  }
0x9e: {  	[timem:s8], [sflag:s22] =	dma.local [hbm:s6], s20  }
0x9f: {  	_ =	swait.ge [sflag:s22], s20  }
0xa0: {  	s5 =	ssub.s32 $0x0, s20;
	[sflag:s22] =	ssyncset.done $0x0  }
0xa1: {  	[sflag:s22] =	ssyncadd.s32 s5;
	_ =	sdelay $0x1  }
0xa2: {  	s23 =	simm.s32 $0x1B8B  }
0xa3: {  	_ =	swait.ge [sflag:s23], $0x1  }
0xa4: {  	[sflag:s23] =	ssyncset.done $0x0  }
0xa5: {  	s25 =	simm.s32 $0x1B8E;
	s24 =	sld [smem:$0x3FFE];
	[sflag:s23] =	ssyncadd.s32 $0xFFFFFFFF  }
0xa6: {  	s26 =	simm.s32 $execute0_lowered;
	[smem:$0x3FD2] =	sst s25  }
0xa7: {  	s6 =	sshll.u32 s26, $0x1;
	_ =	strace $0x80000046;
	[dreg:$0x1] =	wrdreg $0xFFFFFFFF  }
0xa8: {  	s28 =	simm.s32 $_size_execute0_lowered;
	s4 =	sadd.s32 s4, s6;
	[dreg:$0x0] =	wrdreg $0x0  }
0xa9: {  	s6 =	sshll.u32 s28, $0x1;
	[dreg:$0x2] =	wrdreg s4  }
0xaa: {  	[dreg:$0x3] =	wrdreg s6  }
0xab: {  	[dreg:$0x4] =	wrdreg $0xC0  }
0xac: {  	_ =	task [dreg:s8], $0x5FFFF  }
0xad: {  	[dreg:$0x1] =	wrdreg $0xFFFFFFFF  }
0xae: {  	[dreg:$0x0] =	wrdreg $0x60  }
0xaf: {  	[dreg:$0x2] =	wrdreg s2  }
0xb0: {  	[dreg:$0x3] =	wrdreg s24  }
0xb1: {  	[dreg:$0x4] =	wrdreg s18  }
0xb2: {  	[dreg:$0x5] =	wrdreg $0x9  }
0xb3: {  	_ =	task.clear_ibuf [dreg:s8], $0x6FFFF;
	_ =	strace $0x90000046  }
0xb4: {  	s29 =	simm.s32 $0x9;
	_ =	strace $0x80000048  }
0xb5: {  	_ =	swait.ge [sflag:s29], $0x1  }
0xb6: {  	[sflag:s29] =	ssyncadd.s32 $0xFFFFFFFF  }
0xb7: {  	_ =	strace $0x90000048  }
0xb8: {  	_ =	sfence  }
0xb9: {  	s30 =	sld [smem:$0x0];
	_ =	sdelay $0x2  }
0xba: {  	s31 =	sshll.u32 s1, $0xD;
	s1 =	sshrl.u32 s1, $0x2  }
0xbb: {  	s3 =	sand.u32 $0x4000, s31;
	s1 =	sadd.s32 s1, s30  }
0xbc: {  	s0 =	sor.u32 s3, s0;
	s1 =	sshll.u32 s1, $0x11  }
0xbd: {  	s0 =	sor.u32 s1, s0  }
0xbe: {  	s0 =	sadd.s32 $0x8F2B, s0  }
0xbf: {  	[sflag:s0] =	ssyncadd.remote.s32 $0x1  }
0xc0: {  	_ =	sfence.sel $0xFFFF  }
0xc1: {  	[dreg:$0x0] =	wrdreg $0xFFFFFFFF;
	(pc) =	sbr.abs _section_cstart, $3  }
0xc2: {  	[dreg:$0x1] =	wrdreg $0xFFFFFFFF  }
0xc3: {  	_ =	task.clear_ibuf [dreg:s8], $0x2FFFF;
	_ =	strace $0x9FFFFFFF  }
0xc4: {  	(tm) =	ssettm $0x7FFFFFFF  }
0xc5: {  	_ =	shalt  }
tec
execute0_lowered:
.L_overlay_start_1:
0x0: {  	(tag) =	ssettag $0x1  }
0x1: {  	s4 =	rddreg [dreg:$0x0]  }
0x2: {  	s3 =	rddreg [dreg:$0x1]  }
0x3: {  	s5 =	rddreg [dreg:$0x2]  }
0x4: {  	s0 =	rddreg [dreg:$0x3]  }
0x5: {  	s2 =	simm.s32 $0x0;
	s6 =	srdreg.scid;
	s1 =	stileid.u32  }
0x6: {  	s10 =	simm.s32 $0x1000;
	s11 =	simm.s32 $0x20000;
	s12 =	simm.s32 $0x4200  }
0x7: {  	s13 =	simm.s32 $0x0;
	[smem:$0x7FF] =	sst s2;
	s6 =	sand.u32 $0x1, s6  }
0x8: {  	s7 =	sshll.u32 s1, $0x1;
	s3 =	sadd.s32 $0x187000, s3;
	s8 =	ssub.s32 $0x2, s6  }
0x9: {  	_ =	strace $0x80000047;
	s6 =	sor.u32 s6, s7;
	s31 =	sshrl.u32 s8, $0x1  }
0xa: {  	s9 =	sshll.u32 s6, $0x6;
	s6 =	sshll.u32 s6, $0x9;
	s7 =	ssub.s32 s8, s31  }
0xb: {  	v0 =	vlaneseq.u32;
	s4 =	sadd.s32 s4, s9;
	s5 =	sadd.s32 s5, s6;
	s8 =	simm.s32 $0x200  }
0xc: {  	v0 =	vmul.u32 $0x20, v0;
	s9 =	simm.s32 $0x1;
	s6 =	smax.u32 s7, $0x1;
	s7 =	simm.s32 $0x2  }
.LBB2_1:
0xd: {  	[tilespmem:s2], [sflag:$0x2] =	stream.linear.gather [hbm4b:s4+s2], $0x200, $0x38;
	[tilespmem:$0x8200] =	vst v63  }
0xe: {  	_ =	swait.ge [sflag:s7], $0x200  }
0xf: {  	[sflag:s7] =	ssyncset.done $0x0  }
0x10: {  	[sflag:s7] =	ssyncadd.s32 $0xFFFFFE00  }
0x11: {  	[tilespmem:s8], [sflag:$0x1] =	stream.indirect.gather [hbm4b:s3+s8], $0x20, s2, s8, $0xb8;
	[tilespmem:$0x8200] =	vst v63  }
0x12: {  	_ =	swait.ge [sflag:s9], $0x4000  }
0x13: {  	[sflag:s9] =	ssyncset.done $0x0  }
0x14: {  	s14 =	simm.s32 $0x0;
	[sflag:s9] =	ssyncadd.s32 $0xFFFFC000  }
.LBB2_2:
0x15: {  	s16 =	sshll.u32 s14, $0x7  }
0x16: {  	v1 =	vmov s16  }
0x17: {  	v1 =	vshll.u32 v1, $0x5  }
0x18: {  	v1 =	vor.u32 v0, v1;
	_ =	sdelay $0x2  }
0x19: {  	s15 =	sor.u32 $0x10, s16  }
0x1a: {  	v2 =	vmov s15  }
0x1b: {  	v2 =	vshll.u32 v2, $0x5;
	v3 =	vld.idx.msk [tilespmem:v1+s8+$0x0], $0xffff  }
0x1c: {  	v2 =	vor.u32 v0, v2;
	_ =	sdelay $0x1  }
0x1d: {  	s26 =	sshll.u32 s14, $0xA  }
0x1e: {  	s17 =	sor.u32 $0x20, s16;
	s15 =	sand.u32 $0x3FFFFC00, s26  }
0x1f: {  	[tilespmem:s15+$0x4200] =	vst v3;
	v3 =	vmov s17  }
0x20: {  	v4 =	vld.idx.msk [tilespmem:v2+s8+$0x0], $0xffff;
	v3 =	vshll.u32 v3, $0x5  }
0x21: {  	v3 =	vor.u32 v0, v3;
	_ =	sdelay $0x2  }
0x22: {  	s28 =	sor.u32 $0x30, s16  }
0x23: {  	v28 =	vmov s28;
	[tilespmem:s15+$0x4210] =	vst v4  }
0x24: {  	v4 =	vshll.u32 v28, $0x5;
	v5 =	vld.idx.msk [tilespmem:v3+s8+$0x0], $0xffff  }
0x25: {  	v4 =	vor.u32 v0, v4;
	_ =	sdelay $0x2  }
0x26: {  	s29 =	sor.u32 $0x40, s16  }
0x27: {  	v29 =	vmov s29;
	[tilespmem:s15+$0x4220] =	vst v5  }
0x28: {  	v5 =	vshll.u32 v29, $0x5;
	v6 =	vld.idx.msk [tilespmem:v4+s8+$0x0], $0xffff  }
0x29: {  	v5 =	vor.u32 v0, v5;
	_ =	sdelay $0x2  }
0x2a: {  	s30 =	sor.u32 $0x50, s16  }
0x2b: {  	v30 =	vmov s30;
	[tilespmem:s15+$0x4230] =	vst v6  }
0x2c: {  	v6 =	vshll.u32 v30, $0x5;
	v7 =	vld.idx.msk [tilespmem:v5+s8+$0x0], $0xffff  }
0x2d: {  	v6 =	vor.u32 v0, v6;
	_ =	sdelay $0x2  }
0x2e: {  	s31 =	sor.u32 $0x60, s16  }
0x2f: {  	v31 =	vmov s31;
	[tilespmem:s15+$0x4240] =	vst v7  }
0x30: {  	v7 =	vshll.u32 v31, $0x5;
	v8 =	vld.idx.msk [tilespmem:v6+s8+$0x0], $0xffff  }
0x31: {  	v7 =	vor.u32 v0, v7;
	_ =	sdelay $0x2  }
0x32: {  	s16 =	sor.u32 $0x70, s16  }
0x33: {  	v32 =	vmov s16;
	[tilespmem:s15+$0x4250] =	vst v8  }
0x34: {  	v8 =	vshll.u32 v32, $0x5;
	v9 =	vld.idx.msk [tilespmem:v7+s8+$0x0], $0xffff  }
0x35: {  	v8 =	vor.u32 v0, v8;
	_ =	sdelay $0x3  }
0x36: {  	[tilespmem:s15+$0x4260] =	vst v9  }
0x37: {  	v9 =	vld.idx.msk [tilespmem:v8+s8+$0x0], $0xffff  }
0x38: {  	v10 =	vor.u32 $0x1, v1;
	_ =	sdelay $0x3  }
0x39: {  	[tilespmem:s15+$0x4270] =	vst v9  }
0x3a: {  	v9 =	vld.idx.msk [tilespmem:v10+s8+$0x0], $0xffff  }
0x3b: {  	v33 =	vor.u32 $0x1, v2;
	_ =	sdelay $0x3  }
0x3c: {  	[tilespmem:s15+$0x4280] =	vst v9  }
0x3d: {  	v9 =	vld.idx.msk [tilespmem:v33+s8+$0x0], $0xffff  }
0x3e: {  	v34 =	vor.u32 $0x1, v3;
	_ =	sdelay $0x3  }
0x3f: {  	[tilespmem:s15+$0x4290] =	vst v9  }
0x40: {  	v9 =	vld.idx.msk [tilespmem:v34+s8+$0x0], $0xffff  }
0x41: {  	v35 =	vor.u32 $0x1, v4;
	_ =	sdelay $0x3  }
0x42: {  	[tilespmem:s15+$0x42A0] =	vst v9  }
0x43: {  	v9 =	vld.idx.msk [tilespmem:v35+s8+$0x0], $0xffff  }
0x44: {  	v36 =	vor.u32 $0x1, v5;
	_ =	sdelay $0x3  }
0x45: {  	[tilespmem:s15+$0x42B0] =	vst v9  }
0x46: {  	v9 =	vld.idx.msk [tilespmem:v36+s8+$0x0], $0xffff  }
0x47: {  	v37 =	vor.u32 $0x1, v6;
	_ =	sdelay $0x3  }
0x48: {  	[tilespmem:s15+$0x42C0] =	vst v9  }
0x49: {  	v9 =	vld.idx.msk [tilespmem:v37+s8+$0x0], $0xffff  }
0x4a: {  	v38 =	vor.u32 $0x1, v7;
	_ =	sdelay $0x3  }
0x4b: {  	[tilespmem:s15+$0x42D0] =	vst v9  }
0x4c: {  	v9 =	vld.idx.msk [tilespmem:v38+s8+$0x0], $0xffff  }
0x4d: {  	v39 =	vor.u32 $0x1, v8;
	_ =	sdelay $0x3  }
0x4e: {  	[tilespmem:s15+$0x42E0] =	vst v9  }
0x4f: {  	v9 =	vld.idx.msk [tilespmem:v39+s8+$0x0], $0xffff  }
0x50: {  	v40 =	vor.u32 $0x2, v1;
	_ =	sdelay $0x3  }
0x51: {  	[tilespmem:s15+$0x42F0] =	vst v9  }
0x52: {  	v9 =	vld.idx.msk [tilespmem:v40+s8+$0x0], $0xffff  }
0x53: {  	v41 =	vor.u32 $0x2, v2;
	_ =	sdelay $0x3  }
0x54: {  	[tilespmem:s15+$0x4300] =	vst v9  }
0x55: {  	v9 =	vld.idx.msk [tilespmem:v41+s8+$0x0], $0xffff  }
0x56: {  	v42 =	vor.u32 $0x2, v3;
	_ =	sdelay $0x3  }
0x57: {  	[tilespmem:s15+$0x4310] =	vst v9  }
0x58: {  	v9 =	vld.idx.msk [tilespmem:v42+s8+$0x0], $0xffff  }
0x59: {  	v43 =	vor.u32 $0x2, v4;
	_ =	sdelay $0x3  }
0x5a: {  	[tilespmem:s15+$0x4320] =	vst v9  }
0x5b: {  	v9 =	vld.idx.msk [tilespmem:v43+s8+$0x0], $0xffff  }
0x5c: {  	v44 =	vor.u32 $0x2, v5;
	_ =	sdelay $0x3  }
0x5d: {  	[tilespmem:s15+$0x4330] =	vst v9  }
0x5e: {  	v9 =	vld.idx.msk [tilespmem:v44+s8+$0x0], $0xffff  }
0x5f: {  	v45 =	vor.u32 $0x2, v6;
	_ =	sdelay $0x3  }
0x60: {  	[tilespmem:s15+$0x4340] =	vst v9  }
0x61: {  	v9 =	vld.idx.msk [tilespmem:v45+s8+$0x0], $0xffff  }
0x62: {  	v46 =	vor.u32 $0x2, v7;
	_ =	sdelay $0x3  }
0x63: {  	[tilespmem:s15+$0x4350] =	vst v9  }
0x64: {  	v9 =	vld.idx.msk [tilespmem:v46+s8+$0x0], $0xffff  }
0x65: {  	v47 =	vor.u32 $0x2, v8;
	_ =	sdelay $0x3  }
0x66: {  	[tilespmem:s15+$0x4360] =	vst v9  }
0x67: {  	v9 =	vld.idx.msk [tilespmem:v47+s8+$0x0], $0xffff  }
0x68: {  	v48 =	vor.u32 $0x3, v1;
	_ =	sdelay $0x3  }
0x69: {  	[tilespmem:s15+$0x4370] =	vst v9  }
0x6a: {  	v9 =	vld.idx.msk [tilespmem:v48+s8+$0x0], $0xffff  }
0x6b: {  	v49 =	vor.u32 $0x3, v2;
	_ =	sdelay $0x3  }
0x6c: {  	[tilespmem:s15+$0x4380] =	vst v9  }
0x6d: {  	v9 =	vld.idx.msk [tilespmem:v49+s8+$0x0], $0xffff  }
0x6e: {  	v50 =	vor.u32 $0x3, v3;
	_ =	sdelay $0x3  }
0x6f: {  	[tilespmem:s15+$0x4390] =	vst v9  }
0x70: {  	v9 =	vld.idx.msk [tilespmem:v50+s8+$0x0], $0xffff  }
0x71: {  	v51 =	vor.u32 $0x3, v4;
	_ =	sdelay $0x3  }
0x72: {  	[tilespmem:s15+$0x43A0] =	vst v9  }
0x73: {  	v9 =	vld.idx.msk [tilespmem:v51+s8+$0x0], $0xffff  }
0x74: {  	v52 =	vor.u32 $0x3, v5;
	_ =	sdelay $0x3  }
0x75: {  	[tilespmem:s15+$0x43B0] =	vst v9  }
0x76: {  	v9 =	vld.idx.msk [tilespmem:v52+s8+$0x0], $0xffff  }
0x77: {  	v53 =	vor.u32 $0x3, v6;
	_ =	sdelay $0x3  }
0x78: {  	[tilespmem:s15+$0x43C0] =	vst v9  }
0x79: {  	v9 =	vld.idx.msk [tilespmem:v53+s8+$0x0], $0xffff  }
0x7a: {  	v54 =	vor.u32 $0x3, v7;
	_ =	sdelay $0x3  }
0x7b: {  	[tilespmem:s15+$0x43D0] =	vst v9  }
0x7c: {  	v9 =	vld.idx.msk [tilespmem:v54+s8+$0x0], $0xffff  }
0x7d: {  	v55 =	vor.u32 $0x3, v8;
	_ =	sdelay $0x3  }
0x7e: {  	[tilespmem:s15+$0x43E0] =	vst v9  }
0x7f: {  	v9 =	vld.idx.msk [tilespmem:v55+s8+$0x0], $0xffff  }
0x80: {  	v56 =	vor.u32 $0x4, v1;
	_ =	sdelay $0x3  }
0x81: {  	[tilespmem:s15+$0x43F0] =	vst v9  }
0x82: {  	v9 =	vld.idx.msk [tilespmem:v56+s8+$0x0], $0xffff  }
0x83: {  	v57 =	vor.u32 $0x4, v2;
	_ =	sdelay $0x3  }
0x84: {  	[tilespmem:s15+$0x4400] =	vst v9  }
0x85: {  	v9 =	vld.idx.msk [tilespmem:v57+s8+$0x0], $0xffff  }
0x86: {  	v58 =	vor.u32 $0x4, v3;
	_ =	sdelay $0x3  }
0x87: {  	[tilespmem:s15+$0x4410] =	vst v9  }
0x88: {  	v9 =	vld.idx.msk [tilespmem:v58+s8+$0x0], $0xffff  }
0x89: {  	v59 =	vor.u32 $0x4, v4;
	_ =	sdelay $0x3  }
0x8a: {  	[tilespmem:s15+$0x4420] =	vst v9  }
0x8b: {  	v9 =	vld.idx.msk [tilespmem:v59+s8+$0x0], $0xffff  }
0x8c: {  	v60 =	vor.u32 $0x4, v5;
	_ =	sdelay $0x3  }
0x8d: {  	[tilespmem:s15+$0x4430] =	vst v9  }
0x8e: {  	v9 =	vld.idx.msk [tilespmem:v60+s8+$0x0], $0xffff  }
0x8f: {  	v61 =	vor.u32 $0x4, v6;
	_ =	sdelay $0x3  }
0x90: {  	[tilespmem:s15+$0x4440] =	vst v9  }
0x91: {  	v9 =	vld.idx.msk [tilespmem:v61+s8+$0x0], $0xffff  }
0x92: {  	v62 =	vor.u32 $0x4, v7;
	_ =	sdelay $0x3  }
0x93: {  	[tilespmem:s15+$0x4450] =	vst v9  }
0x94: {  	v9 =	vld.idx.msk [tilespmem:v62+s8+$0x0], $0xffff  }
0x95: {  	v63 =	vor.u32 $0x4, v8;
	_ =	sdelay $0x3  }
0x96: {  	[tilespmem:s15+$0x4460] =	vst v9  }
0x97: {  	v9 =	vld.idx.msk [tilespmem:v63+s8+$0x0], $0xffff  }
0x98: {  	v12 =	vor.u32 $0x5, v1;
	_ =	sdelay $0x3  }
0x99: {  	[tilespmem:s15+$0x4470] =	vst v9  }
0x9a: {  	v9 =	vld.idx.msk [tilespmem:v12+s8+$0x0], $0xffff  }
0x9b: {  	v13 =	vor.u32 $0x5, v2;
	_ =	sdelay $0x3  }
0x9c: {  	[tilespmem:s15+$0x4480] =	vst v9  }
0x9d: {  	v9 =	vld.idx.msk [tilespmem:v13+s8+$0x0], $0xffff  }
0x9e: {  	v14 =	vor.u32 $0x5, v3;
	_ =	sdelay $0x3  }
0x9f: {  	[tilespmem:s15+$0x4490] =	vst v9  }
0xa0: {  	v9 =	vld.idx.msk [tilespmem:v14+s8+$0x0], $0xffff  }
0xa1: {  	v15 =	vor.u32 $0x5, v4;
	_ =	sdelay $0x3  }
0xa2: {  	[tilespmem:s15+$0x44A0] =	vst v9  }
0xa3: {  	v9 =	vld.idx.msk [tilespmem:v15+s8+$0x0], $0xffff  }
0xa4: {  	v16 =	vor.u32 $0x5, v5;
	_ =	sdelay $0x3  }
0xa5: {  	[tilespmem:s15+$0x44B0] =	vst v9  }
0xa6: {  	v9 =	vld.idx.msk [tilespmem:v16+s8+$0x0], $0xffff  }
0xa7: {  	v17 =	vor.u32 $0x5, v6;
	_ =	sdelay $0x3  }
0xa8: {  	[tilespmem:s15+$0x44C0] =	vst v9  }
0xa9: {  	v9 =	vld.idx.msk [tilespmem:v17+s8+$0x0], $0xffff  }
0xaa: {  	v18 =	vor.u32 $0x5, v7;
	_ =	sdelay $0x3  }
0xab: {  	[tilespmem:s15+$0x44D0] =	vst v9  }
0xac: {  	v9 =	vld.idx.msk [tilespmem:v18+s8+$0x0], $0xffff  }
0xad: {  	v19 =	vor.u32 $0x5, v8;
	_ =	sdelay $0x3  }
0xae: {  	[tilespmem:s15+$0x44E0] =	vst v9  }
0xaf: {  	v9 =	vld.idx.msk [tilespmem:v19+s8+$0x0], $0xffff  }
0xb0: {  	v20 =	vor.u32 $0x6, v1;
	_ =	sdelay $0x3  }
0xb1: {  	[tilespmem:s15+$0x44F0] =	vst v9  }
0xb2: {  	v9 =	vld.idx.msk [tilespmem:v20+s8+$0x0], $0xffff  }
0xb3: {  	v21 =	vor.u32 $0x6, v2;
	_ =	sdelay $0x3  }
0xb4: {  	[tilespmem:s15+$0x4500] =	vst v9  }
0xb5: {  	v9 =	vld.idx.msk [tilespmem:v21+s8+$0x0], $0xffff  }
0xb6: {  	v22 =	vor.u32 $0x6, v3;
	_ =	sdelay $0x3  }
0xb7: {  	[tilespmem:s15+$0x4510] =	vst v9  }
0xb8: {  	v9 =	vld.idx.msk [tilespmem:v22+s8+$0x0], $0xffff  }
0xb9: {  	v23 =	vor.u32 $0x6, v4;
	_ =	sdelay $0x3  }
0xba: {  	[tilespmem:s15+$0x4520] =	vst v9  }
0xbb: {  	v9 =	vld.idx.msk [tilespmem:v23+s8+$0x0], $0xffff  }
0xbc: {  	v24 =	vor.u32 $0x6, v5;
	_ =	sdelay $0x3  }
0xbd: {  	[tilespmem:s15+$0x4530] =	vst v9  }
0xbe: {  	v9 =	vld.idx.msk [tilespmem:v24+s8+$0x0], $0xffff  }
0xbf: {  	v25 =	vor.u32 $0x6, v6;
	_ =	sdelay $0x3  }
0xc0: {  	[tilespmem:s15+$0x4540] =	vst v9  }
0xc1: {  	v9 =	vld.idx.msk [tilespmem:v25+s8+$0x0], $0xffff  }
0xc2: {  	v26 =	vor.u32 $0x6, v7;
	_ =	sdelay $0x3  }
0xc3: {  	[tilespmem:s15+$0x4550] =	vst v9  }
0xc4: {  	v9 =	vld.idx.msk [tilespmem:v26+s8+$0x0], $0xffff  }
0xc5: {  	v27 =	vor.u32 $0x6, v8;
	_ =	sdelay $0x3  }
0xc6: {  	[tilespmem:s15+$0x4560] =	vst v9  }
0xc7: {  	v9 =	vld.idx.msk [tilespmem:v27+s8+$0x0], $0xffff  }
0xc8: {  	v28 =	vor.u32 $0x7, v1;
	_ =	sdelay $0x3  }
0xc9: {  	[tilespmem:s15+$0x4570] =	vst v9  }
0xca: {  	v9 =	vld.idx.msk [tilespmem:v28+s8+$0x0], $0xffff  }
0xcb: {  	v29 =	vor.u32 $0x7, v2;
	_ =	sdelay $0x3  }
0xcc: {  	[tilespmem:s15+$0x4580] =	vst v9  }
0xcd: {  	v9 =	vld.idx.msk [tilespmem:v29+s8+$0x0], $0xffff  }
0xce: {  	v30 =	vor.u32 $0x7, v3;
	_ =	sdelay $0x3  }
0xcf: {  	[tilespmem:s15+$0x4590] =	vst v9  }
0xd0: {  	v9 =	vld.idx.msk [tilespmem:v30+s8+$0x0], $0xffff  }
0xd1: {  	v31 =	vor.u32 $0x7, v4;
	_ =	sdelay $0x3  }
0xd2: {  	[tilespmem:s15+$0x45A0] =	vst v9  }
0xd3: {  	v9 =	vld.idx.msk [tilespmem:v31+s8+$0x0], $0xffff  }
0xd4: {  	v32 =	vor.u32 $0x7, v5;
	_ =	sdelay $0x3  }
0xd5: {  	[tilespmem:s15+$0x45B0] =	vst v9  }
0xd6: {  	v9 =	vld.idx.msk [tilespmem:v32+s8+$0x0], $0xffff  }
0xd7: {  	v33 =	vor.u32 $0x7, v6;
	_ =	sdelay $0x3  }
0xd8: {  	[tilespmem:s15+$0x45C0] =	vst v9  }
0xd9: {  	v9 =	vld.idx.msk [tilespmem:v33+s8+$0x0], $0xffff  }
0xda: {  	v34 =	vor.u32 $0x7, v7;
	_ =	sdelay $0x3  }
0xdb: {  	[tilespmem:s15+$0x45D0] =	vst v9  }
0xdc: {  	v9 =	vld.idx.msk [tilespmem:v34+s8+$0x0], $0xffff  }
0xdd: {  	v35 =	vor.u32 $0x7, v8;
	_ =	sdelay $0x3  }
0xde: {  	[tilespmem:s15+$0x45E0] =	vst v9  }
0xdf: {  	v9 =	vld.idx.msk [tilespmem:v35+s8+$0x0], $0xffff  }
0xe0: {  	v36 =	vor.u32 $0x8, v1;
	_ =	sdelay $0x3  }
0xe1: {  	[tilespmem:s15+$0x45F0] =	vst v9  }
0xe2: {  	v9 =	vld.idx.msk [tilespmem:v36+s8+$0x0], $0xffff  }
0xe3: {  	v37 =	vor.u32 $0x8, v2;
	_ =	sdelay $0x3  }
0xe4: {  	[tilespmem:s15+$0x5200] =	vst v9  }
0xe5: {  	v9 =	vld.idx.msk [tilespmem:v37+s8+$0x0], $0xffff  }
0xe6: {  	v38 =	vor.u32 $0x8, v3;
	_ =	sdelay $0x3  }
0xe7: {  	[tilespmem:s15+$0x5210] =	vst v9  }
0xe8: {  	v9 =	vld.idx.msk [tilespmem:v38+s8+$0x0], $0xffff  }
0xe9: {  	v39 =	vor.u32 $0x8, v4;
	_ =	sdelay $0x3  }
0xea: {  	[tilespmem:s15+$0x5220] =	vst v9  }
0xeb: {  	v9 =	vld.idx.msk [tilespmem:v39+s8+$0x0], $0xffff  }
0xec: {  	v40 =	vor.u32 $0x8, v5;
	_ =	sdelay $0x3  }
0xed: {  	[tilespmem:s15+$0x5230] =	vst v9  }
0xee: {  	v9 =	vld.idx.msk [tilespmem:v40+s8+$0x0], $0xffff  }
0xef: {  	v41 =	vor.u32 $0x8, v6;
	_ =	sdelay $0x3  }
0xf0: {  	[tilespmem:s15+$0x5240] =	vst v9  }
0xf1: {  	v9 =	vld.idx.msk [tilespmem:v41+s8+$0x0], $0xffff  }
0xf2: {  	v42 =	vor.u32 $0x8, v7;
	_ =	sdelay $0x3  }
0xf3: {  	[tilespmem:s15+$0x5250] =	vst v9  }
0xf4: {  	v9 =	vld.idx.msk [tilespmem:v42+s8+$0x0], $0xffff  }
0xf5: {  	v43 =	vor.u32 $0x8, v8;
	_ =	sdelay $0x3  }
0xf6: {  	[tilespmem:s15+$0x5260] =	vst v9  }
0xf7: {  	v9 =	vld.idx.msk [tilespmem:v43+s8+$0x0], $0xffff  }
0xf8: {  	v44 =	vor.u32 $0x9, v1;
	_ =	sdelay $0x3  }
0xf9: {  	[tilespmem:s15+$0x5270] =	vst v9  }
0xfa: {  	v9 =	vld.idx.msk [tilespmem:v44+s8+$0x0], $0xffff  }
0xfb: {  	v45 =	vor.u32 $0x9, v2;
	_ =	sdelay $0x3  }
0xfc: {  	[tilespmem:s15+$0x5280] =	vst v9  }
0xfd: {  	v9 =	vld.idx.msk [tilespmem:v45+s8+$0x0], $0xffff  }
0xfe: {  	v46 =	vor.u32 $0x9, v3;
	_ =	sdelay $0x3  }
0xff: {  	[tilespmem:s15+$0x5290] =	vst v9  }
0x100: {  	v9 =	vld.idx.msk [tilespmem:v46+s8+$0x0], $0xffff  }
0x101: {  	v47 =	vor.u32 $0x9, v4;
	_ =	sdelay $0x3  }
0x102: {  	[tilespmem:s15+$0x52A0] =	vst v9  }
0x103: {  	v9 =	vld.idx.msk [tilespmem:v47+s8+$0x0], $0xffff  }
0x104: {  	v48 =	vor.u32 $0x9, v5;
	_ =	sdelay $0x3  }
0x105: {  	[tilespmem:s15+$0x52B0] =	vst v9  }
0x106: {  	v9 =	vld.idx.msk [tilespmem:v48+s8+$0x0], $0xffff  }
0x107: {  	v49 =	vor.u32 $0x9, v6;
	_ =	sdelay $0x3  }
0x108: {  	[tilespmem:s15+$0x52C0] =	vst v9  }
0x109: {  	v9 =	vld.idx.msk [tilespmem:v49+s8+$0x0], $0xffff  }
0x10a: {  	v50 =	vor.u32 $0x9, v7;
	_ =	sdelay $0x3  }
0x10b: {  	[tilespmem:s15+$0x52D0] =	vst v9  }
0x10c: {  	v9 =	vld.idx.msk [tilespmem:v50+s8+$0x0], $0xffff  }
0x10d: {  	v51 =	vor.u32 $0x9, v8;
	_ =	sdelay $0x3  }
0x10e: {  	[tilespmem:s15+$0x52E0] =	vst v9  }
0x10f: {  	v9 =	vld.idx.msk [tilespmem:v51+s8+$0x0], $0xffff  }
0x110: {  	v52 =	vor.u32 $0xA, v1;
	_ =	sdelay $0x3  }
0x111: {  	[tilespmem:s15+$0x52F0] =	vst v9  }
0x112: {  	v9 =	vld.idx.msk [tilespmem:v52+s8+$0x0], $0xffff  }
0x113: {  	v53 =	vor.u32 $0xA, v2;
	_ =	sdelay $0x3  }
0x114: {  	[tilespmem:s15+$0x5300] =	vst v9  }
0x115: {  	v9 =	vld.idx.msk [tilespmem:v53+s8+$0x0], $0xffff  }
0x116: {  	v54 =	vor.u32 $0xA, v3;
	_ =	sdelay $0x3  }
0x117: {  	[tilespmem:s15+$0x5310] =	vst v9  }
0x118: {  	v9 =	vld.idx.msk [tilespmem:v54+s8+$0x0], $0xffff  }
0x119: {  	v55 =	vor.u32 $0xA, v4;
	_ =	sdelay $0x3  }
0x11a: {  	[tilespmem:s15+$0x5320] =	vst v9  }
0x11b: {  	v9 =	vld.idx.msk [tilespmem:v55+s8+$0x0], $0xffff  }
0x11c: {  	v56 =	vor.u32 $0xA, v5;
	_ =	sdelay $0x3  }
0x11d: {  	[tilespmem:s15+$0x5330] =	vst v9  }
0x11e: {  	v9 =	vld.idx.msk [tilespmem:v56+s8+$0x0], $0xffff  }
0x11f: {  	v57 =	vor.u32 $0xA, v6;
	_ =	sdelay $0x3  }
0x120: {  	[tilespmem:s15+$0x5340] =	vst v9  }
0x121: {  	v9 =	vld.idx.msk [tilespmem:v57+s8+$0x0], $0xffff  }
0x122: {  	v58 =	vor.u32 $0xA, v7;
	_ =	sdelay $0x3  }
0x123: {  	[tilespmem:s15+$0x5350] =	vst v9  }
0x124: {  	v9 =	vld.idx.msk [tilespmem:v58+s8+$0x0], $0xffff  }
0x125: {  	v59 =	vor.u32 $0xA, v8;
	_ =	sdelay $0x3  }
0x126: {  	[tilespmem:s15+$0x5360] =	vst v9  }
0x127: {  	v9 =	vld.idx.msk [tilespmem:v59+s8+$0x0], $0xffff  }
0x128: {  	v60 =	vor.u32 $0xB, v1;
	_ =	sdelay $0x3  }
0x129: {  	[tilespmem:s15+$0x5370] =	vst v9  }
0x12a: {  	v9 =	vld.idx.msk [tilespmem:v60+s8+$0x0], $0xffff  }
0x12b: {  	v61 =	vor.u32 $0xB, v2;
	_ =	sdelay $0x3  }
0x12c: {  	[tilespmem:s15+$0x5380] =	vst v9  }
0x12d: {  	v9 =	vld.idx.msk [tilespmem:v61+s8+$0x0], $0xffff  }
0x12e: {  	v62 =	vor.u32 $0xB, v3;
	_ =	sdelay $0x3  }
0x12f: {  	[tilespmem:s15+$0x5390] =	vst v9  }
0x130: {  	v9 =	vld.idx.msk [tilespmem:v62+s8+$0x0], $0xffff  }
0x131: {  	v63 =	vor.u32 $0xB, v4;
	_ =	sdelay $0x3  }
0x132: {  	[tilespmem:s15+$0x53A0] =	vst v9  }
0x133: {  	v9 =	vld.idx.msk [tilespmem:v63+s8+$0x0], $0xffff  }
0x134: {  	v12 =	vor.u32 $0xB, v5;
	_ =	sdelay $0x3  }
0x135: {  	[tilespmem:s15+$0x53B0] =	vst v9  }
0x136: {  	v9 =	vld.idx.msk [tilespmem:v12+s8+$0x0], $0xffff  }
0x137: {  	v13 =	vor.u32 $0xB, v6;
	_ =	sdelay $0x3  }
0x138: {  	[tilespmem:s15+$0x53C0] =	vst v9  }
0x139: {  	v9 =	vld.idx.msk [tilespmem:v13+s8+$0x0], $0xffff  }
0x13a: {  	v14 =	vor.u32 $0xB, v7;
	_ =	sdelay $0x3  }
0x13b: {  	[tilespmem:s15+$0x53D0] =	vst v9  }
0x13c: {  	v9 =	vld.idx.msk [tilespmem:v14+s8+$0x0], $0xffff  }
0x13d: {  	v15 =	vor.u32 $0xB, v8;
	_ =	sdelay $0x3  }
0x13e: {  	[tilespmem:s15+$0x53E0] =	vst v9  }
0x13f: {  	v9 =	vld.idx.msk [tilespmem:v15+s8+$0x0], $0xffff  }
0x140: {  	v16 =	vor.u32 $0xC, v1;
	_ =	sdelay $0x3  }
0x141: {  	[tilespmem:s15+$0x53F0] =	vst v9  }
0x142: {  	v9 =	vld.idx.msk [tilespmem:v16+s8+$0x0], $0xffff  }
0x143: {  	v17 =	vor.u32 $0xC, v2;
	_ =	sdelay $0x3  }
0x144: {  	[tilespmem:s15+$0x5400] =	vst v9  }
0x145: {  	v9 =	vld.idx.msk [tilespmem:v17+s8+$0x0], $0xffff  }
0x146: {  	v18 =	vor.u32 $0xC, v3;
	_ =	sdelay $0x3  }
0x147: {  	[tilespmem:s15+$0x5410] =	vst v9  }
0x148: {  	v9 =	vld.idx.msk [tilespmem:v18+s8+$0x0], $0xffff  }
0x149: {  	v19 =	vor.u32 $0xC, v4;
	_ =	sdelay $0x3  }
0x14a: {  	[tilespmem:s15+$0x5420] =	vst v9  }
0x14b: {  	v9 =	vld.idx.msk [tilespmem:v19+s8+$0x0], $0xffff  }
0x14c: {  	v20 =	vor.u32 $0xC, v5;
	_ =	sdelay $0x3  }
0x14d: {  	[tilespmem:s15+$0x5430] =	vst v9  }
0x14e: {  	v9 =	vld.idx.msk [tilespmem:v20+s8+$0x0], $0xffff  }
0x14f: {  	v21 =	vor.u32 $0xC, v6;
	_ =	sdelay $0x3  }
0x150: {  	[tilespmem:s15+$0x5440] =	vst v9  }
0x151: {  	v9 =	vld.idx.msk [tilespmem:v21+s8+$0x0], $0xffff  }
0x152: {  	v22 =	vor.u32 $0xC, v7;
	_ =	sdelay $0x3  }
0x153: {  	[tilespmem:s15+$0x5450] =	vst v9  }
0x154: {  	v9 =	vld.idx.msk [tilespmem:v22+s8+$0x0], $0xffff  }
0x155: {  	v23 =	vor.u32 $0xC, v8;
	_ =	sdelay $0x3  }
0x156: {  	[tilespmem:s15+$0x5460] =	vst v9  }
0x157: {  	v9 =	vld.idx.msk [tilespmem:v23+s8+$0x0], $0xffff  }
0x158: {  	v24 =	vor.u32 $0xD, v1;
	_ =	sdelay $0x3  }
0x159: {  	[tilespmem:s15+$0x5470] =	vst v9  }
0x15a: {  	v9 =	vld.idx.msk [tilespmem:v24+s8+$0x0], $0xffff  }
0x15b: {  	v25 =	vor.u32 $0xD, v2;
	_ =	sdelay $0x3  }
0x15c: {  	[tilespmem:s15+$0x5480] =	vst v9  }
0x15d: {  	v9 =	vld.idx.msk [tilespmem:v25+s8+$0x0], $0xffff  }
0x15e: {  	v26 =	vor.u32 $0xD, v3;
	_ =	sdelay $0x3  }
0x15f: {  	[tilespmem:s15+$0x5490] =	vst v9  }
0x160: {  	v9 =	vld.idx.msk [tilespmem:v26+s8+$0x0], $0xffff  }
0x161: {  	v27 =	vor.u32 $0xD, v4;
	_ =	sdelay $0x3  }
0x162: {  	[tilespmem:s15+$0x54A0] =	vst v9  }
0x163: {  	v9 =	vld.idx.msk [tilespmem:v27+s8+$0x0], $0xffff  }
0x164: {  	v28 =	vor.u32 $0xD, v5;
	_ =	sdelay $0x3  }
0x165: {  	[tilespmem:s15+$0x54B0] =	vst v9  }
0x166: {  	v9 =	vld.idx.msk [tilespmem:v28+s8+$0x0], $0xffff  }
0x167: {  	v29 =	vor.u32 $0xD, v6;
	_ =	sdelay $0x3  }
0x168: {  	[tilespmem:s15+$0x54C0] =	vst v9  }
0x169: {  	v9 =	vld.idx.msk [tilespmem:v29+s8+$0x0], $0xffff  }
0x16a: {  	v30 =	vor.u32 $0xD, v7;
	_ =	sdelay $0x3  }
0x16b: {  	[tilespmem:s15+$0x54D0] =	vst v9  }
0x16c: {  	v9 =	vld.idx.msk [tilespmem:v30+s8+$0x0], $0xffff  }
0x16d: {  	v31 =	vor.u32 $0xD, v8;
	_ =	sdelay $0x3  }
0x16e: {  	[tilespmem:s15+$0x54E0] =	vst v9  }
0x16f: {  	v9 =	vld.idx.msk [tilespmem:v31+s8+$0x0], $0xffff  }
0x170: {  	v32 =	vor.u32 $0xE, v1;
	_ =	sdelay $0x3  }
0x171: {  	[tilespmem:s15+$0x54F0] =	vst v9  }
0x172: {  	v9 =	vld.idx.msk [tilespmem:v32+s8+$0x0], $0xffff  }
0x173: {  	v33 =	vor.u32 $0xE, v2;
	_ =	sdelay $0x3  }
0x174: {  	[tilespmem:s15+$0x5500] =	vst v9  }
0x175: {  	v9 =	vld.idx.msk [tilespmem:v33+s8+$0x0], $0xffff  }
0x176: {  	v34 =	vor.u32 $0xE, v3;
	_ =	sdelay $0x3  }
0x177: {  	[tilespmem:s15+$0x5510] =	vst v9  }
0x178: {  	v9 =	vld.idx.msk [tilespmem:v34+s8+$0x0], $0xffff  }
0x179: {  	v35 =	vor.u32 $0xE, v4;
	_ =	sdelay $0x3  }
0x17a: {  	[tilespmem:s15+$0x5520] =	vst v9  }
0x17b: {  	v9 =	vld.idx.msk [tilespmem:v35+s8+$0x0], $0xffff  }
0x17c: {  	v36 =	vor.u32 $0xE, v5;
	_ =	sdelay $0x3  }
0x17d: {  	[tilespmem:s15+$0x5530] =	vst v9  }
0x17e: {  	v9 =	vld.idx.msk [tilespmem:v36+s8+$0x0], $0xffff  }
0x17f: {  	v37 =	vor.u32 $0xE, v6;
	_ =	sdelay $0x3  }
0x180: {  	[tilespmem:s15+$0x5540] =	vst v9  }
0x181: {  	v9 =	vld.idx.msk [tilespmem:v37+s8+$0x0], $0xffff  }
0x182: {  	v38 =	vor.u32 $0xE, v7;
	_ =	sdelay $0x3  }
0x183: {  	[tilespmem:s15+$0x5550] =	vst v9  }
0x184: {  	v9 =	vld.idx.msk [tilespmem:v38+s8+$0x0], $0xffff  }
0x185: {  	v39 =	vor.u32 $0xE, v8;
	_ =	sdelay $0x3  }
0x186: {  	[tilespmem:s15+$0x5560] =	vst v9  }
0x187: {  	v9 =	vld.idx.msk [tilespmem:v39+s8+$0x0], $0xffff  }
0x188: {  	v40 =	vor.u32 $0xF, v1;
	_ =	sdelay $0x3  }
0x189: {  	[tilespmem:s15+$0x5570] =	vst v9  }
0x18a: {  	v9 =	vld.idx.msk [tilespmem:v40+s8+$0x0], $0xffff  }
0x18b: {  	v41 =	vor.u32 $0xF, v2;
	_ =	sdelay $0x3  }
0x18c: {  	[tilespmem:s15+$0x5580] =	vst v9  }
0x18d: {  	v9 =	vld.idx.msk [tilespmem:v41+s8+$0x0], $0xffff  }
0x18e: {  	v42 =	vor.u32 $0xF, v3;
	_ =	sdelay $0x3  }
0x18f: {  	[tilespmem:s15+$0x5590] =	vst v9  }
0x190: {  	v9 =	vld.idx.msk [tilespmem:v42+s8+$0x0], $0xffff  }
0x191: {  	v43 =	vor.u32 $0xF, v4;
	_ =	sdelay $0x3  }
0x192: {  	[tilespmem:s15+$0x55A0] =	vst v9  }
0x193: {  	v9 =	vld.idx.msk [tilespmem:v43+s8+$0x0], $0xffff  }
0x194: {  	v44 =	vor.u32 $0xF, v5;
	_ =	sdelay $0x3  }
0x195: {  	[tilespmem:s15+$0x55B0] =	vst v9  }
0x196: {  	v9 =	vld.idx.msk [tilespmem:v44+s8+$0x0], $0xffff  }
0x197: {  	v45 =	vor.u32 $0xF, v6;
	_ =	sdelay $0x3  }
0x198: {  	[tilespmem:s15+$0x55C0] =	vst v9  }
0x199: {  	v9 =	vld.idx.msk [tilespmem:v45+s8+$0x0], $0xffff  }
0x19a: {  	v46 =	vor.u32 $0xF, v7;
	_ =	sdelay $0x3  }
0x19b: {  	[tilespmem:s15+$0x55D0] =	vst v9  }
0x19c: {  	v9 =	vld.idx.msk [tilespmem:v46+s8+$0x0], $0xffff  }
0x19d: {  	v47 =	vor.u32 $0xF, v8;
	_ =	sdelay $0x3  }
0x19e: {  	[tilespmem:s15+$0x55E0] =	vst v9  }
0x19f: {  	v9 =	vld.idx.msk [tilespmem:v47+s8+$0x0], $0xffff  }
0x1a0: {  	v48 =	vor.u32 $0x10, v1;
	_ =	sdelay $0x3  }
0x1a1: {  	[tilespmem:s15+$0x55F0] =	vst v9  }
0x1a2: {  	v9 =	vld.idx.msk [tilespmem:v48+s8+$0x0], $0xffff  }
0x1a3: {  	v49 =	vor.u32 $0x10, v2;
	_ =	sdelay $0x3  }
0x1a4: {  	[tilespmem:s15+$0x6200] =	vst v9  }
0x1a5: {  	v9 =	vld.idx.msk [tilespmem:v49+s8+$0x0], $0xffff  }
0x1a6: {  	v50 =	vor.u32 $0x10, v3;
	_ =	sdelay $0x3  }
0x1a7: {  	[tilespmem:s15+$0x6210] =	vst v9  }
0x1a8: {  	v9 =	vld.idx.msk [tilespmem:v50+s8+$0x0], $0xffff  }
0x1a9: {  	v51 =	vor.u32 $0x10, v4;
	_ =	sdelay $0x3  }
0x1aa: {  	[tilespmem:s15+$0x6220] =	vst v9  }
0x1ab: {  	v9 =	vld.idx.msk [tilespmem:v51+s8+$0x0], $0xffff  }
0x1ac: {  	v52 =	vor.u32 $0x10, v5;
	_ =	sdelay $0x3  }
0x1ad: {  	[tilespmem:s15+$0x6230] =	vst v9  }
0x1ae: {  	v9 =	vld.idx.msk [tilespmem:v52+s8+$0x0], $0xffff  }
0x1af: {  	v53 =	vor.u32 $0x10, v6;
	_ =	sdelay $0x3  }
0x1b0: {  	[tilespmem:s15+$0x6240] =	vst v9  }
0x1b1: {  	v9 =	vld.idx.msk [tilespmem:v53+s8+$0x0], $0xffff  }
0x1b2: {  	v54 =	vor.u32 $0x10, v7;
	_ =	sdelay $0x3  }
0x1b3: {  	[tilespmem:s15+$0x6250] =	vst v9  }
0x1b4: {  	v9 =	vld.idx.msk [tilespmem:v54+s8+$0x0], $0xffff  }
0x1b5: {  	v55 =	vor.u32 $0x10, v8;
	_ =	sdelay $0x3  }
0x1b6: {  	[tilespmem:s15+$0x6260] =	vst v9  }
0x1b7: {  	v9 =	vld.idx.msk [tilespmem:v55+s8+$0x0], $0xffff  }
0x1b8: {  	v56 =	vor.u32 $0x11, v1;
	_ =	sdelay $0x3  }
0x1b9: {  	[tilespmem:s15+$0x6270] =	vst v9  }
0x1ba: {  	v9 =	vld.idx.msk [tilespmem:v56+s8+$0x0], $0xffff  }
0x1bb: {  	v57 =	vor.u32 $0x11, v2;
	_ =	sdelay $0x3  }
0x1bc: {  	[tilespmem:s15+$0x6280] =	vst v9  }
0x1bd: {  	v9 =	vld.idx.msk [tilespmem:v57+s8+$0x0], $0xffff  }
0x1be: {  	v58 =	vor.u32 $0x11, v3;
	_ =	sdelay $0x3  }
0x1bf: {  	[tilespmem:s15+$0x6290] =	vst v9  }
0x1c0: {  	v9 =	vld.idx.msk [tilespmem:v58+s8+$0x0], $0xffff  }
0x1c1: {  	v59 =	vor.u32 $0x11, v4;
	_ =	sdelay $0x3  }
0x1c2: {  	[tilespmem:s15+$0x62A0] =	vst v9  }
0x1c3: {  	v9 =	vld.idx.msk [tilespmem:v59+s8+$0x0], $0xffff  }
0x1c4: {  	v60 =	vor.u32 $0x11, v5;
	_ =	sdelay $0x3  }
0x1c5: {  	[tilespmem:s15+$0x62B0] =	vst v9  }
0x1c6: {  	v9 =	vld.idx.msk [tilespmem:v60+s8+$0x0], $0xffff  }
0x1c7: {  	v61 =	vor.u32 $0x11, v6;
	_ =	sdelay $0x3  }
0x1c8: {  	[tilespmem:s15+$0x62C0] =	vst v9  }
0x1c9: {  	v9 =	vld.idx.msk [tilespmem:v61+s8+$0x0], $0xffff  }
0x1ca: {  	v62 =	vor.u32 $0x11, v7;
	_ =	sdelay $0x3  }
0x1cb: {  	[tilespmem:s15+$0x62D0] =	vst v9  }
0x1cc: {  	v9 =	vld.idx.msk [tilespmem:v62+s8+$0x0], $0xffff  }
0x1cd: {  	v63 =	vor.u32 $0x11, v8;
	_ =	sdelay $0x3  }
0x1ce: {  	[tilespmem:s15+$0x62E0] =	vst v9  }
0x1cf: {  	v9 =	vld.idx.msk [tilespmem:v63+s8+$0x0], $0xffff  }
0x1d0: {  	v12 =	vor.u32 $0x12, v1;
	_ =	sdelay $0x3  }
0x1d1: {  	[tilespmem:s15+$0x62F0] =	vst v9  }
0x1d2: {  	v9 =	vld.idx.msk [tilespmem:v12+s8+$0x0], $0xffff  }
0x1d3: {  	v13 =	vor.u32 $0x12, v2;
	_ =	sdelay $0x3  }
0x1d4: {  	[tilespmem:s15+$0x6300] =	vst v9  }
0x1d5: {  	v9 =	vld.idx.msk [tilespmem:v13+s8+$0x0], $0xffff  }
0x1d6: {  	v14 =	vor.u32 $0x12, v3;
	_ =	sdelay $0x3  }
0x1d7: {  	[tilespmem:s15+$0x6310] =	vst v9  }
0x1d8: {  	v9 =	vld.idx.msk [tilespmem:v14+s8+$0x0], $0xffff  }
0x1d9: {  	v15 =	vor.u32 $0x12, v4;
	_ =	sdelay $0x3  }
0x1da: {  	[tilespmem:s15+$0x6320] =	vst v9  }
0x1db: {  	v9 =	vld.idx.msk [tilespmem:v15+s8+$0x0], $0xffff  }
0x1dc: {  	v16 =	vor.u32 $0x12, v5;
	_ =	sdelay $0x3  }
0x1dd: {  	[tilespmem:s15+$0x6330] =	vst v9  }
0x1de: {  	v9 =	vld.idx.msk [tilespmem:v16+s8+$0x0], $0xffff  }
0x1df: {  	v17 =	vor.u32 $0x12, v6;
	_ =	sdelay $0x3  }
0x1e0: {  	[tilespmem:s15+$0x6340] =	vst v9  }
0x1e1: {  	v9 =	vld.idx.msk [tilespmem:v17+s8+$0x0], $0xffff  }
0x1e2: {  	v18 =	vor.u32 $0x12, v7;
	_ =	sdelay $0x3  }
0x1e3: {  	[tilespmem:s15+$0x6350] =	vst v9  }
0x1e4: {  	v9 =	vld.idx.msk [tilespmem:v18+s8+$0x0], $0xffff  }
0x1e5: {  	v19 =	vor.u32 $0x12, v8;
	_ =	sdelay $0x3  }
0x1e6: {  	[tilespmem:s15+$0x6360] =	vst v9  }
0x1e7: {  	v9 =	vld.idx.msk [tilespmem:v19+s8+$0x0], $0xffff  }
0x1e8: {  	v20 =	vor.u32 $0x13, v1;
	_ =	sdelay $0x3  }
0x1e9: {  	[tilespmem:s15+$0x6370] =	vst v9  }
0x1ea: {  	v9 =	vld.idx.msk [tilespmem:v20+s8+$0x0], $0xffff  }
0x1eb: {  	v21 =	vor.u32 $0x13, v2;
	_ =	sdelay $0x3  }
0x1ec: {  	[tilespmem:s15+$0x6380] =	vst v9  }
0x1ed: {  	v9 =	vld.idx.msk [tilespmem:v21+s8+$0x0], $0xffff  }
0x1ee: {  	v22 =	vor.u32 $0x13, v3;
	_ =	sdelay $0x3  }
0x1ef: {  	[tilespmem:s15+$0x6390] =	vst v9  }
0x1f0: {  	v9 =	vld.idx.msk [tilespmem:v22+s8+$0x0], $0xffff  }
0x1f1: {  	v23 =	vor.u32 $0x13, v4;
	_ =	sdelay $0x3  }
0x1f2: {  	[tilespmem:s15+$0x63A0] =	vst v9  }
0x1f3: {  	v9 =	vld.idx.msk [tilespmem:v23+s8+$0x0], $0xffff  }
0x1f4: {  	v24 =	vor.u32 $0x13, v5;
	_ =	sdelay $0x3  }
0x1f5: {  	[tilespmem:s15+$0x63B0] =	vst v9  }
0x1f6: {  	v9 =	vld.idx.msk [tilespmem:v24+s8+$0x0], $0xffff  }
0x1f7: {  	v25 =	vor.u32 $0x13, v6;
	_ =	sdelay $0x3  }
0x1f8: {  	[tilespmem:s15+$0x63C0] =	vst v9  }
0x1f9: {  	v9 =	vld.idx.msk [tilespmem:v25+s8+$0x0], $0xffff  }
0x1fa: {  	v26 =	vor.u32 $0x13, v7;
	_ =	sdelay $0x3  }
0x1fb: {  	[tilespmem:s15+$0x63D0] =	vst v9  }
0x1fc: {  	v9 =	vld.idx.msk [tilespmem:v26+s8+$0x0], $0xffff  }
0x1fd: {  	v27 =	vor.u32 $0x13, v8;
	_ =	sdelay $0x3  }
0x1fe: {  	[tilespmem:s15+$0x63E0] =	vst v9  }
0x1ff: {  	v9 =	vld.idx.msk [tilespmem:v27+s8+$0x0], $0xffff  }
0x200: {  	v28 =	vor.u32 $0x14, v1;
	_ =	sdelay $0x3  }
0x201: {  	[tilespmem:s15+$0x63F0] =	vst v9  }
0x202: {  	v9 =	vld.idx.msk [tilespmem:v28+s8+$0x0], $0xffff  }
0x203: {  	v29 =	vor.u32 $0x14, v2;
	_ =	sdelay $0x3  }
0x204: {  	[tilespmem:s15+$0x6400] =	vst v9  }
0x205: {  	v9 =	vld.idx.msk [tilespmem:v29+s8+$0x0], $0xffff  }
0x206: {  	v30 =	vor.u32 $0x14, v3;
	_ =	sdelay $0x3  }
0x207: {  	[tilespmem:s15+$0x6410] =	vst v9  }
0x208: {  	v9 =	vld.idx.msk [tilespmem:v30+s8+$0x0], $0xffff  }
0x209: {  	v31 =	vor.u32 $0x14, v4;
	_ =	sdelay $0x3  }
0x20a: {  	[tilespmem:s15+$0x6420] =	vst v9  }
0x20b: {  	v9 =	vld.idx.msk [tilespmem:v31+s8+$0x0], $0xffff  }
0x20c: {  	v32 =	vor.u32 $0x14, v5;
	_ =	sdelay $0x3  }
0x20d: {  	[tilespmem:s15+$0x6430] =	vst v9  }
0x20e: {  	v9 =	vld.idx.msk [tilespmem:v32+s8+$0x0], $0xffff  }
0x20f: {  	v33 =	vor.u32 $0x14, v6;
	_ =	sdelay $0x3  }
0x210: {  	[tilespmem:s15+$0x6440] =	vst v9  }
0x211: {  	v9 =	vld.idx.msk [tilespmem:v33+s8+$0x0], $0xffff  }
0x212: {  	v34 =	vor.u32 $0x14, v7;
	_ =	sdelay $0x3  }
0x213: {  	[tilespmem:s15+$0x6450] =	vst v9  }
0x214: {  	v9 =	vld.idx.msk [tilespmem:v34+s8+$0x0], $0xffff  }
0x215: {  	v35 =	vor.u32 $0x14, v8;
	_ =	sdelay $0x3  }
0x216: {  	[tilespmem:s15+$0x6460] =	vst v9  }
0x217: {  	v9 =	vld.idx.msk [tilespmem:v35+s8+$0x0], $0xffff  }
0x218: {  	v36 =	vor.u32 $0x15, v1;
	_ =	sdelay $0x3  }
0x219: {  	[tilespmem:s15+$0x6470] =	vst v9  }
0x21a: {  	v9 =	vld.idx.msk [tilespmem:v36+s8+$0x0], $0xffff  }
0x21b: {  	v37 =	vor.u32 $0x15, v2;
	_ =	sdelay $0x3  }
0x21c: {  	[tilespmem:s15+$0x6480] =	vst v9  }
0x21d: {  	v9 =	vld.idx.msk [tilespmem:v37+s8+$0x0], $0xffff  }
0x21e: {  	v38 =	vor.u32 $0x15, v3;
	_ =	sdelay $0x3  }
0x21f: {  	[tilespmem:s15+$0x6490] =	vst v9  }
0x220: {  	v9 =	vld.idx.msk [tilespmem:v38+s8+$0x0], $0xffff  }
0x221: {  	v39 =	vor.u32 $0x15, v4;
	_ =	sdelay $0x3  }
0x222: {  	[tilespmem:s15+$0x64A0] =	vst v9  }
0x223: {  	v9 =	vld.idx.msk [tilespmem:v39+s8+$0x0], $0xffff  }
0x224: {  	v40 =	vor.u32 $0x15, v5;
	_ =	sdelay $0x3  }
0x225: {  	[tilespmem:s15+$0x64B0] =	vst v9  }
0x226: {  	v9 =	vld.idx.msk [tilespmem:v40+s8+$0x0], $0xffff  }
0x227: {  	v41 =	vor.u32 $0x15, v6;
	_ =	sdelay $0x3  }
0x228: {  	[tilespmem:s15+$0x64C0] =	vst v9  }
0x229: {  	v9 =	vld.idx.msk [tilespmem:v41+s8+$0x0], $0xffff  }
0x22a: {  	v42 =	vor.u32 $0x15, v7;
	_ =	sdelay $0x3  }
0x22b: {  	[tilespmem:s15+$0x64D0] =	vst v9  }
0x22c: {  	v9 =	vld.idx.msk [tilespmem:v42+s8+$0x0], $0xffff  }
0x22d: {  	v43 =	vor.u32 $0x15, v8;
	_ =	sdelay $0x3  }
0x22e: {  	[tilespmem:s15+$0x64E0] =	vst v9  }
0x22f: {  	v9 =	vld.idx.msk [tilespmem:v43+s8+$0x0], $0xffff  }
0x230: {  	v44 =	vor.u32 $0x16, v1;
	_ =	sdelay $0x3  }
0x231: {  	[tilespmem:s15+$0x64F0] =	vst v9  }
0x232: {  	v9 =	vld.idx.msk [tilespmem:v44+s8+$0x0], $0xffff  }
0x233: {  	v45 =	vor.u32 $0x16, v2;
	_ =	sdelay $0x3  }
0x234: {  	[tilespmem:s15+$0x6500] =	vst v9  }
0x235: {  	v9 =	vld.idx.msk [tilespmem:v45+s8+$0x0], $0xffff  }
0x236: {  	v46 =	vor.u32 $0x16, v3;
	_ =	sdelay $0x3  }
0x237: {  	[tilespmem:s15+$0x6510] =	vst v9  }
0x238: {  	v9 =	vld.idx.msk [tilespmem:v46+s8+$0x0], $0xffff  }
0x239: {  	v47 =	vor.u32 $0x16, v4;
	_ =	sdelay $0x3  }
0x23a: {  	[tilespmem:s15+$0x6520] =	vst v9  }
0x23b: {  	v9 =	vld.idx.msk [tilespmem:v47+s8+$0x0], $0xffff  }
0x23c: {  	v48 =	vor.u32 $0x16, v5;
	_ =	sdelay $0x3  }
0x23d: {  	[tilespmem:s15+$0x6530] =	vst v9  }
0x23e: {  	v9 =	vld.idx.msk [tilespmem:v48+s8+$0x0], $0xffff  }
0x23f: {  	v49 =	vor.u32 $0x16, v6;
	_ =	sdelay $0x3  }
0x240: {  	[tilespmem:s15+$0x6540] =	vst v9  }
0x241: {  	v9 =	vld.idx.msk [tilespmem:v49+s8+$0x0], $0xffff  }
0x242: {  	v50 =	vor.u32 $0x16, v7;
	_ =	sdelay $0x3  }
0x243: {  	[tilespmem:s15+$0x6550] =	vst v9  }
0x244: {  	v9 =	vld.idx.msk [tilespmem:v50+s8+$0x0], $0xffff  }
0x245: {  	v51 =	vor.u32 $0x16, v8;
	_ =	sdelay $0x3  }
0x246: {  	[tilespmem:s15+$0x6560] =	vst v9  }
0x247: {  	v9 =	vld.idx.msk [tilespmem:v51+s8+$0x0], $0xffff  }
0x248: {  	v52 =	vor.u32 $0x17, v1;
	_ =	sdelay $0x3  }
0x249: {  	[tilespmem:s15+$0x6570] =	vst v9  }
0x24a: {  	v9 =	vld.idx.msk [tilespmem:v52+s8+$0x0], $0xffff  }
0x24b: {  	v53 =	vor.u32 $0x17, v2;
	_ =	sdelay $0x3  }
0x24c: {  	[tilespmem:s15+$0x6580] =	vst v9  }
0x24d: {  	v9 =	vld.idx.msk [tilespmem:v53+s8+$0x0], $0xffff  }
0x24e: {  	v54 =	vor.u32 $0x17, v3;
	_ =	sdelay $0x3  }
0x24f: {  	[tilespmem:s15+$0x6590] =	vst v9  }
0x250: {  	v9 =	vld.idx.msk [tilespmem:v54+s8+$0x0], $0xffff  }
0x251: {  	v55 =	vor.u32 $0x17, v4;
	_ =	sdelay $0x3  }
0x252: {  	[tilespmem:s15+$0x65A0] =	vst v9  }
0x253: {  	v9 =	vld.idx.msk [tilespmem:v55+s8+$0x0], $0xffff  }
0x254: {  	v56 =	vor.u32 $0x17, v5;
	_ =	sdelay $0x3  }
0x255: {  	[tilespmem:s15+$0x65B0] =	vst v9  }
0x256: {  	v9 =	vld.idx.msk [tilespmem:v56+s8+$0x0], $0xffff  }
0x257: {  	v57 =	vor.u32 $0x17, v6;
	_ =	sdelay $0x3  }
0x258: {  	[tilespmem:s15+$0x65C0] =	vst v9  }
0x259: {  	v9 =	vld.idx.msk [tilespmem:v57+s8+$0x0], $0xffff  }
0x25a: {  	v58 =	vor.u32 $0x17, v7;
	_ =	sdelay $0x3  }
0x25b: {  	[tilespmem:s15+$0x65D0] =	vst v9  }
0x25c: {  	v9 =	vld.idx.msk [tilespmem:v58+s8+$0x0], $0xffff  }
0x25d: {  	v59 =	vor.u32 $0x17, v8;
	_ =	sdelay $0x3  }
0x25e: {  	[tilespmem:s15+$0x65E0] =	vst v9  }
0x25f: {  	v9 =	vld.idx.msk [tilespmem:v59+s8+$0x0], $0xffff  }
0x260: {  	v60 =	vor.u32 $0x18, v1;
	_ =	sdelay $0x3  }
0x261: {  	[tilespmem:s15+$0x65F0] =	vst v9  }
0x262: {  	v9 =	vld.idx.msk [tilespmem:v60+s8+$0x0], $0xffff  }
0x263: {  	v61 =	vor.u32 $0x18, v2;
	_ =	sdelay $0x3  }
0x264: {  	[tilespmem:s15+$0x7200] =	vst v9  }
0x265: {  	v9 =	vld.idx.msk [tilespmem:v61+s8+$0x0], $0xffff  }
0x266: {  	v62 =	vor.u32 $0x18, v3;
	_ =	sdelay $0x3  }
0x267: {  	[tilespmem:s15+$0x7210] =	vst v9  }
0x268: {  	v9 =	vld.idx.msk [tilespmem:v62+s8+$0x0], $0xffff  }
0x269: {  	v63 =	vor.u32 $0x18, v4;
	_ =	sdelay $0x3  }
0x26a: {  	[tilespmem:s15+$0x7220] =	vst v9  }
0x26b: {  	v9 =	vld.idx.msk [tilespmem:v63+s8+$0x0], $0xffff  }
0x26c: {  	v12 =	vor.u32 $0x18, v5;
	_ =	sdelay $0x3  }
0x26d: {  	[tilespmem:s15+$0x7230] =	vst v9  }
0x26e: {  	v9 =	vld.idx.msk [tilespmem:v12+s8+$0x0], $0xffff  }
0x26f: {  	v13 =	vor.u32 $0x18, v6;
	_ =	sdelay $0x3  }
0x270: {  	[tilespmem:s15+$0x7240] =	vst v9  }
0x271: {  	v9 =	vld.idx.msk [tilespmem:v13+s8+$0x0], $0xffff  }
0x272: {  	v14 =	vor.u32 $0x18, v7;
	_ =	sdelay $0x3  }
0x273: {  	[tilespmem:s15+$0x7250] =	vst v9  }
0x274: {  	v9 =	vld.idx.msk [tilespmem:v14+s8+$0x0], $0xffff  }
0x275: {  	v15 =	vor.u32 $0x18, v8;
	_ =	sdelay $0x3  }
0x276: {  	[tilespmem:s15+$0x7260] =	vst v9  }
0x277: {  	v9 =	vld.idx.msk [tilespmem:v15+s8+$0x0], $0xffff  }
0x278: {  	v16 =	vor.u32 $0x19, v1;
	_ =	sdelay $0x3  }
0x279: {  	[tilespmem:s15+$0x7270] =	vst v9  }
0x27a: {  	v9 =	vld.idx.msk [tilespmem:v16+s8+$0x0], $0xffff  }
0x27b: {  	v17 =	vor.u32 $0x19, v2;
	_ =	sdelay $0x3  }
0x27c: {  	[tilespmem:s15+$0x7280] =	vst v9  }
0x27d: {  	v9 =	vld.idx.msk [tilespmem:v17+s8+$0x0], $0xffff  }
0x27e: {  	v18 =	vor.u32 $0x19, v3;
	_ =	sdelay $0x3  }
0x27f: {  	[tilespmem:s15+$0x7290] =	vst v9  }
0x280: {  	v9 =	vld.idx.msk [tilespmem:v18+s8+$0x0], $0xffff  }
0x281: {  	v19 =	vor.u32 $0x19, v4;
	_ =	sdelay $0x3  }
0x282: {  	[tilespmem:s15+$0x72A0] =	vst v9  }
0x283: {  	v9 =	vld.idx.msk [tilespmem:v19+s8+$0x0], $0xffff  }
0x284: {  	v20 =	vor.u32 $0x19, v5;
	_ =	sdelay $0x3  }
0x285: {  	[tilespmem:s15+$0x72B0] =	vst v9  }
0x286: {  	v9 =	vld.idx.msk [tilespmem:v20+s8+$0x0], $0xffff  }
0x287: {  	v21 =	vor.u32 $0x19, v6;
	_ =	sdelay $0x3  }
0x288: {  	[tilespmem:s15+$0x72C0] =	vst v9  }
0x289: {  	v9 =	vld.idx.msk [tilespmem:v21+s8+$0x0], $0xffff  }
0x28a: {  	v22 =	vor.u32 $0x19, v7;
	_ =	sdelay $0x3  }
0x28b: {  	[tilespmem:s15+$0x72D0] =	vst v9  }
0x28c: {  	v9 =	vld.idx.msk [tilespmem:v22+s8+$0x0], $0xffff  }
0x28d: {  	v23 =	vor.u32 $0x19, v8;
	_ =	sdelay $0x3  }
0x28e: {  	[tilespmem:s15+$0x72E0] =	vst v9  }
0x28f: {  	v9 =	vld.idx.msk [tilespmem:v23+s8+$0x0], $0xffff  }
0x290: {  	v24 =	vor.u32 $0x1A, v1;
	_ =	sdelay $0x3  }
0x291: {  	[tilespmem:s15+$0x72F0] =	vst v9  }
0x292: {  	v9 =	vld.idx.msk [tilespmem:v24+s8+$0x0], $0xffff  }
0x293: {  	v25 =	vor.u32 $0x1A, v2;
	_ =	sdelay $0x3  }
0x294: {  	[tilespmem:s15+$0x7300] =	vst v9  }
0x295: {  	v9 =	vld.idx.msk [tilespmem:v25+s8+$0x0], $0xffff  }
0x296: {  	v26 =	vor.u32 $0x1A, v3;
	_ =	sdelay $0x3  }
0x297: {  	[tilespmem:s15+$0x7310] =	vst v9  }
0x298: {  	v9 =	vld.idx.msk [tilespmem:v26+s8+$0x0], $0xffff  }
0x299: {  	v27 =	vor.u32 $0x1A, v4;
	_ =	sdelay $0x3  }
0x29a: {  	[tilespmem:s15+$0x7320] =	vst v9  }
0x29b: {  	v9 =	vld.idx.msk [tilespmem:v27+s8+$0x0], $0xffff  }
0x29c: {  	v28 =	vor.u32 $0x1A, v5;
	_ =	sdelay $0x3  }
0x29d: {  	[tilespmem:s15+$0x7330] =	vst v9  }
0x29e: {  	v9 =	vld.idx.msk [tilespmem:v28+s8+$0x0], $0xffff  }
0x29f: {  	v29 =	vor.u32 $0x1A, v6;
	_ =	sdelay $0x3  }
0x2a0: {  	[tilespmem:s15+$0x7340] =	vst v9  }
0x2a1: {  	v9 =	vld.idx.msk [tilespmem:v29+s8+$0x0], $0xffff  }
0x2a2: {  	v30 =	vor.u32 $0x1A, v7;
	_ =	sdelay $0x3  }
0x2a3: {  	[tilespmem:s15+$0x7350] =	vst v9  }
0x2a4: {  	v9 =	vld.idx.msk [tilespmem:v30+s8+$0x0], $0xffff  }
0x2a5: {  	v31 =	vor.u32 $0x1A, v8;
	_ =	sdelay $0x3  }
0x2a6: {  	[tilespmem:s15+$0x7360] =	vst v9  }
0x2a7: {  	v9 =	vld.idx.msk [tilespmem:v31+s8+$0x0], $0xffff  }
0x2a8: {  	v32 =	vor.u32 $0x1B, v1;
	_ =	sdelay $0x3  }
0x2a9: {  	[tilespmem:s15+$0x7370] =	vst v9  }
0x2aa: {  	v9 =	vld.idx.msk [tilespmem:v32+s8+$0x0], $0xffff  }
0x2ab: {  	v33 =	vor.u32 $0x1B, v2;
	_ =	sdelay $0x3  }
0x2ac: {  	[tilespmem:s15+$0x7380] =	vst v9  }
0x2ad: {  	v9 =	vld.idx.msk [tilespmem:v33+s8+$0x0], $0xffff  }
0x2ae: {  	v34 =	vor.u32 $0x1B, v3;
	_ =	sdelay $0x3  }
0x2af: {  	[tilespmem:s15+$0x7390] =	vst v9  }
0x2b0: {  	v9 =	vld.idx.msk [tilespmem:v34+s8+$0x0], $0xffff  }
0x2b1: {  	v35 =	vor.u32 $0x1B, v4;
	_ =	sdelay $0x3  }
0x2b2: {  	[tilespmem:s15+$0x73A0] =	vst v9  }
0x2b3: {  	v9 =	vld.idx.msk [tilespmem:v35+s8+$0x0], $0xffff  }
0x2b4: {  	v36 =	vor.u32 $0x1B, v5;
	_ =	sdelay $0x3  }
0x2b5: {  	[tilespmem:s15+$0x73B0] =	vst v9  }
0x2b6: {  	v9 =	vld.idx.msk [tilespmem:v36+s8+$0x0], $0xffff  }
0x2b7: {  	v37 =	vor.u32 $0x1B, v6;
	_ =	sdelay $0x3  }
0x2b8: {  	[tilespmem:s15+$0x73C0] =	vst v9  }
0x2b9: {  	v9 =	vld.idx.msk [tilespmem:v37+s8+$0x0], $0xffff  }
0x2ba: {  	v38 =	vor.u32 $0x1B, v7;
	_ =	sdelay $0x3  }
0x2bb: {  	[tilespmem:s15+$0x73D0] =	vst v9  }
0x2bc: {  	v9 =	vld.idx.msk [tilespmem:v38+s8+$0x0], $0xffff  }
0x2bd: {  	v39 =	vor.u32 $0x1B, v8;
	_ =	sdelay $0x3  }
0x2be: {  	[tilespmem:s15+$0x73E0] =	vst v9  }
0x2bf: {  	v9 =	vld.idx.msk [tilespmem:v39+s8+$0x0], $0xffff  }
0x2c0: {  	v40 =	vor.u32 $0x1C, v1;
	_ =	sdelay $0x3  }
0x2c1: {  	[tilespmem:s15+$0x73F0] =	vst v9  }
0x2c2: {  	v9 =	vld.idx.msk [tilespmem:v40+s8+$0x0], $0xffff  }
0x2c3: {  	v41 =	vor.u32 $0x1C, v2;
	_ =	sdelay $0x3  }
0x2c4: {  	[tilespmem:s15+$0x7400] =	vst v9  }
0x2c5: {  	v9 =	vld.idx.msk [tilespmem:v41+s8+$0x0], $0xffff  }
0x2c6: {  	v42 =	vor.u32 $0x1C, v3;
	_ =	sdelay $0x3  }
0x2c7: {  	[tilespmem:s15+$0x7410] =	vst v9  }
0x2c8: {  	v9 =	vld.idx.msk [tilespmem:v42+s8+$0x0], $0xffff  }
0x2c9: {  	v43 =	vor.u32 $0x1C, v4;
	_ =	sdelay $0x3  }
0x2ca: {  	[tilespmem:s15+$0x7420] =	vst v9  }
0x2cb: {  	v9 =	vld.idx.msk [tilespmem:v43+s8+$0x0], $0xffff  }
0x2cc: {  	v44 =	vor.u32 $0x1C, v5;
	_ =	sdelay $0x3  }
0x2cd: {  	[tilespmem:s15+$0x7430] =	vst v9  }
0x2ce: {  	v9 =	vld.idx.msk [tilespmem:v44+s8+$0x0], $0xffff  }
0x2cf: {  	v45 =	vor.u32 $0x1C, v6;
	_ =	sdelay $0x3  }
0x2d0: {  	[tilespmem:s15+$0x7440] =	vst v9  }
0x2d1: {  	v9 =	vld.idx.msk [tilespmem:v45+s8+$0x0], $0xffff  }
0x2d2: {  	v46 =	vor.u32 $0x1C, v7;
	_ =	sdelay $0x3  }
0x2d3: {  	[tilespmem:s15+$0x7450] =	vst v9  }
0x2d4: {  	v9 =	vld.idx.msk [tilespmem:v46+s8+$0x0], $0xffff  }
0x2d5: {  	v47 =	vor.u32 $0x1C, v8;
	_ =	sdelay $0x3  }
0x2d6: {  	[tilespmem:s15+$0x7460] =	vst v9  }
0x2d7: {  	v9 =	vld.idx.msk [tilespmem:v47+s8+$0x0], $0xffff  }
0x2d8: {  	v48 =	vor.u32 $0x1D, v1;
	_ =	sdelay $0x3  }
0x2d9: {  	[tilespmem:s15+$0x7470] =	vst v9  }
0x2da: {  	v9 =	vld.idx.msk [tilespmem:v48+s8+$0x0], $0xffff  }
0x2db: {  	v49 =	vor.u32 $0x1D, v2;
	_ =	sdelay $0x3  }
0x2dc: {  	[tilespmem:s15+$0x7480] =	vst v9  }
0x2dd: {  	v9 =	vld.idx.msk [tilespmem:v49+s8+$0x0], $0xffff  }
0x2de: {  	v50 =	vor.u32 $0x1D, v3;
	_ =	sdelay $0x3  }
0x2df: {  	[tilespmem:s15+$0x7490] =	vst v9  }
0x2e0: {  	v9 =	vld.idx.msk [tilespmem:v50+s8+$0x0], $0xffff  }
0x2e1: {  	v51 =	vor.u32 $0x1D, v4;
	_ =	sdelay $0x3  }
0x2e2: {  	[tilespmem:s15+$0x74A0] =	vst v9  }
0x2e3: {  	v9 =	vld.idx.msk [tilespmem:v51+s8+$0x0], $0xffff  }
0x2e4: {  	v52 =	vor.u32 $0x1D, v5;
	_ =	sdelay $0x3  }
0x2e5: {  	[tilespmem:s15+$0x74B0] =	vst v9  }
0x2e6: {  	v9 =	vld.idx.msk [tilespmem:v52+s8+$0x0], $0xffff  }
0x2e7: {  	v53 =	vor.u32 $0x1D, v6;
	_ =	sdelay $0x3  }
0x2e8: {  	[tilespmem:s15+$0x74C0] =	vst v9  }
0x2e9: {  	v9 =	vld.idx.msk [tilespmem:v53+s8+$0x0], $0xffff  }
0x2ea: {  	v54 =	vor.u32 $0x1D, v7;
	_ =	sdelay $0x3  }
0x2eb: {  	[tilespmem:s15+$0x74D0] =	vst v9  }
0x2ec: {  	v9 =	vld.idx.msk [tilespmem:v54+s8+$0x0], $0xffff  }
0x2ed: {  	v55 =	vor.u32 $0x1D, v8;
	_ =	sdelay $0x3  }
0x2ee: {  	[tilespmem:s15+$0x74E0] =	vst v9  }
0x2ef: {  	v9 =	vld.idx.msk [tilespmem:v55+s8+$0x0], $0xffff  }
0x2f0: {  	v56 =	vor.u32 $0x1E, v1;
	_ =	sdelay $0x3  }
0x2f1: {  	[tilespmem:s15+$0x74F0] =	vst v9  }
0x2f2: {  	v9 =	vld.idx.msk [tilespmem:v56+s8+$0x0], $0xffff  }
0x2f3: {  	v57 =	vor.u32 $0x1E, v2;
	_ =	sdelay $0x3  }
0x2f4: {  	[tilespmem:s15+$0x7500] =	vst v9  }
0x2f5: {  	v9 =	vld.idx.msk [tilespmem:v57+s8+$0x0], $0xffff  }
0x2f6: {  	v58 =	vor.u32 $0x1E, v3;
	_ =	sdelay $0x3  }
0x2f7: {  	[tilespmem:s15+$0x7510] =	vst v9  }
0x2f8: {  	v9 =	vld.idx.msk [tilespmem:v58+s8+$0x0], $0xffff  }
0x2f9: {  	v59 =	vor.u32 $0x1E, v4;
	_ =	sdelay $0x3  }
0x2fa: {  	[tilespmem:s15+$0x7520] =	vst v9  }
0x2fb: {  	v9 =	vld.idx.msk [tilespmem:v59+s8+$0x0], $0xffff  }
0x2fc: {  	v60 =	vor.u32 $0x1E, v5;
	_ =	sdelay $0x3  }
0x2fd: {  	[tilespmem:s15+$0x7530] =	vst v9  }
0x2fe: {  	v9 =	vld.idx.msk [tilespmem:v60+s8+$0x0], $0xffff  }
0x2ff: {  	v61 =	vor.u32 $0x1E, v6;
	_ =	sdelay $0x3  }
0x300: {  	[tilespmem:s15+$0x7540] =	vst v9  }
0x301: {  	v9 =	vld.idx.msk [tilespmem:v61+s8+$0x0], $0xffff  }
0x302: {  	v62 =	vor.u32 $0x1E, v7;
	_ =	sdelay $0x3  }
0x303: {  	[tilespmem:s15+$0x7550] =	vst v9  }
0x304: {  	v9 =	vld.idx.msk [tilespmem:v62+s8+$0x0], $0xffff  }
0x305: {  	v63 =	vor.u32 $0x1E, v8;
	_ =	sdelay $0x3  }
0x306: {  	[tilespmem:s15+$0x7560] =	vst v9  }
0x307: {  	v9 =	vld.idx.msk [tilespmem:v63+s8+$0x0], $0xffff  }
0x308: {  	v1 =	vor.u32 $0x1F, v1;
	_ =	sdelay $0x3  }
0x309: {  	[tilespmem:s15+$0x7570] =	vst v9  }
0x30a: {  	v1 =	vld.idx.msk [tilespmem:v1+s8+$0x0], $0xffff  }
0x30b: {  	v2 =	vor.u32 $0x1F, v2;
	_ =	sdelay $0x3  }
0x30c: {  	[tilespmem:s15+$0x7580] =	vst v1  }
0x30d: {  	v1 =	vld.idx.msk [tilespmem:v2+s8+$0x0], $0xffff  }
0x30e: {  	v2 =	vor.u32 $0x1F, v3;
	_ =	sdelay $0x3  }
0x30f: {  	[tilespmem:s15+$0x7590] =	vst v1  }
0x310: {  	v1 =	vld.idx.msk [tilespmem:v2+s8+$0x0], $0xffff  }
0x311: {  	v2 =	vor.u32 $0x1F, v4;
	_ =	sdelay $0x3  }
0x312: {  	[tilespmem:s15+$0x75A0] =	vst v1  }
0x313: {  	v1 =	vld.idx.msk [tilespmem:v2+s8+$0x0], $0xffff  }
0x314: {  	v2 =	vor.u32 $0x1F, v5;
	_ =	sdelay $0x3  }
0x315: {  	[tilespmem:s15+$0x75B0] =	vst v1  }
0x316: {  	v1 =	vld.idx.msk [tilespmem:v2+s8+$0x0], $0xffff  }
0x317: {  	v2 =	vor.u32 $0x1F, v6;
	_ =	sdelay $0x3  }
0x318: {  	[tilespmem:s15+$0x75C0] =	vst v1  }
0x319: {  	v1 =	vld.idx.msk [tilespmem:v2+s8+$0x0], $0xffff  }
0x31a: {  	v2 =	vor.u32 $0x1F, v7;
	_ =	sdelay $0x3  }
0x31b: {  	[tilespmem:s15+$0x75D0] =	vst v1  }
0x31c: {  	v1 =	vld.idx.msk [tilespmem:v2+s8+$0x0], $0xffff  }
0x31d: {  	v2 =	vor.u32 $0x1F, v8;
	_ =	sdelay $0x3  }
0x31e: {  	[tilespmem:s15+$0x75E0] =	vst v1  }
0x31f: {  	p0 =	sne.s32 s14, $0x3;
	v1 =	vld.idx.msk [tilespmem:v2+s8+$0x0], $0xffff  }
.Ltmp0:
0x320: {  	_ = 	snop;
	(pc) =	sbr.rel @p0 .LBB2_2-.Ltmp0, $2  }
0x321: {  	_ =	sdelay $0x2  }
0x322: {  	s14 =	sadd.s32 $0x1, s14;
	[tilespmem:s15+$0x75F0] =	vst v1  }
0x323: {  	s13 =	sadd.s32 $0x1, s13  }
0x324: {  	p0 =	sne.s32 s13, s6  }
.Ltmp1:
0x325: {  	_ = 	snop;
	(pc) =	sbr.rel @p0 .LBB2_1-.Ltmp1, $4  }
0x326: {  	[hbm4b:s5+s10] =	stream.strided.scatter [tilespmem:s12], [sflag:$0x2], $0x4000, s11, s10, $0x38;
	[tilespmem:$0x8200] =	vst v63  }
0x327: {  	_ =	swait.ge [sflag:s7], $0x4000  }
0x328: {  	[sflag:s7] =	ssyncset.done $0x0  }
0x329: {  	[sflag:s7] =	ssyncadd.s32 $0xFFFFC000  }
0x32a: {  	_ =	sfence.sel $0x180000  }
0x32b: {  	[bflag:$0x0] =	sbarrier.arrive $0xFFFF  }
0x32c: {  	p0 =	sne.s32 s1, $0x0;
	_ =	strace $0x90000047  }
0x32d: {  	s0 =	sadd.s32 @!p0 $0x100000, s0;
	[bflag:$0x2] =	sbarrier.arrive $0xFFFF  }
0x32e: {  	[sflag:s0] =	ssyncadd.tile.s32 @!p0 $0x1;
	_ =	shalt  }
.Lfunc_end2:
_tile_overlayer_lowered:
.L_overlay_start_2:
0x32f: {  	(tag) =	ssettag $0x2  }
0x330: {  	s0 =	rddreg [dreg:$0x0];
	s2 =	stileid.u32  }
0x331: {  	s1 =	rddreg [dreg:$0x1];
	p0 =	sne.s32 s2, $0x0  }
0x332: {  	s3 =	rddreg [dreg:$0x2];
	[bflag:$0x3] =	sbarrier.arrive $0xFFFF;
	s2 =	simm.s32 @!p0 $0x1C02  }
0x333: {  	[timem:s3], [sflag:s2] =	dma.local @!p0 [hbm:s0], s1  }
0x334: {  	s0 =	simm.s32 @!p0 $0x2  }
0x335: {  	_ =	swait.ge @!p0 [sflag:s0], s1  }
0x336: {  	s1 =	ssub.s32 @!p0 $0x0, s1;
	[sflag:s0] =	ssyncset.done @!p0 $0x0  }
0x337: {  	[sflag:s0] =	ssyncadd.s32 @!p0 s1  }
0x338: {  	[bflag:$0x3] =	sbarrier.arrive $0xFFFF  }
0x339: {  	_ =	shalt  }

</sc_bundles>
